<compile_context>
chip_gen: v7x
topology: tpu7x:2x2x1
jax: 0.10.2.dev20260603
libtpu: 0.0.44.dev20260713+nightly
codegen_flags: <defaults>
</compile_context>

<pallas_src>
import functools

import jax
import jax.numpy as jnp
from jax import lax
from jax.experimental import pallas as pl
from jax.experimental.pallas import tpu as pltpu
from jax.experimental.pallas import tpu_sc as plsc

_R, _N, _S = 4, 50000, 10
_B, _F, _H = 512, 256, 256
_M = _B * _S
_RM = _R * _M
_NC, _NS = 2, 16
_NW = _NC * _NS
_PER_W = _RM // _NW
_CH = 16
_NCH = _PER_W // _CH
_SPC = 2
_IPS = _CH * _S // _SPC
_IDXW = _PER_W * _S


def _sc_gather_sum(emb, idx1):
    mesh = plsc.VectorSubcoreMesh(core_axis_name="c", subcore_axis_name="s")

    @functools.partial(
        pl.kernel,
        out_type=jax.ShapeDtypeStruct((_RM, _F), jnp.float32),
        mesh=mesh,
        scratch_types=[
            pltpu.VMEM((_IDXW,), jnp.int32),
            pltpu.VMEM((2, _CH * _S, _F), jnp.float32),
            pltpu.VMEM((2, _CH, _F), jnp.float32),
            pltpu.SemaphoreType.DMA,
            pltpu.SemaphoreType.DMA,
            pltpu.SemaphoreType.DMA,
            pltpu.SemaphoreType.DMA,
        ],
    )
    def k(emb_hbm, idx_hbm, out_hbm, idx_all, rows_v, out_v, g0, g1, o0, o1):
        wid = lax.axis_index("s") * _NC + lax.axis_index("c")
        base = wid * _PER_W
        gsem = (g0, g1)
        osem = (o0, o1)

        pltpu.sync_copy(idx_hbm.at[pl.ds(wid * _IDXW, _IDXW)], idx_all)

        def gather_cps(g, slot):
            return [
                pltpu.make_async_copy(
                    emb_hbm.at[idx_all.at[pl.ds(g * _CH * _S + j * _IPS, _IPS)]],
                    rows_v.at[slot, pl.ds(j * _IPS, _IPS)],
                    gsem[slot],
                )
                for j in range(_SPC)
            ]

        def out_cp(g, slot):
            return pltpu.make_async_copy(
                out_v.at[slot], out_hbm.at[pl.ds(base + g * _CH, _CH)], osem[slot]
            )

        def issue(g, slot):
            for cp in gather_cps(g, slot):
                cp.start()

        def compute(g, slot):
            @pl.when(g >= 2)
            def _drain():
                out_cp(g - 2, slot).wait()

            def row(i, c2):
                for f in range(_F // 16):
                    sl = pl.ds(f * 16, 16)
                    acc = rows_v[slot, i * _S, sl]
                    for s2 in range(1, _S):
                        acc = acc + rows_v[slot, i * _S + s2, sl]
                    out_v[slot, i, sl] = acc
                return c2

            lax.fori_loop(0, _CH, row, 0)
            out_cp(g, slot).start()

        issue(0, 0)

        def body2(h, carry):
            g = 2 * h
            for slot in range(2):
                gg = g + slot
                for cp in gather_cps(gg, slot):
                    cp.wait()

                @pl.when(gg + 1 < _NCH)
                def _next():
                    issue(gg + 1, 1 - slot)

                compute(gg, slot)
            return carry

        lax.fori_loop(0, _NCH // 2, body2, 0)
        out_cp(_NCH - 2, 0).wait()
        out_cp(_NCH - 1, 1).wait()

    return k(emb, idx1)


def _tc_transform(agg, w1, w2):

    def body(a_ref, w1_ref, w2_ref, o_ref):
        r = pl.program_id(0)
        e = jnp.maximum(
            jnp.dot(a_ref[0], w1_ref[0], preferred_element_type=jnp.float32), 0.0
        )
        x = e.reshape(_B, _S, _H).sum(axis=1)
        h = jnp.maximum(
            jnp.dot(x, w2_ref[0], preferred_element_type=jnp.float32), 0.0
        )

        @pl.when(r == 0)
        def _init():
            o_ref[...] = h

        @pl.when(r != 0)
        def _acc():
            o_ref[...] += h

    return pl.pallas_call(
        body,
        grid=(_R,),
        in_specs=[
            pl.BlockSpec((1, _M, _F), lambda r: (r, 0, 0)),
            pl.BlockSpec((1, _F, _H), lambda r: (r, 0, 0)),
            pl.BlockSpec((1, _H, _H), lambda r: (r, 0, 0)),
        ],
        out_specs=pl.BlockSpec((_B, _H), lambda r: (0, 0)),
        out_shape=jax.ShapeDtypeStruct((_B, _H), jnp.float32),
    )(agg, w1, w2)


def kernel(emb, W1, W2, neigh, nodes):
    neighf = neigh.reshape(_R * _N, _S)
    rows1 = jnp.arange(_R, dtype=jnp.int32)[:, None] * _N + nodes[None, :]
    nb2 = neighf[rows1]
    rows2 = (jnp.arange(_R, dtype=jnp.int32)[:, None] * _N
             + nb2.reshape(_R, _B * _S))
    h1 = neighf[rows2]
    idx1 = h1.reshape(_RM * _S)
    agg = _sc_gather_sum(emb, idx1)
    inv_s = jnp.float32(1.0 / _S)
    return _tc_transform(agg.reshape(_R, _M, _F), W1 * inv_s, W2 * inv_s)

# --- scband reference (transcript-rebuilt; emitter-appended) ---
"""Pipeline reference for scband-encoder-42932493091187 (READ-ONLY COPY).

The authoritative reference and input builder live on the scoring server;
editing this copy changes nothing except your own understanding.
"""

import jax, jax.numpy as jnp
import numpy as np

R = 4      # num_rel
N = 50000  # n_nodes
S = 10     # num_sample (forward default)
B = 512    # batch of seed nodes
F = 256    # num_feats
H = 256    # h_dim


def setup_inputs(seed: int = 0) -> dict:
    key = jax.random.key(seed)
    k1, k2, k3, k4, k5 = jax.random.split(key, 5)
    nodes = jax.random.randint(k1, (B,), 0, N, dtype=jnp.int32)
    # pre-sampled neighbor lists: neigh[r, n, s] = s-th sampled neighbor of node n under relation r
    neigh = jax.random.randint(k2, (R, N, S), 0, N, dtype=jnp.int32)
    emb = jax.random.normal(k3, (N, F), dtype=jnp.float32) * 0.1
    lim1 = float(np.sqrt(6.0 / (F + H)))
    W1 = jax.random.uniform(k4, (R, F, H), minval=-lim1, maxval=lim1, dtype=jnp.float32)
    lim2 = float(np.sqrt(6.0 / (H + H)))
    W2 = jax.random.uniform(k5, (R, H, H), minval=-lim2, maxval=lim2, dtype=jnp.float32)
    return {"emb": emb, "W1": W1, "W2": W2, "neigh": neigh, "nodes": nodes}


def reference(emb, W1, W2, neigh, nodes):
    # Encoder.forward(nodes):
    #   aggregator_2 (second_cut=True) gathers 1-hop neighbors of `nodes` per relation,
    #   evaluates encode() on those neighbor nodes, mean-pools per relation (bmm with
    #   row-normalized mask == mean over sampled neighbors), then relu(bmm(., W2)).sum(0).
    # encode(m_nodes):
    #   aggregator_1 mean-pools raw features over each relation's sampled neighbors
    #   (matmul with normalized mask == per-relation neighbor mean of emb), then relu(bmm(., W1)).
    R_, N_, S_ = neigh.shape
    B_ = nodes.shape[0]
    nb2 = neigh[:, nodes, :]                                   # [R, B, S] 1-hop neighbors of batch nodes per relation
    flat = nb2.reshape(R_, B_ * S_)                            # nodes to encode, relation-aligned
    h1 = jnp.take_along_axis(neigh, flat[:, :, None], axis=1)  # [R, B*S, S] 2-hop neighbors
    agg1 = jnp.take(emb, h1, axis=0).mean(axis=2)              # [R, B*S, F] aggregator_1 mean (mask @ embed)
    enc = jax.nn.relu(jnp.einsum('rmf,rfh->rmh', agg1, W1))    # encode(): relu(bmm(., weight_1))
    x = enc.reshape(R_, B_, S_, -1).mean(axis=2)               # aggregator_2 mean (bmm with mask, second_cut)
    out = jax.nn.relu(jnp.einsum('rbh,rhk->rbk', x, W2)).sum(axis=0)  # relu(bmm(., weight_2)).sum(0)
    return out

if __name__ == "__main__":
    import jax
    _d = setup_inputs()
    print(jax.jit(kernel)(*tuple(_d.values())))

</pallas_src>

<mosaic_0001>
#map = affine_map<(d0, d1) -> (0, 0)>
#map1 = affine_map<(d0, d1) -> (0)>
module attributes {stable_mosaic.version = 14 : i64} {
  func.func @k(%arg0: i32, %arg1: i32, %arg2: memref<50000x256xf32, #tpu.memory_space<hbm>>, %arg3: memref<204800xi32, #tpu.memory_space<hbm>>, %arg4: memref<20480x256xf32, #tpu.memory_space<hbm>>, %arg5: memref<6400xi32, #tpu.memory_space<vmem>>, %arg6: memref<2x160x256xf32, #tpu.memory_space<vmem>>, %arg7: memref<2x16x256xf32, #tpu.memory_space<vmem>>, %arg8: memref<!tpu.dma_semaphore, #tpu.memory_space<semaphore_mem>>, %arg9: memref<!tpu.dma_semaphore, #tpu.memory_space<semaphore_mem>>, %arg10: memref<!tpu.dma_semaphore, #tpu.memory_space<semaphore_mem>>, %arg11: memref<!tpu.dma_semaphore, #tpu.memory_space<semaphore_mem>>) attributes {dimension_semantics = [#tpu.dimension_semantics<core_parallel>, #tpu.dimension_semantics<subcore_parallel>], iteration_bounds = array<i64: 2, 16>, scalar_prefetch = 0 : i64, scratch_operands = 7 : i64, tpu.core_type = #tpu.core_type<sc_vector_subcore>, window_params = [{transform_indices = #map}, {transform_indices = #map1}, {transform_indices = #map}]} {
    %mul3A = arith.constant 2 : i32
    %mul3A_0 = arith.muli %arg1, %mul3A : i32
    %add3A = arith.addi %mul3A_0, %arg0 : i32
    %mul3A_1 = arith.constant 640 : i32
    %mul3A_2 = arith.muli %add3A, %mul3A_1 : i32
    %mul3A_3 = arith.constant 6400 : i32
    %mul3A_4 = arith.muli %add3A, %mul3A_3 : i32
    "tpu.region"() ({
      %run_scoped3A = tpu.sem_alloc : memref<!tpu.dma_semaphore, #tpu.memory_space<semaphore_mem>>
      %dma_start3A_58 = tpu.memref_slice %arg3[%mul3A_4] : memref<204800xi32, #tpu.memory_space<hbm>> -> memref<6400xi32, #tpu.memory_space<hbm>>
      %dma_start3A_59 = tpu.memref_slice %arg3[%mul3A_4] : memref<204800xi32, #tpu.memory_space<hbm>> -> memref<6400xi32, #tpu.memory_space<hbm>>
      tpu.enqueue_dma source(%dma_start3A_59 : memref<6400xi32, #tpu.memory_space<hbm>>) target(%arg5 : memref<6400xi32, #tpu.memory_space<vmem>>) target_semaphore(%run_scoped3A : memref<!tpu.dma_semaphore, #tpu.memory_space<semaphore_mem>>)
      %dma_wait3A_60 = tpu.memref_slice %arg3[%mul3A_4] : memref<204800xi32, #tpu.memory_space<hbm>> -> memref<6400xi32, #tpu.memory_space<hbm>>
      %dma_wait3A_61 = tpu.memref_slice %arg3[%mul3A_4] : memref<204800xi32, #tpu.memory_space<hbm>> -> memref<6400xi32, #tpu.memory_space<hbm>>
      tpu.wait_dma2 semaphore(%run_scoped3A : memref<!tpu.dma_semaphore, #tpu.memory_space<semaphore_mem>>) src(%dma_wait3A_61 : memref<6400xi32, #tpu.memory_space<hbm>>) dst(%arg5 : memref<6400xi32, #tpu.memory_space<vmem>>)
      tpu.yield
    }) : () -> ()
    %dma_start3A = arith.constant 0 : i32
    %dma_start3A_5 = arith.constant 0 : i32
    %dma_start3A_6 = arith.constant 0 : i32
    %dma_start3A_7 = tpu.memref_slice %arg6[%dma_start3A, %dma_start3A_5, %dma_start3A_6] : memref<2x160x256xf32, #tpu.memory_space<vmem>> -> memref<1x80x256xf32, #tpu.memory_space<vmem>>
    %dma_start3A_8 = tpu.memref_squeeze %dma_start3A_7 : memref<1x80x256xf32, #tpu.memory_space<vmem>> -> memref<80x256xf32, #tpu.memory_space<vmem>>
    %dma_start3A_9 = arith.constant 0 : i32
    %dma_start3A_10 = tpu.memref_slice %arg5[%dma_start3A_9] : memref<6400xi32, #tpu.memory_space<vmem>> -> memref<80xi32, #tpu.memory_space<vmem>>
    %dma_start3A_11 = arith.constant 0 : i32
    %dma_start3A_12 = arith.constant 0 : i32
    %dma_start3A_13 = tpu.memref_slice %arg2[%dma_start3A_11, %dma_start3A_12] : memref<50000x256xf32, #tpu.memory_space<hbm>> -> memref<50000x256xf32, #tpu.memory_space<hbm>>
    tpu.enqueue_indirect_dma source(%dma_start3A_13 : memref<50000x256xf32, #tpu.memory_space<hbm>>) target(%dma_start3A_8 : memref<80x256xf32, #tpu.memory_space<vmem>>) offsets(%dma_start3A_10 : memref<80xi32, #tpu.memory_space<vmem>>) semaphore(%arg8 : memref<!tpu.dma_semaphore, #tpu.memory_space<semaphore_mem>>)
    %dma_start3A_14 = arith.constant 0 : i32
    %dma_start3A_15 = arith.constant 80 : i32
    %dma_start3A_16 = arith.constant 0 : i32
    %dma_start3A_17 = tpu.memref_slice %arg6[%dma_start3A_14, %dma_start3A_15, %dma_start3A_16] : memref<2x160x256xf32, #tpu.memory_space<vmem>> -> memref<1x80x256xf32, #tpu.memory_space<vmem>>
    %dma_start3A_18 = tpu.memref_squeeze %dma_start3A_17 : memref<1x80x256xf32, #tpu.memory_space<vmem>> -> memref<80x256xf32, #tpu.memory_space<vmem>>
    %dma_start3A_19 = arith.constant 80 : i32
    %dma_start3A_20 = tpu.memref_slice %arg5[%dma_start3A_19] : memref<6400xi32, #tpu.memory_space<vmem>> -> memref<80xi32, #tpu.memory_space<vmem>>
    %dma_start3A_21 = arith.constant 0 : i32
    %dma_start3A_22 = arith.constant 0 : i32
    %dma_start3A_23 = tpu.memref_slice %arg2[%dma_start3A_21, %dma_start3A_22] : memref<50000x256xf32, #tpu.memory_space<hbm>> -> memref<50000x256xf32, #tpu.memory_space<hbm>>
    tpu.enqueue_indirect_dma source(%dma_start3A_23 : memref<50000x256xf32, #tpu.memory_space<hbm>>) target(%dma_start3A_18 : memref<80x256xf32, #tpu.memory_space<vmem>>) offsets(%dma_start3A_20 : memref<80xi32, #tpu.memory_space<vmem>>) semaphore(%arg8 : memref<!tpu.dma_semaphore, #tpu.memory_space<semaphore_mem>>)
    %scan3A = arith.constant 0 : i32
    %scan3A_24 = arith.constant 0 : i32
    %scan3A_25 = arith.constant 20 : i32
    %scan3A_26 = arith.addi %scan3A_24, %scan3A_25 : i32
    %scan3A_27 = arith.constant 1 : i32
    scf.for %scan3A_58 = %scan3A_24 to %scan3A_26 step %scan3A_27  : i32 {
      %mul3A_59 = arith.constant 2 : i32
      %mul3A_60 = arith.muli %mul3A_59, %scan3A_58 : i32
      %add3A_61 = arith.constant 0 : i32
      %add3A_62 = arith.addi %mul3A_60, %add3A_61 : i32
      %mul3A_63 = arith.constant 16 : i32
      %mul3A_64 = arith.muli %add3A_62, %mul3A_63 : i32
      %mul3A_65 = arith.constant 10 : i32
      %mul3A_66 = arith.muli %mul3A_64, %mul3A_65 : i32
      %add3A_67 = arith.constant 0 : i32
      %add3A_68 = arith.addi %mul3A_66, %add3A_67 : i32
      %mul3A_69 = arith.constant 16 : i32
      %mul3A_70 = arith.muli %add3A_62, %mul3A_69 : i32
      %mul3A_71 = arith.constant 10 : i32
      %mul3A_72 = arith.muli %mul3A_70, %mul3A_71 : i32
      %add3A_73 = arith.constant 80 : i32
      %add3A_74 = arith.addi %mul3A_72, %add3A_73 : i32
      %dma_wait3A_75 = arith.constant 0 : i32
      %dma_wait3A_76 = arith.constant 0 : i32
      %dma_wait3A_77 = arith.constant 0 : i32
      %dma_wait3A_78 = tpu.memref_slice %arg6[%dma_wait3A_75, %dma_wait3A_76, %dma_wait3A_77] : memref<2x160x256xf32, #tpu.memory_space<vmem>> -> memref<1x80x256xf32, #tpu.memory_space<vmem>>
      %dma_wait3A_79 = tpu.memref_squeeze %dma_wait3A_78 : memref<1x80x256xf32, #tpu.memory_space<vmem>> -> memref<80x256xf32, #tpu.memory_space<vmem>>
      %dma_wait3A_80 = tpu.memref_slice %arg5[%add3A_68] : memref<6400xi32, #tpu.memory_space<vmem>> -> memref<80xi32, #tpu.memory_space<vmem>>
      %dma_wait3A_81 = arith.constant 0 : i32
      %dma_wait3A_82 = arith.constant 0 : i32
      %dma_wait3A_83 = tpu.memref_slice %arg2[%dma_wait3A_81, %dma_wait3A_82] : memref<50000x256xf32, #tpu.memory_space<hbm>> -> memref<50000x256xf32, #tpu.memory_space<hbm>>
      tpu.wait_indirect_dma semaphore(%arg8 : memref<!tpu.dma_semaphore, #tpu.memory_space<semaphore_mem>>) src(%dma_wait3A_83 : memref<50000x256xf32, #tpu.memory_space<hbm>>) dst(%dma_wait3A_79 : memref<80x256xf32, #tpu.memory_space<vmem>>)
      %dma_wait3A_84 = arith.constant 0 : i32
      %dma_wait3A_85 = arith.constant 80 : i32
      %dma_wait3A_86 = arith.constant 0 : i32
      %dma_wait3A_87 = tpu.memref_slice %arg6[%dma_wait3A_84, %dma_wait3A_85, %dma_wait3A_86] : memref<2x160x256xf32, #tpu.memory_space<vmem>> -> memref<1x80x256xf32, #tpu.memory_space<vmem>>
      %dma_wait3A_88 = tpu.memref_squeeze %dma_wait3A_87 : memref<1x80x256xf32, #tpu.memory_space<vmem>> -> memref<80x256xf32, #tpu.memory_space<vmem>>
      %dma_wait3A_89 = tpu.memref_slice %arg5[%add3A_74] : memref<6400xi32, #tpu.memory_space<vmem>> -> memref<80xi32, #tpu.memory_space<vmem>>
      %dma_wait3A_90 = arith.constant 0 : i32
      %dma_wait3A_91 = arith.constant 0 : i32
      %dma_wait3A_92 = tpu.memref_slice %arg2[%dma_wait3A_90, %dma_wait3A_91] : memref<50000x256xf32, #tpu.memory_space<hbm>> -> memref<50000x256xf32, #tpu.memory_space<hbm>>
      tpu.wait_indirect_dma semaphore(%arg8 : memref<!tpu.dma_semaphore, #tpu.memory_space<semaphore_mem>>) src(%dma_wait3A_92 : memref<50000x256xf32, #tpu.memory_space<hbm>>) dst(%dma_wait3A_88 : memref<80x256xf32, #tpu.memory_space<vmem>>)
      %add3A_93 = arith.constant 1 : i32
      %add3A_94 = arith.addi %add3A_62, %add3A_93 : i32
      %lt3A = arith.constant 40 : i32
      %lt3A_95 = arith.cmpi slt, %add3A_94, %lt3A : i32
      %convert_element_type3A = arith.extui %lt3A_95 : i1 to i32
      %cond3A = arith.constant 0 : i32
      %cond3A_96 = arith.cmpi ne, %convert_element_type3A, %cond3A : i32
      scf.if %cond3A_96 {
        %add3A_189 = arith.constant 1 : i32
        %add3A_190 = arith.addi %add3A_62, %add3A_189 : i32
        %mul3A_191 = arith.constant 16 : i32
        %mul3A_192 = arith.muli %add3A_190, %mul3A_191 : i32
        %mul3A_193 = arith.constant 10 : i32
        %mul3A_194 = arith.muli %mul3A_192, %mul3A_193 : i32
        %add3A_195 = arith.constant 0 : i32
        %add3A_196 = arith.addi %mul3A_194, %add3A_195 : i32
        %mul3A_197 = arith.constant 16 : i32
        %mul3A_198 = arith.muli %add3A_190, %mul3A_197 : i32
        %mul3A_199 = arith.constant 10 : i32
        %mul3A_200 = arith.muli %mul3A_198, %mul3A_199 : i32
        %add3A_201 = arith.constant 80 : i32
        %add3A_202 = arith.addi %mul3A_200, %add3A_201 : i32
        %dma_start3A_203 = arith.constant 1 : i32
        %dma_start3A_204 = arith.constant 0 : i32
        %dma_start3A_205 = arith.constant 0 : i32
        %dma_start3A_206 = tpu.memref_slice %arg6[%dma_start3A_203, %dma_start3A_204, %dma_start3A_205] : memref<2x160x256xf32, #tpu.memory_space<vmem>> -> memref<1x80x256xf32, #tpu.memory_space<vmem>>
        %dma_start3A_207 = tpu.memref_squeeze %dma_start3A_206 : memref<1x80x256xf32, #tpu.memory_space<vmem>> -> memref<80x256xf32, #tpu.memory_space<vmem>>
        %dma_start3A_208 = tpu.memref_slice %arg5[%add3A_196] : memref<6400xi32, #tpu.memory_space<vmem>> -> memref<80xi32, #tpu.memory_space<vmem>>
        %dma_start3A_209 = arith.constant 0 : i32
        %dma_start3A_210 = arith.constant 0 : i32
        %dma_start3A_211 = tpu.memref_slice %arg2[%dma_start3A_209, %dma_start3A_210] : memref<50000x256xf32, #tpu.memory_space<hbm>> -> memref<50000x256xf32, #tpu.memory_space<hbm>>
        tpu.enqueue_indirect_dma source(%dma_start3A_211 : memref<50000x256xf32, #tpu.memory_space<hbm>>) target(%dma_start3A_207 : memref<80x256xf32, #tpu.memory_space<vmem>>) offsets(%dma_start3A_208 : memref<80xi32, #tpu.memory_space<vmem>>) semaphore(%arg9 : memref<!tpu.dma_semaphore, #tpu.memory_space<semaphore_mem>>)
        %dma_start3A_212 = arith.constant 1 : i32
        %dma_start3A_213 = arith.constant 80 : i32
        %dma_start3A_214 = arith.constant 0 : i32
        %dma_start3A_215 = tpu.memref_slice %arg6[%dma_start3A_212, %dma_start3A_213, %dma_start3A_214] : memref<2x160x256xf32, #tpu.memory_space<vmem>> -> memref<1x80x256xf32, #tpu.memory_space<vmem>>
        %dma_start3A_216 = tpu.memref_squeeze %dma_start3A_215 : memref<1x80x256xf32, #tpu.memory_space<vmem>> -> memref<80x256xf32, #tpu.memory_space<vmem>>
        %dma_start3A_217 = tpu.memref_slice %arg5[%add3A_202] : memref<6400xi32, #tpu.memory_space<vmem>> -> memref<80xi32, #tpu.memory_space<vmem>>
        %dma_start3A_218 = arith.constant 0 : i32
        %dma_start3A_219 = arith.constant 0 : i32
        %dma_start3A_220 = tpu.memref_slice %arg2[%dma_start3A_218, %dma_start3A_219] : memref<50000x256xf32, #tpu.memory_space<hbm>> -> memref<50000x256xf32, #tpu.memory_space<hbm>>
        tpu.enqueue_indirect_dma source(%dma_start3A_220 : memref<50000x256xf32, #tpu.memory_space<hbm>>) target(%dma_start3A_216 : memref<80x256xf32, #tpu.memory_space<vmem>>) offsets(%dma_start3A_217 : memref<80xi32, #tpu.memory_space<vmem>>) semaphore(%arg9 : memref<!tpu.dma_semaphore, #tpu.memory_space<semaphore_mem>>)
      } else {
      }
      %ge3A = arith.constant 2 : i32
      %ge3A_97 = arith.cmpi sge, %add3A_62, %ge3A : i32
      %convert_element_type3A_98 = arith.extui %ge3A_97 : i1 to i32
      %cond3A_99 = arith.constant 0 : i32
      %cond3A_100 = arith.cmpi ne, %convert_element_type3A_98, %cond3A_99 : i32
      scf.if %cond3A_100 {
        %sub3A = arith.constant 2 : i32
        %sub3A_189 = arith.subi %add3A_62, %sub3A : i32
        %mul3A_190 = arith.constant 16 : i32
        %mul3A_191 = arith.muli %sub3A_189, %mul3A_190 : i32
        %add3A_192 = arith.addi %mul3A_2, %mul3A_191 : i32
        %dma_wait3A_193 = arith.constant 0 : i32
        %dma_wait3A_194 = arith.constant 0 : i32
        %dma_wait3A_195 = arith.constant 0 : i32
        %dma_wait3A_196 = tpu.memref_slice %arg7[%dma_wait3A_193, %dma_wait3A_194, %dma_wait3A_195] : memref<2x16x256xf32, #tpu.memory_space<vmem>> -> memref<1x16x256xf32, #tpu.memory_space<vmem>>
        %dma_wait3A_197 = tpu.memref_squeeze %dma_wait3A_196 : memref<1x16x256xf32, #tpu.memory_space<vmem>> -> memref<16x256xf32, #tpu.memory_space<vmem>>
        %dma_wait3A_198 = arith.constant 0 : i32
        %dma_wait3A_199 = tpu.memref_slice %arg4[%add3A_192, %dma_wait3A_198] : memref<20480x256xf32, #tpu.memory_space<hbm>> -> memref<16x256xf32, #tpu.memory_space<hbm>>
        %dma_wait3A_200 = arith.constant 0 : i32
        %dma_wait3A_201 = tpu.memref_slice %arg4[%add3A_192, %dma_wait3A_200] : memref<20480x256xf32, #tpu.memory_space<hbm>> -> memref<16x256xf32, #tpu.memory_space<hbm>>
        %dma_wait3A_202 = arith.constant 0 : i32
        %dma_wait3A_203 = arith.constant 0 : i32
        %dma_wait3A_204 = tpu.memref_slice %arg7[%dma_wait3A_193, %dma_wait3A_202, %dma_wait3A_203] : memref<2x16x256xf32, #tpu.memory_space<vmem>> -> memref<1x16x256xf32, #tpu.memory_space<vmem>>
        %dma_wait3A_205 = tpu.memref_squeeze %dma_wait3A_204 : memref<1x16x256xf32, #tpu.memory_space<vmem>> -> memref<16x256xf32, #tpu.memory_space<vmem>>
        tpu.wait_dma2 semaphore(%arg10 : memref<!tpu.dma_semaphore, #tpu.memory_space<semaphore_mem>>) src(%dma_wait3A_205 : memref<16x256xf32, #tpu.memory_space<vmem>>) dst(%dma_wait3A_201 : memref<16x256xf32, #tpu.memory_space<hbm>>)
      } else {
      }
      %scan3A_101 = arith.constant 0 : i32
      %scan3A_102 = arith.constant 0 : i32
      %scan3A_103 = arith.constant 16 : i32
      %scan3A_104 = arith.addi %scan3A_102, %scan3A_103 : i32
      %scan3A_105 = arith.constant 1 : i32
      scf.for %scan3A_189 = %scan3A_102 to %scan3A_104 step %scan3A_105  : i32 {
        %mul3A_190 = arith.constant 10 : i32
        %mul3A_191 = arith.muli %scan3A_189, %mul3A_190 : i32
        %get3A = arith.constant 0 : i32
        %get3A_192 = arith.index_cast %get3A : i32 to index
        %get3A_193 = arith.index_cast %mul3A_191 : i32 to index
        %get3A_194 = arith.constant 0 : index
        %get3A_195 = tpu.vector_load %arg6[%get3A_192, %get3A_193, %get3A_194] {strides = array<i32>} : memref<2x160x256xf32, #tpu.memory_space<vmem>>, vector<1x1x16xf32>,
        %get3A_196 = vector.shape_cast %get3A_195 : vector<1x1x16xf32> to vector<16xf32>
        %mul3A_197 = arith.constant 10 : i32
        %mul3A_198 = arith.muli %scan3A_189, %mul3A_197 : i32
        %add3A_199 = arith.constant 1 : i32
        %add3A_200 = arith.addi %mul3A_198, %add3A_199 : i32
        %get3A_201 = arith.constant 0 : i32
        %get3A_202 = arith.index_cast %get3A_201 : i32 to index
        %get3A_203 = arith.index_cast %add3A_200 : i32 to index
        %get3A_204 = arith.constant 0 : index
        %get3A_205 = tpu.vector_load %arg6[%get3A_202, %get3A_203, %get3A_204] {strides = array<i32>} : memref<2x160x256xf32, #tpu.memory_space<vmem>>, vector<1x1x16xf32>,
        %get3A_206 = vector.shape_cast %get3A_205 : vector<1x1x16xf32> to vector<16xf32>
        %add3A_207 = arith.addf %get3A_196, %get3A_206 : vector<16xf32>
        %mul3A_208 = arith.constant 10 : i32
        %mul3A_209 = arith.muli %scan3A_189, %mul3A_208 : i32
        %add3A_210 = arith.constant 2 : i32
        %add3A_211 = arith.addi %mul3A_209, %add3A_210 : i32
        %get3A_212 = arith.constant 0 : i32
        %get3A_213 = arith.index_cast %get3A_212 : i32 to index
        %get3A_214 = arith.index_cast %add3A_211 : i32 to index
        %get3A_215 = arith.constant 0 : index
        %get3A_216 = tpu.vector_load %arg6[%get3A_213, %get3A_214, %get3A_215] {strides = array<i32>} : memref<2x160x256xf32, #tpu.memory_space<vmem>>, vector<1x1x16xf32>,
        %get3A_217 = vector.shape_cast %get3A_216 : vector<1x1x16xf32> to vector<16xf32>
        %add3A_218 = arith.addf %add3A_207, %get3A_217 : vector<16xf32>
        %mul3A_219 = arith.constant 10 : i32
        %mul3A_220 = arith.muli %scan3A_189, %mul3A_219 : i32
        %add3A_221 = arith.constant 3 : i32
        %add3A_222 = arith.addi %mul3A_220, %add3A_221 : i32
        %get3A_223 = arith.constant 0 : i32
        %get3A_224 = arith.index_cast %get3A_223 : i32 to index
        %get3A_225 = arith.index_cast %add3A_222 : i32 to index
        %get3A_226 = arith.constant 0 : index
        %get3A_227 = tpu.vector_load %arg6[%get3A_224, %get3A_225, %get3A_226] {strides = array<i32>} : memref<2x160x256xf32, #tpu.memory_space<vmem>>, vector<1x1x16xf32>,
        %get3A_228 = vector.shape_cast %get3A_227 : vector<1x1x16xf32> to vector<16xf32>
        %add3A_229 = arith.addf %add3A_218, %get3A_228 : vector<16xf32>
        %mul3A_230 = arith.constant 10 : i32
        %mul3A_231 = arith.muli %scan3A_189, %mul3A_230 : i32
        %add3A_232 = arith.constant 4 : i32
        %add3A_233 = arith.addi %mul3A_231, %add3A_232 : i32
        %get3A_234 = arith.constant 0 : i32
        %get3A_235 = arith.index_cast %get3A_234 : i32 to index
        %get3A_236 = arith.index_cast %add3A_233 : i32 to index
        %get3A_237 = arith.constant 0 : index
        %get3A_238 = tpu.vector_load %arg6[%get3A_235, %get3A_236, %get3A_237] {strides = array<i32>} : memref<2x160x256xf32, #tpu.memory_space<vmem>>, vector<1x1x16xf32>,
        %get3A_239 = vector.shape_cast %get3A_238 : vector<1x1x16xf32> to vector<16xf32>
        %add3A_240 = arith.addf %add3A_229, %get3A_239 : vector<16xf32>
        %mul3A_241 = arith.constant 10 : i32
        %mul3A_242 = arith.muli %scan3A_189, %mul3A_241 : i32
        %add3A_243 = arith.constant 5 : i32
        %add3A_244 = arith.addi %mul3A_242, %add3A_243 : i32
        %get3A_245 = arith.constant 0 : i32
        %get3A_246 = arith.index_cast %get3A_245 : i32 to index
        %get3A_247 = arith.index_cast %add3A_244 : i32 to index
        %get3A_248 = arith.constant 0 : index
        %get3A_249 = tpu.vector_load %arg6[%get3A_246, %get3A_247, %get3A_248] {strides = array<i32>} : memref<2x160x256xf32, #tpu.memory_space<vmem>>, vector<1x1x16xf32>,
        %get3A_250 = vector.shape_cast %get3A_249 : vector<1x1x16xf32> to vector<16xf32>
        %add3A_251 = arith.addf %add3A_240, %get3A_250 : vector<16xf32>
        %mul3A_252 = arith.constant 10 : i32
        %mul3A_253 = arith.muli %scan3A_189, %mul3A_252 : i32
        %add3A_254 = arith.constant 6 : i32
        %add3A_255 = arith.addi %mul3A_253, %add3A_254 : i32
        %get3A_256 = arith.constant 0 : i32
        %get3A_257 = arith.index_cast %get3A_256 : i32 to index
        %get3A_258 = arith.index_cast %add3A_255 : i32 to index
        %get3A_259 = arith.constant 0 : index
        %get3A_260 = tpu.vector_load %arg6[%get3A_257, %get3A_258, %get3A_259] {strides = array<i32>} : memref<2x160x256xf32, #tpu.memory_space<vmem>>, vector<1x1x16xf32>,
        %get3A_261 = vector.shape_cast %get3A_260 : vector<1x1x16xf32> to vector<16xf32>
        %add3A_262 = arith.addf %add3A_251, %get3A_261 : vector<16xf32>
        %mul3A_263 = arith.constant 10 : i32
        %mul3A_264 = arith.muli %scan3A_189, %mul3A_263 : i32
        %add3A_265 = arith.constant 7 : i32
        %add3A_266 = arith.addi %mul3A_264, %add3A_265 : i32
        %get3A_267 = arith.constant 0 : i32
        %get3A_268 = arith.index_cast %get3A_267 : i32 to index
        %get3A_269 = arith.index_cast %add3A_266 : i32 to index
        %get3A_270 = arith.constant 0 : index
        %get3A_271 = tpu.vector_load %arg6[%get3A_268, %get3A_269, %get3A_270] {strides = array<i32>} : memref<2x160x256xf32, #tpu.memory_space<vmem>>, vector<1x1x16xf32>,
        %get3A_272 = vector.shape_cast %get3A_271 : vector<1x1x16xf32> to vector<16xf32>
        %add3A_273 = arith.addf %add3A_262, %get3A_272 : vector<16xf32>
        %mul3A_274 = arith.constant 10 : i32
        %mul3A_275 = arith.muli %scan3A_189, %mul3A_274 : i32
        %add3A_276 = arith.constant 8 : i32
        %add3A_277 = arith.addi %mul3A_275, %add3A_276 : i32
        %get3A_278 = arith.constant 0 : i32
        %get3A_279 = arith.index_cast %get3A_278 : i32 to index
        %get3A_280 = arith.index_cast %add3A_277 : i32 to index
        %get3A_281 = arith.constant 0 : index
        %get3A_282 = tpu.vector_load %arg6[%get3A_279, %get3A_280, %get3A_281] {strides = array<i32>} : memref<2x160x256xf32, #tpu.memory_space<vmem>>, vector<1x1x16xf32>,
        %get3A_283 = vector.shape_cast %get3A_282 : vector<1x1x16xf32> to vector<16xf32>
        %add3A_284 = arith.addf %add3A_273, %get3A_283 : vector<16xf32>
        %mul3A_285 = arith.constant 10 : i32
        %mul3A_286 = arith.muli %scan3A_189, %mul3A_285 : i32
        %add3A_287 = arith.constant 9 : i32
        %add3A_288 = arith.addi %mul3A_286, %add3A_287 : i32
        %get3A_289 = arith.constant 0 : i32
        %get3A_290 = arith.index_cast %get3A_289 : i32 to index
        %get3A_291 = arith.index_cast %add3A_288 : i32 to index
        %get3A_292 = arith.constant 0 : index
        %get3A_293 = tpu.vector_load %arg6[%get3A_290, %get3A_291, %get3A_292] {strides = array<i32>} : memref<2x160x256xf32, #tpu.memory_space<vmem>>, vector<1x1x16xf32>,
        %get3A_294 = vector.shape_cast %get3A_293 : vector<1x1x16xf32> to vector<16xf32>
        %add3A_295 = arith.addf %add3A_284, %get3A_294 : vector<16xf32>
        %swap3A = arith.constant 0 : i32
        %swap3A_296 = arith.index_cast %swap3A : i32 to index
        %swap3A_297 = arith.index_cast %scan3A_189 : i32 to index
        %swap3A_298 = arith.constant 0 : index
        %swap3A_299 = tpu.vector_load %arg7[%swap3A_296, %swap3A_297, %swap3A_298] {strides = array<i32>} : memref<2x16x256xf32, #tpu.memory_space<vmem>>, vector<1x1x16xf32>,
        %swap3A_300 = vector.shape_cast %swap3A_299 : vector<1x1x16xf32> to vector<16xf32>
        %swap3A_301 = vector.shape_cast %add3A_295 : vector<16xf32> to vector<1x1x16xf32>
        tpu.vector_store %arg7[%swap3A_296, %swap3A_297, %swap3A_298], %swap3A_301 {strides = array<i32>} : memref<2x16x256xf32, #tpu.memory_space<vmem>>, vector<1x1x16xf32>,
        %mul3A_302 = arith.constant 10 : i32
        %mul3A_303 = arith.muli %scan3A_189, %mul3A_302 : i32
        %get3A_304 = arith.constant 0 : i32
        %get3A_305 = arith.index_cast %get3A_304 : i32 to index
        %get3A_306 = arith.index_cast %mul3A_303 : i32 to index
        %get3A_307 = arith.constant 16 : index
        %get3A_308 = tpu.vector_load %arg6[%get3A_305, %get3A_306, %get3A_307] {strides = array<i32>} : memref<2x160x256xf32, #tpu.memory_space<vmem>>, vector<1x1x16xf32>,
        %get3A_309 = vector.shape_cast %get3A_308 : vector<1x1x16xf32> to vector<16xf32>
        %mul3A_310 = arith.constant 10 : i32
        %mul3A_311 = arith.muli %scan3A_189, %mul3A_310 : i32
        %add3A_312 = arith.constant 1 : i32
        %add3A_313 = arith.addi %mul3A_311, %add3A_312 : i32
        %get3A_314 = arith.constant 0 : i32
        %get3A_315 = arith.index_cast %get3A_314 : i32 to index
        %get3A_316 = arith.index_cast %add3A_313 : i32 to index
        %get3A_317 = arith.constant 16 : index
        %get3A_318 = tpu.vector_load %arg6[%get3A_315, %get3A_316, %get3A_317] {strides = array<i32>} : memref<2x160x256xf32, #tpu.memory_space<vmem>>, vector<1x1x16xf32>,
        %get3A_319 = vector.shape_cast %get3A_318 : vector<1x1x16xf32> to vector<16xf32>
        %add3A_320 = arith.addf %get3A_309, %get3A_319 : vector<16xf32>
        %mul3A_321 = arith.constant 10 : i32
        %mul3A_322 = arith.muli %scan3A_189, %mul3A_321 : i32
        %add3A_323 = arith.constant 2 : i32
        %add3A_324 = arith.addi %mul3A_322, %add3A_323 : i32
        %get3A_325 = arith.constant 0 : i32
        %get3A_326 = arith.index_cast %get3A_325 : i32 to index
        %get3A_327 = arith.index_cast %add3A_324 : i32 to index
        %get3A_328 = arith.constant 16 : index
        %get3A_329 = tpu.vector_load %arg6[%get3A_326, %get3A_327, %get3A_328] {strides = array<i32>} : memref<2x160x256xf32, #tpu.memory_space<vmem>>, vector<1x1x16xf32>,
        %get3A_330 = vector.shape_cast %get3A_329 : vector<1x1x16xf32> to vector<16xf32>
        %add3A_331 = arith.addf %add3A_320, %get3A_330 : vector<16xf32>
        %mul3A_332 = arith.constant 10 : i32
        %mul3A_333 = arith.muli %scan3A_189, %mul3A_332 : i32
        %add3A_334 = arith.constant 3 : i32
        %add3A_335 = arith.addi %mul3A_333, %add3A_334 : i32
        %get3A_336 = arith.constant 0 : i32
        %get3A_337 = arith.index_cast %get3A_336 : i32 to index
        %get3A_338 = arith.index_cast %add3A_335 : i32 to index
        %get3A_339 = arith.constant 16 : index
        %get3A_340 = tpu.vector_load %arg6[%get3A_337, %get3A_338, %get3A_339] {strides = array<i32>} : memref<2x160x256xf32, #tpu.memory_space<vmem>>, vector<1x1x16xf32>,
        %get3A_341 = vector.shape_cast %get3A_340 : vector<1x1x16xf32> to vector<16xf32>
        %add3A_342 = arith.addf %add3A_331, %get3A_341 : vector<16xf32>
        %mul3A_343 = arith.constant 10 : i32
        %mul3A_344 = arith.muli %scan3A_189, %mul3A_343 : i32
        %add3A_345 = arith.constant 4 : i32
        %add3A_346 = arith.addi %mul3A_344, %add3A_345 : i32
        %get3A_347 = arith.constant 0 : i32
        %get3A_348 = arith.index_cast %get3A_347 : i32 to index
        %get3A_349 = arith.index_cast %add3A_346 : i32 to index
        %get3A_350 = arith.constant 16 : index
        %get3A_351 = tpu.vector_load %arg6[%get3A_348, %get3A_349, %get3A_350] {strides = array<i32>} : memref<2x160x256xf32, #tpu.memory_space<vmem>>, vector<1x1x16xf32>,
        %get3A_352 = vector.shape_cast %get3A_351 : vector<1x1x16xf32> to vector<16xf32>
        %add3A_353 = arith.addf %add3A_342, %get3A_352 : vector<16xf32>
        %mul3A_354 = arith.constant 10 : i32
        %mul3A_355 = arith.muli %scan3A_189, %mul3A_354 : i32
        %add3A_356 = arith.constant 5 : i32
        %add3A_357 = arith.addi %mul3A_355, %add3A_356 : i32
        %get3A_358 = arith.constant 0 : i32
        %get3A_359 = arith.index_cast %get3A_358 : i32 to index
        %get3A_360 = arith.index_cast %add3A_357 : i32 to index
        %get3A_361 = arith.constant 16 : index
        %get3A_362 = tpu.vector_load %arg6[%get3A_359, %get3A_360, %get3A_361] {strides = array<i32>} : memref<2x160x256xf32, #tpu.memory_space<vmem>>, vector<1x1x16xf32>,
        %get3A_363 = vector.shape_cast %get3A_362 : vector<1x1x16xf32> to vector<16xf32>
        %add3A_364 = arith.addf %add3A_353, %get3A_363 : vector<16xf32>
        %mul3A_365 = arith.constant 10 : i32
        %mul3A_366 = arith.muli %scan3A_189, %mul3A_365 : i32
        %add3A_367 = arith.constant 6 : i32
        %add3A_368 = arith.addi %mul3A_366, %add3A_367 : i32
        %get3A_369 = arith.constant 0 : i32
        %get3A_370 = arith.index_cast %get3A_369 : i32 to index
        %get3A_371 = arith.index_cast %add3A_368 : i32 to index
        %get3A_372 = arith.constant 16 : index
        %get3A_373 = tpu.vector_load %arg6[%get3A_370, %get3A_371, %get3A_372] {strides = array<i32>} : memref<2x160x256xf32, #tpu.memory_space<vmem>>, vector<1x1x16xf32>,
        %get3A_374 = vector.shape_cast %get3A_373 : vector<1x1x16xf32> to vector<16xf32>
        %add3A_375 = arith.addf %add3A_364, %get3A_374 : vector<16xf32>
        %mul3A_376 = arith.constant 10 : i32
        %mul3A_377 = arith.muli %scan3A_189, %mul3A_376 : i32
        %add3A_378 = arith.constant 7 : i32
        %add3A_379 = arith.addi %mul3A_377, %add3A_378 : i32
        %get3A_380 = arith.constant 0 : i32
        %get3A_381 = arith.index_cast %get3A_380 : i32 to index
        %get3A_382 = arith.index_cast %add3A_379 : i32 to index
        %get3A_383 = arith.constant 16 : index
        %get3A_384 = tpu.vector_load %arg6[%get3A_381, %get3A_382, %get3A_383] {strides = array<i32>} : memref<2x160x256xf32, #tpu.memory_space<vmem>>, vector<1x1x16xf32>,
        %get3A_385 = vector.shape_cast %get3A_384 : vector<1x1x16xf32> to vector<16xf32>
        %add3A_386 = arith.addf %add3A_375, %get3A_385 : vector<16xf32>
        %mul3A_387 = arith.constant 10 : i32
        %mul3A_388 = arith.muli %scan3A_189, %mul3A_387 : i32
        %add3A_389 = arith.constant 8 : i32
        %add3A_390 = arith.addi %mul3A_388, %add3A_389 : i32
        %get3A_391 = arith.constant 0 : i32
        %get3A_392 = arith.index_cast %get3A_391 : i32 to index
        %get3A_393 = arith.index_cast %add3A_390 : i32 to index
        %get3A_394 = arith.constant 16 : index
        %get3A_395 = tpu.vector_load %arg6[%get3A_392, %get3A_393, %get3A_394] {strides = array<i32>} : memref<2x160x256xf32, #tpu.memory_space<vmem>>, vector<1x1x16xf32>,
        %get3A_396 = vector.shape_cast %get3A_395 : vector<1x1x16xf32> to vector<16xf32>
        %add3A_397 = arith.addf %add3A_386, %get3A_396 : vector<16xf32>
        %mul3A_398 = arith.constant 10 : i32
        %mul3A_399 = arith.muli %scan3A_189, %mul3A_398 : i32
        %add3A_400 = arith.constant 9 : i32
        %add3A_401 = arith.addi %mul3A_399, %add3A_400 : i32
        %get3A_402 = arith.constant 0 : i32
        %get3A_403 = arith.index_cast %get3A_402 : i32 to index
        %get3A_404 = arith.index_cast %add3A_401 : i32 to index
        %get3A_405 = arith.constant 16 : index
        %get3A_406 = tpu.vector_load %arg6[%get3A_403, %get3A_404, %get3A_405] {strides = array<i32>} : memref<2x160x256xf32, #tpu.memory_space<vmem>>, vector<1x1x16xf32>,
        %get3A_407 = vector.shape_cast %get3A_406 : vector<1x1x16xf32> to vector<16xf32>
        %add3A_408 = arith.addf %add3A_397, %get3A_407 : vector<16xf32>
        %swap3A_409 = arith.constant 0 : i32
        %swap3A_410 = arith.index_cast %swap3A_409 : i32 to index
        %swap3A_411 = arith.index_cast %scan3A_189 : i32 to index
        %swap3A_412 = arith.constant 16 : index
        %swap3A_413 = tpu.vector_load %arg7[%swap3A_410, %swap3A_411, %swap3A_412] {strides = array<i32>} : memref<2x16x256xf32, #tpu.memory_space<vmem>>, vector<1x1x16xf32>,
        %swap3A_414 = vector.shape_cast %swap3A_413 : vector<1x1x16xf32> to vector<16xf32>
        %swap3A_415 = vector.shape_cast %add3A_408 : vector<16xf32> to vector<1x1x16xf32>
        tpu.vector_store %arg7[%swap3A_410, %swap3A_411, %swap3A_412], %swap3A_415 {strides = array<i32>} : memref<2x16x256xf32, #tpu.memory_space<vmem>>, vector<1x1x16xf32>,
        %mul3A_416 = arith.constant 10 : i32
        %mul3A_417 = arith.muli %scan3A_189, %mul3A_416 : i32
        %get3A_418 = arith.constant 0 : i32
        %get3A_419 = arith.index_cast %get3A_418 : i32 to index
        %get3A_420 = arith.index_cast %mul3A_417 : i32 to index
        %get3A_421 = arith.constant 32 : index
        %get3A_422 = tpu.vector_load %arg6[%get3A_419, %get3A_420, %get3A_421] {strides = array<i32>} : memref<2x160x256xf32, #tpu.memory_space<vmem>>, vector<1x1x16xf32>,
        %get3A_423 = vector.shape_cast %get3A_422 : vector<1x1x16xf32> to vector<16xf32>
        %mul3A_424 = arith.constant 10 : i32
        %mul3A_425 = arith.muli %scan3A_189, %mul3A_424 : i32
        %add3A_426 = arith.constant 1 : i32
        %add3A_427 = arith.addi %mul3A_425, %add3A_426 : i32
        %get3A_428 = arith.constant 0 : i32
        %get3A_429 = arith.index_cast %get3A_428 : i32 to index
        %get3A_430 = arith.index_cast %add3A_427 : i32 to index
        %get3A_431 = arith.constant 32 : index
        %get3A_432 = tpu.vector_load %arg6[%get3A_429, %get3A_430, %get3A_431] {strides = array<i32>} : memref<2x160x256xf32, #tpu.memory_space<vmem>>, vector<1x1x16xf32>,
        %get3A_433 = vector.shape_cast %get3A_432 : vector<1x1x16xf32> to vector<16xf32>
        %add3A_434 = arith.addf %get3A_423, %get3A_433 : vector<16xf32>
        %mul3A_435 = arith.constant 10 : i32
        %mul3A_436 = arith.muli %scan3A_189, %mul3A_435 : i32
        %add3A_437 = arith.constant 2 : i32
        %add3A_438 = arith.addi %mul3A_436, %add3A_437 : i32
        %get3A_439 = arith.constant 0 : i32
        %get3A_440 = arith.index_cast %get3A_439 : i32 to index
        %get3A_441 = arith.index_cast %add3A_438 : i32 to index
        %get3A_442 = arith.constant 32 : index
        %get3A_443 = tpu.vector_load %arg6[%get3A_440, %get3A_441, %get3A_442] {strides = array<i32>} : memref<2x160x256xf32, #tpu.memory_space<vmem>>, vector<1x1x16xf32>,
        %get3A_444 = vector.shape_cast %get3A_443 : vector<1x1x16xf32> to vector<16xf32>
        %add3A_445 = arith.addf %add3A_434, %get3A_444 : vector<16xf32>
        %mul3A_446 = arith.constant 10 : i32
        %mul3A_447 = arith.muli %scan3A_189, %mul3A_446 : i32
        %add3A_448 = arith.constant 3 : i32
        %add3A_449 = arith.addi %mul3A_447, %add3A_448 : i32
        %get3A_450 = arith.constant 0 : i32
        %get3A_451 = arith.index_cast %get3A_450 : i32 to index
        %get3A_452 = arith.index_cast %add3A_449 : i32 to index
        %get3A_453 = arith.constant 32 : index
        %get3A_454 = tpu.vector_load %arg6[%get3A_451, %get3A_452, %get3A_453] {strides = array<i32>} : memref<2x160x256xf32, #tpu.memory_space<vmem>>, vector<1x1x16xf32>,
        %get3A_455 = vector.shape_cast %get3A_454 : vector<1x1x16xf32> to vector<16xf32>
        %add3A_456 = arith.addf %add3A_445, %get3A_455 : vector<16xf32>
        %mul3A_457 = arith.constant 10 : i32
        %mul3A_458 = arith.muli %scan3A_189, %mul3A_457 : i32
        %add3A_459 = arith.constant 4 : i32
        %add3A_460 = arith.addi %mul3A_458, %add3A_459 : i32
        %get3A_461 = arith.constant 0 : i32
        %get3A_462 = arith.index_cast %get3A_461 : i32 to index
        %get3A_463 = arith.index_cast %add3A_460 : i32 to index
        %get3A_464 = arith.constant 32 : index
        %get3A_465 = tpu.vector_load %arg6[%get3A_462, %get3A_463, %get3A_464] {strides = array<i32>} : memref<2x160x256xf32, #tpu.memory_space<vmem>>, vector<1x1x16xf32>,
        %get3A_466 = vector.shape_cast %get3A_465 : vector<1x1x16xf32> to vector<16xf32>
        %add3A_467 = arith.addf %add3A_456, %get3A_466 : vector<16xf32>
        %mul3A_468 = arith.constant 10 : i32
        %mul3A_469 = arith.muli %scan3A_189, %mul3A_468 : i32
        %add3A_470 = arith.constant 5 : i32
        %add3A_471 = arith.addi %mul3A_469, %add3A_470 : i32
        %get3A_472 = arith.constant 0 : i32
        %get3A_473 = arith.index_cast %get3A_472 : i32 to index
        %get3A_474 = arith.index_cast %add3A_471 : i32 to index
        %get3A_475 = arith.constant 32 : index
        %get3A_476 = tpu.vector_load %arg6[%get3A_473, %get3A_474, %get3A_475] {strides = array<i32>} : memref<2x160x256xf32, #tpu.memory_space<vmem>>, vector<1x1x16xf32>,
        %get3A_477 = vector.shape_cast %get3A_476 : vector<1x1x16xf32> to vector<16xf32>
        %add3A_478 = arith.addf %add3A_467, %get3A_477 : vector<16xf32>
        %mul3A_479 = arith.constant 10 : i32
        %mul3A_480 = arith.muli %scan3A_189, %mul3A_479 : i32
        %add3A_481 = arith.constant 6 : i32
        %add3A_482 = arith.addi %mul3A_480, %add3A_481 : i32
        %get3A_483 = arith.constant 0 : i32
        %get3A_484 = arith.index_cast %get3A_483 : i32 to index
        %get3A_485 = arith.index_cast %add3A_482 : i32 to index
        %get3A_486 = arith.constant 32 : index
        %get3A_487 = tpu.vector_load %arg6[%get3A_484, %get3A_485, %get3A_486] {strides = array<i32>} : memref<2x160x256xf32, #tpu.memory_space<vmem>>, vector<1x1x16xf32>,
        %get3A_488 = vector.shape_cast %get3A_487 : vector<1x1x16xf32> to vector<16xf32>
        %add3A_489 = arith.addf %add3A_478, %get3A_488 : vector<16xf32>
        %mul3A_490 = arith.constant 10 : i32
        %mul3A_491 = arith.muli %scan3A_189, %mul3A_490 : i32
        %add3A_492 = arith.constant 7 : i32
        %add3A_493 = arith.addi %mul3A_491, %add3A_492 : i32
        %get3A_494 = arith.constant 0 : i32
        %get3A_495 = arith.index_cast %get3A_494 : i32 to index
        %get3A_496 = arith.index_cast %add3A_493 : i32 to index
        %get3A_497 = arith.constant 32 : index
        %get3A_498 = tpu.vector_load %arg6[%get3A_495, %get3A_496, %get3A_497] {strides = array<i32>} : memref<2x160x256xf32, #tpu.memory_space<vmem>>, vector<1x1x16xf32>,
        %get3A_499 = vector.shape_cast %get3A_498 : vector<1x1x16xf32> to vector<16xf32>
        %add3A_500 = arith.addf %add3A_489, %get3A_499 : vector<16xf32>
        %mul3A_501 = arith.constant 10 : i32
        %mul3A_502 = arith.muli %scan3A_189, %mul3A_501 : i32
        %add3A_503 = arith.constant 8 : i32
        %add3A_504 = arith.addi %mul3A_502, %add3A_503 : i32
        %get3A_505 = arith.constant 0 : i32
        %get3A_506 = arith.index_cast %get3A_505 : i32 to index
        %get3A_507 = arith.index_cast %add3A_504 : i32 to index
        %get3A_508 = arith.constant 32 : index
        %get3A_509 = tpu.vector_load %arg6[%get3A_506, %get3A_507, %get3A_508] {strides = array<i32>} : memref<2x160x256xf32, #tpu.memory_space<vmem>>, vector<1x1x16xf32>,
        %get3A_510 = vector.shape_cast %get3A_509 : vector<1x1x16xf32> to vector<16xf32>
        %add3A_511 = arith.addf %add3A_500, %get3A_510 : vector<16xf32>
        %mul3A_512 = arith.constant 10 : i32
        %mul3A_513 = arith.muli %scan3A_189, %mul3A_512 : i32
        %add3A_514 = arith.constant 9 : i32
        %add3A_515 = arith.addi %mul3A_513, %add3A_514 : i32
        %get3A_516 = arith.constant 0 : i32
        %get3A_517 = arith.index_cast %get3A_516 : i32 to index
        %get3A_518 = arith.index_cast %add3A_515 : i32 to index
        %get3A_519 = arith.constant 32 : index
        %get3A_520 = tpu.vector_load %arg6[%get3A_517, %get3A_518, %get3A_519] {strides = array<i32>} : memref<2x160x256xf32, #tpu.memory_space<vmem>>, vector<1x1x16xf32>,
        %get3A_521 = vector.shape_cast %get3A_520 : vector<1x1x16xf32> to vector<16xf32>
        %add3A_522 = arith.addf %add3A_511, %get3A_521 : vector<16xf32>
        %swap3A_523 = arith.constant 0 : i32
        %swap3A_524 = arith.index_cast %swap3A_523 : i32 to index
        %swap3A_525 = arith.index_cast %scan3A_189 : i32 to index
        %swap3A_526 = arith.constant 32 : index
        %swap3A_527 = tpu.vector_load %arg7[%swap3A_524, %swap3A_525, %swap3A_526] {strides = array<i32>} : memref<2x16x256xf32, #tpu.memory_space<vmem>>, vector<1x1x16xf32>,
        %swap3A_528 = vector.shape_cast %swap3A_527 : vector<1x1x16xf32> to vector<16xf32>
        %swap3A_529 = vector.shape_cast %add3A_522 : vector<16xf32> to vector<1x1x16xf32>
        tpu.vector_store %arg7[%swap3A_524, %swap3A_525, %swap3A_526], %swap3A_529 {strides = array<i32>} : memref<2x16x256xf32, #tpu.memory_space<vmem>>, vector<1x1x16xf32>,
        %mul3A_530 = arith.constant 10 : i32
        %mul3A_531 = arith.muli %scan3A_189, %mul3A_530 : i32
        %get3A_532 = arith.constant 0 : i32
        %get3A_533 = arith.index_cast %get3A_532 : i32 to index
        %get3A_534 = arith.index_cast %mul3A_531 : i32 to index
        %get3A_535 = arith.constant 48 : index
        %get3A_536 = tpu.vector_load %arg6[%get3A_533, %get3A_534, %get3A_535] {strides = array<i32>} : memref<2x160x256xf32, #tpu.memory_space<vmem>>, vector<1x1x16xf32>,
        %get3A_537 = vector.shape_cast %get3A_536 : vector<1x1x16xf32> to vector<16xf32>
        %mul3A_538 = arith.constant 10 : i32
        %mul3A_539 = arith.muli %scan3A_189, %mul3A_538 : i32
        %add3A_540 = arith.constant 1 : i32
        %add3A_541 = arith.addi %mul3A_539, %add3A_540 : i32
        %get3A_542 = arith.constant 0 : i32
        %get3A_543 = arith.index_cast %get3A_542 : i32 to index
        %get3A_544 = arith.index_cast %add3A_541 : i32 to index
        %get3A_545 = arith.constant 48 : index
        %get3A_546 = tpu.vector_load %arg6[%get3A_543, %get3A_544, %get3A_545] {strides = array<i32>} : memref<2x160x256xf32, #tpu.memory_space<vmem>>, vector<1x1x16xf32>,
        %get3A_547 = vector.shape_cast %get3A_546 : vector<1x1x16xf32> to vector<16xf32>
        %add3A_548 = arith.addf %get3A_537, %get3A_547 : vector<16xf32>
        %mul3A_549 = arith.constant 10 : i32
        %mul3A_550 = arith.muli %scan3A_189, %mul3A_549 : i32
        %add3A_551 = arith.constant 2 : i32
        %add3A_552 = arith.addi %mul3A_550, %add3A_551 : i32
        %get3A_553 = arith.constant 0 : i32
        %get3A_554 = arith.index_cast %get3A_553 : i32 to index
        %get3A_555 = arith.index_cast %add3A_552 : i32 to index
        %get3A_556 = arith.constant 48 : index
        %get3A_557 = tpu.vector_load %arg6[%get3A_554, %get3A_555, %get3A_556] {strides = array<i32>} : memref<2x160x256xf32, #tpu.memory_space<vmem>>, vector<1x1x16xf32>,
        %get3A_558 = vector.shape_cast %get3A_557 : vector<1x1x16xf32> to vector<16xf32>
        %add3A_559 = arith.addf %add3A_548, %get3A_558 : vector<16xf32>
        %mul3A_560 = arith.constant 10 : i32
        %mul3A_561 = arith.muli %scan3A_189, %mul3A_560 : i32
        %add3A_562 = arith.constant 3 : i32
        %add3A_563 = arith.addi %mul3A_561, %add3A_562 : i32
        %get3A_564 = arith.constant 0 : i32
        %get3A_565 = arith.index_cast %get3A_564 : i32 to index
        %get3A_566 = arith.index_cast %add3A_563 : i32 to index
        %get3A_567 = arith.constant 48 : index
        %get3A_568 = tpu.vector_load %arg6[%get3A_565, %get3A_566, %get3A_567] {strides = array<i32>} : memref<2x160x256xf32, #tpu.memory_space<vmem>>, vector<1x1x16xf32>,
        %get3A_569 = vector.shape_cast %get3A_568 : vector<1x1x16xf32> to vector<16xf32>
        %add3A_570 = arith.addf %add3A_559, %get3A_569 : vector<16xf32>
        %mul3A_571 = arith.constant 10 : i32
        %mul3A_572 = arith.muli %scan3A_189, %mul3A_571 : i32
        %add3A_573 = arith.constant 4 : i32
        %add3A_574 = arith.addi %mul3A_572, %add3A_573 : i32
        %get3A_575 = arith.constant 0 : i32
        %get3A_576 = arith.index_cast %get3A_575 : i32 to index
        %get3A_577 = arith.index_cast %add3A_574 : i32 to index
        %get3A_578 = arith.constant 48 : index
        %get3A_579 = tpu.vector_load %arg6[%get3A_576, %get3A_577, %get3A_578] {strides = array<i32>} : memref<2x160x256xf32, #tpu.memory_space<vmem>>, vector<1x1x16xf32>,
        %get3A_580 = vector.shape_cast %get3A_579 : vector<1x1x16xf32> to vector<16xf32>
        %add3A_581 = arith.addf %add3A_570, %get3A_580 : vector<16xf32>
        %mul3A_582 = arith.constant 10 : i32
        %mul3A_583 = arith.muli %scan3A_189, %mul3A_582 : i32
        %add3A_584 = arith.constant 5 : i32
        %add3A_585 = arith.addi %mul3A_583, %add3A_584 : i32
        %get3A_586 = arith.constant 0 : i32
        %get3A_587 = arith.index_cast %get3A_586 : i32 to index
        %get3A_588 = arith.index_cast %add3A_585 : i32 to index
        %get3A_589 = arith.constant 48 : index
        %get3A_590 = tpu.vector_load %arg6[%get3A_587, %get3A_588, %get3A_589] {strides = array<i32>} : memref<2x160x256xf32, #tpu.memory_space<vmem>>, vector<1x1x16xf32>,
        %get3A_591 = vector.shape_cast %get3A_590 : vector<1x1x16xf32> to vector<16xf32>
        %add3A_592 = arith.addf %add3A_581, %get3A_591 : vector<16xf32>
        %mul3A_593 = arith.constant 10 : i32
        %mul3A_594 = arith.muli %scan3A_189, %mul3A_593 : i32
        %add3A_595 = arith.constant 6 : i32
        %add3A_596 = arith.addi %mul3A_594, %add3A_595 : i32
        %get3A_597 = arith.constant 0 : i32
        %get3A_598 = arith.index_cast %get3A_597 : i32 to index
        %get3A_599 = arith.index_cast %add3A_596 : i32 to index
        %get3A_600 = arith.constant 48 : index
        %get3A_601 = tpu.vector_load %arg6[%get3A_598, %get3A_599, %get3A_600] {strides = array<i32>} : memref<2x160x256xf32, #tpu.memory_space<vmem>>, vector<1x1x16xf32>,
        %get3A_602 = vector.shape_cast %get3A_601 : vector<1x1x16xf32> to vector<16xf32>
        %add3A_603 = arith.addf %add3A_592, %get3A_602 : vector<16xf32>
        %mul3A_604 = arith.constant 10 : i32
        %mul3A_605 = arith.muli %scan3A_189, %mul3A_604 : i32
        %add3A_606 = arith.constant 7 : i32
        %add3A_607 = arith.addi %mul3A_605, %add3A_606 : i32
        %get3A_608 = arith.constant 0 : i32
        %get3A_609 = arith.index_cast %get3A_608 : i32 to index
        %get3A_610 = arith.index_cast %add3A_607 : i32 to index
        %get3A_611 = arith.constant 48 : index
        %get3A_612 = tpu.vector_load %arg6[%get3A_609, %get3A_610, %get3A_611] {strides = array<i32>} : memref<2x160x256xf32, #tpu.memory_space<vmem>>, vector<1x1x16xf32>,
        %get3A_613 = vector.shape_cast %get3A_612 : vector<1x1x16xf32> to vector<16xf32>
        %add3A_614 = arith.addf %add3A_603, %get3A_613 : vector<16xf32>
        %mul3A_615 = arith.constant 10 : i32
        %mul3A_616 = arith.muli %scan3A_189, %mul3A_615 : i32
        %add3A_617 = arith.constant 8 : i32
        %add3A_618 = arith.addi %mul3A_616, %add3A_617 : i32
        %get3A_619 = arith.constant 0 : i32
        %get3A_620 = arith.index_cast %get3A_619 : i32 to index
        %get3A_621 = arith.index_cast %add3A_618 : i32 to index
        %get3A_622 = arith.constant 48 : index
        %get3A_623 = tpu.vector_load %arg6[%get3A_620, %get3A_621, %get3A_622] {strides = array<i32>} : memref<2x160x256xf32, #tpu.memory_space<vmem>>, vector<1x1x16xf32>,
        %get3A_624 = vector.shape_cast %get3A_623 : vector<1x1x16xf32> to vector<16xf32>
        %add3A_625 = arith.addf %add3A_614, %get3A_624 : vector<16xf32>
        %mul3A_626 = arith.constant 10 : i32
        %mul3A_627 = arith.muli %scan3A_189, %mul3A_626 : i32
        %add3A_628 = arith.constant 9 : i32
        %add3A_629 = arith.addi %mul3A_627, %add3A_628 : i32
        %get3A_630 = arith.constant 0 : i32
        %get3A_631 = arith.index_cast %get3A_630 : i32 to index
        %get3A_632 = arith.index_cast %add3A_629 : i32 to index
        %get3A_633 = arith.constant 48 : index
        %get3A_634 = tpu.vector_load %arg6[%get3A_631, %get3A_632, %get3A_633] {strides = array<i32>} : memref<2x160x256xf32, #tpu.memory_space<vmem>>, vector<1x1x16xf32>,
        %get3A_635 = vector.shape_cast %get3A_634 : vector<1x1x16xf32> to vector<16xf32>
        %add3A_636 = arith.addf %add3A_625, %get3A_635 : vector<16xf32>
        %swap3A_637 = arith.constant 0 : i32
        %swap3A_638 = arith.index_cast %swap3A_637 : i32 to index
        %swap3A_639 = arith.index_cast %scan3A_189 : i32 to index
        %swap3A_640 = arith.constant 48 : index
        %swap3A_641 = tpu.vector_load %arg7[%swap3A_638, %swap3A_639, %swap3A_640] {strides = array<i32>} : memref<2x16x256xf32, #tpu.memory_space<vmem>>, vector<1x1x16xf32>,
        %swap3A_642 = vector.shape_cast %swap3A_641 : vector<1x1x16xf32> to vector<16xf32>
        %swap3A_643 = vector.shape_cast %add3A_636 : vector<16xf32> to vector<1x1x16xf32>
        tpu.vector_store %arg7[%swap3A_638, %swap3A_639, %swap3A_640], %swap3A_643 {strides = array<i32>} : memref<2x16x256xf32, #tpu.memory_space<vmem>>, vector<1x1x16xf32>,
        %mul3A_644 = arith.constant 10 : i32
        %mul3A_645 = arith.muli %scan3A_189, %mul3A_644 : i32
        %get3A_646 = arith.constant 0 : i32
        %get3A_647 = arith.index_cast %get3A_646 : i32 to index
        %get3A_648 = arith.index_cast %mul3A_645 : i32 to index
        %get3A_649 = arith.constant 64 : index
        %get3A_650 = tpu.vector_load %arg6[%get3A_647, %get3A_648, %get3A_649] {strides = array<i32>} : memref<2x160x256xf32, #tpu.memory_space<vmem>>, vector<1x1x16xf32>,
        %get3A_651 = vector.shape_cast %get3A_650 : vector<1x1x16xf32> to vector<16xf32>
        %mul3A_652 = arith.constant 10 : i32
        %mul3A_653 = arith.muli %scan3A_189, %mul3A_652 : i32
        %add3A_654 = arith.constant 1 : i32
        %add3A_655 = arith.addi %mul3A_653, %add3A_654 : i32
        %get3A_656 = arith.constant 0 : i32
        %get3A_657 = arith.index_cast %get3A_656 : i32 to index
        %get3A_658 = arith.index_cast %add3A_655 : i32 to index
        %get3A_659 = arith.constant 64 : index
        %get3A_660 = tpu.vector_load %arg6[%get3A_657, %get3A_658, %get3A_659] {strides = array<i32>} : memref<2x160x256xf32, #tpu.memory_space<vmem>>, vector<1x1x16xf32>,
        %get3A_661 = vector.shape_cast %get3A_660 : vector<1x1x16xf32> to vector<16xf32>
        %add3A_662 = arith.addf %get3A_651, %get3A_661 : vector<16xf32>
        %mul3A_663 = arith.constant 10 : i32
        %mul3A_664 = arith.muli %scan3A_189, %mul3A_663 : i32
        %add3A_665 = arith.constant 2 : i32
        %add3A_666 = arith.addi %mul3A_664, %add3A_665 : i32
        %get3A_667 = arith.constant 0 : i32
        %get3A_668 = arith.index_cast %get3A_667 : i32 to index
        %get3A_669 = arith.index_cast %add3A_666 : i32 to index
        %get3A_670 = arith.constant 64 : index
        %get3A_671 = tpu.vector_load %arg6[%get3A_668, %get3A_669, %get3A_670] {strides = array<i32>} : memref<2x160x256xf32, #tpu.memory_space<vmem>>, vector<1x1x16xf32>,
        %get3A_672 = vector.shape_cast %get3A_671 : vector<1x1x16xf32> to vector<16xf32>
        %add3A_673 = arith.addf %add3A_662, %get3A_672 : vector<16xf32>
        %mul3A_674 = arith.constant 10 : i32
        %mul3A_675 = arith.muli %scan3A_189, %mul3A_674 : i32
        %add3A_676 = arith.constant 3 : i32
        %add3A_677 = arith.addi %mul3A_675, %add3A_676 : i32
        %get3A_678 = arith.constant 0 : i32
        %get3A_679 = arith.index_cast %get3A_678 : i32 to index
        %get3A_680 = arith.index_cast %add3A_677 : i32 to index
        %get3A_681 = arith.constant 64 : index
        %get3A_682 = tpu.vector_load %arg6[%get3A_679, %get3A_680, %get3A_681] {strides = array<i32>} : memref<2x160x256xf32, #tpu.memory_space<vmem>>, vector<1x1x16xf32>,
        %get3A_683 = vector.shape_cast %get3A_682 : vector<1x1x16xf32> to vector<16xf32>
        %add3A_684 = arith.addf %add3A_673, %get3A_683 : vector<16xf32>
        %mul3A_685 = arith.constant 10 : i32
        %mul3A_686 = arith.muli %scan3A_189, %mul3A_685 : i32
        %add3A_687 = arith.constant 4 : i32
        %add3A_688 = arith.addi %mul3A_686, %add3A_687 : i32
        %get3A_689 = arith.constant 0 : i32
        %get3A_690 = arith.index_cast %get3A_689 : i32 to index
        %get3A_691 = arith.index_cast %add3A_688 : i32 to index
        %get3A_692 = arith.constant 64 : index
        %get3A_693 = tpu.vector_load %arg6[%get3A_690, %get3A_691, %get3A_692] {strides = array<i32>} : memref<2x160x256xf32, #tpu.memory_space<vmem>>, vector<1x1x16xf32>,
        %get3A_694 = vector.shape_cast %get3A_693 : vector<1x1x16xf32> to vector<16xf32>
        %add3A_695 = arith.addf %add3A_684, %get3A_694 : vector<16xf32>
        %mul3A_696 = arith.constant 10 : i32
        %mul3A_697 = arith.muli %scan3A_189, %mul3A_696 : i32
        %add3A_698 = arith.constant 5 : i32
        %add3A_699 = arith.addi %mul3A_697, %add3A_698 : i32
        %get3A_700 = arith.constant 0 : i32
        %get3A_701 = arith.index_cast %get3A_700 : i32 to index
        %get3A_702 = arith.index_cast %add3A_699 : i32 to index
        %get3A_703 = arith.constant 64 : index
        %get3A_704 = tpu.vector_load %arg6[%get3A_701, %get3A_702, %get3A_703] {strides = array<i32>} : memref<2x160x256xf32, #tpu.memory_space<vmem>>, vector<1x1x16xf32>,
        %get3A_705 = vector.shape_cast %get3A_704 : vector<1x1x16xf32> to vector<16xf32>
        %add3A_706 = arith.addf %add3A_695, %get3A_705 : vector<16xf32>
        %mul3A_707 = arith.constant 10 : i32
        %mul3A_708 = arith.muli %scan3A_189, %mul3A_707 : i32
        %add3A_709 = arith.constant 6 : i32
        %add3A_710 = arith.addi %mul3A_708, %add3A_709 : i32
        %get3A_711 = arith.constant 0 : i32
        %get3A_712 = arith.index_cast %get3A_711 : i32 to index
        %get3A_713 = arith.index_cast %add3A_710 : i32 to index
        %get3A_714 = arith.constant 64 : index
        %get3A_715 = tpu.vector_load %arg6[%get3A_712, %get3A_713, %get3A_714] {strides = array<i32>} : memref<2x160x256xf32, #tpu.memory_space<vmem>>, vector<1x1x16xf32>,
        %get3A_716 = vector.shape_cast %get3A_715 : vector<1x1x16xf32> to vector<16xf32>
        %add3A_717 = arith.addf %add3A_706, %get3A_716 : vector<16xf32>
        %mul3A_718 = arith.constant 10 : i32
        %mul3A_719 = arith.muli %scan3A_189, %mul3A_718 : i32
        %add3A_720 = arith.constant 7 : i32
        %add3A_721 = arith.addi %mul3A_719, %add3A_720 : i32
        %get3A_722 = arith.constant 0 : i32
        %get3A_723 = arith.index_cast %get3A_722 : i32 to index
        %get3A_724 = arith.index_cast %add3A_721 : i32 to index
        %get3A_725 = arith.constant 64 : index
        %get3A_726 = tpu.vector_load %arg6[%get3A_723, %get3A_724, %get3A_725] {strides = array<i32>} : memref<2x160x256xf32, #tpu.memory_space<vmem>>, vector<1x1x16xf32>,
        %get3A_727 = vector.shape_cast %get3A_726 : vector<1x1x16xf32> to vector<16xf32>
        %add3A_728 = arith.addf %add3A_717, %get3A_727 : vector<16xf32>
        %mul3A_729 = arith.constant 10 : i32
        %mul3A_730 = arith.muli %scan3A_189, %mul3A_729 : i32
        %add3A_731 = arith.constant 8 : i32
        %add3A_732 = arith.addi %mul3A_730, %add3A_731 : i32
        %get3A_733 = arith.constant 0 : i32
        %get3A_734 = arith.index_cast %get3A_733 : i32 to index
        %get3A_735 = arith.index_cast %add3A_732 : i32 to index
        %get3A_736 = arith.constant 64 : index
        %get3A_737 = tpu.vector_load %arg6[%get3A_734, %get3A_735, %get3A_736] {strides = array<i32>} : memref<2x160x256xf32, #tpu.memory_space<vmem>>, vector<1x1x16xf32>,
        %get3A_738 = vector.shape_cast %get3A_737 : vector<1x1x16xf32> to vector<16xf32>
        %add3A_739 = arith.addf %add3A_728, %get3A_738 : vector<16xf32>
        %mul3A_740 = arith.constant 10 : i32
        %mul3A_741 = arith.muli %scan3A_189, %mul3A_740 : i32
        %add3A_742 = arith.constant 9 : i32
        %add3A_743 = arith.addi %mul3A_741, %add3A_742 : i32
        %get3A_744 = arith.constant 0 : i32
        %get3A_745 = arith.index_cast %get3A_744 : i32 to index
        %get3A_746 = arith.index_cast %add3A_743 : i32 to index
        %get3A_747 = arith.constant 64 : index
        %get3A_748 = tpu.vector_load %arg6[%get3A_745, %get3A_746, %get3A_747] {strides = array<i32>} : memref<2x160x256xf32, #tpu.memory_space<vmem>>, vector<1x1x16xf32>,
        %get3A_749 = vector.shape_cast %get3A_748 : vector<1x1x16xf32> to vector<16xf32>
        %add3A_750 = arith.addf %add3A_739, %get3A_749 : vector<16xf32>
        %swap3A_751 = arith.constant 0 : i32
        %swap3A_752 = arith.index_cast %swap3A_751 : i32 to index
        %swap3A_753 = arith.index_cast %scan3A_189 : i32 to index
        %swap3A_754 = arith.constant 64 : index
        %swap3A_755 = tpu.vector_load %arg7[%swap3A_752, %swap3A_753, %swap3A_754] {strides = array<i32>} : memref<2x16x256xf32, #tpu.memory_space<vmem>>, vector<1x1x16xf32>,
        %swap3A_756 = vector.shape_cast %swap3A_755 : vector<1x1x16xf32> to vector<16xf32>
        %swap3A_757 = vector.shape_cast %add3A_750 : vector<16xf32> to vector<1x1x16xf32>
        tpu.vector_store %arg7[%swap3A_752, %swap3A_753, %swap3A_754], %swap3A_757 {strides = array<i32>} : memref<2x16x256xf32, #tpu.memory_space<vmem>>, vector<1x1x16xf32>,
        %mul3A_758 = arith.constant 10 : i32
        %mul3A_759 = arith.muli %scan3A_189, %mul3A_758 : i32
        %get3A_760 = arith.constant 0 : i32
        %get3A_761 = arith.index_cast %get3A_760 : i32 to index
        %get3A_762 = arith.index_cast %mul3A_759 : i32 to index
        %get3A_763 = arith.constant 80 : index
        %get3A_764 = tpu.vector_load %arg6[%get3A_761, %get3A_762, %get3A_763] {strides = array<i32>} : memref<2x160x256xf32, #tpu.memory_space<vmem>>, vector<1x1x16xf32>,
        %get3A_765 = vector.shape_cast %get3A_764 : vector<1x1x16xf32> to vector<16xf32>
        %mul3A_766 = arith.constant 10 : i32
        %mul3A_767 = arith.muli %scan3A_189, %mul3A_766 : i32
        %add3A_768 = arith.constant 1 : i32
        %add3A_769 = arith.addi %mul3A_767, %add3A_768 : i32
        %get3A_770 = arith.constant 0 : i32
        %get3A_771 = arith.index_cast %get3A_770 : i32 to index
        %get3A_772 = arith.index_cast %add3A_769 : i32 to index
        %get3A_773 = arith.constant 80 : index
        %get3A_774 = tpu.vector_load %arg6[%get3A_771, %get3A_772, %get3A_773] {strides = array<i32>} : memref<2x160x256xf32, #tpu.memory_space<vmem>>, vector<1x1x16xf32>,
        %get3A_775 = vector.shape_cast %get3A_774 : vector<1x1x16xf32> to vector<16xf32>
        %add3A_776 = arith.addf %get3A_765, %get3A_775 : vector<16xf32>
        %mul3A_777 = arith.constant 10 : i32
        %mul3A_778 = arith.muli %scan3A_189, %mul3A_777 : i32
        %add3A_779 = arith.constant 2 : i32
        %add3A_780 = arith.addi %mul3A_778, %add3A_779 : i32
        %get3A_781 = arith.constant 0 : i32
        %get3A_782 = arith.index_cast %get3A_781 : i32 to index
        %get3A_783 = arith.index_cast %add3A_780 : i32 to index
        %get3A_784 = arith.constant 80 : index
        %get3A_785 = tpu.vector_load %arg6[%get3A_782, %get3A_783, %get3A_784] {strides = array<i32>} : memref<2x160x256xf32, #tpu.memory_space<vmem>>, vector<1x1x16xf32>,
        %get3A_786 = vector.shape_cast %get3A_785 : vector<1x1x16xf32> to vector<16xf32>
        %add3A_787 = arith.addf %add3A_776, %get3A_786 : vector<16xf32>
        %mul3A_788 = arith.constant 10 : i32
        %mul3A_789 = arith.muli %scan3A_189, %mul3A_788 : i32
        %add3A_790 = arith.constant 3 : i32
        %add3A_791 = arith.addi %mul3A_789, %add3A_790 : i32
        %get3A_792 = arith.constant 0 : i32
        %get3A_793 = arith.index_cast %get3A_792 : i32 to index
        %get3A_794 = arith.index_cast %add3A_791 : i32 to index
        %get3A_795 = arith.constant 80 : index
        %get3A_796 = tpu.vector_load %arg6[%get3A_793, %get3A_794, %get3A_795] {strides = array<i32>} : memref<2x160x256xf32, #tpu.memory_space<vmem>>, vector<1x1x16xf32>,
        %get3A_797 = vector.shape_cast %get3A_796 : vector<1x1x16xf32> to vector<16xf32>
        %add3A_798 = arith.addf %add3A_787, %get3A_797 : vector<16xf32>
        %mul3A_799 = arith.constant 10 : i32
        %mul3A_800 = arith.muli %scan3A_189, %mul3A_799 : i32
        %add3A_801 = arith.constant 4 : i32
        %add3A_802 = arith.addi %mul3A_800, %add3A_801 : i32
        %get3A_803 = arith.constant 0 : i32
        %get3A_804 = arith.index_cast %get3A_803 : i32 to index
        %get3A_805 = arith.index_cast %add3A_802 : i32 to index
        %get3A_806 = arith.constant 80 : index
        %get3A_807 = tpu.vector_load %arg6[%get3A_804, %get3A_805, %get3A_806] {strides = array<i32>} : memref<2x160x256xf32, #tpu.memory_space<vmem>>, vector<1x1x16xf32>,
        %get3A_808 = vector.shape_cast %get3A_807 : vector<1x1x16xf32> to vector<16xf32>
        %add3A_809 = arith.addf %add3A_798, %get3A_808 : vector<16xf32>
        %mul3A_810 = arith.constant 10 : i32
        %mul3A_811 = arith.muli %scan3A_189, %mul3A_810 : i32
        %add3A_812 = arith.constant 5 : i32
        %add3A_813 = arith.addi %mul3A_811, %add3A_812 : i32
        %get3A_814 = arith.constant 0 : i32
        %get3A_815 = arith.index_cast %get3A_814 : i32 to index
        %get3A_816 = arith.index_cast %add3A_813 : i32 to index
        %get3A_817 = arith.constant 80 : index
        %get3A_818 = tpu.vector_load %arg6[%get3A_815, %get3A_816, %get3A_817] {strides = array<i32>} : memref<2x160x256xf32, #tpu.memory_space<vmem>>, vector<1x1x16xf32>,
        %get3A_819 = vector.shape_cast %get3A_818 : vector<1x1x16xf32> to vector<16xf32>
        %add3A_820 = arith.addf %add3A_809, %get3A_819 : vector<16xf32>
        %mul3A_821 = arith.constant 10 : i32
        %mul3A_822 = arith.muli %scan3A_189, %mul3A_821 : i32
        %add3A_823 = arith.constant 6 : i32
        %add3A_824 = arith.addi %mul3A_822, %add3A_823 : i32
        %get3A_825 = arith.constant 0 : i32
        %get3A_826 = arith.index_cast %get3A_825 : i32 to index
        %get3A_827 = arith.index_cast %add3A_824 : i32 to index
        %get3A_828 = arith.constant 80 : index
        %get3A_829 = tpu.vector_load %arg6[%get3A_826, %get3A_827, %get3A_828] {strides = array<i32>} : memref<2x160x256xf32, #tpu.memory_space<vmem>>, vector<1x1x16xf32>,
        %get3A_830 = vector.shape_cast %get3A_829 : vector<1x1x16xf32> to vector<16xf32>
        %add3A_831 = arith.addf %add3A_820, %get3A_830 : vector<16xf32>
        %mul3A_832 = arith.constant 10 : i32
        %mul3A_833 = arith.muli %scan3A_189, %mul3A_832 : i32
        %add3A_834 = arith.constant 7 : i32
        %add3A_835 = arith.addi %mul3A_833, %add3A_834 : i32
        %get3A_836 = arith.constant 0 : i32
        %get3A_837 = arith.index_cast %get3A_836 : i32 to index
        %get3A_838 = arith.index_cast %add3A_835 : i32 to index
        %get3A_839 = arith.constant 80 : index
        %get3A_840 = tpu.vector_load %arg6[%get3A_837, %get3A_838, %get3A_839] {strides = array<i32>} : memref<2x160x256xf32, #tpu.memory_space<vmem>>, vector<1x1x16xf32>,
        %get3A_841 = vector.shape_cast %get3A_840 : vector<1x1x16xf32> to vector<16xf32>
        %add3A_842 = arith.addf %add3A_831, %get3A_841 : vector<16xf32>
        %mul3A_843 = arith.constant 10 : i32
        %mul3A_844 = arith.muli %scan3A_189, %mul3A_843 : i32
        %add3A_845 = arith.constant 8 : i32
        %add3A_846 = arith.addi %mul3A_844, %add3A_845 : i32
        %get3A_847 = arith.constant 0 : i32
        %get3A_848 = arith.index_cast %get3A_847 : i32 to index
        %get3A_849 = arith.index_cast %add3A_846 : i32 to index
        %get3A_850 = arith.constant 80 : index
        %get3A_851 = tpu.vector_load %arg6[%get3A_848, %get3A_849, %get3A_850] {strides = array<i32>} : memref<2x160x256xf32, #tpu.memory_space<vmem>>, vector<1x1x16xf32>,
        %get3A_852 = vector.shape_cast %get3A_851 : vector<1x1x16xf32> to vector<16xf32>
        %add3A_853 = arith.addf %add3A_842, %get3A_852 : vector<16xf32>
        %mul3A_854 = arith.constant 10 : i32
        %mul3A_855 = arith.muli %scan3A_189, %mul3A_854 : i32
        %add3A_856 = arith.constant 9 : i32
        %add3A_857 = arith.addi %mul3A_855, %add3A_856 : i32
        %get3A_858 = arith.constant 0 : i32
        %get3A_859 = arith.index_cast %get3A_858 : i32 to index
        %get3A_860 = arith.index_cast %add3A_857 : i32 to index
        %get3A_861 = arith.constant 80 : index
        %get3A_862 = tpu.vector_load %arg6[%get3A_859, %get3A_860, %get3A_861] {strides = array<i32>} : memref<2x160x256xf32, #tpu.memory_space<vmem>>, vector<1x1x16xf32>,
        %get3A_863 = vector.shape_cast %get3A_862 : vector<1x1x16xf32> to vector<16xf32>
        %add3A_864 = arith.addf %add3A_853, %get3A_863 : vector<16xf32>
        %swap3A_865 = arith.constant 0 : i32
        %swap3A_866 = arith.index_cast %swap3A_865 : i32 to index
        %swap3A_867 = arith.index_cast %scan3A_189 : i32 to index
        %swap3A_868 = arith.constant 80 : index
        %swap3A_869 = tpu.vector_load %arg7[%swap3A_866, %swap3A_867, %swap3A_868] {strides = array<i32>} : memref<2x16x256xf32, #tpu.memory_space<vmem>>, vector<1x1x16xf32>,
        %swap3A_870 = vector.shape_cast %swap3A_869 : vector<1x1x16xf32> to vector<16xf32>
        %swap3A_871 = vector.shape_cast %add3A_864 : vector<16xf32> to vector<1x1x16xf32>
        tpu.vector_store %arg7[%swap3A_866, %swap3A_867, %swap3A_868], %swap3A_871 {strides = array<i32>} : memref<2x16x256xf32, #tpu.memory_space<vmem>>, vector<1x1x16xf32>,
        %mul3A_872 = arith.constant 10 : i32
        %mul3A_873 = arith.muli %scan3A_189, %mul3A_872 : i32
        %get3A_874 = arith.constant 0 : i32
        %get3A_875 = arith.index_cast %get3A_874 : i32 to index
        %get3A_876 = arith.index_cast %mul3A_873 : i32 to index
        %get3A_877 = arith.constant 96 : index
        %get3A_878 = tpu.vector_load %arg6[%get3A_875, %get3A_876, %get3A_877] {strides = array<i32>} : memref<2x160x256xf32, #tpu.memory_space<vmem>>, vector<1x1x16xf32>,
        %get3A_879 = vector.shape_cast %get3A_878 : vector<1x1x16xf32> to vector<16xf32>
        %mul3A_880 = arith.constant 10 : i32
        %mul3A_881 = arith.muli %scan3A_189, %mul3A_880 : i32
        %add3A_882 = arith.constant 1 : i32
        %add3A_883 = arith.addi %mul3A_881, %add3A_882 : i32
        %get3A_884 = arith.constant 0 : i32
        %get3A_885 = arith.index_cast %get3A_884 : i32 to index
        %get3A_886 = arith.index_cast %add3A_883 : i32 to index
        %get3A_887 = arith.constant 96 : index
        %get3A_888 = tpu.vector_load %arg6[%get3A_885, %get3A_886, %get3A_887] {strides = array<i32>} : memref<2x160x256xf32, #tpu.memory_space<vmem>>, vector<1x1x16xf32>,
        %get3A_889 = vector.shape_cast %get3A_888 : vector<1x1x16xf32> to vector<16xf32>
        %add3A_890 = arith.addf %get3A_879, %get3A_889 : vector<16xf32>
        %mul3A_891 = arith.constant 10 : i32
        %mul3A_892 = arith.muli %scan3A_189, %mul3A_891 : i32
        %add3A_893 = arith.constant 2 : i32
        %add3A_894 = arith.addi %mul3A_892, %add3A_893 : i32
        %get3A_895 = arith.constant 0 : i32
        %get3A_896 = arith.index_cast %get3A_895 : i32 to index
        %get3A_897 = arith.index_cast %add3A_894 : i32 to index
        %get3A_898 = arith.constant 96 : index
        %get3A_899 = tpu.vector_load %arg6[%get3A_896, %get3A_897, %get3A_898] {strides = array<i32>} : memref<2x160x256xf32, #tpu.memory_space<vmem>>, vector<1x1x16xf32>,
        %get3A_900 = vector.shape_cast %get3A_899 : vector<1x1x16xf32> to vector<16xf32>
        %add3A_901 = arith.addf %add3A_890, %get3A_900 : vector<16xf32>
        %mul3A_902 = arith.constant 10 : i32
        %mul3A_903 = arith.muli %scan3A_189, %mul3A_902 : i32
        %add3A_904 = arith.constant 3 : i32
        %add3A_905 = arith.addi %mul3A_903, %add3A_904 : i32
        %get3A_906 = arith.constant 0 : i32
        %get3A_907 = arith.index_cast %get3A_906 : i32 to index
        %get3A_908 = arith.index_cast %add3A_905 : i32 to index
        %get3A_909 = arith.constant 96 : index
        %get3A_910 = tpu.vector_load %arg6[%get3A_907, %get3A_908, %get3A_909] {strides = array<i32>} : memref<2x160x256xf32, #tpu.memory_space<vmem>>, vector<1x1x16xf32>,
        %get3A_911 = vector.shape_cast %get3A_910 : vector<1x1x16xf32> to vector<16xf32>
        %add3A_912 = arith.addf %add3A_901, %get3A_911 : vector<16xf32>
        %mul3A_913 = arith.constant 10 : i32
        %mul3A_914 = arith.muli %scan3A_189, %mul3A_913 : i32
        %add3A_915 = arith.constant 4 : i32
        %add3A_916 = arith.addi %mul3A_914, %add3A_915 : i32
        %get3A_917 = arith.constant 0 : i32
        %get3A_918 = arith.index_cast %get3A_917 : i32 to index
        %get3A_919 = arith.index_cast %add3A_916 : i32 to index
        %get3A_920 = arith.constant 96 : index
        %get3A_921 = tpu.vector_load %arg6[%get3A_918, %get3A_919, %get3A_920] {strides = array<i32>} : memref<2x160x256xf32, #tpu.memory_space<vmem>>, vector<1x1x16xf32>,
        %get3A_922 = vector.shape_cast %get3A_921 : vector<1x1x16xf32> to vector<16xf32>
        %add3A_923 = arith.addf %add3A_912, %get3A_922 : vector<16xf32>
        %mul3A_924 = arith.constant 10 : i32
        %mul3A_925 = arith.muli %scan3A_189, %mul3A_924 : i32
        %add3A_926 = arith.constant 5 : i32
        %add3A_927 = arith.addi %mul3A_925, %add3A_926 : i32
        %get3A_928 = arith.constant 0 : i32
        %get3A_929 = arith.index_cast %get3A_928 : i32 to index
        %get3A_930 = arith.index_cast %add3A_927 : i32 to index
        %get3A_931 = arith.constant 96 : index
        %get3A_932 = tpu.vector_load %arg6[%get3A_929, %get3A_930, %get3A_931] {strides = array<i32>} : memref<2x160x256xf32, #tpu.memory_space<vmem>>, vector<1x1x16xf32>,
        %get3A_933 = vector.shape_cast %get3A_932 : vector<1x1x16xf32> to vector<16xf32>
        %add3A_934 = arith.addf %add3A_923, %get3A_933 : vector<16xf32>
        %mul3A_935 = arith.constant 10 : i32
        %mul3A_936 = arith.muli %scan3A_189, %mul3A_935 : i32
        %add3A_937 = arith.constant 6 : i32
        %add3A_938 = arith.addi %mul3A_936, %add3A_937 : i32
        %get3A_939 = arith.constant 0 : i32
        %get3A_940 = arith.index_cast %get3A_939 : i32 to index
        %get3A_941 = arith.index_cast %add3A_938 : i32 to index
        %get3A_942 = arith.constant 96 : index
        %get3A_943 = tpu.vector_load %arg6[%get3A_940, %get3A_941, %get3A_942] {strides = array<i32>} : memref<2x160x256xf32, #tpu.memory_space<vmem>>, vector<1x1x16xf32>,
        %get3A_944 = vector.shape_cast %get3A_943 : vector<1x1x16xf32> to vector<16xf32>
        %add3A_945 = arith.addf %add3A_934, %get3A_944 : vector<16xf32>
        %mul3A_946 = arith.constant 10 : i32
        %mul3A_947 = arith.muli %scan3A_189, %mul3A_946 : i32
        %add3A_948 = arith.constant 7 : i32
        %add3A_949 = arith.addi %mul3A_947, %add3A_948 : i32
        %get3A_950 = arith.constant 0 : i32
        %get3A_951 = arith.index_cast %get3A_950 : i32 to index
        %get3A_952 = arith.index_cast %add3A_949 : i32 to index
        %get3A_953 = arith.constant 96 : index
        %get3A_954 = tpu.vector_load %arg6[%get3A_951, %get3A_952, %get3A_953] {strides = array<i32>} : memref<2x160x256xf32, #tpu.memory_space<vmem>>, vector<1x1x16xf32>,
        %get3A_955 = vector.shape_cast %get3A_954 : vector<1x1x16xf32> to vector<16xf32>
        %add3A_956 = arith.addf %add3A_945, %get3A_955 : vector<16xf32>
        %mul3A_957 = arith.constant 10 : i32
        %mul3A_958 = arith.muli %scan3A_189, %mul3A_957 : i32
        %add3A_959 = arith.constant 8 : i32
        %add3A_960 = arith.addi %mul3A_958, %add3A_959 : i32
        %get3A_961 = arith.constant 0 : i32
        %get3A_962 = arith.index_cast %get3A_961 : i32 to index
        %get3A_963 = arith.index_cast %add3A_960 : i32 to index
        %get3A_964 = arith.constant 96 : index
        %get3A_965 = tpu.vector_load %arg6[%get3A_962, %get3A_963, %get3A_964] {strides = array<i32>} : memref<2x160x256xf32, #tpu.memory_space<vmem>>, vector<1x1x16xf32>,
        %get3A_966 = vector.shape_cast %get3A_965 : vector<1x1x16xf32> to vector<16xf32>
        %add3A_967 = arith.addf %add3A_956, %get3A_966 : vector<16xf32>
        %mul3A_968 = arith.constant 10 : i32
        %mul3A_969 = arith.muli %scan3A_189, %mul3A_968 : i32
        %add3A_970 = arith.constant 9 : i32
        %add3A_971 = arith.addi %mul3A_969, %add3A_970 : i32
        %get3A_972 = arith.constant 0 : i32
        %get3A_973 = arith.index_cast %get3A_972 : i32 to index
        %get3A_974 = arith.index_cast %add3A_971 : i32 to index
        %get3A_975 = arith.constant 96 : index
        %get3A_976 = tpu.vector_load %arg6[%get3A_973, %get3A_974, %get3A_975] {strides = array<i32>} : memref<2x160x256xf32, #tpu.memory_space<vmem>>, vector<1x1x16xf32>,
        %get3A_977 = vector.shape_cast %get3A_976 : vector<1x1x16xf32> to vector<16xf32>
        %add3A_978 = arith.addf %add3A_967, %get3A_977 : vector<16xf32>
        %swap3A_979 = arith.constant 0 : i32
        %swap3A_980 = arith.index_cast %swap3A_979 : i32 to index
        %swap3A_981 = arith.index_cast %scan3A_189 : i32 to index
        %swap3A_982 = arith.constant 96 : index
        %swap3A_983 = tpu.vector_load %arg7[%swap3A_980, %swap3A_981, %swap3A_982] {strides = array<i32>} : memref<2x16x256xf32, #tpu.memory_space<vmem>>, vector<1x1x16xf32>,
        %swap3A_984 = vector.shape_cast %swap3A_983 : vector<1x1x16xf32> to vector<16xf32>
        %swap3A_985 = vector.shape_cast %add3A_978 : vector<16xf32> to vector<1x1x16xf32>
        tpu.vector_store %arg7[%swap3A_980, %swap3A_981, %swap3A_982], %swap3A_985 {strides = array<i32>} : memref<2x16x256xf32, #tpu.memory_space<vmem>>, vector<1x1x16xf32>,
        %mul3A_986 = arith.constant 10 : i32
        %mul3A_987 = arith.muli %scan3A_189, %mul3A_986 : i32
        %get3A_988 = arith.constant 0 : i32
        %get3A_989 = arith.index_cast %get3A_988 : i32 to index
        %get3A_990 = arith.index_cast %mul3A_987 : i32 to index
        %get3A_991 = arith.constant 112 : index
        %get3A_992 = tpu.vector_load %arg6[%get3A_989, %get3A_990, %get3A_991] {strides = array<i32>} : memref<2x160x256xf32, #tpu.memory_space<vmem>>, vector<1x1x16xf32>,
        %get3A_993 = vector.shape_cast %get3A_992 : vector<1x1x16xf32> to vector<16xf32>
        %mul3A_994 = arith.constant 10 : i32
        %mul3A_995 = arith.muli %scan3A_189, %mul3A_994 : i32
        %add3A_996 = arith.constant 1 : i32
        %add3A_997 = arith.addi %mul3A_995, %add3A_996 : i32
        %get3A_998 = arith.constant 0 : i32
        %get3A_999 = arith.index_cast %get3A_998 : i32 to index
        %get3A_1000 = arith.index_cast %add3A_997 : i32 to index
        %get3A_1001 = arith.constant 112 : index
        %get3A_1002 = tpu.vector_load %arg6[%get3A_999, %get3A_1000, %get3A_1001] {strides = array<i32>} : memref<2x160x256xf32, #tpu.memory_space<vmem>>, vector<1x1x16xf32>,
        %get3A_1003 = vector.shape_cast %get3A_1002 : vector<1x1x16xf32> to vector<16xf32>
        %add3A_1004 = arith.addf %get3A_993, %get3A_1003 : vector<16xf32>
        %mul3A_1005 = arith.constant 10 : i32
        %mul3A_1006 = arith.muli %scan3A_189, %mul3A_1005 : i32
        %add3A_1007 = arith.constant 2 : i32
        %add3A_1008 = arith.addi %mul3A_1006, %add3A_1007 : i32
        %get3A_1009 = arith.constant 0 : i32
        %get3A_1010 = arith.index_cast %get3A_1009 : i32 to index
        %get3A_1011 = arith.index_cast %add3A_1008 : i32 to index
        %get3A_1012 = arith.constant 112 : index
        %get3A_1013 = tpu.vector_load %arg6[%get3A_1010, %get3A_1011, %get3A_1012] {strides = array<i32>} : memref<2x160x256xf32, #tpu.memory_space<vmem>>, vector<1x1x16xf32>,
        %get3A_1014 = vector.shape_cast %get3A_1013 : vector<1x1x16xf32> to vector<16xf32>
        %add3A_1015 = arith.addf %add3A_1004, %get3A_1014 : vector<16xf32>
        %mul3A_1016 = arith.constant 10 : i32
        %mul3A_1017 = arith.muli %scan3A_189, %mul3A_1016 : i32
        %add3A_1018 = arith.constant 3 : i32
        %add3A_1019 = arith.addi %mul3A_1017, %add3A_1018 : i32
        %get3A_1020 = arith.constant 0 : i32
        %get3A_1021 = arith.index_cast %get3A_1020 : i32 to index
        %get3A_1022 = arith.index_cast %add3A_1019 : i32 to index
        %get3A_1023 = arith.constant 112 : index
        %get3A_1024 = tpu.vector_load %arg6[%get3A_1021, %get3A_1022, %get3A_1023] {strides = array<i32>} : memref<2x160x256xf32, #tpu.memory_space<vmem>>, vector<1x1x16xf32>,
        %get3A_1025 = vector.shape_cast %get3A_1024 : vector<1x1x16xf32> to vector<16xf32>
        %add3A_1026 = arith.addf %add3A_1015, %get3A_1025 : vector<16xf32>
        %mul3A_1027 = arith.constant 10 : i32
        %mul3A_1028 = arith.muli %scan3A_189, %mul3A_1027 : i32
        %add3A_1029 = arith.constant 4 : i32
        %add3A_1030 = arith.addi %mul3A_1028, %add3A_1029 : i32
        %get3A_1031 = arith.constant 0 : i32
        %get3A_1032 = arith.index_cast %get3A_1031 : i32 to index
        %get3A_1033 = arith.index_cast %add3A_1030 : i32 to index
        %get3A_1034 = arith.constant 112 : index
        %get3A_1035 = tpu.vector_load %arg6[%get3A_1032, %get3A_1033, %get3A_1034] {strides = array<i32>} : memref<2x160x256xf32, #tpu.memory_space<vmem>>, vector<1x1x16xf32>,
        %get3A_1036 = vector.shape_cast %get3A_1035 : vector<1x1x16xf32> to vector<16xf32>
        %add3A_1037 = arith.addf %add3A_1026, %get3A_1036 : vector<16xf32>
        %mul3A_1038 = arith.constant 10 : i32
        %mul3A_1039 = arith.muli %scan3A_189, %mul3A_1038 : i32
        %add3A_1040 = arith.constant 5 : i32
        %add3A_1041 = arith.addi %mul3A_1039, %add3A_1040 : i32
        %get3A_1042 = arith.constant 0 : i32
        %get3A_1043 = arith.index_cast %get3A_1042 : i32 to index
        %get3A_1044 = arith.index_cast %add3A_1041 : i32 to index
        %get3A_1045 = arith.constant 112 : index
        %get3A_1046 = tpu.vector_load %arg6[%get3A_1043, %get3A_1044, %get3A_1045] {strides = array<i32>} : memref<2x160x256xf32, #tpu.memory_space<vmem>>, vector<1x1x16xf32>,
        %get3A_1047 = vector.shape_cast %get3A_1046 : vector<1x1x16xf32> to vector<16xf32>
        %add3A_1048 = arith.addf %add3A_1037, %get3A_1047 : vector<16xf32>
        %mul3A_1049 = arith.constant 10 : i32
        %mul3A_1050 = arith.muli %scan3A_189, %mul3A_1049 : i32
        %add3A_1051 = arith.constant 6 : i32
        %add3A_1052 = arith.addi %mul3A_1050, %add3A_1051 : i32
        %get3A_1053 = arith.constant 0 : i32
        %get3A_1054 = arith.index_cast %get3A_1053 : i32 to index
        %get3A_1055 = arith.index_cast %add3A_1052 : i32 to index
        %get3A_1056 = arith.constant 112 : index
        %get3A_1057 = tpu.vector_load %arg6[%get3A_1054, %get3A_1055, %get3A_1056] {strides = array<i32>} : memref<2x160x256xf32, #tpu.memory_space<vmem>>, vector<1x1x16xf32>,
        %get3A_1058 = vector.shape_cast %get3A_1057 : vector<1x1x16xf32> to vector<16xf32>
        %add3A_1059 = arith.addf %add3A_1048, %get3A_1058 : vector<16xf32>
        %mul3A_1060 = arith.constant 10 : i32
        %mul3A_1061 = arith.muli %scan3A_189, %mul3A_1060 : i32
        %add3A_1062 = arith.constant 7 : i32
        %add3A_1063 = arith.addi %mul3A_1061, %add3A_1062 : i32
        %get3A_1064 = arith.constant 0 : i32
        %get3A_1065 = arith.index_cast %get3A_1064 : i32 to index
        %get3A_1066 = arith.index_cast %add3A_1063 : i32 to index
        %get3A_1067 = arith.constant 112 : index
        %get3A_1068 = tpu.vector_load %arg6[%get3A_1065, %get3A_1066, %get3A_1067] {strides = array<i32>} : memref<2x160x256xf32, #tpu.memory_space<vmem>>, vector<1x1x16xf32>,
        %get3A_1069 = vector.shape_cast %get3A_1068 : vector<1x1x16xf32> to vector<16xf32>
        %add3A_1070 = arith.addf %add3A_1059, %get3A_1069 : vector<16xf32>
        %mul3A_1071 = arith.constant 10 : i32
        %mul3A_1072 = arith.muli %scan3A_189, %mul3A_1071 : i32
        %add3A_1073 = arith.constant 8 : i32
        %add3A_1074 = arith.addi %mul3A_1072, %add3A_1073 : i32
        %get3A_1075 = arith.constant 0 : i32
        %get3A_1076 = arith.index_cast %get3A_1075 : i32 to index
        %get3A_1077 = arith.index_cast %add3A_1074 : i32 to index
        %get3A_1078 = arith.constant 112 : index
        %get3A_1079 = tpu.vector_load %arg6[%get3A_1076, %get3A_1077, %get3A_1078] {strides = array<i32>} : memref<2x160x256xf32, #tpu.memory_space<vmem>>, vector<1x1x16xf32>,
        %get3A_1080 = vector.shape_cast %get3A_1079 : vector<1x1x16xf32> to vector<16xf32>
        %add3A_1081 = arith.addf %add3A_1070, %get3A_1080 : vector<16xf32>
        %mul3A_1082 = arith.constant 10 : i32
        %mul3A_1083 = arith.muli %scan3A_189, %mul3A_1082 : i32
        %add3A_1084 = arith.constant 9 : i32
        %add3A_1085 = arith.addi %mul3A_1083, %add3A_1084 : i32
        %get3A_1086 = arith.constant 0 : i32
        %get3A_1087 = arith.index_cast %get3A_1086 : i32 to index
        %get3A_1088 = arith.index_cast %add3A_1085 : i32 to index
        %get3A_1089 = arith.constant 112 : index
        %get3A_1090 = tpu.vector_load %arg6[%get3A_1087, %get3A_1088, %get3A_1089] {strides = array<i32>} : memref<2x160x256xf32, #tpu.memory_space<vmem>>, vector<1x1x16xf32>,
        %get3A_1091 = vector.shape_cast %get3A_1090 : vector<1x1x16xf32> to vector<16xf32>
        %add3A_1092 = arith.addf %add3A_1081, %get3A_1091 : vector<16xf32>
        %swap3A_1093 = arith.constant 0 : i32
        %swap3A_1094 = arith.index_cast %swap3A_1093 : i32 to index
        %swap3A_1095 = arith.index_cast %scan3A_189 : i32 to index
        %swap3A_1096 = arith.constant 112 : index
        %swap3A_1097 = tpu.vector_load %arg7[%swap3A_1094, %swap3A_1095, %swap3A_1096] {strides = array<i32>} : memref<2x16x256xf32, #tpu.memory_space<vmem>>, vector<1x1x16xf32>,
        %swap3A_1098 = vector.shape_cast %swap3A_1097 : vector<1x1x16xf32> to vector<16xf32>
        %swap3A_1099 = vector.shape_cast %add3A_1092 : vector<16xf32> to vector<1x1x16xf32>
        tpu.vector_store %arg7[%swap3A_1094, %swap3A_1095, %swap3A_1096], %swap3A_1099 {strides = array<i32>} : memref<2x16x256xf32, #tpu.memory_space<vmem>>, vector<1x1x16xf32>,
        %mul3A_1100 = arith.constant 10 : i32
        %mul3A_1101 = arith.muli %scan3A_189, %mul3A_1100 : i32
        %get3A_1102 = arith.constant 0 : i32
        %get3A_1103 = arith.index_cast %get3A_1102 : i32 to index
        %get3A_1104 = arith.index_cast %mul3A_1101 : i32 to index
        %get3A_1105 = arith.constant 128 : index
        %get3A_1106 = tpu.vector_load %arg6[%get3A_1103, %get3A_1104, %get3A_1105] {strides = array<i32>} : memref<2x160x256xf32, #tpu.memory_space<vmem>>, vector<1x1x16xf32>,
        %get3A_1107 = vector.shape_cast %get3A_1106 : vector<1x1x16xf32> to vector<16xf32>
        %mul3A_1108 = arith.constant 10 : i32
        %mul3A_1109 = arith.muli %scan3A_189, %mul3A_1108 : i32
        %add3A_1110 = arith.constant 1 : i32
        %add3A_1111 = arith.addi %mul3A_1109, %add3A_1110 : i32
        %get3A_1112 = arith.constant 0 : i32
        %get3A_1113 = arith.index_cast %get3A_1112 : i32 to index
        %get3A_1114 = arith.index_cast %add3A_1111 : i32 to index
        %get3A_1115 = arith.constant 128 : index
        %get3A_1116 = tpu.vector_load %arg6[%get3A_1113, %get3A_1114, %get3A_1115] {strides = array<i32>} : memref<2x160x256xf32, #tpu.memory_space<vmem>>, vector<1x1x16xf32>,
        %get3A_1117 = vector.shape_cast %get3A_1116 : vector<1x1x16xf32> to vector<16xf32>
        %add3A_1118 = arith.addf %get3A_1107, %get3A_1117 : vector<16xf32>
        %mul3A_1119 = arith.constant 10 : i32
        %mul3A_1120 = arith.muli %scan3A_189, %mul3A_1119 : i32
        %add3A_1121 = arith.constant 2 : i32
        %add3A_1122 = arith.addi %mul3A_1120, %add3A_1121 : i32
        %get3A_1123 = arith.constant 0 : i32
        %get3A_1124 = arith.index_cast %get3A_1123 : i32 to index
        %get3A_1125 = arith.index_cast %add3A_1122 : i32 to index
        %get3A_1126 = arith.constant 128 : index
        %get3A_1127 = tpu.vector_load %arg6[%get3A_1124, %get3A_1125, %get3A_1126] {strides = array<i32>} : memref<2x160x256xf32, #tpu.memory_space<vmem>>, vector<1x1x16xf32>,
        %get3A_1128 = vector.shape_cast %get3A_1127 : vector<1x1x16xf32> to vector<16xf32>
        %add3A_1129 = arith.addf %add3A_1118, %get3A_1128 : vector<16xf32>
        %mul3A_1130 = arith.constant 10 : i32
        %mul3A_1131 = arith.muli %scan3A_189, %mul3A_1130 : i32
        %add3A_1132 = arith.constant 3 : i32
        %add3A_1133 = arith.addi %mul3A_1131, %add3A_1132 : i32
        %get3A_1134 = arith.constant 0 : i32
        %get3A_1135 = arith.index_cast %get3A_1134 : i32 to index
        %get3A_1136 = arith.index_cast %add3A_1133 : i32 to index
        %get3A_1137 = arith.constant 128 : index
        %get3A_1138 = tpu.vector_load %arg6[%get3A_1135, %get3A_1136, %get3A_1137] {strides = array<i32>} : memref<2x160x256xf32, #tpu.memory_space<vmem>>, vector<1x1x16xf32>,
        %get3A_1139 = vector.shape_cast %get3A_1138 : vector<1x1x16xf32> to vector<16xf32>
        %add3A_1140 = arith.addf %add3A_1129, %get3A_1139 : vector<16xf32>
        %mul3A_1141 = arith.constant 10 : i32
        %mul3A_1142 = arith.muli %scan3A_189, %mul3A_1141 : i32
        %add3A_1143 = arith.constant 4 : i32
        %add3A_1144 = arith.addi %mul3A_1142, %add3A_1143 : i32
        %get3A_1145 = arith.constant 0 : i32
        %get3A_1146 = arith.index_cast %get3A_1145 : i32 to index
        %get3A_1147 = arith.index_cast %add3A_1144 : i32 to index
        %get3A_1148 = arith.constant 128 : index
        %get3A_1149 = tpu.vector_load %arg6[%get3A_1146, %get3A_1147, %get3A_1148] {strides = array<i32>} : memref<2x160x256xf32, #tpu.memory_space<vmem>>, vector<1x1x16xf32>,
        %get3A_1150 = vector.shape_cast %get3A_1149 : vector<1x1x16xf32> to vector<16xf32>
        %add3A_1151 = arith.addf %add3A_1140, %get3A_1150 : vector<16xf32>
        %mul3A_1152 = arith.constant 10 : i32
        %mul3A_1153 = arith.muli %scan3A_189, %mul3A_1152 : i32
        %add3A_1154 = arith.constant 5 : i32
        %add3A_1155 = arith.addi %mul3A_1153, %add3A_1154 : i32
        %get3A_1156 = arith.constant 0 : i32
        %get3A_1157 = arith.index_cast %get3A_1156 : i32 to index
        %get3A_1158 = arith.index_cast %add3A_1155 : i32 to index
        %get3A_1159 = arith.constant 128 : index
        %get3A_1160 = tpu.vector_load %arg6[%get3A_1157, %get3A_1158, %get3A_1159] {strides = array<i32>} : memref<2x160x256xf32, #tpu.memory_space<vmem>>, vector<1x1x16xf32>,
        %get3A_1161 = vector.shape_cast %get3A_1160 : vector<1x1x16xf32> to vector<16xf32>
        %add3A_1162 = arith.addf %add3A_1151, %get3A_1161 : vector<16xf32>
        %mul3A_1163 = arith.constant 10 : i32
        %mul3A_1164 = arith.muli %scan3A_189, %mul3A_1163 : i32
        %add3A_1165 = arith.constant 6 : i32
        %add3A_1166 = arith.addi %mul3A_1164, %add3A_1165 : i32
        %get3A_1167 = arith.constant 0 : i32
        %get3A_1168 = arith.index_cast %get3A_1167 : i32 to index
        %get3A_1169 = arith.index_cast %add3A_1166 : i32 to index
        %get3A_1170 = arith.constant 128 : index
        %get3A_1171 = tpu.vector_load %arg6[%get3A_1168, %get3A_1169, %get3A_1170] {strides = array<i32>} : memref<2x160x256xf32, #tpu.memory_space<vmem>>, vector<1x1x16xf32>,
        %get3A_1172 = vector.shape_cast %get3A_1171 : vector<1x1x16xf32> to vector<16xf32>
        %add3A_1173 = arith.addf %add3A_1162, %get3A_1172 : vector<16xf32>
        %mul3A_1174 = arith.constant 10 : i32
        %mul3A_1175 = arith.muli %scan3A_189, %mul3A_1174 : i32
        %add3A_1176 = arith.constant 7 : i32
        %add3A_1177 = arith.addi %mul3A_1175, %add3A_1176 : i32
        %get3A_1178 = arith.constant 0 : i32
        %get3A_1179 = arith.index_cast %get3A_1178 : i32 to index
        %get3A_1180 = arith.index_cast %add3A_1177 : i32 to index
        %get3A_1181 = arith.constant 128 : index
        %get3A_1182 = tpu.vector_load %arg6[%get3A_1179, %get3A_1180, %get3A_1181] {strides = array<i32>} : memref<2x160x256xf32, #tpu.memory_space<vmem>>, vector<1x1x16xf32>,
        %get3A_1183 = vector.shape_cast %get3A_1182 : vector<1x1x16xf32> to vector<16xf32>
        %add3A_1184 = arith.addf %add3A_1173, %get3A_1183 : vector<16xf32>
        %mul3A_1185 = arith.constant 10 : i32
        %mul3A_1186 = arith.muli %scan3A_189, %mul3A_1185 : i32
        %add3A_1187 = arith.constant 8 : i32
        %add3A_1188 = arith.addi %mul3A_1186, %add3A_1187 : i32
        %get3A_1189 = arith.constant 0 : i32
        %get3A_1190 = arith.index_cast %get3A_1189 : i32 to index
        %get3A_1191 = arith.index_cast %add3A_1188 : i32 to index
        %get3A_1192 = arith.constant 128 : index
        %get3A_1193 = tpu.vector_load %arg6[%get3A_1190, %get3A_1191, %get3A_1192] {strides = array<i32>} : memref<2x160x256xf32, #tpu.memory_space<vmem>>, vector<1x1x16xf32>,
        %get3A_1194 = vector.shape_cast %get3A_1193 : vector<1x1x16xf32> to vector<16xf32>
        %add3A_1195 = arith.addf %add3A_1184, %get3A_1194 : vector<16xf32>
        %mul3A_1196 = arith.constant 10 : i32
        %mul3A_1197 = arith.muli %scan3A_189, %mul3A_1196 : i32
        %add3A_1198 = arith.constant 9 : i32
        %add3A_1199 = arith.addi %mul3A_1197, %add3A_1198 : i32
        %get3A_1200 = arith.constant 0 : i32
        %get3A_1201 = arith.index_cast %get3A_1200 : i32 to index
        %get3A_1202 = arith.index_cast %add3A_1199 : i32 to index
        %get3A_1203 = arith.constant 128 : index
        %get3A_1204 = tpu.vector_load %arg6[%get3A_1201, %get3A_1202, %get3A_1203] {strides = array<i32>} : memref<2x160x256xf32, #tpu.memory_space<vmem>>, vector<1x1x16xf32>,
        %get3A_1205 = vector.shape_cast %get3A_1204 : vector<1x1x16xf32> to vector<16xf32>
        %add3A_1206 = arith.addf %add3A_1195, %get3A_1205 : vector<16xf32>
        %swap3A_1207 = arith.constant 0 : i32
        %swap3A_1208 = arith.index_cast %swap3A_1207 : i32 to index
        %swap3A_1209 = arith.index_cast %scan3A_189 : i32 to index
        %swap3A_1210 = arith.constant 128 : index
        %swap3A_1211 = tpu.vector_load %arg7[%swap3A_1208, %swap3A_1209, %swap3A_1210] {strides = array<i32>} : memref<2x16x256xf32, #tpu.memory_space<vmem>>, vector<1x1x16xf32>,
        %swap3A_1212 = vector.shape_cast %swap3A_1211 : vector<1x1x16xf32> to vector<16xf32>
        %swap3A_1213 = vector.shape_cast %add3A_1206 : vector<16xf32> to vector<1x1x16xf32>
        tpu.vector_store %arg7[%swap3A_1208, %swap3A_1209, %swap3A_1210], %swap3A_1213 {strides = array<i32>} : memref<2x16x256xf32, #tpu.memory_space<vmem>>, vector<1x1x16xf32>,
        %mul3A_1214 = arith.constant 10 : i32
        %mul3A_1215 = arith.muli %scan3A_189, %mul3A_1214 : i32
        %get3A_1216 = arith.constant 0 : i32
        %get3A_1217 = arith.index_cast %get3A_1216 : i32 to index
        %get3A_1218 = arith.index_cast %mul3A_1215 : i32 to index
        %get3A_1219 = arith.constant 144 : index
        %get3A_1220 = tpu.vector_load %arg6[%get3A_1217, %get3A_1218, %get3A_1219] {strides = array<i32>} : memref<2x160x256xf32, #tpu.memory_space<vmem>>, vector<1x1x16xf32>,
        %get3A_1221 = vector.shape_cast %get3A_1220 : vector<1x1x16xf32> to vector<16xf32>
        %mul3A_1222 = arith.constant 10 : i32
        %mul3A_1223 = arith.muli %scan3A_189, %mul3A_1222 : i32
        %add3A_1224 = arith.constant 1 : i32
        %add3A_1225 = arith.addi %mul3A_1223, %add3A_1224 : i32
        %get3A_1226 = arith.constant 0 : i32
        %get3A_1227 = arith.index_cast %get3A_1226 : i32 to index
        %get3A_1228 = arith.index_cast %add3A_1225 : i32 to index
        %get3A_1229 = arith.constant 144 : index
        %get3A_1230 = tpu.vector_load %arg6[%get3A_1227, %get3A_1228, %get3A_1229] {strides = array<i32>} : memref<2x160x256xf32, #tpu.memory_space<vmem>>, vector<1x1x16xf32>,
        %get3A_1231 = vector.shape_cast %get3A_1230 : vector<1x1x16xf32> to vector<16xf32>
        %add3A_1232 = arith.addf %get3A_1221, %get3A_1231 : vector<16xf32>
        %mul3A_1233 = arith.constant 10 : i32
        %mul3A_1234 = arith.muli %scan3A_189, %mul3A_1233 : i32
        %add3A_1235 = arith.constant 2 : i32
        %add3A_1236 = arith.addi %mul3A_1234, %add3A_1235 : i32
        %get3A_1237 = arith.constant 0 : i32
        %get3A_1238 = arith.index_cast %get3A_1237 : i32 to index
        %get3A_1239 = arith.index_cast %add3A_1236 : i32 to index
        %get3A_1240 = arith.constant 144 : index
        %get3A_1241 = tpu.vector_load %arg6[%get3A_1238, %get3A_1239, %get3A_1240] {strides = array<i32>} : memref<2x160x256xf32, #tpu.memory_space<vmem>>, vector<1x1x16xf32>,
        %get3A_1242 = vector.shape_cast %get3A_1241 : vector<1x1x16xf32> to vector<16xf32>
        %add3A_1243 = arith.addf %add3A_1232, %get3A_1242 : vector<16xf32>
        %mul3A_1244 = arith.constant 10 : i32
        %mul3A_1245 = arith.muli %scan3A_189, %mul3A_1244 : i32
        %add3A_1246 = arith.constant 3 : i32
        %add3A_1247 = arith.addi %mul3A_1245, %add3A_1246 : i32
        %get3A_1248 = arith.constant 0 : i32
        %get3A_1249 = arith.index_cast %get3A_1248 : i32 to index
        %get3A_1250 = arith.index_cast %add3A_1247 : i32 to index
        %get3A_1251 = arith.constant 144 : index
        %get3A_1252 = tpu.vector_load %arg6[%get3A_1249, %get3A_1250, %get3A_1251] {strides = array<i32>} : memref<2x160x256xf32, #tpu.memory_space<vmem>>, vector<1x1x16xf32>,
        %get3A_1253 = vector.shape_cast %get3A_1252 : vector<1x1x16xf32> to vector<16xf32>
        %add3A_1254 = arith.addf %add3A_1243, %get3A_1253 : vector<16xf32>
        %mul3A_1255 = arith.constant 10 : i32
        %mul3A_1256 = arith.muli %scan3A_189, %mul3A_1255 : i32
        %add3A_1257 = arith.constant 4 : i32
        %add3A_1258 = arith.addi %mul3A_1256, %add3A_1257 : i32
        %get3A_1259 = arith.constant 0 : i32
        %get3A_1260 = arith.index_cast %get3A_1259 : i32 to index
        %get3A_1261 = arith.index_cast %add3A_1258 : i32 to index
        %get3A_1262 = arith.constant 144 : index
        %get3A_1263 = tpu.vector_load %arg6[%get3A_1260, %get3A_1261, %get3A_1262] {strides = array<i32>} : memref<2x160x256xf32, #tpu.memory_space<vmem>>, vector<1x1x16xf32>,
        %get3A_1264 = vector.shape_cast %get3A_1263 : vector<1x1x16xf32> to vector<16xf32>
        %add3A_1265 = arith.addf %add3A_1254, %get3A_1264 : vector<16xf32>
        %mul3A_1266 = arith.constant 10 : i32
        %mul3A_1267 = arith.muli %scan3A_189, %mul3A_1266 : i32
        %add3A_1268 = arith.constant 5 : i32
        %add3A_1269 = arith.addi %mul3A_1267, %add3A_1268 : i32
        %get3A_1270 = arith.constant 0 : i32
        %get3A_1271 = arith.index_cast %get3A_1270 : i32 to index
        %get3A_1272 = arith.index_cast %add3A_1269 : i32 to index
        %get3A_1273 = arith.constant 144 : index
        %get3A_1274 = tpu.vector_load %arg6[%get3A_1271, %get3A_1272, %get3A_1273] {strides = array<i32>} : memref<2x160x256xf32, #tpu.memory_space<vmem>>, vector<1x1x16xf32>,
        %get3A_1275 = vector.shape_cast %get3A_1274 : vector<1x1x16xf32> to vector<16xf32>
        %add3A_1276 = arith.addf %add3A_1265, %get3A_1275 : vector<16xf32>
        %mul3A_1277 = arith.constant 10 : i32
        %mul3A_1278 = arith.muli %scan3A_189, %mul3A_1277 : i32
        %add3A_1279 = arith.constant 6 : i32
        %add3A_1280 = arith.addi %mul3A_1278, %add3A_1279 : i32
        %get3A_1281 = arith.constant 0 : i32
        %get3A_1282 = arith.index_cast %get3A_1281 : i32 to index
        %get3A_1283 = arith.index_cast %add3A_1280 : i32 to index
        %get3A_1284 = arith.constant 144 : index
        %get3A_1285 = tpu.vector_load %arg6[%get3A_1282, %get3A_1283, %get3A_1284] {strides = array<i32>} : memref<2x160x256xf32, #tpu.memory_space<vmem>>, vector<1x1x16xf32>,
        %get3A_1286 = vector.shape_cast %get3A_1285 : vector<1x1x16xf32> to vector<16xf32>
        %add3A_1287 = arith.addf %add3A_1276, %get3A_1286 : vector<16xf32>
        %mul3A_1288 = arith.constant 10 : i32
        %mul3A_1289 = arith.muli %scan3A_189, %mul3A_1288 : i32
        %add3A_1290 = arith.constant 7 : i32
        %add3A_1291 = arith.addi %mul3A_1289, %add3A_1290 : i32
        %get3A_1292 = arith.constant 0 : i32
        %get3A_1293 = arith.index_cast %get3A_1292 : i32 to index
        %get3A_1294 = arith.index_cast %add3A_1291 : i32 to index
        %get3A_1295 = arith.constant 144 : index
        %get3A_1296 = tpu.vector_load %arg6[%get3A_1293, %get3A_1294, %get3A_1295] {strides = array<i32>} : memref<2x160x256xf32, #tpu.memory_space<vmem>>, vector<1x1x16xf32>,
        %get3A_1297 = vector.shape_cast %get3A_1296 : vector<1x1x16xf32> to vector<16xf32>
        %add3A_1298 = arith.addf %add3A_1287, %get3A_1297 : vector<16xf32>
        %mul3A_1299 = arith.constant 10 : i32
        %mul3A_1300 = arith.muli %scan3A_189, %mul3A_1299 : i32
        %add3A_1301 = arith.constant 8 : i32
        %add3A_1302 = arith.addi %mul3A_1300, %add3A_1301 : i32
        %get3A_1303 = arith.constant 0 : i32
        %get3A_1304 = arith.index_cast %get3A_1303 : i32 to index
        %get3A_1305 = arith.index_cast %add3A_1302 : i32 to index
        %get3A_1306 = arith.constant 144 : index
        %get3A_1307 = tpu.vector_load %arg6[%get3A_1304, %get3A_1305, %get3A_1306] {strides = array<i32>} : memref<2x160x256xf32, #tpu.memory_space<vmem>>, vector<1x1x16xf32>,
        %get3A_1308 = vector.shape_cast %get3A_1307 : vector<1x1x16xf32> to vector<16xf32>
        %add3A_1309 = arith.addf %add3A_1298, %get3A_1308 : vector<16xf32>
        %mul3A_1310 = arith.constant 10 : i32
        %mul3A_1311 = arith.muli %scan3A_189, %mul3A_1310 : i32
        %add3A_1312 = arith.constant 9 : i32
        %add3A_1313 = arith.addi %mul3A_1311, %add3A_1312 : i32
        %get3A_1314 = arith.constant 0 : i32
        %get3A_1315 = arith.index_cast %get3A_1314 : i32 to index
        %get3A_1316 = arith.index_cast %add3A_1313 : i32 to index
        %get3A_1317 = arith.constant 144 : index
        %get3A_1318 = tpu.vector_load %arg6[%get3A_1315, %get3A_1316, %get3A_1317] {strides = array<i32>} : memref<2x160x256xf32, #tpu.memory_space<vmem>>, vector<1x1x16xf32>,
        %get3A_1319 = vector.shape_cast %get3A_1318 : vector<1x1x16xf32> to vector<16xf32>
        %add3A_1320 = arith.addf %add3A_1309, %get3A_1319 : vector<16xf32>
        %swap3A_1321 = arith.constant 0 : i32
        %swap3A_1322 = arith.index_cast %swap3A_1321 : i32 to index
        %swap3A_1323 = arith.index_cast %scan3A_189 : i32 to index
        %swap3A_1324 = arith.constant 144 : index
        %swap3A_1325 = tpu.vector_load %arg7[%swap3A_1322, %swap3A_1323, %swap3A_1324] {strides = array<i32>} : memref<2x16x256xf32, #tpu.memory_space<vmem>>, vector<1x1x16xf32>,
        %swap3A_1326 = vector.shape_cast %swap3A_1325 : vector<1x1x16xf32> to vector<16xf32>
        %swap3A_1327 = vector.shape_cast %add3A_1320 : vector<16xf32> to vector<1x1x16xf32>
        tpu.vector_store %arg7[%swap3A_1322, %swap3A_1323, %swap3A_1324], %swap3A_1327 {strides = array<i32>} : memref<2x16x256xf32, #tpu.memory_space<vmem>>, vector<1x1x16xf32>,
        %mul3A_1328 = arith.constant 10 : i32
        %mul3A_1329 = arith.muli %scan3A_189, %mul3A_1328 : i32
        %get3A_1330 = arith.constant 0 : i32
        %get3A_1331 = arith.index_cast %get3A_1330 : i32 to index
        %get3A_1332 = arith.index_cast %mul3A_1329 : i32 to index
        %get3A_1333 = arith.constant 160 : index
        %get3A_1334 = tpu.vector_load %arg6[%get3A_1331, %get3A_1332, %get3A_1333] {strides = array<i32>} : memref<2x160x256xf32, #tpu.memory_space<vmem>>, vector<1x1x16xf32>,
        %get3A_1335 = vector.shape_cast %get3A_1334 : vector<1x1x16xf32> to vector<16xf32>
        %mul3A_1336 = arith.constant 10 : i32
        %mul3A_1337 = arith.muli %scan3A_189, %mul3A_1336 : i32
        %add3A_1338 = arith.constant 1 : i32
        %add3A_1339 = arith.addi %mul3A_1337, %add3A_1338 : i32
        %get3A_1340 = arith.constant 0 : i32
        %get3A_1341 = arith.index_cast %get3A_1340 : i32 to index
        %get3A_1342 = arith.index_cast %add3A_1339 : i32 to index
        %get3A_1343 = arith.constant 160 : index
        %get3A_1344 = tpu.vector_load %arg6[%get3A_1341, %get3A_1342, %get3A_1343] {strides = array<i32>} : memref<2x160x256xf32, #tpu.memory_space<vmem>>, vector<1x1x16xf32>,
        %get3A_1345 = vector.shape_cast %get3A_1344 : vector<1x1x16xf32> to vector<16xf32>
        %add3A_1346 = arith.addf %get3A_1335, %get3A_1345 : vector<16xf32>
        %mul3A_1347 = arith.constant 10 : i32
        %mul3A_1348 = arith.muli %scan3A_189, %mul3A_1347 : i32
        %add3A_1349 = arith.constant 2 : i32
        %add3A_1350 = arith.addi %mul3A_1348, %add3A_1349 : i32
        %get3A_1351 = arith.constant 0 : i32
        %get3A_1352 = arith.index_cast %get3A_1351 : i32 to index
        %get3A_1353 = arith.index_cast %add3A_1350 : i32 to index
        %get3A_1354 = arith.constant 160 : index
        %get3A_1355 = tpu.vector_load %arg6[%get3A_1352, %get3A_1353, %get3A_1354] {strides = array<i32>} : memref<2x160x256xf32, #tpu.memory_space<vmem>>, vector<1x1x16xf32>,
        %get3A_1356 = vector.shape_cast %get3A_1355 : vector<1x1x16xf32> to vector<16xf32>
        %add3A_1357 = arith.addf %add3A_1346, %get3A_1356 : vector<16xf32>
        %mul3A_1358 = arith.constant 10 : i32
        %mul3A_1359 = arith.muli %scan3A_189, %mul3A_1358 : i32
        %add3A_1360 = arith.constant 3 : i32
        %add3A_1361 = arith.addi %mul3A_1359, %add3A_1360 : i32
        %get3A_1362 = arith.constant 0 : i32
        %get3A_1363 = arith.index_cast %get3A_1362 : i32 to index
        %get3A_1364 = arith.index_cast %add3A_1361 : i32 to index
        %get3A_1365 = arith.constant 160 : index
        %get3A_1366 = tpu.vector_load %arg6[%get3A_1363, %get3A_1364, %get3A_1365] {strides = array<i32>} : memref<2x160x256xf32, #tpu.memory_space<vmem>>, vector<1x1x16xf32>,
        %get3A_1367 = vector.shape_cast %get3A_1366 : vector<1x1x16xf32> to vector<16xf32>
        %add3A_1368 = arith.addf %add3A_1357, %get3A_1367 : vector<16xf32>
        %mul3A_1369 = arith.constant 10 : i32
        %mul3A_1370 = arith.muli %scan3A_189, %mul3A_1369 : i32
        %add3A_1371 = arith.constant 4 : i32
        %add3A_1372 = arith.addi %mul3A_1370, %add3A_1371 : i32
        %get3A_1373 = arith.constant 0 : i32
        %get3A_1374 = arith.index_cast %get3A_1373 : i32 to index
        %get3A_1375 = arith.index_cast %add3A_1372 : i32 to index
        %get3A_1376 = arith.constant 160 : index
        %get3A_1377 = tpu.vector_load %arg6[%get3A_1374, %get3A_1375, %get3A_1376] {strides = array<i32>} : memref<2x160x256xf32, #tpu.memory_space<vmem>>, vector<1x1x16xf32>,
        %get3A_1378 = vector.shape_cast %get3A_1377 : vector<1x1x16xf32> to vector<16xf32>
        %add3A_1379 = arith.addf %add3A_1368, %get3A_1378 : vector<16xf32>
        %mul3A_1380 = arith.constant 10 : i32
        %mul3A_1381 = arith.muli %scan3A_189, %mul3A_1380 : i32
        %add3A_1382 = arith.constant 5 : i32
        %add3A_1383 = arith.addi %mul3A_1381, %add3A_1382 : i32
        %get3A_1384 = arith.constant 0 : i32
        %get3A_1385 = arith.index_cast %get3A_1384 : i32 to index
        %get3A_1386 = arith.index_cast %add3A_1383 : i32 to index
        %get3A_1387 = arith.constant 160 : index
        %get3A_1388 = tpu.vector_load %arg6[%get3A_1385, %get3A_1386, %get3A_1387] {strides = array<i32>} : memref<2x160x256xf32, #tpu.memory_space<vmem>>, vector<1x1x16xf32>,
        %get3A_1389 = vector.shape_cast %get3A_1388 : vector<1x1x16xf32> to vector<16xf32>
        %add3A_1390 = arith.addf %add3A_1379, %get3A_1389 : vector<16xf32>
        %mul3A_1391 = arith.constant 10 : i32
        %mul3A_1392 = arith.muli %scan3A_189, %mul3A_1391 : i32
        %add3A_1393 = arith.constant 6 : i32
        %add3A_1394 = arith.addi %mul3A_1392, %add3A_1393 : i32
        %get3A_1395 = arith.constant 0 : i32
        %get3A_1396 = arith.index_cast %get3A_1395 : i32 to index
        %get3A_1397 = arith.index_cast %add3A_1394 : i32 to index
        %get3A_1398 = arith.constant 160 : index
        %get3A_1399 = tpu.vector_load %arg6[%get3A_1396, %get3A_1397, %get3A_1398] {strides = array<i32>} : memref<2x160x256xf32, #tpu.memory_space<vmem>>, vector<1x1x16xf32>,
        %get3A_1400 = vector.shape_cast %get3A_1399 : vector<1x1x16xf32> to vector<16xf32>
        %add3A_1401 = arith.addf %add3A_1390, %get3A_1400 : vector<16xf32>
        %mul3A_1402 = arith.constant 10 : i32
        %mul3A_1403 = arith.muli %scan3A_189, %mul3A_1402 : i32
        %add3A_1404 = arith.constant 7 : i32
        %add3A_1405 = arith.addi %mul3A_1403, %add3A_1404 : i32
        %get3A_1406 = arith.constant 0 : i32
        %get3A_1407 = arith.index_cast %get3A_1406 : i32 to index
        %get3A_1408 = arith.index_cast %add3A_1405 : i32 to index
        %get3A_1409 = arith.constant 160 : index
        %get3A_1410 = tpu.vector_load %arg6[%get3A_1407, %get3A_1408, %get3A_1409] {strides = array<i32>} : memref<2x160x256xf32, #tpu.memory_space<vmem>>, vector<1x1x16xf32>,
        %get3A_1411 = vector.shape_cast %get3A_1410 : vector<1x1x16xf32> to vector<16xf32>
        %add3A_1412 = arith.addf %add3A_1401, %get3A_1411 : vector<16xf32>
        %mul3A_1413 = arith.constant 10 : i32
        %mul3A_1414 = arith.muli %scan3A_189, %mul3A_1413 : i32
        %add3A_1415 = arith.constant 8 : i32
        %add3A_1416 = arith.addi %mul3A_1414, %add3A_1415 : i32
        %get3A_1417 = arith.constant 0 : i32
        %get3A_1418 = arith.index_cast %get3A_1417 : i32 to index
        %get3A_1419 = arith.index_cast %add3A_1416 : i32 to index
        %get3A_1420 = arith.constant 160 : index
        %get3A_1421 = tpu.vector_load %arg6[%get3A_1418, %get3A_1419, %get3A_1420] {strides = array<i32>} : memref<2x160x256xf32, #tpu.memory_space<vmem>>, vector<1x1x16xf32>,
        %get3A_1422 = vector.shape_cast %get3A_1421 : vector<1x1x16xf32> to vector<16xf32>
        %add3A_1423 = arith.addf %add3A_1412, %get3A_1422 : vector<16xf32>
        %mul3A_1424 = arith.constant 10 : i32
        %mul3A_1425 = arith.muli %scan3A_189, %mul3A_1424 : i32
        %add3A_1426 = arith.constant 9 : i32
        %add3A_1427 = arith.addi %mul3A_1425, %add3A_1426 : i32
        %get3A_1428 = arith.constant 0 : i32
        %get3A_1429 = arith.index_cast %get3A_1428 : i32 to index
        %get3A_1430 = arith.index_cast %add3A_1427 : i32 to index
        %get3A_1431 = arith.constant 160 : index
        %get3A_1432 = tpu.vector_load %arg6[%get3A_1429, %get3A_1430, %get3A_1431] {strides = array<i32>} : memref<2x160x256xf32, #tpu.memory_space<vmem>>, vector<1x1x16xf32>,
        %get3A_1433 = vector.shape_cast %get3A_1432 : vector<1x1x16xf32> to vector<16xf32>
        %add3A_1434 = arith.addf %add3A_1423, %get3A_1433 : vector<16xf32>
        %swap3A_1435 = arith.constant 0 : i32
        %swap3A_1436 = arith.index_cast %swap3A_1435 : i32 to index
        %swap3A_1437 = arith.index_cast %scan3A_189 : i32 to index
        %swap3A_1438 = arith.constant 160 : index
        %swap3A_1439 = tpu.vector_load %arg7[%swap3A_1436, %swap3A_1437, %swap3A_1438] {strides = array<i32>} : memref<2x16x256xf32, #tpu.memory_space<vmem>>, vector<1x1x16xf32>,
        %swap3A_1440 = vector.shape_cast %swap3A_1439 : vector<1x1x16xf32> to vector<16xf32>
        %swap3A_1441 = vector.shape_cast %add3A_1434 : vector<16xf32> to vector<1x1x16xf32>
        tpu.vector_store %arg7[%swap3A_1436, %swap3A_1437, %swap3A_1438], %swap3A_1441 {strides = array<i32>} : memref<2x16x256xf32, #tpu.memory_space<vmem>>, vector<1x1x16xf32>,
        %mul3A_1442 = arith.constant 10 : i32
        %mul3A_1443 = arith.muli %scan3A_189, %mul3A_1442 : i32
        %get3A_1444 = arith.constant 0 : i32
        %get3A_1445 = arith.index_cast %get3A_1444 : i32 to index
        %get3A_1446 = arith.index_cast %mul3A_1443 : i32 to index
        %get3A_1447 = arith.constant 176 : index
        %get3A_1448 = tpu.vector_load %arg6[%get3A_1445, %get3A_1446, %get3A_1447] {strides = array<i32>} : memref<2x160x256xf32, #tpu.memory_space<vmem>>, vector<1x1x16xf32>,
        %get3A_1449 = vector.shape_cast %get3A_1448 : vector<1x1x16xf32> to vector<16xf32>
        %mul3A_1450 = arith.constant 10 : i32
        %mul3A_1451 = arith.muli %scan3A_189, %mul3A_1450 : i32
        %add3A_1452 = arith.constant 1 : i32
        %add3A_1453 = arith.addi %mul3A_1451, %add3A_1452 : i32
        %get3A_1454 = arith.constant 0 : i32
        %get3A_1455 = arith.index_cast %get3A_1454 : i32 to index
        %get3A_1456 = arith.index_cast %add3A_1453 : i32 to index
        %get3A_1457 = arith.constant 176 : index
        %get3A_1458 = tpu.vector_load %arg6[%get3A_1455, %get3A_1456, %get3A_1457] {strides = array<i32>} : memref<2x160x256xf32, #tpu.memory_space<vmem>>, vector<1x1x16xf32>,
        %get3A_1459 = vector.shape_cast %get3A_1458 : vector<1x1x16xf32> to vector<16xf32>
        %add3A_1460 = arith.addf %get3A_1449, %get3A_1459 : vector<16xf32>
        %mul3A_1461 = arith.constant 10 : i32
        %mul3A_1462 = arith.muli %scan3A_189, %mul3A_1461 : i32
        %add3A_1463 = arith.constant 2 : i32
        %add3A_1464 = arith.addi %mul3A_1462, %add3A_1463 : i32
        %get3A_1465 = arith.constant 0 : i32
        %get3A_1466 = arith.index_cast %get3A_1465 : i32 to index
        %get3A_1467 = arith.index_cast %add3A_1464 : i32 to index
        %get3A_1468 = arith.constant 176 : index
        %get3A_1469 = tpu.vector_load %arg6[%get3A_1466, %get3A_1467, %get3A_1468] {strides = array<i32>} : memref<2x160x256xf32, #tpu.memory_space<vmem>>, vector<1x1x16xf32>,
        %get3A_1470 = vector.shape_cast %get3A_1469 : vector<1x1x16xf32> to vector<16xf32>
        %add3A_1471 = arith.addf %add3A_1460, %get3A_1470 : vector<16xf32>
        %mul3A_1472 = arith.constant 10 : i32
        %mul3A_1473 = arith.muli %scan3A_189, %mul3A_1472 : i32
        %add3A_1474 = arith.constant 3 : i32
        %add3A_1475 = arith.addi %mul3A_1473, %add3A_1474 : i32
        %get3A_1476 = arith.constant 0 : i32
        %get3A_1477 = arith.index_cast %get3A_1476 : i32 to index
        %get3A_1478 = arith.index_cast %add3A_1475 : i32 to index
        %get3A_1479 = arith.constant 176 : index
        %get3A_1480 = tpu.vector_load %arg6[%get3A_1477, %get3A_1478, %get3A_1479] {strides = array<i32>} : memref<2x160x256xf32, #tpu.memory_space<vmem>>, vector<1x1x16xf32>,
        %get3A_1481 = vector.shape_cast %get3A_1480 : vector<1x1x16xf32> to vector<16xf32>
        %add3A_1482 = arith.addf %add3A_1471, %get3A_1481 : vector<16xf32>
        %mul3A_1483 = arith.constant 10 : i32
        %mul3A_1484 = arith.muli %scan3A_189, %mul3A_1483 : i32
        %add3A_1485 = arith.constant 4 : i32
        %add3A_1486 = arith.addi %mul3A_1484, %add3A_1485 : i32
        %get3A_1487 = arith.constant 0 : i32
        %get3A_1488 = arith.index_cast %get3A_1487 : i32 to index
        %get3A_1489 = arith.index_cast %add3A_1486 : i32 to index
        %get3A_1490 = arith.constant 176 : index
        %get3A_1491 = tpu.vector_load %arg6[%get3A_1488, %get3A_1489, %get3A_1490] {strides = array<i32>} : memref<2x160x256xf32, #tpu.memory_space<vmem>>, vector<1x1x16xf32>,
        %get3A_1492 = vector.shape_cast %get3A_1491 : vector<1x1x16xf32> to vector<16xf32>
        %add3A_1493 = arith.addf %add3A_1482, %get3A_1492 : vector<16xf32>
        %mul3A_1494 = arith.constant 10 : i32
        %mul3A_1495 = arith.muli %scan3A_189, %mul3A_1494 : i32
        %add3A_1496 = arith.constant 5 : i32
        %add3A_1497 = arith.addi %mul3A_1495, %add3A_1496 : i32
        %get3A_1498 = arith.constant 0 : i32
        %get3A_1499 = arith.index_cast %get3A_1498 : i32 to index
        %get3A_1500 = arith.index_cast %add3A_1497 : i32 to index
        %get3A_1501 = arith.constant 176 : index
        %get3A_1502 = tpu.vector_load %arg6[%get3A_1499, %get3A_1500, %get3A_1501] {strides = array<i32>} : memref<2x160x256xf32, #tpu.memory_space<vmem>>, vector<1x1x16xf32>,
        %get3A_1503 = vector.shape_cast %get3A_1502 : vector<1x1x16xf32> to vector<16xf32>
        %add3A_1504 = arith.addf %add3A_1493, %get3A_1503 : vector<16xf32>
        %mul3A_1505 = arith.constant 10 : i32
        %mul3A_1506 = arith.muli %scan3A_189, %mul3A_1505 : i32
        %add3A_1507 = arith.constant 6 : i32
        %add3A_1508 = arith.addi %mul3A_1506, %add3A_1507 : i32
        %get3A_1509 = arith.constant 0 : i32
        %get3A_1510 = arith.index_cast %get3A_1509 : i32 to index
        %get3A_1511 = arith.index_cast %add3A_1508 : i32 to index
        %get3A_1512 = arith.constant 176 : index
        %get3A_1513 = tpu.vector_load %arg6[%get3A_1510, %get3A_1511, %get3A_1512] {strides = array<i32>} : memref<2x160x256xf32, #tpu.memory_space<vmem>>, vector<1x1x16xf32>,
        %get3A_1514 = vector.shape_cast %get3A_1513 : vector<1x1x16xf32> to vector<16xf32>
        %add3A_1515 = arith.addf %add3A_1504, %get3A_1514 : vector<16xf32>
        %mul3A_1516 = arith.constant 10 : i32
        %mul3A_1517 = arith.muli %scan3A_189, %mul3A_1516 : i32
        %add3A_1518 = arith.constant 7 : i32
        %add3A_1519 = arith.addi %mul3A_1517, %add3A_1518 : i32
        %get3A_1520 = arith.constant 0 : i32
        %get3A_1521 = arith.index_cast %get3A_1520 : i32 to index
        %get3A_1522 = arith.index_cast %add3A_1519 : i32 to index
        %get3A_1523 = arith.constant 176 : index
        %get3A_1524 = tpu.vector_load %arg6[%get3A_1521, %get3A_1522, %get3A_1523] {strides = array<i32>} : memref<2x160x256xf32, #tpu.memory_space<vmem>>, vector<1x1x16xf32>,
        %get3A_1525 = vector.shape_cast %get3A_1524 : vector<1x1x16xf32> to vector<16xf32>
        %add3A_1526 = arith.addf %add3A_1515, %get3A_1525 : vector<16xf32>
        %mul3A_1527 = arith.constant 10 : i32
        %mul3A_1528 = arith.muli %scan3A_189, %mul3A_1527 : i32
        %add3A_1529 = arith.constant 8 : i32
        %add3A_1530 = arith.addi %mul3A_1528, %add3A_1529 : i32
        %get3A_1531 = arith.constant 0 : i32
        %get3A_1532 = arith.index_cast %get3A_1531 : i32 to index
        %get3A_1533 = arith.index_cast %add3A_1530 : i32 to index
        %get3A_1534 = arith.constant 176 : index
        %get3A_1535 = tpu.vector_load %arg6[%get3A_1532, %get3A_1533, %get3A_1534] {strides = array<i32>} : memref<2x160x256xf32, #tpu.memory_space<vmem>>, vector<1x1x16xf32>,
        %get3A_1536 = vector.shape_cast %get3A_1535 : vector<1x1x16xf32> to vector<16xf32>
        %add3A_1537 = arith.addf %add3A_1526, %get3A_1536 : vector<16xf32>
        %mul3A_1538 = arith.constant 10 : i32
        %mul3A_1539 = arith.muli %scan3A_189, %mul3A_1538 : i32
        %add3A_1540 = arith.constant 9 : i32
        %add3A_1541 = arith.addi %mul3A_1539, %add3A_1540 : i32
        %get3A_1542 = arith.constant 0 : i32
        %get3A_1543 = arith.index_cast %get3A_1542 : i32 to index
        %get3A_1544 = arith.index_cast %add3A_1541 : i32 to index
        %get3A_1545 = arith.constant 176 : index
        %get3A_1546 = tpu.vector_load %arg6[%get3A_1543, %get3A_1544, %get3A_1545] {strides = array<i32>} : memref<2x160x256xf32, #tpu.memory_space<vmem>>, vector<1x1x16xf32>,
        %get3A_1547 = vector.shape_cast %get3A_1546 : vector<1x1x16xf32> to vector<16xf32>
        %add3A_1548 = arith.addf %add3A_1537, %get3A_1547 : vector<16xf32>
        %swap3A_1549 = arith.constant 0 : i32
        %swap3A_1550 = arith.index_cast %swap3A_1549 : i32 to index
        %swap3A_1551 = arith.index_cast %scan3A_189 : i32 to index
        %swap3A_1552 = arith.constant 176 : index
        %swap3A_1553 = tpu.vector_load %arg7[%swap3A_1550, %swap3A_1551, %swap3A_1552] {strides = array<i32>} : memref<2x16x256xf32, #tpu.memory_space<vmem>>, vector<1x1x16xf32>,
        %swap3A_1554 = vector.shape_cast %swap3A_1553 : vector<1x1x16xf32> to vector<16xf32>
        %swap3A_1555 = vector.shape_cast %add3A_1548 : vector<16xf32> to vector<1x1x16xf32>
        tpu.vector_store %arg7[%swap3A_1550, %swap3A_1551, %swap3A_1552], %swap3A_1555 {strides = array<i32>} : memref<2x16x256xf32, #tpu.memory_space<vmem>>, vector<1x1x16xf32>,
        %mul3A_1556 = arith.constant 10 : i32
        %mul3A_1557 = arith.muli %scan3A_189, %mul3A_1556 : i32
        %get3A_1558 = arith.constant 0 : i32
        %get3A_1559 = arith.index_cast %get3A_1558 : i32 to index
        %get3A_1560 = arith.index_cast %mul3A_1557 : i32 to index
        %get3A_1561 = arith.constant 192 : index
        %get3A_1562 = tpu.vector_load %arg6[%get3A_1559, %get3A_1560, %get3A_1561] {strides = array<i32>} : memref<2x160x256xf32, #tpu.memory_space<vmem>>, vector<1x1x16xf32>,
        %get3A_1563 = vector.shape_cast %get3A_1562 : vector<1x1x16xf32> to vector<16xf32>
        %mul3A_1564 = arith.constant 10 : i32
        %mul3A_1565 = arith.muli %scan3A_189, %mul3A_1564 : i32
        %add3A_1566 = arith.constant 1 : i32
        %add3A_1567 = arith.addi %mul3A_1565, %add3A_1566 : i32
        %get3A_1568 = arith.constant 0 : i32
        %get3A_1569 = arith.index_cast %get3A_1568 : i32 to index
        %get3A_1570 = arith.index_cast %add3A_1567 : i32 to index
        %get3A_1571 = arith.constant 192 : index
        %get3A_1572 = tpu.vector_load %arg6[%get3A_1569, %get3A_1570, %get3A_1571] {strides = array<i32>} : memref<2x160x256xf32, #tpu.memory_space<vmem>>, vector<1x1x16xf32>,
        %get3A_1573 = vector.shape_cast %get3A_1572 : vector<1x1x16xf32> to vector<16xf32>
        %add3A_1574 = arith.addf %get3A_1563, %get3A_1573 : vector<16xf32>
        %mul3A_1575 = arith.constant 10 : i32
        %mul3A_1576 = arith.muli %scan3A_189, %mul3A_1575 : i32
        %add3A_1577 = arith.constant 2 : i32
        %add3A_1578 = arith.addi %mul3A_1576, %add3A_1577 : i32
        %get3A_1579 = arith.constant 0 : i32
        %get3A_1580 = arith.index_cast %get3A_1579 : i32 to index
        %get3A_1581 = arith.index_cast %add3A_1578 : i32 to index
        %get3A_1582 = arith.constant 192 : index
        %get3A_1583 = tpu.vector_load %arg6[%get3A_1580, %get3A_1581, %get3A_1582] {strides = array<i32>} : memref<2x160x256xf32, #tpu.memory_space<vmem>>, vector<1x1x16xf32>,
        %get3A_1584 = vector.shape_cast %get3A_1583 : vector<1x1x16xf32> to vector<16xf32>
        %add3A_1585 = arith.addf %add3A_1574, %get3A_1584 : vector<16xf32>
        %mul3A_1586 = arith.constant 10 : i32
        %mul3A_1587 = arith.muli %scan3A_189, %mul3A_1586 : i32
        %add3A_1588 = arith.constant 3 : i32
        %add3A_1589 = arith.addi %mul3A_1587, %add3A_1588 : i32
        %get3A_1590 = arith.constant 0 : i32
        %get3A_1591 = arith.index_cast %get3A_1590 : i32 to index
        %get3A_1592 = arith.index_cast %add3A_1589 : i32 to index
        %get3A_1593 = arith.constant 192 : index
        %get3A_1594 = tpu.vector_load %arg6[%get3A_1591, %get3A_1592, %get3A_1593] {strides = array<i32>} : memref<2x160x256xf32, #tpu.memory_space<vmem>>, vector<1x1x16xf32>,
        %get3A_1595 = vector.shape_cast %get3A_1594 : vector<1x1x16xf32> to vector<16xf32>
        %add3A_1596 = arith.addf %add3A_1585, %get3A_1595 : vector<16xf32>
        %mul3A_1597 = arith.constant 10 : i32
        %mul3A_1598 = arith.muli %scan3A_189, %mul3A_1597 : i32
        %add3A_1599 = arith.constant 4 : i32
        %add3A_1600 = arith.addi %mul3A_1598, %add3A_1599 : i32
        %get3A_1601 = arith.constant 0 : i32
        %get3A_1602 = arith.index_cast %get3A_1601 : i32 to index
        %get3A_1603 = arith.index_cast %add3A_1600 : i32 to index
        %get3A_1604 = arith.constant 192 : index
        %get3A_1605 = tpu.vector_load %arg6[%get3A_1602, %get3A_1603, %get3A_1604] {strides = array<i32>} : memref<2x160x256xf32, #tpu.memory_space<vmem>>, vector<1x1x16xf32>,
        %get3A_1606 = vector.shape_cast %get3A_1605 : vector<1x1x16xf32> to vector<16xf32>
        %add3A_1607 = arith.addf %add3A_1596, %get3A_1606 : vector<16xf32>
        %mul3A_1608 = arith.constant 10 : i32
        %mul3A_1609 = arith.muli %scan3A_189, %mul3A_1608 : i32
        %add3A_1610 = arith.constant 5 : i32
        %add3A_1611 = arith.addi %mul3A_1609, %add3A_1610 : i32
        %get3A_1612 = arith.constant 0 : i32
        %get3A_1613 = arith.index_cast %get3A_1612 : i32 to index
        %get3A_1614 = arith.index_cast %add3A_1611 : i32 to index
        %get3A_1615 = arith.constant 192 : index
        %get3A_1616 = tpu.vector_load %arg6[%get3A_1613, %get3A_1614, %get3A_1615] {strides = array<i32>} : memref<2x160x256xf32, #tpu.memory_space<vmem>>, vector<1x1x16xf32>,
        %get3A_1617 = vector.shape_cast %get3A_1616 : vector<1x1x16xf32> to vector<16xf32>
        %add3A_1618 = arith.addf %add3A_1607, %get3A_1617 : vector<16xf32>
        %mul3A_1619 = arith.constant 10 : i32
        %mul3A_1620 = arith.muli %scan3A_189, %mul3A_1619 : i32
        %add3A_1621 = arith.constant 6 : i32
        %add3A_1622 = arith.addi %mul3A_1620, %add3A_1621 : i32
        %get3A_1623 = arith.constant 0 : i32
        %get3A_1624 = arith.index_cast %get3A_1623 : i32 to index
        %get3A_1625 = arith.index_cast %add3A_1622 : i32 to index
        %get3A_1626 = arith.constant 192 : index
        %get3A_1627 = tpu.vector_load %arg6[%get3A_1624, %get3A_1625, %get3A_1626] {strides = array<i32>} : memref<2x160x256xf32, #tpu.memory_space<vmem>>, vector<1x1x16xf32>,
        %get3A_1628 = vector.shape_cast %get3A_1627 : vector<1x1x16xf32> to vector<16xf32>
        %add3A_1629 = arith.addf %add3A_1618, %get3A_1628 : vector<16xf32>
        %mul3A_1630 = arith.constant 10 : i32
        %mul3A_1631 = arith.muli %scan3A_189, %mul3A_1630 : i32
        %add3A_1632 = arith.constant 7 : i32
        %add3A_1633 = arith.addi %mul3A_1631, %add3A_1632 : i32
        %get3A_1634 = arith.constant 0 : i32
        %get3A_1635 = arith.index_cast %get3A_1634 : i32 to index
        %get3A_1636 = arith.index_cast %add3A_1633 : i32 to index
        %get3A_1637 = arith.constant 192 : index
        %get3A_1638 = tpu.vector_load %arg6[%get3A_1635, %get3A_1636, %get3A_1637] {strides = array<i32>} : memref<2x160x256xf32, #tpu.memory_space<vmem>>, vector<1x1x16xf32>,
        %get3A_1639 = vector.shape_cast %get3A_1638 : vector<1x1x16xf32> to vector<16xf32>
        %add3A_1640 = arith.addf %add3A_1629, %get3A_1639 : vector<16xf32>
        %mul3A_1641 = arith.constant 10 : i32
        %mul3A_1642 = arith.muli %scan3A_189, %mul3A_1641 : i32
        %add3A_1643 = arith.constant 8 : i32
        %add3A_1644 = arith.addi %mul3A_1642, %add3A_1643 : i32
        %get3A_1645 = arith.constant 0 : i32
        %get3A_1646 = arith.index_cast %get3A_1645 : i32 to index
        %get3A_1647 = arith.index_cast %add3A_1644 : i32 to index
        %get3A_1648 = arith.constant 192 : index
        %get3A_1649 = tpu.vector_load %arg6[%get3A_1646, %get3A_1647, %get3A_1648] {strides = array<i32>} : memref<2x160x256xf32, #tpu.memory_space<vmem>>, vector<1x1x16xf32>,
        %get3A_1650 = vector.shape_cast %get3A_1649 : vector<1x1x16xf32> to vector<16xf32>
        %add3A_1651 = arith.addf %add3A_1640, %get3A_1650 : vector<16xf32>
        %mul3A_1652 = arith.constant 10 : i32
        %mul3A_1653 = arith.muli %scan3A_189, %mul3A_1652 : i32
        %add3A_1654 = arith.constant 9 : i32
        %add3A_1655 = arith.addi %mul3A_1653, %add3A_1654 : i32
        %get3A_1656 = arith.constant 0 : i32
        %get3A_1657 = arith.index_cast %get3A_1656 : i32 to index
        %get3A_1658 = arith.index_cast %add3A_1655 : i32 to index
        %get3A_1659 = arith.constant 192 : index
        %get3A_1660 = tpu.vector_load %arg6[%get3A_1657, %get3A_1658, %get3A_1659] {strides = array<i32>} : memref<2x160x256xf32, #tpu.memory_space<vmem>>, vector<1x1x16xf32>,
        %get3A_1661 = vector.shape_cast %get3A_1660 : vector<1x1x16xf32> to vector<16xf32>
        %add3A_1662 = arith.addf %add3A_1651, %get3A_1661 : vector<16xf32>
        %swap3A_1663 = arith.constant 0 : i32
        %swap3A_1664 = arith.index_cast %swap3A_1663 : i32 to index
        %swap3A_1665 = arith.index_cast %scan3A_189 : i32 to index
        %swap3A_1666 = arith.constant 192 : index
        %swap3A_1667 = tpu.vector_load %arg7[%swap3A_1664, %swap3A_1665, %swap3A_1666] {strides = array<i32>} : memref<2x16x256xf32, #tpu.memory_space<vmem>>, vector<1x1x16xf32>,
        %swap3A_1668 = vector.shape_cast %swap3A_1667 : vector<1x1x16xf32> to vector<16xf32>
        %swap3A_1669 = vector.shape_cast %add3A_1662 : vector<16xf32> to vector<1x1x16xf32>
        tpu.vector_store %arg7[%swap3A_1664, %swap3A_1665, %swap3A_1666], %swap3A_1669 {strides = array<i32>} : memref<2x16x256xf32, #tpu.memory_space<vmem>>, vector<1x1x16xf32>,
        %mul3A_1670 = arith.constant 10 : i32
        %mul3A_1671 = arith.muli %scan3A_189, %mul3A_1670 : i32
        %get3A_1672 = arith.constant 0 : i32
        %get3A_1673 = arith.index_cast %get3A_1672 : i32 to index
        %get3A_1674 = arith.index_cast %mul3A_1671 : i32 to index
        %get3A_1675 = arith.constant 208 : index
        %get3A_1676 = tpu.vector_load %arg6[%get3A_1673, %get3A_1674, %get3A_1675] {strides = array<i32>} : memref<2x160x256xf32, #tpu.memory_space<vmem>>, vector<1x1x16xf32>,
        %get3A_1677 = vector.shape_cast %get3A_1676 : vector<1x1x16xf32> to vector<16xf32>
        %mul3A_1678 = arith.constant 10 : i32
        %mul3A_1679 = arith.muli %scan3A_189, %mul3A_1678 : i32
        %add3A_1680 = arith.constant 1 : i32
        %add3A_1681 = arith.addi %mul3A_1679, %add3A_1680 : i32
        %get3A_1682 = arith.constant 0 : i32
        %get3A_1683 = arith.index_cast %get3A_1682 : i32 to index
        %get3A_1684 = arith.index_cast %add3A_1681 : i32 to index
        %get3A_1685 = arith.constant 208 : index
        %get3A_1686 = tpu.vector_load %arg6[%get3A_1683, %get3A_1684, %get3A_1685] {strides = array<i32>} : memref<2x160x256xf32, #tpu.memory_space<vmem>>, vector<1x1x16xf32>,
        %get3A_1687 = vector.shape_cast %get3A_1686 : vector<1x1x16xf32> to vector<16xf32>
        %add3A_1688 = arith.addf %get3A_1677, %get3A_1687 : vector<16xf32>
        %mul3A_1689 = arith.constant 10 : i32
        %mul3A_1690 = arith.muli %scan3A_189, %mul3A_1689 : i32
        %add3A_1691 = arith.constant 2 : i32
        %add3A_1692 = arith.addi %mul3A_1690, %add3A_1691 : i32
        %get3A_1693 = arith.constant 0 : i32
        %get3A_1694 = arith.index_cast %get3A_1693 : i32 to index
        %get3A_1695 = arith.index_cast %add3A_1692 : i32 to index
        %get3A_1696 = arith.constant 208 : index
        %get3A_1697 = tpu.vector_load %arg6[%get3A_1694, %get3A_1695, %get3A_1696] {strides = array<i32>} : memref<2x160x256xf32, #tpu.memory_space<vmem>>, vector<1x1x16xf32>,
        %get3A_1698 = vector.shape_cast %get3A_1697 : vector<1x1x16xf32> to vector<16xf32>
        %add3A_1699 = arith.addf %add3A_1688, %get3A_1698 : vector<16xf32>
        %mul3A_1700 = arith.constant 10 : i32
        %mul3A_1701 = arith.muli %scan3A_189, %mul3A_1700 : i32
        %add3A_1702 = arith.constant 3 : i32
        %add3A_1703 = arith.addi %mul3A_1701, %add3A_1702 : i32
        %get3A_1704 = arith.constant 0 : i32
        %get3A_1705 = arith.index_cast %get3A_1704 : i32 to index
        %get3A_1706 = arith.index_cast %add3A_1703 : i32 to index
        %get3A_1707 = arith.constant 208 : index
        %get3A_1708 = tpu.vector_load %arg6[%get3A_1705, %get3A_1706, %get3A_1707] {strides = array<i32>} : memref<2x160x256xf32, #tpu.memory_space<vmem>>, vector<1x1x16xf32>,
        %get3A_1709 = vector.shape_cast %get3A_1708 : vector<1x1x16xf32> to vector<16xf32>
        %add3A_1710 = arith.addf %add3A_1699, %get3A_1709 : vector<16xf32>
        %mul3A_1711 = arith.constant 10 : i32
        %mul3A_1712 = arith.muli %scan3A_189, %mul3A_1711 : i32
        %add3A_1713 = arith.constant 4 : i32
        %add3A_1714 = arith.addi %mul3A_1712, %add3A_1713 : i32
        %get3A_1715 = arith.constant 0 : i32
        %get3A_1716 = arith.index_cast %get3A_1715 : i32 to index
        %get3A_1717 = arith.index_cast %add3A_1714 : i32 to index
        %get3A_1718 = arith.constant 208 : index
        %get3A_1719 = tpu.vector_load %arg6[%get3A_1716, %get3A_1717, %get3A_1718] {strides = array<i32>} : memref<2x160x256xf32, #tpu.memory_space<vmem>>, vector<1x1x16xf32>,
        %get3A_1720 = vector.shape_cast %get3A_1719 : vector<1x1x16xf32> to vector<16xf32>
        %add3A_1721 = arith.addf %add3A_1710, %get3A_1720 : vector<16xf32>
        %mul3A_1722 = arith.constant 10 : i32
        %mul3A_1723 = arith.muli %scan3A_189, %mul3A_1722 : i32
        %add3A_1724 = arith.constant 5 : i32
        %add3A_1725 = arith.addi %mul3A_1723, %add3A_1724 : i32
        %get3A_1726 = arith.constant 0 : i32
        %get3A_1727 = arith.index_cast %get3A_1726 : i32 to index
        %get3A_1728 = arith.index_cast %add3A_1725 : i32 to index
        %get3A_1729 = arith.constant 208 : index
        %get3A_1730 = tpu.vector_load %arg6[%get3A_1727, %get3A_1728, %get3A_1729] {strides = array<i32>} : memref<2x160x256xf32, #tpu.memory_space<vmem>>, vector<1x1x16xf32>,
        %get3A_1731 = vector.shape_cast %get3A_1730 : vector<1x1x16xf32> to vector<16xf32>
        %add3A_1732 = arith.addf %add3A_1721, %get3A_1731 : vector<16xf32>
        %mul3A_1733 = arith.constant 10 : i32
        %mul3A_1734 = arith.muli %scan3A_189, %mul3A_1733 : i32
        %add3A_1735 = arith.constant 6 : i32
        %add3A_1736 = arith.addi %mul3A_1734, %add3A_1735 : i32
        %get3A_1737 = arith.constant 0 : i32
        %get3A_1738 = arith.index_cast %get3A_1737 : i32 to index
        %get3A_1739 = arith.index_cast %add3A_1736 : i32 to index
        %get3A_1740 = arith.constant 208 : index
        %get3A_1741 = tpu.vector_load %arg6[%get3A_1738, %get3A_1739, %get3A_1740] {strides = array<i32>} : memref<2x160x256xf32, #tpu.memory_space<vmem>>, vector<1x1x16xf32>,
        %get3A_1742 = vector.shape_cast %get3A_1741 : vector<1x1x16xf32> to vector<16xf32>
        %add3A_1743 = arith.addf %add3A_1732, %get3A_1742 : vector<16xf32>
        %mul3A_1744 = arith.constant 10 : i32
        %mul3A_1745 = arith.muli %scan3A_189, %mul3A_1744 : i32
        %add3A_1746 = arith.constant 7 : i32
        %add3A_1747 = arith.addi %mul3A_1745, %add3A_1746 : i32
        %get3A_1748 = arith.constant 0 : i32
        %get3A_1749 = arith.index_cast %get3A_1748 : i32 to index
        %get3A_1750 = arith.index_cast %add3A_1747 : i32 to index
        %get3A_1751 = arith.constant 208 : index
        %get3A_1752 = tpu.vector_load %arg6[%get3A_1749, %get3A_1750, %get3A_1751] {strides = array<i32>} : memref<2x160x256xf32, #tpu.memory_space<vmem>>, vector<1x1x16xf32>,
        %get3A_1753 = vector.shape_cast %get3A_1752 : vector<1x1x16xf32> to vector<16xf32>
        %add3A_1754 = arith.addf %add3A_1743, %get3A_1753 : vector<16xf32>
        %mul3A_1755 = arith.constant 10 : i32
        %mul3A_1756 = arith.muli %scan3A_189, %mul3A_1755 : i32
        %add3A_1757 = arith.constant 8 : i32
        %add3A_1758 = arith.addi %mul3A_1756, %add3A_1757 : i32
        %get3A_1759 = arith.constant 0 : i32
        %get3A_1760 = arith.index_cast %get3A_1759 : i32 to index
        %get3A_1761 = arith.index_cast %add3A_1758 : i32 to index
        %get3A_1762 = arith.constant 208 : index
        %get3A_1763 = tpu.vector_load %arg6[%get3A_1760, %get3A_1761, %get3A_1762] {strides = array<i32>} : memref<2x160x256xf32, #tpu.memory_space<vmem>>, vector<1x1x16xf32>,
        %get3A_1764 = vector.shape_cast %get3A_1763 : vector<1x1x16xf32> to vector<16xf32>
        %add3A_1765 = arith.addf %add3A_1754, %get3A_1764 : vector<16xf32>
        %mul3A_1766 = arith.constant 10 : i32
        %mul3A_1767 = arith.muli %scan3A_189, %mul3A_1766 : i32
        %add3A_1768 = arith.constant 9 : i32
        %add3A_1769 = arith.addi %mul3A_1767, %add3A_1768 : i32
        %get3A_1770 = arith.constant 0 : i32
        %get3A_1771 = arith.index_cast %get3A_1770 : i32 to index
        %get3A_1772 = arith.index_cast %add3A_1769 : i32 to index
        %get3A_1773 = arith.constant 208 : index
        %get3A_1774 = tpu.vector_load %arg6[%get3A_1771, %get3A_1772, %get3A_1773] {strides = array<i32>} : memref<2x160x256xf32, #tpu.memory_space<vmem>>, vector<1x1x16xf32>,
        %get3A_1775 = vector.shape_cast %get3A_1774 : vector<1x1x16xf32> to vector<16xf32>
        %add3A_1776 = arith.addf %add3A_1765, %get3A_1775 : vector<16xf32>
        %swap3A_1777 = arith.constant 0 : i32
        %swap3A_1778 = arith.index_cast %swap3A_1777 : i32 to index
        %swap3A_1779 = arith.index_cast %scan3A_189 : i32 to index
        %swap3A_1780 = arith.constant 208 : index
        %swap3A_1781 = tpu.vector_load %arg7[%swap3A_1778, %swap3A_1779, %swap3A_1780] {strides = array<i32>} : memref<2x16x256xf32, #tpu.memory_space<vmem>>, vector<1x1x16xf32>,
        %swap3A_1782 = vector.shape_cast %swap3A_1781 : vector<1x1x16xf32> to vector<16xf32>
        %swap3A_1783 = vector.shape_cast %add3A_1776 : vector<16xf32> to vector<1x1x16xf32>
        tpu.vector_store %arg7[%swap3A_1778, %swap3A_1779, %swap3A_1780], %swap3A_1783 {strides = array<i32>} : memref<2x16x256xf32, #tpu.memory_space<vmem>>, vector<1x1x16xf32>,
        %mul3A_1784 = arith.constant 10 : i32
        %mul3A_1785 = arith.muli %scan3A_189, %mul3A_1784 : i32
        %get3A_1786 = arith.constant 0 : i32
        %get3A_1787 = arith.index_cast %get3A_1786 : i32 to index
        %get3A_1788 = arith.index_cast %mul3A_1785 : i32 to index
        %get3A_1789 = arith.constant 224 : index
        %get3A_1790 = tpu.vector_load %arg6[%get3A_1787, %get3A_1788, %get3A_1789] {strides = array<i32>} : memref<2x160x256xf32, #tpu.memory_space<vmem>>, vector<1x1x16xf32>,
        %get3A_1791 = vector.shape_cast %get3A_1790 : vector<1x1x16xf32> to vector<16xf32>
        %mul3A_1792 = arith.constant 10 : i32
        %mul3A_1793 = arith.muli %scan3A_189, %mul3A_1792 : i32
        %add3A_1794 = arith.constant 1 : i32
        %add3A_1795 = arith.addi %mul3A_1793, %add3A_1794 : i32
        %get3A_1796 = arith.constant 0 : i32
        %get3A_1797 = arith.index_cast %get3A_1796 : i32 to index
        %get3A_1798 = arith.index_cast %add3A_1795 : i32 to index
        %get3A_1799 = arith.constant 224 : index
        %get3A_1800 = tpu.vector_load %arg6[%get3A_1797, %get3A_1798, %get3A_1799] {strides = array<i32>} : memref<2x160x256xf32, #tpu.memory_space<vmem>>, vector<1x1x16xf32>,
        %get3A_1801 = vector.shape_cast %get3A_1800 : vector<1x1x16xf32> to vector<16xf32>
        %add3A_1802 = arith.addf %get3A_1791, %get3A_1801 : vector<16xf32>
        %mul3A_1803 = arith.constant 10 : i32
        %mul3A_1804 = arith.muli %scan3A_189, %mul3A_1803 : i32
        %add3A_1805 = arith.constant 2 : i32
        %add3A_1806 = arith.addi %mul3A_1804, %add3A_1805 : i32
        %get3A_1807 = arith.constant 0 : i32
        %get3A_1808 = arith.index_cast %get3A_1807 : i32 to index
        %get3A_1809 = arith.index_cast %add3A_1806 : i32 to index
        %get3A_1810 = arith.constant 224 : index
        %get3A_1811 = tpu.vector_load %arg6[%get3A_1808, %get3A_1809, %get3A_1810] {strides = array<i32>} : memref<2x160x256xf32, #tpu.memory_space<vmem>>, vector<1x1x16xf32>,
        %get3A_1812 = vector.shape_cast %get3A_1811 : vector<1x1x16xf32> to vector<16xf32>
        %add3A_1813 = arith.addf %add3A_1802, %get3A_1812 : vector<16xf32>
        %mul3A_1814 = arith.constant 10 : i32
        %mul3A_1815 = arith.muli %scan3A_189, %mul3A_1814 : i32
        %add3A_1816 = arith.constant 3 : i32
        %add3A_1817 = arith.addi %mul3A_1815, %add3A_1816 : i32
        %get3A_1818 = arith.constant 0 : i32
        %get3A_1819 = arith.index_cast %get3A_1818 : i32 to index
        %get3A_1820 = arith.index_cast %add3A_1817 : i32 to index
        %get3A_1821 = arith.constant 224 : index
        %get3A_1822 = tpu.vector_load %arg6[%get3A_1819, %get3A_1820, %get3A_1821] {strides = array<i32>} : memref<2x160x256xf32, #tpu.memory_space<vmem>>, vector<1x1x16xf32>,
        %get3A_1823 = vector.shape_cast %get3A_1822 : vector<1x1x16xf32> to vector<16xf32>
        %add3A_1824 = arith.addf %add3A_1813, %get3A_1823 : vector<16xf32>
        %mul3A_1825 = arith.constant 10 : i32
        %mul3A_1826 = arith.muli %scan3A_189, %mul3A_1825 : i32
        %add3A_1827 = arith.constant 4 : i32
        %add3A_1828 = arith.addi %mul3A_1826, %add3A_1827 : i32
        %get3A_1829 = arith.constant 0 : i32
        %get3A_1830 = arith.index_cast %get3A_1829 : i32 to index
        %get3A_1831 = arith.index_cast %add3A_1828 : i32 to index
        %get3A_1832 = arith.constant 224 : index
        %get3A_1833 = tpu.vector_load %arg6[%get3A_1830, %get3A_1831, %get3A_1832] {strides = array<i32>} : memref<2x160x256xf32, #tpu.memory_space<vmem>>, vector<1x1x16xf32>,
        %get3A_1834 = vector.shape_cast %get3A_1833 : vector<1x1x16xf32> to vector<16xf32>
        %add3A_1835 = arith.addf %add3A_1824, %get3A_1834 : vector<16xf32>
        %mul3A_1836 = arith.constant 10 : i32
        %mul3A_1837 = arith.muli %scan3A_189, %mul3A_1836 : i32
        %add3A_1838 = arith.constant 5 : i32
        %add3A_1839 = arith.addi %mul3A_1837, %add3A_1838 : i32
        %get3A_1840 = arith.constant 0 : i32
        %get3A_1841 = arith.index_cast %get3A_1840 : i32 to index
        %get3A_1842 = arith.index_cast %add3A_1839 : i32 to index
        %get3A_1843 = arith.constant 224 : index
        %get3A_1844 = tpu.vector_load %arg6[%get3A_1841, %get3A_1842, %get3A_1843] {strides = array<i32>} : memref<2x160x256xf32, #tpu.memory_space<vmem>>, vector<1x1x16xf32>,
        %get3A_1845 = vector.shape_cast %get3A_1844 : vector<1x1x16xf32> to vector<16xf32>
        %add3A_1846 = arith.addf %add3A_1835, %get3A_1845 : vector<16xf32>
        %mul3A_1847 = arith.constant 10 : i32
        %mul3A_1848 = arith.muli %scan3A_189, %mul3A_1847 : i32
        %add3A_1849 = arith.constant 6 : i32
        %add3A_1850 = arith.addi %mul3A_1848, %add3A_1849 : i32
        %get3A_1851 = arith.constant 0 : i32
        %get3A_1852 = arith.index_cast %get3A_1851 : i32 to index
        %get3A_1853 = arith.index_cast %add3A_1850 : i32 to index
        %get3A_1854 = arith.constant 224 : index
        %get3A_1855 = tpu.vector_load %arg6[%get3A_1852, %get3A_1853, %get3A_1854] {strides = array<i32>} : memref<2x160x256xf32, #tpu.memory_space<vmem>>, vector<1x1x16xf32>,
        %get3A_1856 = vector.shape_cast %get3A_1855 : vector<1x1x16xf32> to vector<16xf32>
        %add3A_1857 = arith.addf %add3A_1846, %get3A_1856 : vector<16xf32>
        %mul3A_1858 = arith.constant 10 : i32
        %mul3A_1859 = arith.muli %scan3A_189, %mul3A_1858 : i32
        %add3A_1860 = arith.constant 7 : i32
        %add3A_1861 = arith.addi %mul3A_1859, %add3A_1860 : i32
        %get3A_1862 = arith.constant 0 : i32
        %get3A_1863 = arith.index_cast %get3A_1862 : i32 to index
        %get3A_1864 = arith.index_cast %add3A_1861 : i32 to index
        %get3A_1865 = arith.constant 224 : index
        %get3A_1866 = tpu.vector_load %arg6[%get3A_1863, %get3A_1864, %get3A_1865] {strides = array<i32>} : memref<2x160x256xf32, #tpu.memory_space<vmem>>, vector<1x1x16xf32>,
        %get3A_1867 = vector.shape_cast %get3A_1866 : vector<1x1x16xf32> to vector<16xf32>
        %add3A_1868 = arith.addf %add3A_1857, %get3A_1867 : vector<16xf32>
        %mul3A_1869 = arith.constant 10 : i32
        %mul3A_1870 = arith.muli %scan3A_189, %mul3A_1869 : i32
        %add3A_1871 = arith.constant 8 : i32
        %add3A_1872 = arith.addi %mul3A_1870, %add3A_1871 : i32
        %get3A_1873 = arith.constant 0 : i32
        %get3A_1874 = arith.index_cast %get3A_1873 : i32 to index
        %get3A_1875 = arith.index_cast %add3A_1872 : i32 to index
        %get3A_1876 = arith.constant 224 : index
        %get3A_1877 = tpu.vector_load %arg6[%get3A_1874, %get3A_1875, %get3A_1876] {strides = array<i32>} : memref<2x160x256xf32, #tpu.memory_space<vmem>>, vector<1x1x16xf32>,
        %get3A_1878 = vector.shape_cast %get3A_1877 : vector<1x1x16xf32> to vector<16xf32>
        %add3A_1879 = arith.addf %add3A_1868, %get3A_1878 : vector<16xf32>
        %mul3A_1880 = arith.constant 10 : i32
        %mul3A_1881 = arith.muli %scan3A_189, %mul3A_1880 : i32
        %add3A_1882 = arith.constant 9 : i32
        %add3A_1883 = arith.addi %mul3A_1881, %add3A_1882 : i32
        %get3A_1884 = arith.constant 0 : i32
        %get3A_1885 = arith.index_cast %get3A_1884 : i32 to index
        %get3A_1886 = arith.index_cast %add3A_1883 : i32 to index
        %get3A_1887 = arith.constant 224 : index
        %get3A_1888 = tpu.vector_load %arg6[%get3A_1885, %get3A_1886, %get3A_1887] {strides = array<i32>} : memref<2x160x256xf32, #tpu.memory_space<vmem>>, vector<1x1x16xf32>,
        %get3A_1889 = vector.shape_cast %get3A_1888 : vector<1x1x16xf32> to vector<16xf32>
        %add3A_1890 = arith.addf %add3A_1879, %get3A_1889 : vector<16xf32>
        %swap3A_1891 = arith.constant 0 : i32
        %swap3A_1892 = arith.index_cast %swap3A_1891 : i32 to index
        %swap3A_1893 = arith.index_cast %scan3A_189 : i32 to index
        %swap3A_1894 = arith.constant 224 : index
        %swap3A_1895 = tpu.vector_load %arg7[%swap3A_1892, %swap3A_1893, %swap3A_1894] {strides = array<i32>} : memref<2x16x256xf32, #tpu.memory_space<vmem>>, vector<1x1x16xf32>,
        %swap3A_1896 = vector.shape_cast %swap3A_1895 : vector<1x1x16xf32> to vector<16xf32>
        %swap3A_1897 = vector.shape_cast %add3A_1890 : vector<16xf32> to vector<1x1x16xf32>
        tpu.vector_store %arg7[%swap3A_1892, %swap3A_1893, %swap3A_1894], %swap3A_1897 {strides = array<i32>} : memref<2x16x256xf32, #tpu.memory_space<vmem>>, vector<1x1x16xf32>,
        %mul3A_1898 = arith.constant 10 : i32
        %mul3A_1899 = arith.muli %scan3A_189, %mul3A_1898 : i32
        %get3A_1900 = arith.constant 0 : i32
        %get3A_1901 = arith.index_cast %get3A_1900 : i32 to index
        %get3A_1902 = arith.index_cast %mul3A_1899 : i32 to index
        %get3A_1903 = arith.constant 240 : index
        %get3A_1904 = tpu.vector_load %arg6[%get3A_1901, %get3A_1902, %get3A_1903] {strides = array<i32>} : memref<2x160x256xf32, #tpu.memory_space<vmem>>, vector<1x1x16xf32>,
        %get3A_1905 = vector.shape_cast %get3A_1904 : vector<1x1x16xf32> to vector<16xf32>
        %mul3A_1906 = arith.constant 10 : i32
        %mul3A_1907 = arith.muli %scan3A_189, %mul3A_1906 : i32
        %add3A_1908 = arith.constant 1 : i32
        %add3A_1909 = arith.addi %mul3A_1907, %add3A_1908 : i32
        %get3A_1910 = arith.constant 0 : i32
        %get3A_1911 = arith.index_cast %get3A_1910 : i32 to index
        %get3A_1912 = arith.index_cast %add3A_1909 : i32 to index
        %get3A_1913 = arith.constant 240 : index
        %get3A_1914 = tpu.vector_load %arg6[%get3A_1911, %get3A_1912, %get3A_1913] {strides = array<i32>} : memref<2x160x256xf32, #tpu.memory_space<vmem>>, vector<1x1x16xf32>,
        %get3A_1915 = vector.shape_cast %get3A_1914 : vector<1x1x16xf32> to vector<16xf32>
        %add3A_1916 = arith.addf %get3A_1905, %get3A_1915 : vector<16xf32>
        %mul3A_1917 = arith.constant 10 : i32
        %mul3A_1918 = arith.muli %scan3A_189, %mul3A_1917 : i32
        %add3A_1919 = arith.constant 2 : i32
        %add3A_1920 = arith.addi %mul3A_1918, %add3A_1919 : i32
        %get3A_1921 = arith.constant 0 : i32
        %get3A_1922 = arith.index_cast %get3A_1921 : i32 to index
        %get3A_1923 = arith.index_cast %add3A_1920 : i32 to index
        %get3A_1924 = arith.constant 240 : index
        %get3A_1925 = tpu.vector_load %arg6[%get3A_1922, %get3A_1923, %get3A_1924] {strides = array<i32>} : memref<2x160x256xf32, #tpu.memory_space<vmem>>, vector<1x1x16xf32>,
        %get3A_1926 = vector.shape_cast %get3A_1925 : vector<1x1x16xf32> to vector<16xf32>
        %add3A_1927 = arith.addf %add3A_1916, %get3A_1926 : vector<16xf32>
        %mul3A_1928 = arith.constant 10 : i32
        %mul3A_1929 = arith.muli %scan3A_189, %mul3A_1928 : i32
        %add3A_1930 = arith.constant 3 : i32
        %add3A_1931 = arith.addi %mul3A_1929, %add3A_1930 : i32
        %get3A_1932 = arith.constant 0 : i32
        %get3A_1933 = arith.index_cast %get3A_1932 : i32 to index
        %get3A_1934 = arith.index_cast %add3A_1931 : i32 to index
        %get3A_1935 = arith.constant 240 : index
        %get3A_1936 = tpu.vector_load %arg6[%get3A_1933, %get3A_1934, %get3A_1935] {strides = array<i32>} : memref<2x160x256xf32, #tpu.memory_space<vmem>>, vector<1x1x16xf32>,
        %get3A_1937 = vector.shape_cast %get3A_1936 : vector<1x1x16xf32> to vector<16xf32>
        %add3A_1938 = arith.addf %add3A_1927, %get3A_1937 : vector<16xf32>
        %mul3A_1939 = arith.constant 10 : i32
        %mul3A_1940 = arith.muli %scan3A_189, %mul3A_1939 : i32
        %add3A_1941 = arith.constant 4 : i32
        %add3A_1942 = arith.addi %mul3A_1940, %add3A_1941 : i32
        %get3A_1943 = arith.constant 0 : i32
        %get3A_1944 = arith.index_cast %get3A_1943 : i32 to index
        %get3A_1945 = arith.index_cast %add3A_1942 : i32 to index
        %get3A_1946 = arith.constant 240 : index
        %get3A_1947 = tpu.vector_load %arg6[%get3A_1944, %get3A_1945, %get3A_1946] {strides = array<i32>} : memref<2x160x256xf32, #tpu.memory_space<vmem>>, vector<1x1x16xf32>,
        %get3A_1948 = vector.shape_cast %get3A_1947 : vector<1x1x16xf32> to vector<16xf32>
        %add3A_1949 = arith.addf %add3A_1938, %get3A_1948 : vector<16xf32>
        %mul3A_1950 = arith.constant 10 : i32
        %mul3A_1951 = arith.muli %scan3A_189, %mul3A_1950 : i32
        %add3A_1952 = arith.constant 5 : i32
        %add3A_1953 = arith.addi %mul3A_1951, %add3A_1952 : i32
        %get3A_1954 = arith.constant 0 : i32
        %get3A_1955 = arith.index_cast %get3A_1954 : i32 to index
        %get3A_1956 = arith.index_cast %add3A_1953 : i32 to index
        %get3A_1957 = arith.constant 240 : index
        %get3A_1958 = tpu.vector_load %arg6[%get3A_1955, %get3A_1956, %get3A_1957] {strides = array<i32>} : memref<2x160x256xf32, #tpu.memory_space<vmem>>, vector<1x1x16xf32>,
        %get3A_1959 = vector.shape_cast %get3A_1958 : vector<1x1x16xf32> to vector<16xf32>
        %add3A_1960 = arith.addf %add3A_1949, %get3A_1959 : vector<16xf32>
        %mul3A_1961 = arith.constant 10 : i32
        %mul3A_1962 = arith.muli %scan3A_189, %mul3A_1961 : i32
        %add3A_1963 = arith.constant 6 : i32
        %add3A_1964 = arith.addi %mul3A_1962, %add3A_1963 : i32
        %get3A_1965 = arith.constant 0 : i32
        %get3A_1966 = arith.index_cast %get3A_1965 : i32 to index
        %get3A_1967 = arith.index_cast %add3A_1964 : i32 to index
        %get3A_1968 = arith.constant 240 : index
        %get3A_1969 = tpu.vector_load %arg6[%get3A_1966, %get3A_1967, %get3A_1968] {strides = array<i32>} : memref<2x160x256xf32, #tpu.memory_space<vmem>>, vector<1x1x16xf32>,
        %get3A_1970 = vector.shape_cast %get3A_1969 : vector<1x1x16xf32> to vector<16xf32>
        %add3A_1971 = arith.addf %add3A_1960, %get3A_1970 : vector<16xf32>
        %mul3A_1972 = arith.constant 10 : i32
        %mul3A_1973 = arith.muli %scan3A_189, %mul3A_1972 : i32
        %add3A_1974 = arith.constant 7 : i32
        %add3A_1975 = arith.addi %mul3A_1973, %add3A_1974 : i32
        %get3A_1976 = arith.constant 0 : i32
        %get3A_1977 = arith.index_cast %get3A_1976 : i32 to index
        %get3A_1978 = arith.index_cast %add3A_1975 : i32 to index
        %get3A_1979 = arith.constant 240 : index
        %get3A_1980 = tpu.vector_load %arg6[%get3A_1977, %get3A_1978, %get3A_1979] {strides = array<i32>} : memref<2x160x256xf32, #tpu.memory_space<vmem>>, vector<1x1x16xf32>,
        %get3A_1981 = vector.shape_cast %get3A_1980 : vector<1x1x16xf32> to vector<16xf32>
        %add3A_1982 = arith.addf %add3A_1971, %get3A_1981 : vector<16xf32>
        %mul3A_1983 = arith.constant 10 : i32
        %mul3A_1984 = arith.muli %scan3A_189, %mul3A_1983 : i32
        %add3A_1985 = arith.constant 8 : i32
        %add3A_1986 = arith.addi %mul3A_1984, %add3A_1985 : i32
        %get3A_1987 = arith.constant 0 : i32
        %get3A_1988 = arith.index_cast %get3A_1987 : i32 to index
        %get3A_1989 = arith.index_cast %add3A_1986 : i32 to index
        %get3A_1990 = arith.constant 240 : index
        %get3A_1991 = tpu.vector_load %arg6[%get3A_1988, %get3A_1989, %get3A_1990] {strides = array<i32>} : memref<2x160x256xf32, #tpu.memory_space<vmem>>, vector<1x1x16xf32>,
        %get3A_1992 = vector.shape_cast %get3A_1991 : vector<1x1x16xf32> to vector<16xf32>
        %add3A_1993 = arith.addf %add3A_1982, %get3A_1992 : vector<16xf32>
        %mul3A_1994 = arith.constant 10 : i32
        %mul3A_1995 = arith.muli %scan3A_189, %mul3A_1994 : i32
        %add3A_1996 = arith.constant 9 : i32
        %add3A_1997 = arith.addi %mul3A_1995, %add3A_1996 : i32
        %get3A_1998 = arith.constant 0 : i32
        %get3A_1999 = arith.index_cast %get3A_1998 : i32 to index
        %get3A_2000 = arith.index_cast %add3A_1997 : i32 to index
        %get3A_2001 = arith.constant 240 : index
        %get3A_2002 = tpu.vector_load %arg6[%get3A_1999, %get3A_2000, %get3A_2001] {strides = array<i32>} : memref<2x160x256xf32, #tpu.memory_space<vmem>>, vector<1x1x16xf32>,
        %get3A_2003 = vector.shape_cast %get3A_2002 : vector<1x1x16xf32> to vector<16xf32>
        %add3A_2004 = arith.addf %add3A_1993, %get3A_2003 : vector<16xf32>
        %swap3A_2005 = arith.constant 0 : i32
        %swap3A_2006 = arith.index_cast %swap3A_2005 : i32 to index
        %swap3A_2007 = arith.index_cast %scan3A_189 : i32 to index
        %swap3A_2008 = arith.constant 240 : index
        %swap3A_2009 = tpu.vector_load %arg7[%swap3A_2006, %swap3A_2007, %swap3A_2008] {strides = array<i32>} : memref<2x16x256xf32, #tpu.memory_space<vmem>>, vector<1x1x16xf32>,
        %swap3A_2010 = vector.shape_cast %swap3A_2009 : vector<1x1x16xf32> to vector<16xf32>
        %swap3A_2011 = vector.shape_cast %add3A_2004 : vector<16xf32> to vector<1x1x16xf32>
        tpu.vector_store %arg7[%swap3A_2006, %swap3A_2007, %swap3A_2008], %swap3A_2011 {strides = array<i32>} : memref<2x16x256xf32, #tpu.memory_space<vmem>>, vector<1x1x16xf32>,
      }
      %scan3A_106 = arith.constant 16 : i32
      %mul3A_107 = arith.constant 16 : i32
      %mul3A_108 = arith.muli %add3A_62, %mul3A_107 : i32
      %add3A_109 = arith.addi %mul3A_2, %mul3A_108 : i32
      %dma_start3A_110 = arith.constant 0 : i32
      %dma_start3A_111 = arith.constant 0 : i32
      %dma_start3A_112 = arith.constant 0 : i32
      %dma_start3A_113 = tpu.memref_slice %arg7[%dma_start3A_110, %dma_start3A_111, %dma_start3A_112] : memref<2x16x256xf32, #tpu.memory_space<vmem>> -> memref<1x16x256xf32, #tpu.memory_space<vmem>>
      %dma_start3A_114 = tpu.memref_squeeze %dma_start3A_113 : memref<1x16x256xf32, #tpu.memory_space<vmem>> -> memref<16x256xf32, #tpu.memory_space<vmem>>
      %dma_start3A_115 = arith.constant 0 : i32
      %dma_start3A_116 = tpu.memref_slice %arg4[%add3A_109, %dma_start3A_115] : memref<20480x256xf32, #tpu.memory_space<hbm>> -> memref<16x256xf32, #tpu.memory_space<hbm>>
      %dma_start3A_117 = arith.constant 0 : i32
      %dma_start3A_118 = tpu.memref_slice %arg4[%add3A_109, %dma_start3A_117] : memref<20480x256xf32, #tpu.memory_space<hbm>> -> memref<16x256xf32, #tpu.memory_space<hbm>>
      %dma_start3A_119 = arith.constant 0 : i32
      %dma_start3A_120 = arith.constant 0 : i32
      %dma_start3A_121 = tpu.memref_slice %arg7[%dma_start3A_110, %dma_start3A_119, %dma_start3A_120] : memref<2x16x256xf32, #tpu.memory_space<vmem>> -> memref<1x16x256xf32, #tpu.memory_space<vmem>>
      %dma_start3A_122 = tpu.memref_squeeze %dma_start3A_121 : memref<1x16x256xf32, #tpu.memory_space<vmem>> -> memref<16x256xf32, #tpu.memory_space<vmem>>
      tpu.enqueue_dma source(%dma_start3A_122 : memref<16x256xf32, #tpu.memory_space<vmem>>) target(%dma_start3A_118 : memref<16x256xf32, #tpu.memory_space<hbm>>) target_semaphore(%arg10 : memref<!tpu.dma_semaphore, #tpu.memory_space<semaphore_mem>>)
      %add3A_123 = arith.constant 1 : i32
      %add3A_124 = arith.addi %mul3A_60, %add3A_123 : i32
      %mul3A_125 = arith.constant 16 : i32
      %mul3A_126 = arith.muli %add3A_124, %mul3A_125 : i32
      %mul3A_127 = arith.constant 10 : i32
      %mul3A_128 = arith.muli %mul3A_126, %mul3A_127 : i32
      %add3A_129 = arith.constant 0 : i32
      %add3A_130 = arith.addi %mul3A_128, %add3A_129 : i32
      %mul3A_131 = arith.constant 16 : i32
      %mul3A_132 = arith.muli %add3A_124, %mul3A_131 : i32
      %mul3A_133 = arith.constant 10 : i32
      %mul3A_134 = arith.muli %mul3A_132, %mul3A_133 : i32
      %add3A_135 = arith.constant 80 : i32
      %add3A_136 = arith.addi %mul3A_134, %add3A_135 : i32
      %dma_wait3A_137 = arith.constant 1 : i32
      %dma_wait3A_138 = arith.constant 0 : i32
      %dma_wait3A_139 = arith.constant 0 : i32
      %dma_wait3A_140 = tpu.memref_slice %arg6[%dma_wait3A_137, %dma_wait3A_138, %dma_wait3A_139] : memref<2x160x256xf32, #tpu.memory_space<vmem>> -> memref<1x80x256xf32, #tpu.memory_space<vmem>>
      %dma_wait3A_141 = tpu.memref_squeeze %dma_wait3A_140 : memref<1x80x256xf32, #tpu.memory_space<vmem>> -> memref<80x256xf32, #tpu.memory_space<vmem>>
      %dma_wait3A_142 = tpu.memref_slice %arg5[%add3A_130] : memref<6400xi32, #tpu.memory_space<vmem>> -> memref<80xi32, #tpu.memory_space<vmem>>
      %dma_wait3A_143 = arith.constant 0 : i32
      %dma_wait3A_144 = arith.constant 0 : i32
      %dma_wait3A_145 = tpu.memref_slice %arg2[%dma_wait3A_143, %dma_wait3A_144] : memref<50000x256xf32, #tpu.memory_space<hbm>> -> memref<50000x256xf32, #tpu.memory_space<hbm>>
      tpu.wait_indirect_dma semaphore(%arg9 : memref<!tpu.dma_semaphore, #tpu.memory_space<semaphore_mem>>) src(%dma_wait3A_145 : memref<50000x256xf32, #tpu.memory_space<hbm>>) dst(%dma_wait3A_141 : memref<80x256xf32, #tpu.memory_space<vmem>>)
      %dma_wait3A_146 = arith.constant 1 : i32
      %dma_wait3A_147 = arith.constant 80 : i32
      %dma_wait3A_148 = arith.constant 0 : i32
      %dma_wait3A_149 = tpu.memref_slice %arg6[%dma_wait3A_146, %dma_wait3A_147, %dma_wait3A_148] : memref<2x160x256xf32, #tpu.memory_space<vmem>> -> memref<1x80x256xf32, #tpu.memory_space<vmem>>
      %dma_wait3A_150 = tpu.memref_squeeze %dma_wait3A_149 : memref<1x80x256xf32, #tpu.memory_space<vmem>> -> memref<80x256xf32, #tpu.memory_space<vmem>>
      %dma_wait3A_151 = tpu.memref_slice %arg5[%add3A_136] : memref<6400xi32, #tpu.memory_space<vmem>> -> memref<80xi32, #tpu.memory_space<vmem>>
      %dma_wait3A_152 = arith.constant 0 : i32
      %dma_wait3A_153 = arith.constant 0 : i32
      %dma_wait3A_154 = tpu.memref_slice %arg2[%dma_wait3A_152, %dma_wait3A_153] : memref<50000x256xf32, #tpu.memory_space<hbm>> -> memref<50000x256xf32, #tpu.memory_space<hbm>>
      tpu.wait_indirect_dma semaphore(%arg9 : memref<!tpu.dma_semaphore, #tpu.memory_space<semaphore_mem>>) src(%dma_wait3A_154 : memref<50000x256xf32, #tpu.memory_space<hbm>>) dst(%dma_wait3A_150 : memref<80x256xf32, #tpu.memory_space<vmem>>)
      %add3A_155 = arith.constant 1 : i32
      %add3A_156 = arith.addi %add3A_124, %add3A_155 : i32
      %lt3A_157 = arith.constant 40 : i32
      %lt3A_158 = arith.cmpi slt, %add3A_156, %lt3A_157 : i32
      %convert_element_type3A_159 = arith.extui %lt3A_158 : i1 to i32
      %cond3A_160 = arith.constant 0 : i32
      %cond3A_161 = arith.cmpi ne, %convert_element_type3A_159, %cond3A_160 : i32
      scf.if %cond3A_161 {
        %add3A_189 = arith.constant 1 : i32
        %add3A_190 = arith.addi %add3A_124, %add3A_189 : i32
        %mul3A_191 = arith.constant 16 : i32
        %mul3A_192 = arith.muli %add3A_190, %mul3A_191 : i32
        %mul3A_193 = arith.constant 10 : i32
        %mul3A_194 = arith.muli %mul3A_192, %mul3A_193 : i32
        %add3A_195 = arith.constant 0 : i32
        %add3A_196 = arith.addi %mul3A_194, %add3A_195 : i32
        %mul3A_197 = arith.constant 16 : i32
        %mul3A_198 = arith.muli %add3A_190, %mul3A_197 : i32
        %mul3A_199 = arith.constant 10 : i32
        %mul3A_200 = arith.muli %mul3A_198, %mul3A_199 : i32
        %add3A_201 = arith.constant 80 : i32
        %add3A_202 = arith.addi %mul3A_200, %add3A_201 : i32
        %dma_start3A_203 = arith.constant 0 : i32
        %dma_start3A_204 = arith.constant 0 : i32
        %dma_start3A_205 = arith.constant 0 : i32
        %dma_start3A_206 = tpu.memref_slice %arg6[%dma_start3A_203, %dma_start3A_204, %dma_start3A_205] : memref<2x160x256xf32, #tpu.memory_space<vmem>> -> memref<1x80x256xf32, #tpu.memory_space<vmem>>
        %dma_start3A_207 = tpu.memref_squeeze %dma_start3A_206 : memref<1x80x256xf32, #tpu.memory_space<vmem>> -> memref<80x256xf32, #tpu.memory_space<vmem>>
        %dma_start3A_208 = tpu.memref_slice %arg5[%add3A_196] : memref<6400xi32, #tpu.memory_space<vmem>> -> memref<80xi32, #tpu.memory_space<vmem>>
        %dma_start3A_209 = arith.constant 0 : i32
        %dma_start3A_210 = arith.constant 0 : i32
        %dma_start3A_211 = tpu.memref_slice %arg2[%dma_start3A_209, %dma_start3A_210] : memref<50000x256xf32, #tpu.memory_space<hbm>> -> memref<50000x256xf32, #tpu.memory_space<hbm>>
        tpu.enqueue_indirect_dma source(%dma_start3A_211 : memref<50000x256xf32, #tpu.memory_space<hbm>>) target(%dma_start3A_207 : memref<80x256xf32, #tpu.memory_space<vmem>>) offsets(%dma_start3A_208 : memref<80xi32, #tpu.memory_space<vmem>>) semaphore(%arg8 : memref<!tpu.dma_semaphore, #tpu.memory_space<semaphore_mem>>)
        %dma_start3A_212 = arith.constant 0 : i32
        %dma_start3A_213 = arith.constant 80 : i32
        %dma_start3A_214 = arith.constant 0 : i32
        %dma_start3A_215 = tpu.memref_slice %arg6[%dma_start3A_212, %dma_start3A_213, %dma_start3A_214] : memref<2x160x256xf32, #tpu.memory_space<vmem>> -> memref<1x80x256xf32, #tpu.memory_space<vmem>>
        %dma_start3A_216 = tpu.memref_squeeze %dma_start3A_215 : memref<1x80x256xf32, #tpu.memory_space<vmem>> -> memref<80x256xf32, #tpu.memory_space<vmem>>
        %dma_start3A_217 = tpu.memref_slice %arg5[%add3A_202] : memref<6400xi32, #tpu.memory_space<vmem>> -> memref<80xi32, #tpu.memory_space<vmem>>
        %dma_start3A_218 = arith.constant 0 : i32
        %dma_start3A_219 = arith.constant 0 : i32
        %dma_start3A_220 = tpu.memref_slice %arg2[%dma_start3A_218, %dma_start3A_219] : memref<50000x256xf32, #tpu.memory_space<hbm>> -> memref<50000x256xf32, #tpu.memory_space<hbm>>
        tpu.enqueue_indirect_dma source(%dma_start3A_220 : memref<50000x256xf32, #tpu.memory_space<hbm>>) target(%dma_start3A_216 : memref<80x256xf32, #tpu.memory_space<vmem>>) offsets(%dma_start3A_217 : memref<80xi32, #tpu.memory_space<vmem>>) semaphore(%arg8 : memref<!tpu.dma_semaphore, #tpu.memory_space<semaphore_mem>>)
      } else {
      }
      %ge3A_162 = arith.constant 2 : i32
      %ge3A_163 = arith.cmpi sge, %add3A_124, %ge3A_162 : i32
      %convert_element_type3A_164 = arith.extui %ge3A_163 : i1 to i32
      %cond3A_165 = arith.constant 0 : i32
      %cond3A_166 = arith.cmpi ne, %convert_element_type3A_164, %cond3A_165 : i32
      scf.if %cond3A_166 {
        %sub3A = arith.constant 2 : i32
        %sub3A_189 = arith.subi %add3A_124, %sub3A : i32
        %mul3A_190 = arith.constant 16 : i32
        %mul3A_191 = arith.muli %sub3A_189, %mul3A_190 : i32
        %add3A_192 = arith.addi %mul3A_2, %mul3A_191 : i32
        %dma_wait3A_193 = arith.constant 1 : i32
        %dma_wait3A_194 = arith.constant 0 : i32
        %dma_wait3A_195 = arith.constant 0 : i32
        %dma_wait3A_196 = tpu.memref_slice %arg7[%dma_wait3A_193, %dma_wait3A_194, %dma_wait3A_195] : memref<2x16x256xf32, #tpu.memory_space<vmem>> -> memref<1x16x256xf32, #tpu.memory_space<vmem>>
        %dma_wait3A_197 = tpu.memref_squeeze %dma_wait3A_196 : memref<1x16x256xf32, #tpu.memory_space<vmem>> -> memref<16x256xf32, #tpu.memory_space<vmem>>
        %dma_wait3A_198 = arith.constant 0 : i32
        %dma_wait3A_199 = tpu.memref_slice %arg4[%add3A_192, %dma_wait3A_198] : memref<20480x256xf32, #tpu.memory_space<hbm>> -> memref<16x256xf32, #tpu.memory_space<hbm>>
        %dma_wait3A_200 = arith.constant 0 : i32
        %dma_wait3A_201 = tpu.memref_slice %arg4[%add3A_192, %dma_wait3A_200] : memref<20480x256xf32, #tpu.memory_space<hbm>> -> memref<16x256xf32, #tpu.memory_space<hbm>>
        %dma_wait3A_202 = arith.constant 0 : i32
        %dma_wait3A_203 = arith.constant 0 : i32
        %dma_wait3A_204 = tpu.memref_slice %arg7[%dma_wait3A_193, %dma_wait3A_202, %dma_wait3A_203] : memref<2x16x256xf32, #tpu.memory_space<vmem>> -> memref<1x16x256xf32, #tpu.memory_space<vmem>>
        %dma_wait3A_205 = tpu.memref_squeeze %dma_wait3A_204 : memref<1x16x256xf32, #tpu.memory_space<vmem>> -> memref<16x256xf32, #tpu.memory_space<vmem>>
        tpu.wait_dma2 semaphore(%arg11 : memref<!tpu.dma_semaphore, #tpu.memory_space<semaphore_mem>>) src(%dma_wait3A_205 : memref<16x256xf32, #tpu.memory_space<vmem>>) dst(%dma_wait3A_201 : memref<16x256xf32, #tpu.memory_space<hbm>>)
      } else {
      }
      %scan3A_167 = arith.constant 0 : i32
      %scan3A_168 = arith.constant 0 : i32
      %scan3A_169 = arith.constant 16 : i32
      %scan3A_170 = arith.addi %scan3A_168, %scan3A_169 : i32
      %scan3A_171 = arith.constant 1 : i32
      scf.for %scan3A_189 = %scan3A_168 to %scan3A_170 step %scan3A_171  : i32 {
        %mul3A_190 = arith.constant 10 : i32
        %mul3A_191 = arith.muli %scan3A_189, %mul3A_190 : i32
        %get3A = arith.constant 1 : i32
        %get3A_192 = arith.index_cast %get3A : i32 to index
        %get3A_193 = arith.index_cast %mul3A_191 : i32 to index
        %get3A_194 = arith.constant 0 : index
        %get3A_195 = tpu.vector_load %arg6[%get3A_192, %get3A_193, %get3A_194] {strides = array<i32>} : memref<2x160x256xf32, #tpu.memory_space<vmem>>, vector<1x1x16xf32>,
        %get3A_196 = vector.shape_cast %get3A_195 : vector<1x1x16xf32> to vector<16xf32>
        %mul3A_197 = arith.constant 10 : i32
        %mul3A_198 = arith.muli %scan3A_189, %mul3A_197 : i32
        %add3A_199 = arith.constant 1 : i32
        %add3A_200 = arith.addi %mul3A_198, %add3A_199 : i32
        %get3A_201 = arith.constant 1 : i32
        %get3A_202 = arith.index_cast %get3A_201 : i32 to index
        %get3A_203 = arith.index_cast %add3A_200 : i32 to index
        %get3A_204 = arith.constant 0 : index
        %get3A_205 = tpu.vector_load %arg6[%get3A_202, %get3A_203, %get3A_204] {strides = array<i32>} : memref<2x160x256xf32, #tpu.memory_space<vmem>>, vector<1x1x16xf32>,
        %get3A_206 = vector.shape_cast %get3A_205 : vector<1x1x16xf32> to vector<16xf32>
        %add3A_207 = arith.addf %get3A_196, %get3A_206 : vector<16xf32>
        %mul3A_208 = arith.constant 10 : i32
        %mul3A_209 = arith.muli %scan3A_189, %mul3A_208 : i32
        %add3A_210 = arith.constant 2 : i32
        %add3A_211 = arith.addi %mul3A_209, %add3A_210 : i32
        %get3A_212 = arith.constant 1 : i32
        %get3A_213 = arith.index_cast %get3A_212 : i32 to index
        %get3A_214 = arith.index_cast %add3A_211 : i32 to index
        %get3A_215 = arith.constant 0 : index
        %get3A_216 = tpu.vector_load %arg6[%get3A_213, %get3A_214, %get3A_215] {strides = array<i32>} : memref<2x160x256xf32, #tpu.memory_space<vmem>>, vector<1x1x16xf32>,
        %get3A_217 = vector.shape_cast %get3A_216 : vector<1x1x16xf32> to vector<16xf32>
        %add3A_218 = arith.addf %add3A_207, %get3A_217 : vector<16xf32>
        %mul3A_219 = arith.constant 10 : i32
        %mul3A_220 = arith.muli %scan3A_189, %mul3A_219 : i32
        %add3A_221 = arith.constant 3 : i32
        %add3A_222 = arith.addi %mul3A_220, %add3A_221 : i32
        %get3A_223 = arith.constant 1 : i32
        %get3A_224 = arith.index_cast %get3A_223 : i32 to index
        %get3A_225 = arith.index_cast %add3A_222 : i32 to index
        %get3A_226 = arith.constant 0 : index
        %get3A_227 = tpu.vector_load %arg6[%get3A_224, %get3A_225, %get3A_226] {strides = array<i32>} : memref<2x160x256xf32, #tpu.memory_space<vmem>>, vector<1x1x16xf32>,
        %get3A_228 = vector.shape_cast %get3A_227 : vector<1x1x16xf32> to vector<16xf32>
        %add3A_229 = arith.addf %add3A_218, %get3A_228 : vector<16xf32>
        %mul3A_230 = arith.constant 10 : i32
        %mul3A_231 = arith.muli %scan3A_189, %mul3A_230 : i32
        %add3A_232 = arith.constant 4 : i32
        %add3A_233 = arith.addi %mul3A_231, %add3A_232 : i32
        %get3A_234 = arith.constant 1 : i32
        %get3A_235 = arith.index_cast %get3A_234 : i32 to index
        %get3A_236 = arith.index_cast %add3A_233 : i32 to index
        %get3A_237 = arith.constant 0 : index
        %get3A_238 = tpu.vector_load %arg6[%get3A_235, %get3A_236, %get3A_237] {strides = array<i32>} : memref<2x160x256xf32, #tpu.memory_space<vmem>>, vector<1x1x16xf32>,
        %get3A_239 = vector.shape_cast %get3A_238 : vector<1x1x16xf32> to vector<16xf32>
        %add3A_240 = arith.addf %add3A_229, %get3A_239 : vector<16xf32>
        %mul3A_241 = arith.constant 10 : i32
        %mul3A_242 = arith.muli %scan3A_189, %mul3A_241 : i32
        %add3A_243 = arith.constant 5 : i32
        %add3A_244 = arith.addi %mul3A_242, %add3A_243 : i32
        %get3A_245 = arith.constant 1 : i32
        %get3A_246 = arith.index_cast %get3A_245 : i32 to index
        %get3A_247 = arith.index_cast %add3A_244 : i32 to index
        %get3A_248 = arith.constant 0 : index
        %get3A_249 = tpu.vector_load %arg6[%get3A_246, %get3A_247, %get3A_248] {strides = array<i32>} : memref<2x160x256xf32, #tpu.memory_space<vmem>>, vector<1x1x16xf32>,
        %get3A_250 = vector.shape_cast %get3A_249 : vector<1x1x16xf32> to vector<16xf32>
        %add3A_251 = arith.addf %add3A_240, %get3A_250 : vector<16xf32>
        %mul3A_252 = arith.constant 10 : i32
        %mul3A_253 = arith.muli %scan3A_189, %mul3A_252 : i32
        %add3A_254 = arith.constant 6 : i32
        %add3A_255 = arith.addi %mul3A_253, %add3A_254 : i32
        %get3A_256 = arith.constant 1 : i32
        %get3A_257 = arith.index_cast %get3A_256 : i32 to index
        %get3A_258 = arith.index_cast %add3A_255 : i32 to index
        %get3A_259 = arith.constant 0 : index
        %get3A_260 = tpu.vector_load %arg6[%get3A_257, %get3A_258, %get3A_259] {strides = array<i32>} : memref<2x160x256xf32, #tpu.memory_space<vmem>>, vector<1x1x16xf32>,
        %get3A_261 = vector.shape_cast %get3A_260 : vector<1x1x16xf32> to vector<16xf32>
        %add3A_262 = arith.addf %add3A_251, %get3A_261 : vector<16xf32>
        %mul3A_263 = arith.constant 10 : i32
        %mul3A_264 = arith.muli %scan3A_189, %mul3A_263 : i32
        %add3A_265 = arith.constant 7 : i32
        %add3A_266 = arith.addi %mul3A_264, %add3A_265 : i32
        %get3A_267 = arith.constant 1 : i32
        %get3A_268 = arith.index_cast %get3A_267 : i32 to index
        %get3A_269 = arith.index_cast %add3A_266 : i32 to index
        %get3A_270 = arith.constant 0 : index
        %get3A_271 = tpu.vector_load %arg6[%get3A_268, %get3A_269, %get3A_270] {strides = array<i32>} : memref<2x160x256xf32, #tpu.memory_space<vmem>>, vector<1x1x16xf32>,
        %get3A_272 = vector.shape_cast %get3A_271 : vector<1x1x16xf32> to vector<16xf32>
        %add3A_273 = arith.addf %add3A_262, %get3A_272 : vector<16xf32>
        %mul3A_274 = arith.constant 10 : i32
        %mul3A_275 = arith.muli %scan3A_189, %mul3A_274 : i32
        %add3A_276 = arith.constant 8 : i32
        %add3A_277 = arith.addi %mul3A_275, %add3A_276 : i32
        %get3A_278 = arith.constant 1 : i32
        %get3A_279 = arith.index_cast %get3A_278 : i32 to index
        %get3A_280 = arith.index_cast %add3A_277 : i32 to index
        %get3A_281 = arith.constant 0 : index
        %get3A_282 = tpu.vector_load %arg6[%get3A_279, %get3A_280, %get3A_281] {strides = array<i32>} : memref<2x160x256xf32, #tpu.memory_space<vmem>>, vector<1x1x16xf32>,
        %get3A_283 = vector.shape_cast %get3A_282 : vector<1x1x16xf32> to vector<16xf32>
        %add3A_284 = arith.addf %add3A_273, %get3A_283 : vector<16xf32>
        %mul3A_285 = arith.constant 10 : i32
        %mul3A_286 = arith.muli %scan3A_189, %mul3A_285 : i32
        %add3A_287 = arith.constant 9 : i32
        %add3A_288 = arith.addi %mul3A_286, %add3A_287 : i32
        %get3A_289 = arith.constant 1 : i32
        %get3A_290 = arith.index_cast %get3A_289 : i32 to index
        %get3A_291 = arith.index_cast %add3A_288 : i32 to index
        %get3A_292 = arith.constant 0 : index
        %get3A_293 = tpu.vector_load %arg6[%get3A_290, %get3A_291, %get3A_292] {strides = array<i32>} : memref<2x160x256xf32, #tpu.memory_space<vmem>>, vector<1x1x16xf32>,
        %get3A_294 = vector.shape_cast %get3A_293 : vector<1x1x16xf32> to vector<16xf32>
        %add3A_295 = arith.addf %add3A_284, %get3A_294 : vector<16xf32>
        %swap3A = arith.constant 1 : i32
        %swap3A_296 = arith.index_cast %swap3A : i32 to index
        %swap3A_297 = arith.index_cast %scan3A_189 : i32 to index
        %swap3A_298 = arith.constant 0 : index
        %swap3A_299 = tpu.vector_load %arg7[%swap3A_296, %swap3A_297, %swap3A_298] {strides = array<i32>} : memref<2x16x256xf32, #tpu.memory_space<vmem>>, vector<1x1x16xf32>,
        %swap3A_300 = vector.shape_cast %swap3A_299 : vector<1x1x16xf32> to vector<16xf32>
        %swap3A_301 = vector.shape_cast %add3A_295 : vector<16xf32> to vector<1x1x16xf32>
        tpu.vector_store %arg7[%swap3A_296, %swap3A_297, %swap3A_298], %swap3A_301 {strides = array<i32>} : memref<2x16x256xf32, #tpu.memory_space<vmem>>, vector<1x1x16xf32>,
        %mul3A_302 = arith.constant 10 : i32
        %mul3A_303 = arith.muli %scan3A_189, %mul3A_302 : i32
        %get3A_304 = arith.constant 1 : i32
        %get3A_305 = arith.index_cast %get3A_304 : i32 to index
        %get3A_306 = arith.index_cast %mul3A_303 : i32 to index
        %get3A_307 = arith.constant 16 : index
        %get3A_308 = tpu.vector_load %arg6[%get3A_305, %get3A_306, %get3A_307] {strides = array<i32>} : memref<2x160x256xf32, #tpu.memory_space<vmem>>, vector<1x1x16xf32>,
        %get3A_309 = vector.shape_cast %get3A_308 : vector<1x1x16xf32> to vector<16xf32>
        %mul3A_310 = arith.constant 10 : i32
        %mul3A_311 = arith.muli %scan3A_189, %mul3A_310 : i32
        %add3A_312 = arith.constant 1 : i32
        %add3A_313 = arith.addi %mul3A_311, %add3A_312 : i32
        %get3A_314 = arith.constant 1 : i32
        %get3A_315 = arith.index_cast %get3A_314 : i32 to index
        %get3A_316 = arith.index_cast %add3A_313 : i32 to index
        %get3A_317 = arith.constant 16 : index
        %get3A_318 = tpu.vector_load %arg6[%get3A_315, %get3A_316, %get3A_317] {strides = array<i32>} : memref<2x160x256xf32, #tpu.memory_space<vmem>>, vector<1x1x16xf32>,
        %get3A_319 = vector.shape_cast %get3A_318 : vector<1x1x16xf32> to vector<16xf32>
        %add3A_320 = arith.addf %get3A_309, %get3A_319 : vector<16xf32>
        %mul3A_321 = arith.constant 10 : i32
        %mul3A_322 = arith.muli %scan3A_189, %mul3A_321 : i32
        %add3A_323 = arith.constant 2 : i32
        %add3A_324 = arith.addi %mul3A_322, %add3A_323 : i32
        %get3A_325 = arith.constant 1 : i32
        %get3A_326 = arith.index_cast %get3A_325 : i32 to index
        %get3A_327 = arith.index_cast %add3A_324 : i32 to index
        %get3A_328 = arith.constant 16 : index
        %get3A_329 = tpu.vector_load %arg6[%get3A_326, %get3A_327, %get3A_328] {strides = array<i32>} : memref<2x160x256xf32, #tpu.memory_space<vmem>>, vector<1x1x16xf32>,
        %get3A_330 = vector.shape_cast %get3A_329 : vector<1x1x16xf32> to vector<16xf32>
        %add3A_331 = arith.addf %add3A_320, %get3A_330 : vector<16xf32>
        %mul3A_332 = arith.constant 10 : i32
        %mul3A_333 = arith.muli %scan3A_189, %mul3A_332 : i32
        %add3A_334 = arith.constant 3 : i32
        %add3A_335 = arith.addi %mul3A_333, %add3A_334 : i32
        %get3A_336 = arith.constant 1 : i32
        %get3A_337 = arith.index_cast %get3A_336 : i32 to index
        %get3A_338 = arith.index_cast %add3A_335 : i32 to index
        %get3A_339 = arith.constant 16 : index
        %get3A_340 = tpu.vector_load %arg6[%get3A_337, %get3A_338, %get3A_339] {strides = array<i32>} : memref<2x160x256xf32, #tpu.memory_space<vmem>>, vector<1x1x16xf32>,
        %get3A_341 = vector.shape_cast %get3A_340 : vector<1x1x16xf32> to vector<16xf32>
        %add3A_342 = arith.addf %add3A_331, %get3A_341 : vector<16xf32>
        %mul3A_343 = arith.constant 10 : i32
        %mul3A_344 = arith.muli %scan3A_189, %mul3A_343 : i32
        %add3A_345 = arith.constant 4 : i32
        %add3A_346 = arith.addi %mul3A_344, %add3A_345 : i32
        %get3A_347 = arith.constant 1 : i32
        %get3A_348 = arith.index_cast %get3A_347 : i32 to index
        %get3A_349 = arith.index_cast %add3A_346 : i32 to index
        %get3A_350 = arith.constant 16 : index
        %get3A_351 = tpu.vector_load %arg6[%get3A_348, %get3A_349, %get3A_350] {strides = array<i32>} : memref<2x160x256xf32, #tpu.memory_space<vmem>>, vector<1x1x16xf32>,
        %get3A_352 = vector.shape_cast %get3A_351 : vector<1x1x16xf32> to vector<16xf32>
        %add3A_353 = arith.addf %add3A_342, %get3A_352 : vector<16xf32>
        %mul3A_354 = arith.constant 10 : i32
        %mul3A_355 = arith.muli %scan3A_189, %mul3A_354 : i32
        %add3A_356 = arith.constant 5 : i32
        %add3A_357 = arith.addi %mul3A_355, %add3A_356 : i32
        %get3A_358 = arith.constant 1 : i32
        %get3A_359 = arith.index_cast %get3A_358 : i32 to index
        %get3A_360 = arith.index_cast %add3A_357 : i32 to index
        %get3A_361 = arith.constant 16 : index
        %get3A_362 = tpu.vector_load %arg6[%get3A_359, %get3A_360, %get3A_361] {strides = array<i32>} : memref<2x160x256xf32, #tpu.memory_space<vmem>>, vector<1x1x16xf32>,
        %get3A_363 = vector.shape_cast %get3A_362 : vector<1x1x16xf32> to vector<16xf32>
        %add3A_364 = arith.addf %add3A_353, %get3A_363 : vector<16xf32>
        %mul3A_365 = arith.constant 10 : i32
        %mul3A_366 = arith.muli %scan3A_189, %mul3A_365 : i32
        %add3A_367 = arith.constant 6 : i32
        %add3A_368 = arith.addi %mul3A_366, %add3A_367 : i32
        %get3A_369 = arith.constant 1 : i32
        %get3A_370 = arith.index_cast %get3A_369 : i32 to index
        %get3A_371 = arith.index_cast %add3A_368 : i32 to index
        %get3A_372 = arith.constant 16 : index
        %get3A_373 = tpu.vector_load %arg6[%get3A_370, %get3A_371, %get3A_372] {strides = array<i32>} : memref<2x160x256xf32, #tpu.memory_space<vmem>>, vector<1x1x16xf32>,
        %get3A_374 = vector.shape_cast %get3A_373 : vector<1x1x16xf32> to vector<16xf32>
        %add3A_375 = arith.addf %add3A_364, %get3A_374 : vector<16xf32>
        %mul3A_376 = arith.constant 10 : i32
        %mul3A_377 = arith.muli %scan3A_189, %mul3A_376 : i32
        %add3A_378 = arith.constant 7 : i32
        %add3A_379 = arith.addi %mul3A_377, %add3A_378 : i32
        %get3A_380 = arith.constant 1 : i32
        %get3A_381 = arith.index_cast %get3A_380 : i32 to index
        %get3A_382 = arith.index_cast %add3A_379 : i32 to index
        %get3A_383 = arith.constant 16 : index
        %get3A_384 = tpu.vector_load %arg6[%get3A_381, %get3A_382, %get3A_383] {strides = array<i32>} : memref<2x160x256xf32, #tpu.memory_space<vmem>>, vector<1x1x16xf32>,
        %get3A_385 = vector.shape_cast %get3A_384 : vector<1x1x16xf32> to vector<16xf32>
        %add3A_386 = arith.addf %add3A_375, %get3A_385 : vector<16xf32>
        %mul3A_387 = arith.constant 10 : i32
        %mul3A_388 = arith.muli %scan3A_189, %mul3A_387 : i32
        %add3A_389 = arith.constant 8 : i32
        %add3A_390 = arith.addi %mul3A_388, %add3A_389 : i32
        %get3A_391 = arith.constant 1 : i32
        %get3A_392 = arith.index_cast %get3A_391 : i32 to index
        %get3A_393 = arith.index_cast %add3A_390 : i32 to index
        %get3A_394 = arith.constant 16 : index
        %get3A_395 = tpu.vector_load %arg6[%get3A_392, %get3A_393, %get3A_394] {strides = array<i32>} : memref<2x160x256xf32, #tpu.memory_space<vmem>>, vector<1x1x16xf32>,
        %get3A_396 = vector.shape_cast %get3A_395 : vector<1x1x16xf32> to vector<16xf32>
        %add3A_397 = arith.addf %add3A_386, %get3A_396 : vector<16xf32>
        %mul3A_398 = arith.constant 10 : i32
        %mul3A_399 = arith.muli %scan3A_189, %mul3A_398 : i32
        %add3A_400 = arith.constant 9 : i32
        %add3A_401 = arith.addi %mul3A_399, %add3A_400 : i32
        %get3A_402 = arith.constant 1 : i32
        %get3A_403 = arith.index_cast %get3A_402 : i32 to index
        %get3A_404 = arith.index_cast %add3A_401 : i32 to index
        %get3A_405 = arith.constant 16 : index
        %get3A_406 = tpu.vector_load %arg6[%get3A_403, %get3A_404, %get3A_405] {strides = array<i32>} : memref<2x160x256xf32, #tpu.memory_space<vmem>>, vector<1x1x16xf32>,
        %get3A_407 = vector.shape_cast %get3A_406 : vector<1x1x16xf32> to vector<16xf32>
        %add3A_408 = arith.addf %add3A_397, %get3A_407 : vector<16xf32>
        %swap3A_409 = arith.constant 1 : i32
        %swap3A_410 = arith.index_cast %swap3A_409 : i32 to index
        %swap3A_411 = arith.index_cast %scan3A_189 : i32 to index
        %swap3A_412 = arith.constant 16 : index
        %swap3A_413 = tpu.vector_load %arg7[%swap3A_410, %swap3A_411, %swap3A_412] {strides = array<i32>} : memref<2x16x256xf32, #tpu.memory_space<vmem>>, vector<1x1x16xf32>,
        %swap3A_414 = vector.shape_cast %swap3A_413 : vector<1x1x16xf32> to vector<16xf32>
        %swap3A_415 = vector.shape_cast %add3A_408 : vector<16xf32> to vector<1x1x16xf32>
        tpu.vector_store %arg7[%swap3A_410, %swap3A_411, %swap3A_412], %swap3A_415 {strides = array<i32>} : memref<2x16x256xf32, #tpu.memory_space<vmem>>, vector<1x1x16xf32>,
        %mul3A_416 = arith.constant 10 : i32
        %mul3A_417 = arith.muli %scan3A_189, %mul3A_416 : i32
        %get3A_418 = arith.constant 1 : i32
        %get3A_419 = arith.index_cast %get3A_418 : i32 to index
        %get3A_420 = arith.index_cast %mul3A_417 : i32 to index
        %get3A_421 = arith.constant 32 : index
        %get3A_422 = tpu.vector_load %arg6[%get3A_419, %get3A_420, %get3A_421] {strides = array<i32>} : memref<2x160x256xf32, #tpu.memory_space<vmem>>, vector<1x1x16xf32>,
        %get3A_423 = vector.shape_cast %get3A_422 : vector<1x1x16xf32> to vector<16xf32>
        %mul3A_424 = arith.constant 10 : i32
        %mul3A_425 = arith.muli %scan3A_189, %mul3A_424 : i32
        %add3A_426 = arith.constant 1 : i32
        %add3A_427 = arith.addi %mul3A_425, %add3A_426 : i32
        %get3A_428 = arith.constant 1 : i32
        %get3A_429 = arith.index_cast %get3A_428 : i32 to index
        %get3A_430 = arith.index_cast %add3A_427 : i32 to index
        %get3A_431 = arith.constant 32 : index
        %get3A_432 = tpu.vector_load %arg6[%get3A_429, %get3A_430, %get3A_431] {strides = array<i32>} : memref<2x160x256xf32, #tpu.memory_space<vmem>>, vector<1x1x16xf32>,
        %get3A_433 = vector.shape_cast %get3A_432 : vector<1x1x16xf32> to vector<16xf32>
        %add3A_434 = arith.addf %get3A_423, %get3A_433 : vector<16xf32>
        %mul3A_435 = arith.constant 10 : i32
        %mul3A_436 = arith.muli %scan3A_189, %mul3A_435 : i32
        %add3A_437 = arith.constant 2 : i32
        %add3A_438 = arith.addi %mul3A_436, %add3A_437 : i32
        %get3A_439 = arith.constant 1 : i32
        %get3A_440 = arith.index_cast %get3A_439 : i32 to index
        %get3A_441 = arith.index_cast %add3A_438 : i32 to index
        %get3A_442 = arith.constant 32 : index
        %get3A_443 = tpu.vector_load %arg6[%get3A_440, %get3A_441, %get3A_442] {strides = array<i32>} : memref<2x160x256xf32, #tpu.memory_space<vmem>>, vector<1x1x16xf32>,
        %get3A_444 = vector.shape_cast %get3A_443 : vector<1x1x16xf32> to vector<16xf32>
        %add3A_445 = arith.addf %add3A_434, %get3A_444 : vector<16xf32>
        %mul3A_446 = arith.constant 10 : i32
        %mul3A_447 = arith.muli %scan3A_189, %mul3A_446 : i32
        %add3A_448 = arith.constant 3 : i32
        %add3A_449 = arith.addi %mul3A_447, %add3A_448 : i32
        %get3A_450 = arith.constant 1 : i32
        %get3A_451 = arith.index_cast %get3A_450 : i32 to index
        %get3A_452 = arith.index_cast %add3A_449 : i32 to index
        %get3A_453 = arith.constant 32 : index
        %get3A_454 = tpu.vector_load %arg6[%get3A_451, %get3A_452, %get3A_453] {strides = array<i32>} : memref<2x160x256xf32, #tpu.memory_space<vmem>>, vector<1x1x16xf32>,
        %get3A_455 = vector.shape_cast %get3A_454 : vector<1x1x16xf32> to vector<16xf32>
        %add3A_456 = arith.addf %add3A_445, %get3A_455 : vector<16xf32>
        %mul3A_457 = arith.constant 10 : i32
        %mul3A_458 = arith.muli %scan3A_189, %mul3A_457 : i32
        %add3A_459 = arith.constant 4 : i32
        %add3A_460 = arith.addi %mul3A_458, %add3A_459 : i32
        %get3A_461 = arith.constant 1 : i32
        %get3A_462 = arith.index_cast %get3A_461 : i32 to index
        %get3A_463 = arith.index_cast %add3A_460 : i32 to index
        %get3A_464 = arith.constant 32 : index
        %get3A_465 = tpu.vector_load %arg6[%get3A_462, %get3A_463, %get3A_464] {strides = array<i32>} : memref<2x160x256xf32, #tpu.memory_space<vmem>>, vector<1x1x16xf32>,
        %get3A_466 = vector.shape_cast %get3A_465 : vector<1x1x16xf32> to vector<16xf32>
        %add3A_467 = arith.addf %add3A_456, %get3A_466 : vector<16xf32>
        %mul3A_468 = arith.constant 10 : i32
        %mul3A_469 = arith.muli %scan3A_189, %mul3A_468 : i32
        %add3A_470 = arith.constant 5 : i32
        %add3A_471 = arith.addi %mul3A_469, %add3A_470 : i32
        %get3A_472 = arith.constant 1 : i32
        %get3A_473 = arith.index_cast %get3A_472 : i32 to index
        %get3A_474 = arith.index_cast %add3A_471 : i32 to index
        %get3A_475 = arith.constant 32 : index
        %get3A_476 = tpu.vector_load %arg6[%get3A_473, %get3A_474, %get3A_475] {strides = array<i32>} : memref<2x160x256xf32, #tpu.memory_space<vmem>>, vector<1x1x16xf32>,
        %get3A_477 = vector.shape_cast %get3A_476 : vector<1x1x16xf32> to vector<16xf32>
        %add3A_478 = arith.addf %add3A_467, %get3A_477 : vector<16xf32>
        %mul3A_479 = arith.constant 10 : i32
        %mul3A_480 = arith.muli %scan3A_189, %mul3A_479 : i32
        %add3A_481 = arith.constant 6 : i32
        %add3A_482 = arith.addi %mul3A_480, %add3A_481 : i32
        %get3A_483 = arith.constant 1 : i32
        %get3A_484 = arith.index_cast %get3A_483 : i32 to index
        %get3A_485 = arith.index_cast %add3A_482 : i32 to index
        %get3A_486 = arith.constant 32 : index
        %get3A_487 = tpu.vector_load %arg6[%get3A_484, %get3A_485, %get3A_486] {strides = array<i32>} : memref<2x160x256xf32, #tpu.memory_space<vmem>>, vector<1x1x16xf32>,
        %get3A_488 = vector.shape_cast %get3A_487 : vector<1x1x16xf32> to vector<16xf32>
        %add3A_489 = arith.addf %add3A_478, %get3A_488 : vector<16xf32>
        %mul3A_490 = arith.constant 10 : i32
        %mul3A_491 = arith.muli %scan3A_189, %mul3A_490 : i32
        %add3A_492 = arith.constant 7 : i32
        %add3A_493 = arith.addi %mul3A_491, %add3A_492 : i32
        %get3A_494 = arith.constant 1 : i32
        %get3A_495 = arith.index_cast %get3A_494 : i32 to index
        %get3A_496 = arith.index_cast %add3A_493 : i32 to index
        %get3A_497 = arith.constant 32 : index
        %get3A_498 = tpu.vector_load %arg6[%get3A_495, %get3A_496, %get3A_497] {strides = array<i32>} : memref<2x160x256xf32, #tpu.memory_space<vmem>>, vector<1x1x16xf32>,
        %get3A_499 = vector.shape_cast %get3A_498 : vector<1x1x16xf32> to vector<16xf32>
        %add3A_500 = arith.addf %add3A_489, %get3A_499 : vector<16xf32>
        %mul3A_501 = arith.constant 10 : i32
        %mul3A_502 = arith.muli %scan3A_189, %mul3A_501 : i32
        %add3A_503 = arith.constant 8 : i32
        %add3A_504 = arith.addi %mul3A_502, %add3A_503 : i32
        %get3A_505 = arith.constant 1 : i32
        %get3A_506 = arith.index_cast %get3A_505 : i32 to index
        %get3A_507 = arith.index_cast %add3A_504 : i32 to index
        %get3A_508 = arith.constant 32 : index
        %get3A_509 = tpu.vector_load %arg6[%get3A_506, %get3A_507, %get3A_508] {strides = array<i32>} : memref<2x160x256xf32, #tpu.memory_space<vmem>>, vector<1x1x16xf32>,
        %get3A_510 = vector.shape_cast %get3A_509 : vector<1x1x16xf32> to vector<16xf32>
        %add3A_511 = arith.addf %add3A_500, %get3A_510 : vector<16xf32>
        %mul3A_512 = arith.constant 10 : i32
        %mul3A_513 = arith.muli %scan3A_189, %mul3A_512 : i32
        %add3A_514 = arith.constant 9 : i32
        %add3A_515 = arith.addi %mul3A_513, %add3A_514 : i32
        %get3A_516 = arith.constant 1 : i32
        %get3A_517 = arith.index_cast %get3A_516 : i32 to index
        %get3A_518 = arith.index_cast %add3A_515 : i32 to index
        %get3A_519 = arith.constant 32 : index
        %get3A_520 = tpu.vector_load %arg6[%get3A_517, %get3A_518, %get3A_519] {strides = array<i32>} : memref<2x160x256xf32, #tpu.memory_space<vmem>>, vector<1x1x16xf32>,
        %get3A_521 = vector.shape_cast %get3A_520 : vector<1x1x16xf32> to vector<16xf32>
        %add3A_522 = arith.addf %add3A_511, %get3A_521 : vector<16xf32>
        %swap3A_523 = arith.constant 1 : i32
        %swap3A_524 = arith.index_cast %swap3A_523 : i32 to index
        %swap3A_525 = arith.index_cast %scan3A_189 : i32 to index
        %swap3A_526 = arith.constant 32 : index
        %swap3A_527 = tpu.vector_load %arg7[%swap3A_524, %swap3A_525, %swap3A_526] {strides = array<i32>} : memref<2x16x256xf32, #tpu.memory_space<vmem>>, vector<1x1x16xf32>,
        %swap3A_528 = vector.shape_cast %swap3A_527 : vector<1x1x16xf32> to vector<16xf32>
        %swap3A_529 = vector.shape_cast %add3A_522 : vector<16xf32> to vector<1x1x16xf32>
        tpu.vector_store %arg7[%swap3A_524, %swap3A_525, %swap3A_526], %swap3A_529 {strides = array<i32>} : memref<2x16x256xf32, #tpu.memory_space<vmem>>, vector<1x1x16xf32>,
        %mul3A_530 = arith.constant 10 : i32
        %mul3A_531 = arith.muli %scan3A_189, %mul3A_530 : i32
        %get3A_532 = arith.constant 1 : i32
        %get3A_533 = arith.index_cast %get3A_532 : i32 to index
        %get3A_534 = arith.index_cast %mul3A_531 : i32 to index
        %get3A_535 = arith.constant 48 : index
        %get3A_536 = tpu.vector_load %arg6[%get3A_533, %get3A_534, %get3A_535] {strides = array<i32>} : memref<2x160x256xf32, #tpu.memory_space<vmem>>, vector<1x1x16xf32>,
        %get3A_537 = vector.shape_cast %get3A_536 : vector<1x1x16xf32> to vector<16xf32>
        %mul3A_538 = arith.constant 10 : i32
        %mul3A_539 = arith.muli %scan3A_189, %mul3A_538 : i32
        %add3A_540 = arith.constant 1 : i32
        %add3A_541 = arith.addi %mul3A_539, %add3A_540 : i32
        %get3A_542 = arith.constant 1 : i32
        %get3A_543 = arith.index_cast %get3A_542 : i32 to index
        %get3A_544 = arith.index_cast %add3A_541 : i32 to index
        %get3A_545 = arith.constant 48 : index
        %get3A_546 = tpu.vector_load %arg6[%get3A_543, %get3A_544, %get3A_545] {strides = array<i32>} : memref<2x160x256xf32, #tpu.memory_space<vmem>>, vector<1x1x16xf32>,
        %get3A_547 = vector.shape_cast %get3A_546 : vector<1x1x16xf32> to vector<16xf32>
        %add3A_548 = arith.addf %get3A_537, %get3A_547 : vector<16xf32>
        %mul3A_549 = arith.constant 10 : i32
        %mul3A_550 = arith.muli %scan3A_189, %mul3A_549 : i32
        %add3A_551 = arith.constant 2 : i32
        %add3A_552 = arith.addi %mul3A_550, %add3A_551 : i32
        %get3A_553 = arith.constant 1 : i32
        %get3A_554 = arith.index_cast %get3A_553 : i32 to index
        %get3A_555 = arith.index_cast %add3A_552 : i32 to index
        %get3A_556 = arith.constant 48 : index
        %get3A_557 = tpu.vector_load %arg6[%get3A_554, %get3A_555, %get3A_556] {strides = array<i32>} : memref<2x160x256xf32, #tpu.memory_space<vmem>>, vector<1x1x16xf32>,
        %get3A_558 = vector.shape_cast %get3A_557 : vector<1x1x16xf32> to vector<16xf32>
        %add3A_559 = arith.addf %add3A_548, %get3A_558 : vector<16xf32>
        %mul3A_560 = arith.constant 10 : i32
        %mul3A_561 = arith.muli %scan3A_189, %mul3A_560 : i32
        %add3A_562 = arith.constant 3 : i32
        %add3A_563 = arith.addi %mul3A_561, %add3A_562 : i32
        %get3A_564 = arith.constant 1 : i32
        %get3A_565 = arith.index_cast %get3A_564 : i32 to index
        %get3A_566 = arith.index_cast %add3A_563 : i32 to index
        %get3A_567 = arith.constant 48 : index
        %get3A_568 = tpu.vector_load %arg6[%get3A_565, %get3A_566, %get3A_567] {strides = array<i32>} : memref<2x160x256xf32, #tpu.memory_space<vmem>>, vector<1x1x16xf32>,
        %get3A_569 = vector.shape_cast %get3A_568 : vector<1x1x16xf32> to vector<16xf32>
        %add3A_570 = arith.addf %add3A_559, %get3A_569 : vector<16xf32>
        %mul3A_571 = arith.constant 10 : i32
        %mul3A_572 = arith.muli %scan3A_189, %mul3A_571 : i32
        %add3A_573 = arith.constant 4 : i32
        %add3A_574 = arith.addi %mul3A_572, %add3A_573 : i32
        %get3A_575 = arith.constant 1 : i32
        %get3A_576 = arith.index_cast %get3A_575 : i32 to index
        %get3A_577 = arith.index_cast %add3A_574 : i32 to index
        %get3A_578 = arith.constant 48 : index
        %get3A_579 = tpu.vector_load %arg6[%get3A_576, %get3A_577, %get3A_578] {strides = array<i32>} : memref<2x160x256xf32, #tpu.memory_space<vmem>>, vector<1x1x16xf32>,
        %get3A_580 = vector.shape_cast %get3A_579 : vector<1x1x16xf32> to vector<16xf32>
        %add3A_581 = arith.addf %add3A_570, %get3A_580 : vector<16xf32>
        %mul3A_582 = arith.constant 10 : i32
        %mul3A_583 = arith.muli %scan3A_189, %mul3A_582 : i32
        %add3A_584 = arith.constant 5 : i32
        %add3A_585 = arith.addi %mul3A_583, %add3A_584 : i32
        %get3A_586 = arith.constant 1 : i32
        %get3A_587 = arith.index_cast %get3A_586 : i32 to index
        %get3A_588 = arith.index_cast %add3A_585 : i32 to index
        %get3A_589 = arith.constant 48 : index
        %get3A_590 = tpu.vector_load %arg6[%get3A_587, %get3A_588, %get3A_589] {strides = array<i32>} : memref<2x160x256xf32, #tpu.memory_space<vmem>>, vector<1x1x16xf32>,
        %get3A_591 = vector.shape_cast %get3A_590 : vector<1x1x16xf32> to vector<16xf32>
        %add3A_592 = arith.addf %add3A_581, %get3A_591 : vector<16xf32>
        %mul3A_593 = arith.constant 10 : i32
        %mul3A_594 = arith.muli %scan3A_189, %mul3A_593 : i32
        %add3A_595 = arith.constant 6 : i32
        %add3A_596 = arith.addi %mul3A_594, %add3A_595 : i32
        %get3A_597 = arith.constant 1 : i32
        %get3A_598 = arith.index_cast %get3A_597 : i32 to index
        %get3A_599 = arith.index_cast %add3A_596 : i32 to index
        %get3A_600 = arith.constant 48 : index
        %get3A_601 = tpu.vector_load %arg6[%get3A_598, %get3A_599, %get3A_600] {strides = array<i32>} : memref<2x160x256xf32, #tpu.memory_space<vmem>>, vector<1x1x16xf32>,
        %get3A_602 = vector.shape_cast %get3A_601 : vector<1x1x16xf32> to vector<16xf32>
        %add3A_603 = arith.addf %add3A_592, %get3A_602 : vector<16xf32>
        %mul3A_604 = arith.constant 10 : i32
        %mul3A_605 = arith.muli %scan3A_189, %mul3A_604 : i32
        %add3A_606 = arith.constant 7 : i32
        %add3A_607 = arith.addi %mul3A_605, %add3A_606 : i32
        %get3A_608 = arith.constant 1 : i32
        %get3A_609 = arith.index_cast %get3A_608 : i32 to index
        %get3A_610 = arith.index_cast %add3A_607 : i32 to index
        %get3A_611 = arith.constant 48 : index
        %get3A_612 = tpu.vector_load %arg6[%get3A_609, %get3A_610, %get3A_611] {strides = array<i32>} : memref<2x160x256xf32, #tpu.memory_space<vmem>>, vector<1x1x16xf32>,
        %get3A_613 = vector.shape_cast %get3A_612 : vector<1x1x16xf32> to vector<16xf32>
        %add3A_614 = arith.addf %add3A_603, %get3A_613 : vector<16xf32>
        %mul3A_615 = arith.constant 10 : i32
        %mul3A_616 = arith.muli %scan3A_189, %mul3A_615 : i32
        %add3A_617 = arith.constant 8 : i32
        %add3A_618 = arith.addi %mul3A_616, %add3A_617 : i32
        %get3A_619 = arith.constant 1 : i32
        %get3A_620 = arith.index_cast %get3A_619 : i32 to index
        %get3A_621 = arith.index_cast %add3A_618 : i32 to index
        %get3A_622 = arith.constant 48 : index
        %get3A_623 = tpu.vector_load %arg6[%get3A_620, %get3A_621, %get3A_622] {strides = array<i32>} : memref<2x160x256xf32, #tpu.memory_space<vmem>>, vector<1x1x16xf32>,
        %get3A_624 = vector.shape_cast %get3A_623 : vector<1x1x16xf32> to vector<16xf32>
        %add3A_625 = arith.addf %add3A_614, %get3A_624 : vector<16xf32>
        %mul3A_626 = arith.constant 10 : i32
        %mul3A_627 = arith.muli %scan3A_189, %mul3A_626 : i32
        %add3A_628 = arith.constant 9 : i32
        %add3A_629 = arith.addi %mul3A_627, %add3A_628 : i32
        %get3A_630 = arith.constant 1 : i32
        %get3A_631 = arith.index_cast %get3A_630 : i32 to index
        %get3A_632 = arith.index_cast %add3A_629 : i32 to index
        %get3A_633 = arith.constant 48 : index
        %get3A_634 = tpu.vector_load %arg6[%get3A_631, %get3A_632, %get3A_633] {strides = array<i32>} : memref<2x160x256xf32, #tpu.memory_space<vmem>>, vector<1x1x16xf32>,
        %get3A_635 = vector.shape_cast %get3A_634 : vector<1x1x16xf32> to vector<16xf32>
        %add3A_636 = arith.addf %add3A_625, %get3A_635 : vector<16xf32>
        %swap3A_637 = arith.constant 1 : i32
        %swap3A_638 = arith.index_cast %swap3A_637 : i32 to index
        %swap3A_639 = arith.index_cast %scan3A_189 : i32 to index
        %swap3A_640 = arith.constant 48 : index
        %swap3A_641 = tpu.vector_load %arg7[%swap3A_638, %swap3A_639, %swap3A_640] {strides = array<i32>} : memref<2x16x256xf32, #tpu.memory_space<vmem>>, vector<1x1x16xf32>,
        %swap3A_642 = vector.shape_cast %swap3A_641 : vector<1x1x16xf32> to vector<16xf32>
        %swap3A_643 = vector.shape_cast %add3A_636 : vector<16xf32> to vector<1x1x16xf32>
        tpu.vector_store %arg7[%swap3A_638, %swap3A_639, %swap3A_640], %swap3A_643 {strides = array<i32>} : memref<2x16x256xf32, #tpu.memory_space<vmem>>, vector<1x1x16xf32>,
        %mul3A_644 = arith.constant 10 : i32
        %mul3A_645 = arith.muli %scan3A_189, %mul3A_644 : i32
        %get3A_646 = arith.constant 1 : i32
        %get3A_647 = arith.index_cast %get3A_646 : i32 to index
        %get3A_648 = arith.index_cast %mul3A_645 : i32 to index
        %get3A_649 = arith.constant 64 : index
        %get3A_650 = tpu.vector_load %arg6[%get3A_647, %get3A_648, %get3A_649] {strides = array<i32>} : memref<2x160x256xf32, #tpu.memory_space<vmem>>, vector<1x1x16xf32>,
        %get3A_651 = vector.shape_cast %get3A_650 : vector<1x1x16xf32> to vector<16xf32>
        %mul3A_652 = arith.constant 10 : i32
        %mul3A_653 = arith.muli %scan3A_189, %mul3A_652 : i32
        %add3A_654 = arith.constant 1 : i32
        %add3A_655 = arith.addi %mul3A_653, %add3A_654 : i32
        %get3A_656 = arith.constant 1 : i32
        %get3A_657 = arith.index_cast %get3A_656 : i32 to index
        %get3A_658 = arith.index_cast %add3A_655 : i32 to index
        %get3A_659 = arith.constant 64 : index
        %get3A_660 = tpu.vector_load %arg6[%get3A_657, %get3A_658, %get3A_659] {strides = array<i32>} : memref<2x160x256xf32, #tpu.memory_space<vmem>>, vector<1x1x16xf32>,
        %get3A_661 = vector.shape_cast %get3A_660 : vector<1x1x16xf32> to vector<16xf32>
        %add3A_662 = arith.addf %get3A_651, %get3A_661 : vector<16xf32>
        %mul3A_663 = arith.constant 10 : i32
        %mul3A_664 = arith.muli %scan3A_189, %mul3A_663 : i32
        %add3A_665 = arith.constant 2 : i32
        %add3A_666 = arith.addi %mul3A_664, %add3A_665 : i32
        %get3A_667 = arith.constant 1 : i32
        %get3A_668 = arith.index_cast %get3A_667 : i32 to index
        %get3A_669 = arith.index_cast %add3A_666 : i32 to index
        %get3A_670 = arith.constant 64 : index
        %get3A_671 = tpu.vector_load %arg6[%get3A_668, %get3A_669, %get3A_670] {strides = array<i32>} : memref<2x160x256xf32, #tpu.memory_space<vmem>>, vector<1x1x16xf32>,
        %get3A_672 = vector.shape_cast %get3A_671 : vector<1x1x16xf32> to vector<16xf32>
        %add3A_673 = arith.addf %add3A_662, %get3A_672 : vector<16xf32>
        %mul3A_674 = arith.constant 10 : i32
        %mul3A_675 = arith.muli %scan3A_189, %mul3A_674 : i32
        %add3A_676 = arith.constant 3 : i32
        %add3A_677 = arith.addi %mul3A_675, %add3A_676 : i32
        %get3A_678 = arith.constant 1 : i32
        %get3A_679 = arith.index_cast %get3A_678 : i32 to index
        %get3A_680 = arith.index_cast %add3A_677 : i32 to index
        %get3A_681 = arith.constant 64 : index
        %get3A_682 = tpu.vector_load %arg6[%get3A_679, %get3A_680, %get3A_681] {strides = array<i32>} : memref<2x160x256xf32, #tpu.memory_space<vmem>>, vector<1x1x16xf32>,
        %get3A_683 = vector.shape_cast %get3A_682 : vector<1x1x16xf32> to vector<16xf32>
        %add3A_684 = arith.addf %add3A_673, %get3A_683 : vector<16xf32>
        %mul3A_685 = arith.constant 10 : i32
        %mul3A_686 = arith.muli %scan3A_189, %mul3A_685 : i32
        %add3A_687 = arith.constant 4 : i32
        %add3A_688 = arith.addi %mul3A_686, %add3A_687 : i32
        %get3A_689 = arith.constant 1 : i32
        %get3A_690 = arith.index_cast %get3A_689 : i32 to index
        %get3A_691 = arith.index_cast %add3A_688 : i32 to index
        %get3A_692 = arith.constant 64 : index
        %get3A_693 = tpu.vector_load %arg6[%get3A_690, %get3A_691, %get3A_692] {strides = array<i32>} : memref<2x160x256xf32, #tpu.memory_space<vmem>>, vector<1x1x16xf32>,
        %get3A_694 = vector.shape_cast %get3A_693 : vector<1x1x16xf32> to vector<16xf32>
        %add3A_695 = arith.addf %add3A_684, %get3A_694 : vector<16xf32>
        %mul3A_696 = arith.constant 10 : i32
        %mul3A_697 = arith.muli %scan3A_189, %mul3A_696 : i32
        %add3A_698 = arith.constant 5 : i32
        %add3A_699 = arith.addi %mul3A_697, %add3A_698 : i32
        %get3A_700 = arith.constant 1 : i32
        %get3A_701 = arith.index_cast %get3A_700 : i32 to index
        %get3A_702 = arith.index_cast %add3A_699 : i32 to index
        %get3A_703 = arith.constant 64 : index
        %get3A_704 = tpu.vector_load %arg6[%get3A_701, %get3A_702, %get3A_703] {strides = array<i32>} : memref<2x160x256xf32, #tpu.memory_space<vmem>>, vector<1x1x16xf32>,
        %get3A_705 = vector.shape_cast %get3A_704 : vector<1x1x16xf32> to vector<16xf32>
        %add3A_706 = arith.addf %add3A_695, %get3A_705 : vector<16xf32>
        %mul3A_707 = arith.constant 10 : i32
        %mul3A_708 = arith.muli %scan3A_189, %mul3A_707 : i32
        %add3A_709 = arith.constant 6 : i32
        %add3A_710 = arith.addi %mul3A_708, %add3A_709 : i32
        %get3A_711 = arith.constant 1 : i32
        %get3A_712 = arith.index_cast %get3A_711 : i32 to index
        %get3A_713 = arith.index_cast %add3A_710 : i32 to index
        %get3A_714 = arith.constant 64 : index
        %get3A_715 = tpu.vector_load %arg6[%get3A_712, %get3A_713, %get3A_714] {strides = array<i32>} : memref<2x160x256xf32, #tpu.memory_space<vmem>>, vector<1x1x16xf32>,
        %get3A_716 = vector.shape_cast %get3A_715 : vector<1x1x16xf32> to vector<16xf32>
        %add3A_717 = arith.addf %add3A_706, %get3A_716 : vector<16xf32>
        %mul3A_718 = arith.constant 10 : i32
        %mul3A_719 = arith.muli %scan3A_189, %mul3A_718 : i32
        %add3A_720 = arith.constant 7 : i32
        %add3A_721 = arith.addi %mul3A_719, %add3A_720 : i32
        %get3A_722 = arith.constant 1 : i32
        %get3A_723 = arith.index_cast %get3A_722 : i32 to index
        %get3A_724 = arith.index_cast %add3A_721 : i32 to index
        %get3A_725 = arith.constant 64 : index
        %get3A_726 = tpu.vector_load %arg6[%get3A_723, %get3A_724, %get3A_725] {strides = array<i32>} : memref<2x160x256xf32, #tpu.memory_space<vmem>>, vector<1x1x16xf32>,
        %get3A_727 = vector.shape_cast %get3A_726 : vector<1x1x16xf32> to vector<16xf32>
        %add3A_728 = arith.addf %add3A_717, %get3A_727 : vector<16xf32>
        %mul3A_729 = arith.constant 10 : i32
        %mul3A_730 = arith.muli %scan3A_189, %mul3A_729 : i32
        %add3A_731 = arith.constant 8 : i32
        %add3A_732 = arith.addi %mul3A_730, %add3A_731 : i32
        %get3A_733 = arith.constant 1 : i32
        %get3A_734 = arith.index_cast %get3A_733 : i32 to index
        %get3A_735 = arith.index_cast %add3A_732 : i32 to index
        %get3A_736 = arith.constant 64 : index
        %get3A_737 = tpu.vector_load %arg6[%get3A_734, %get3A_735, %get3A_736] {strides = array<i32>} : memref<2x160x256xf32, #tpu.memory_space<vmem>>, vector<1x1x16xf32>,
        %get3A_738 = vector.shape_cast %get3A_737 : vector<1x1x16xf32> to vector<16xf32>
        %add3A_739 = arith.addf %add3A_728, %get3A_738 : vector<16xf32>
        %mul3A_740 = arith.constant 10 : i32
        %mul3A_741 = arith.muli %scan3A_189, %mul3A_740 : i32
        %add3A_742 = arith.constant 9 : i32
        %add3A_743 = arith.addi %mul3A_741, %add3A_742 : i32
        %get3A_744 = arith.constant 1 : i32
        %get3A_745 = arith.index_cast %get3A_744 : i32 to index
        %get3A_746 = arith.index_cast %add3A_743 : i32 to index
        %get3A_747 = arith.constant 64 : index
        %get3A_748 = tpu.vector_load %arg6[%get3A_745, %get3A_746, %get3A_747] {strides = array<i32>} : memref<2x160x256xf32, #tpu.memory_space<vmem>>, vector<1x1x16xf32>,
        %get3A_749 = vector.shape_cast %get3A_748 : vector<1x1x16xf32> to vector<16xf32>
        %add3A_750 = arith.addf %add3A_739, %get3A_749 : vector<16xf32>
        %swap3A_751 = arith.constant 1 : i32
        %swap3A_752 = arith.index_cast %swap3A_751 : i32 to index
        %swap3A_753 = arith.index_cast %scan3A_189 : i32 to index
        %swap3A_754 = arith.constant 64 : index
        %swap3A_755 = tpu.vector_load %arg7[%swap3A_752, %swap3A_753, %swap3A_754] {strides = array<i32>} : memref<2x16x256xf32, #tpu.memory_space<vmem>>, vector<1x1x16xf32>,
        %swap3A_756 = vector.shape_cast %swap3A_755 : vector<1x1x16xf32> to vector<16xf32>
        %swap3A_757 = vector.shape_cast %add3A_750 : vector<16xf32> to vector<1x1x16xf32>
        tpu.vector_store %arg7[%swap3A_752, %swap3A_753, %swap3A_754], %swap3A_757 {strides = array<i32>} : memref<2x16x256xf32, #tpu.memory_space<vmem>>, vector<1x1x16xf32>,
        %mul3A_758 = arith.constant 10 : i32
        %mul3A_759 = arith.muli %scan3A_189, %mul3A_758 : i32
        %get3A_760 = arith.constant 1 : i32
        %get3A_761 = arith.index_cast %get3A_760 : i32 to index
        %get3A_762 = arith.index_cast %mul3A_759 : i32 to index
        %get3A_763 = arith.constant 80 : index
        %get3A_764 = tpu.vector_load %arg6[%get3A_761, %get3A_762, %get3A_763] {strides = array<i32>} : memref<2x160x256xf32, #tpu.memory_space<vmem>>, vector<1x1x16xf32>,
        %get3A_765 = vector.shape_cast %get3A_764 : vector<1x1x16xf32> to vector<16xf32>
        %mul3A_766 = arith.constant 10 : i32
        %mul3A_767 = arith.muli %scan3A_189, %mul3A_766 : i32
        %add3A_768 = arith.constant 1 : i32
        %add3A_769 = arith.addi %mul3A_767, %add3A_768 : i32
        %get3A_770 = arith.constant 1 : i32
        %get3A_771 = arith.index_cast %get3A_770 : i32 to index
        %get3A_772 = arith.index_cast %add3A_769 : i32 to index
        %get3A_773 = arith.constant 80 : index
        %get3A_774 = tpu.vector_load %arg6[%get3A_771, %get3A_772, %get3A_773] {strides = array<i32>} : memref<2x160x256xf32, #tpu.memory_space<vmem>>, vector<1x1x16xf32>,
        %get3A_775 = vector.shape_cast %get3A_774 : vector<1x1x16xf32> to vector<16xf32>
        %add3A_776 = arith.addf %get3A_765, %get3A_775 : vector<16xf32>
        %mul3A_777 = arith.constant 10 : i32
        %mul3A_778 = arith.muli %scan3A_189, %mul3A_777 : i32
        %add3A_779 = arith.constant 2 : i32
        %add3A_780 = arith.addi %mul3A_778, %add3A_779 : i32
        %get3A_781 = arith.constant 1 : i32
        %get3A_782 = arith.index_cast %get3A_781 : i32 to index
        %get3A_783 = arith.index_cast %add3A_780 : i32 to index
        %get3A_784 = arith.constant 80 : index
        %get3A_785 = tpu.vector_load %arg6[%get3A_782, %get3A_783, %get3A_784] {strides = array<i32>} : memref<2x160x256xf32, #tpu.memory_space<vmem>>, vector<1x1x16xf32>,
        %get3A_786 = vector.shape_cast %get3A_785 : vector<1x1x16xf32> to vector<16xf32>
        %add3A_787 = arith.addf %add3A_776, %get3A_786 : vector<16xf32>
        %mul3A_788 = arith.constant 10 : i32
        %mul3A_789 = arith.muli %scan3A_189, %mul3A_788 : i32
        %add3A_790 = arith.constant 3 : i32
        %add3A_791 = arith.addi %mul3A_789, %add3A_790 : i32
        %get3A_792 = arith.constant 1 : i32
        %get3A_793 = arith.index_cast %get3A_792 : i32 to index
        %get3A_794 = arith.index_cast %add3A_791 : i32 to index
        %get3A_795 = arith.constant 80 : index
        %get3A_796 = tpu.vector_load %arg6[%get3A_793, %get3A_794, %get3A_795] {strides = array<i32>} : memref<2x160x256xf32, #tpu.memory_space<vmem>>, vector<1x1x16xf32>,
        %get3A_797 = vector.shape_cast %get3A_796 : vector<1x1x16xf32> to vector<16xf32>
        %add3A_798 = arith.addf %add3A_787, %get3A_797 : vector<16xf32>
        %mul3A_799 = arith.constant 10 : i32
        %mul3A_800 = arith.muli %scan3A_189, %mul3A_799 : i32
        %add3A_801 = arith.constant 4 : i32
        %add3A_802 = arith.addi %mul3A_800, %add3A_801 : i32
        %get3A_803 = arith.constant 1 : i32
        %get3A_804 = arith.index_cast %get3A_803 : i32 to index
        %get3A_805 = arith.index_cast %add3A_802 : i32 to index
        %get3A_806 = arith.constant 80 : index
        %get3A_807 = tpu.vector_load %arg6[%get3A_804, %get3A_805, %get3A_806] {strides = array<i32>} : memref<2x160x256xf32, #tpu.memory_space<vmem>>, vector<1x1x16xf32>,
        %get3A_808 = vector.shape_cast %get3A_807 : vector<1x1x16xf32> to vector<16xf32>
        %add3A_809 = arith.addf %add3A_798, %get3A_808 : vector<16xf32>
        %mul3A_810 = arith.constant 10 : i32
        %mul3A_811 = arith.muli %scan3A_189, %mul3A_810 : i32
        %add3A_812 = arith.constant 5 : i32
        %add3A_813 = arith.addi %mul3A_811, %add3A_812 : i32
        %get3A_814 = arith.constant 1 : i32
        %get3A_815 = arith.index_cast %get3A_814 : i32 to index
        %get3A_816 = arith.index_cast %add3A_813 : i32 to index
        %get3A_817 = arith.constant 80 : index
        %get3A_818 = tpu.vector_load %arg6[%get3A_815, %get3A_816, %get3A_817] {strides = array<i32>} : memref<2x160x256xf32, #tpu.memory_space<vmem>>, vector<1x1x16xf32>,
        %get3A_819 = vector.shape_cast %get3A_818 : vector<1x1x16xf32> to vector<16xf32>
        %add3A_820 = arith.addf %add3A_809, %get3A_819 : vector<16xf32>
        %mul3A_821 = arith.constant 10 : i32
        %mul3A_822 = arith.muli %scan3A_189, %mul3A_821 : i32
        %add3A_823 = arith.constant 6 : i32
        %add3A_824 = arith.addi %mul3A_822, %add3A_823 : i32
        %get3A_825 = arith.constant 1 : i32
        %get3A_826 = arith.index_cast %get3A_825 : i32 to index
        %get3A_827 = arith.index_cast %add3A_824 : i32 to index
        %get3A_828 = arith.constant 80 : index
        %get3A_829 = tpu.vector_load %arg6[%get3A_826, %get3A_827, %get3A_828] {strides = array<i32>} : memref<2x160x256xf32, #tpu.memory_space<vmem>>, vector<1x1x16xf32>,
        %get3A_830 = vector.shape_cast %get3A_829 : vector<1x1x16xf32> to vector<16xf32>
        %add3A_831 = arith.addf %add3A_820, %get3A_830 : vector<16xf32>
        %mul3A_832 = arith.constant 10 : i32
        %mul3A_833 = arith.muli %scan3A_189, %mul3A_832 : i32
        %add3A_834 = arith.constant 7 : i32
        %add3A_835 = arith.addi %mul3A_833, %add3A_834 : i32
        %get3A_836 = arith.constant 1 : i32
        %get3A_837 = arith.index_cast %get3A_836 : i32 to index
        %get3A_838 = arith.index_cast %add3A_835 : i32 to index
        %get3A_839 = arith.constant 80 : index
        %get3A_840 = tpu.vector_load %arg6[%get3A_837, %get3A_838, %get3A_839] {strides = array<i32>} : memref<2x160x256xf32, #tpu.memory_space<vmem>>, vector<1x1x16xf32>,
        %get3A_841 = vector.shape_cast %get3A_840 : vector<1x1x16xf32> to vector<16xf32>
        %add3A_842 = arith.addf %add3A_831, %get3A_841 : vector<16xf32>
        %mul3A_843 = arith.constant 10 : i32
        %mul3A_844 = arith.muli %scan3A_189, %mul3A_843 : i32
        %add3A_845 = arith.constant 8 : i32
        %add3A_846 = arith.addi %mul3A_844, %add3A_845 : i32
        %get3A_847 = arith.constant 1 : i32
        %get3A_848 = arith.index_cast %get3A_847 : i32 to index
        %get3A_849 = arith.index_cast %add3A_846 : i32 to index
        %get3A_850 = arith.constant 80 : index
        %get3A_851 = tpu.vector_load %arg6[%get3A_848, %get3A_849, %get3A_850] {strides = array<i32>} : memref<2x160x256xf32, #tpu.memory_space<vmem>>, vector<1x1x16xf32>,
        %get3A_852 = vector.shape_cast %get3A_851 : vector<1x1x16xf32> to vector<16xf32>
        %add3A_853 = arith.addf %add3A_842, %get3A_852 : vector<16xf32>
        %mul3A_854 = arith.constant 10 : i32
        %mul3A_855 = arith.muli %scan3A_189, %mul3A_854 : i32
        %add3A_856 = arith.constant 9 : i32
        %add3A_857 = arith.addi %mul3A_855, %add3A_856 : i32
        %get3A_858 = arith.constant 1 : i32
        %get3A_859 = arith.index_cast %get3A_858 : i32 to index
        %get3A_860 = arith.index_cast %add3A_857 : i32 to index
        %get3A_861 = arith.constant 80 : index
        %get3A_862 = tpu.vector_load %arg6[%get3A_859, %get3A_860, %get3A_861] {strides = array<i32>} : memref<2x160x256xf32, #tpu.memory_space<vmem>>, vector<1x1x16xf32>,
        %get3A_863 = vector.shape_cast %get3A_862 : vector<1x1x16xf32> to vector<16xf32>
        %add3A_864 = arith.addf %add3A_853, %get3A_863 : vector<16xf32>
        %swap3A_865 = arith.constant 1 : i32
        %swap3A_866 = arith.index_cast %swap3A_865 : i32 to index
        %swap3A_867 = arith.index_cast %scan3A_189 : i32 to index
        %swap3A_868 = arith.constant 80 : index
        %swap3A_869 = tpu.vector_load %arg7[%swap3A_866, %swap3A_867, %swap3A_868] {strides = array<i32>} : memref<2x16x256xf32, #tpu.memory_space<vmem>>, vector<1x1x16xf32>,
        %swap3A_870 = vector.shape_cast %swap3A_869 : vector<1x1x16xf32> to vector<16xf32>
        %swap3A_871 = vector.shape_cast %add3A_864 : vector<16xf32> to vector<1x1x16xf32>
        tpu.vector_store %arg7[%swap3A_866, %swap3A_867, %swap3A_868], %swap3A_871 {strides = array<i32>} : memref<2x16x256xf32, #tpu.memory_space<vmem>>, vector<1x1x16xf32>,
        %mul3A_872 = arith.constant 10 : i32
        %mul3A_873 = arith.muli %scan3A_189, %mul3A_872 : i32
        %get3A_874 = arith.constant 1 : i32
        %get3A_875 = arith.index_cast %get3A_874 : i32 to index
        %get3A_876 = arith.index_cast %mul3A_873 : i32 to index
        %get3A_877 = arith.constant 96 : index
        %get3A_878 = tpu.vector_load %arg6[%get3A_875, %get3A_876, %get3A_877] {strides = array<i32>} : memref<2x160x256xf32, #tpu.memory_space<vmem>>, vector<1x1x16xf32>,
        %get3A_879 = vector.shape_cast %get3A_878 : vector<1x1x16xf32> to vector<16xf32>
        %mul3A_880 = arith.constant 10 : i32
        %mul3A_881 = arith.muli %scan3A_189, %mul3A_880 : i32
        %add3A_882 = arith.constant 1 : i32
        %add3A_883 = arith.addi %mul3A_881, %add3A_882 : i32
        %get3A_884 = arith.constant 1 : i32
        %get3A_885 = arith.index_cast %get3A_884 : i32 to index
        %get3A_886 = arith.index_cast %add3A_883 : i32 to index
        %get3A_887 = arith.constant 96 : index
        %get3A_888 = tpu.vector_load %arg6[%get3A_885, %get3A_886, %get3A_887] {strides = array<i32>} : memref<2x160x256xf32, #tpu.memory_space<vmem>>, vector<1x1x16xf32>,
        %get3A_889 = vector.shape_cast %get3A_888 : vector<1x1x16xf32> to vector<16xf32>
        %add3A_890 = arith.addf %get3A_879, %get3A_889 : vector<16xf32>
        %mul3A_891 = arith.constant 10 : i32
        %mul3A_892 = arith.muli %scan3A_189, %mul3A_891 : i32
        %add3A_893 = arith.constant 2 : i32
        %add3A_894 = arith.addi %mul3A_892, %add3A_893 : i32
        %get3A_895 = arith.constant 1 : i32
        %get3A_896 = arith.index_cast %get3A_895 : i32 to index
        %get3A_897 = arith.index_cast %add3A_894 : i32 to index
        %get3A_898 = arith.constant 96 : index
        %get3A_899 = tpu.vector_load %arg6[%get3A_896, %get3A_897, %get3A_898] {strides = array<i32>} : memref<2x160x256xf32, #tpu.memory_space<vmem>>, vector<1x1x16xf32>,
        %get3A_900 = vector.shape_cast %get3A_899 : vector<1x1x16xf32> to vector<16xf32>
        %add3A_901 = arith.addf %add3A_890, %get3A_900 : vector<16xf32>
        %mul3A_902 = arith.constant 10 : i32
        %mul3A_903 = arith.muli %scan3A_189, %mul3A_902 : i32
        %add3A_904 = arith.constant 3 : i32
        %add3A_905 = arith.addi %mul3A_903, %add3A_904 : i32
        %get3A_906 = arith.constant 1 : i32
        %get3A_907 = arith.index_cast %get3A_906 : i32 to index
        %get3A_908 = arith.index_cast %add3A_905 : i32 to index
        %get3A_909 = arith.constant 96 : index
        %get3A_910 = tpu.vector_load %arg6[%get3A_907, %get3A_908, %get3A_909] {strides = array<i32>} : memref<2x160x256xf32, #tpu.memory_space<vmem>>, vector<1x1x16xf32>,
        %get3A_911 = vector.shape_cast %get3A_910 : vector<1x1x16xf32> to vector<16xf32>
        %add3A_912 = arith.addf %add3A_901, %get3A_911 : vector<16xf32>
        %mul3A_913 = arith.constant 10 : i32
        %mul3A_914 = arith.muli %scan3A_189, %mul3A_913 : i32
        %add3A_915 = arith.constant 4 : i32
        %add3A_916 = arith.addi %mul3A_914, %add3A_915 : i32
        %get3A_917 = arith.constant 1 : i32
        %get3A_918 = arith.index_cast %get3A_917 : i32 to index
        %get3A_919 = arith.index_cast %add3A_916 : i32 to index
        %get3A_920 = arith.constant 96 : index
        %get3A_921 = tpu.vector_load %arg6[%get3A_918, %get3A_919, %get3A_920] {strides = array<i32>} : memref<2x160x256xf32, #tpu.memory_space<vmem>>, vector<1x1x16xf32>,
        %get3A_922 = vector.shape_cast %get3A_921 : vector<1x1x16xf32> to vector<16xf32>
        %add3A_923 = arith.addf %add3A_912, %get3A_922 : vector<16xf32>
        %mul3A_924 = arith.constant 10 : i32
        %mul3A_925 = arith.muli %scan3A_189, %mul3A_924 : i32
        %add3A_926 = arith.constant 5 : i32
        %add3A_927 = arith.addi %mul3A_925, %add3A_926 : i32
        %get3A_928 = arith.constant 1 : i32
        %get3A_929 = arith.index_cast %get3A_928 : i32 to index
        %get3A_930 = arith.index_cast %add3A_927 : i32 to index
        %get3A_931 = arith.constant 96 : index
        %get3A_932 = tpu.vector_load %arg6[%get3A_929, %get3A_930, %get3A_931] {strides = array<i32>} : memref<2x160x256xf32, #tpu.memory_space<vmem>>, vector<1x1x16xf32>,
        %get3A_933 = vector.shape_cast %get3A_932 : vector<1x1x16xf32> to vector<16xf32>
        %add3A_934 = arith.addf %add3A_923, %get3A_933 : vector<16xf32>
        %mul3A_935 = arith.constant 10 : i32
        %mul3A_936 = arith.muli %scan3A_189, %mul3A_935 : i32
        %add3A_937 = arith.constant 6 : i32
        %add3A_938 = arith.addi %mul3A_936, %add3A_937 : i32
        %get3A_939 = arith.constant 1 : i32
        %get3A_940 = arith.index_cast %get3A_939 : i32 to index
        %get3A_941 = arith.index_cast %add3A_938 : i32 to index
        %get3A_942 = arith.constant 96 : index
        %get3A_943 = tpu.vector_load %arg6[%get3A_940, %get3A_941, %get3A_942] {strides = array<i32>} : memref<2x160x256xf32, #tpu.memory_space<vmem>>, vector<1x1x16xf32>,
        %get3A_944 = vector.shape_cast %get3A_943 : vector<1x1x16xf32> to vector<16xf32>
        %add3A_945 = arith.addf %add3A_934, %get3A_944 : vector<16xf32>
        %mul3A_946 = arith.constant 10 : i32
        %mul3A_947 = arith.muli %scan3A_189, %mul3A_946 : i32
        %add3A_948 = arith.constant 7 : i32
        %add3A_949 = arith.addi %mul3A_947, %add3A_948 : i32
        %get3A_950 = arith.constant 1 : i32
        %get3A_951 = arith.index_cast %get3A_950 : i32 to index
        %get3A_952 = arith.index_cast %add3A_949 : i32 to index
        %get3A_953 = arith.constant 96 : index
        %get3A_954 = tpu.vector_load %arg6[%get3A_951, %get3A_952, %get3A_953] {strides = array<i32>} : memref<2x160x256xf32, #tpu.memory_space<vmem>>, vector<1x1x16xf32>,
        %get3A_955 = vector.shape_cast %get3A_954 : vector<1x1x16xf32> to vector<16xf32>
        %add3A_956 = arith.addf %add3A_945, %get3A_955 : vector<16xf32>
        %mul3A_957 = arith.constant 10 : i32
        %mul3A_958 = arith.muli %scan3A_189, %mul3A_957 : i32
        %add3A_959 = arith.constant 8 : i32
        %add3A_960 = arith.addi %mul3A_958, %add3A_959 : i32
        %get3A_961 = arith.constant 1 : i32
        %get3A_962 = arith.index_cast %get3A_961 : i32 to index
        %get3A_963 = arith.index_cast %add3A_960 : i32 to index
        %get3A_964 = arith.constant 96 : index
        %get3A_965 = tpu.vector_load %arg6[%get3A_962, %get3A_963, %get3A_964] {strides = array<i32>} : memref<2x160x256xf32, #tpu.memory_space<vmem>>, vector<1x1x16xf32>,
        %get3A_966 = vector.shape_cast %get3A_965 : vector<1x1x16xf32> to vector<16xf32>
        %add3A_967 = arith.addf %add3A_956, %get3A_966 : vector<16xf32>
        %mul3A_968 = arith.constant 10 : i32
        %mul3A_969 = arith.muli %scan3A_189, %mul3A_968 : i32
        %add3A_970 = arith.constant 9 : i32
        %add3A_971 = arith.addi %mul3A_969, %add3A_970 : i32
        %get3A_972 = arith.constant 1 : i32
        %get3A_973 = arith.index_cast %get3A_972 : i32 to index
        %get3A_974 = arith.index_cast %add3A_971 : i32 to index
        %get3A_975 = arith.constant 96 : index
        %get3A_976 = tpu.vector_load %arg6[%get3A_973, %get3A_974, %get3A_975] {strides = array<i32>} : memref<2x160x256xf32, #tpu.memory_space<vmem>>, vector<1x1x16xf32>,
        %get3A_977 = vector.shape_cast %get3A_976 : vector<1x1x16xf32> to vector<16xf32>
        %add3A_978 = arith.addf %add3A_967, %get3A_977 : vector<16xf32>
        %swap3A_979 = arith.constant 1 : i32
        %swap3A_980 = arith.index_cast %swap3A_979 : i32 to index
        %swap3A_981 = arith.index_cast %scan3A_189 : i32 to index
        %swap3A_982 = arith.constant 96 : index
        %swap3A_983 = tpu.vector_load %arg7[%swap3A_980, %swap3A_981, %swap3A_982] {strides = array<i32>} : memref<2x16x256xf32, #tpu.memory_space<vmem>>, vector<1x1x16xf32>,
        %swap3A_984 = vector.shape_cast %swap3A_983 : vector<1x1x16xf32> to vector<16xf32>
        %swap3A_985 = vector.shape_cast %add3A_978 : vector<16xf32> to vector<1x1x16xf32>
        tpu.vector_store %arg7[%swap3A_980, %swap3A_981, %swap3A_982], %swap3A_985 {strides = array<i32>} : memref<2x16x256xf32, #tpu.memory_space<vmem>>, vector<1x1x16xf32>,
        %mul3A_986 = arith.constant 10 : i32
        %mul3A_987 = arith.muli %scan3A_189, %mul3A_986 : i32
        %get3A_988 = arith.constant 1 : i32
        %get3A_989 = arith.index_cast %get3A_988 : i32 to index
        %get3A_990 = arith.index_cast %mul3A_987 : i32 to index
        %get3A_991 = arith.constant 112 : index
        %get3A_992 = tpu.vector_load %arg6[%get3A_989, %get3A_990, %get3A_991] {strides = array<i32>} : memref<2x160x256xf32, #tpu.memory_space<vmem>>, vector<1x1x16xf32>,
        %get3A_993 = vector.shape_cast %get3A_992 : vector<1x1x16xf32> to vector<16xf32>
        %mul3A_994 = arith.constant 10 : i32
        %mul3A_995 = arith.muli %scan3A_189, %mul3A_994 : i32
        %add3A_996 = arith.constant 1 : i32
        %add3A_997 = arith.addi %mul3A_995, %add3A_996 : i32
        %get3A_998 = arith.constant 1 : i32
        %get3A_999 = arith.index_cast %get3A_998 : i32 to index
        %get3A_1000 = arith.index_cast %add3A_997 : i32 to index
        %get3A_1001 = arith.constant 112 : index
        %get3A_1002 = tpu.vector_load %arg6[%get3A_999, %get3A_1000, %get3A_1001] {strides = array<i32>} : memref<2x160x256xf32, #tpu.memory_space<vmem>>, vector<1x1x16xf32>,
        %get3A_1003 = vector.shape_cast %get3A_1002 : vector<1x1x16xf32> to vector<16xf32>
        %add3A_1004 = arith.addf %get3A_993, %get3A_1003 : vector<16xf32>
        %mul3A_1005 = arith.constant 10 : i32
        %mul3A_1006 = arith.muli %scan3A_189, %mul3A_1005 : i32
        %add3A_1007 = arith.constant 2 : i32
        %add3A_1008 = arith.addi %mul3A_1006, %add3A_1007 : i32
        %get3A_1009 = arith.constant 1 : i32
        %get3A_1010 = arith.index_cast %get3A_1009 : i32 to index
        %get3A_1011 = arith.index_cast %add3A_1008 : i32 to index
        %get3A_1012 = arith.constant 112 : index
        %get3A_1013 = tpu.vector_load %arg6[%get3A_1010, %get3A_1011, %get3A_1012] {strides = array<i32>} : memref<2x160x256xf32, #tpu.memory_space<vmem>>, vector<1x1x16xf32>,
        %get3A_1014 = vector.shape_cast %get3A_1013 : vector<1x1x16xf32> to vector<16xf32>
        %add3A_1015 = arith.addf %add3A_1004, %get3A_1014 : vector<16xf32>
        %mul3A_1016 = arith.constant 10 : i32
        %mul3A_1017 = arith.muli %scan3A_189, %mul3A_1016 : i32
        %add3A_1018 = arith.constant 3 : i32
        %add3A_1019 = arith.addi %mul3A_1017, %add3A_1018 : i32
        %get3A_1020 = arith.constant 1 : i32
        %get3A_1021 = arith.index_cast %get3A_1020 : i32 to index
        %get3A_1022 = arith.index_cast %add3A_1019 : i32 to index
        %get3A_1023 = arith.constant 112 : index
        %get3A_1024 = tpu.vector_load %arg6[%get3A_1021, %get3A_1022, %get3A_1023] {strides = array<i32>} : memref<2x160x256xf32, #tpu.memory_space<vmem>>, vector<1x1x16xf32>,
        %get3A_1025 = vector.shape_cast %get3A_1024 : vector<1x1x16xf32> to vector<16xf32>
        %add3A_1026 = arith.addf %add3A_1015, %get3A_1025 : vector<16xf32>
        %mul3A_1027 = arith.constant 10 : i32
        %mul3A_1028 = arith.muli %scan3A_189, %mul3A_1027 : i32
        %add3A_1029 = arith.constant 4 : i32
        %add3A_1030 = arith.addi %mul3A_1028, %add3A_1029 : i32
        %get3A_1031 = arith.constant 1 : i32
        %get3A_1032 = arith.index_cast %get3A_1031 : i32 to index
        %get3A_1033 = arith.index_cast %add3A_1030 : i32 to index
        %get3A_1034 = arith.constant 112 : index
        %get3A_1035 = tpu.vector_load %arg6[%get3A_1032, %get3A_1033, %get3A_1034] {strides = array<i32>} : memref<2x160x256xf32, #tpu.memory_space<vmem>>, vector<1x1x16xf32>,
        %get3A_1036 = vector.shape_cast %get3A_1035 : vector<1x1x16xf32> to vector<16xf32>
        %add3A_1037 = arith.addf %add3A_1026, %get3A_1036 : vector<16xf32>
        %mul3A_1038 = arith.constant 10 : i32
        %mul3A_1039 = arith.muli %scan3A_189, %mul3A_1038 : i32
        %add3A_1040 = arith.constant 5 : i32
        %add3A_1041 = arith.addi %mul3A_1039, %add3A_1040 : i32
        %get3A_1042 = arith.constant 1 : i32
        %get3A_1043 = arith.index_cast %get3A_1042 : i32 to index
        %get3A_1044 = arith.index_cast %add3A_1041 : i32 to index
        %get3A_1045 = arith.constant 112 : index
        %get3A_1046 = tpu.vector_load %arg6[%get3A_1043, %get3A_1044, %get3A_1045] {strides = array<i32>} : memref<2x160x256xf32, #tpu.memory_space<vmem>>, vector<1x1x16xf32>,
        %get3A_1047 = vector.shape_cast %get3A_1046 : vector<1x1x16xf32> to vector<16xf32>
        %add3A_1048 = arith.addf %add3A_1037, %get3A_1047 : vector<16xf32>
        %mul3A_1049 = arith.constant 10 : i32
        %mul3A_1050 = arith.muli %scan3A_189, %mul3A_1049 : i32
        %add3A_1051 = arith.constant 6 : i32
        %add3A_1052 = arith.addi %mul3A_1050, %add3A_1051 : i32
        %get3A_1053 = arith.constant 1 : i32
        %get3A_1054 = arith.index_cast %get3A_1053 : i32 to index
        %get3A_1055 = arith.index_cast %add3A_1052 : i32 to index
        %get3A_1056 = arith.constant 112 : index
        %get3A_1057 = tpu.vector_load %arg6[%get3A_1054, %get3A_1055, %get3A_1056] {strides = array<i32>} : memref<2x160x256xf32, #tpu.memory_space<vmem>>, vector<1x1x16xf32>,
        %get3A_1058 = vector.shape_cast %get3A_1057 : vector<1x1x16xf32> to vector<16xf32>
        %add3A_1059 = arith.addf %add3A_1048, %get3A_1058 : vector<16xf32>
        %mul3A_1060 = arith.constant 10 : i32
        %mul3A_1061 = arith.muli %scan3A_189, %mul3A_1060 : i32
        %add3A_1062 = arith.constant 7 : i32
        %add3A_1063 = arith.addi %mul3A_1061, %add3A_1062 : i32
        %get3A_1064 = arith.constant 1 : i32
        %get3A_1065 = arith.index_cast %get3A_1064 : i32 to index
        %get3A_1066 = arith.index_cast %add3A_1063 : i32 to index
        %get3A_1067 = arith.constant 112 : index
        %get3A_1068 = tpu.vector_load %arg6[%get3A_1065, %get3A_1066, %get3A_1067] {strides = array<i32>} : memref<2x160x256xf32, #tpu.memory_space<vmem>>, vector<1x1x16xf32>,
        %get3A_1069 = vector.shape_cast %get3A_1068 : vector<1x1x16xf32> to vector<16xf32>
        %add3A_1070 = arith.addf %add3A_1059, %get3A_1069 : vector<16xf32>
        %mul3A_1071 = arith.constant 10 : i32
        %mul3A_1072 = arith.muli %scan3A_189, %mul3A_1071 : i32
        %add3A_1073 = arith.constant 8 : i32
        %add3A_1074 = arith.addi %mul3A_1072, %add3A_1073 : i32
        %get3A_1075 = arith.constant 1 : i32
        %get3A_1076 = arith.index_cast %get3A_1075 : i32 to index
        %get3A_1077 = arith.index_cast %add3A_1074 : i32 to index
        %get3A_1078 = arith.constant 112 : index
        %get3A_1079 = tpu.vector_load %arg6[%get3A_1076, %get3A_1077, %get3A_1078] {strides = array<i32>} : memref<2x160x256xf32, #tpu.memory_space<vmem>>, vector<1x1x16xf32>,
        %get3A_1080 = vector.shape_cast %get3A_1079 : vector<1x1x16xf32> to vector<16xf32>
        %add3A_1081 = arith.addf %add3A_1070, %get3A_1080 : vector<16xf32>
        %mul3A_1082 = arith.constant 10 : i32
        %mul3A_1083 = arith.muli %scan3A_189, %mul3A_1082 : i32
        %add3A_1084 = arith.constant 9 : i32
        %add3A_1085 = arith.addi %mul3A_1083, %add3A_1084 : i32
        %get3A_1086 = arith.constant 1 : i32
        %get3A_1087 = arith.index_cast %get3A_1086 : i32 to index
        %get3A_1088 = arith.index_cast %add3A_1085 : i32 to index
        %get3A_1089 = arith.constant 112 : index
        %get3A_1090 = tpu.vector_load %arg6[%get3A_1087, %get3A_1088, %get3A_1089] {strides = array<i32>} : memref<2x160x256xf32, #tpu.memory_space<vmem>>, vector<1x1x16xf32>,
        %get3A_1091 = vector.shape_cast %get3A_1090 : vector<1x1x16xf32> to vector<16xf32>
        %add3A_1092 = arith.addf %add3A_1081, %get3A_1091 : vector<16xf32>
        %swap3A_1093 = arith.constant 1 : i32
        %swap3A_1094 = arith.index_cast %swap3A_1093 : i32 to index
        %swap3A_1095 = arith.index_cast %scan3A_189 : i32 to index
        %swap3A_1096 = arith.constant 112 : index
        %swap3A_1097 = tpu.vector_load %arg7[%swap3A_1094, %swap3A_1095, %swap3A_1096] {strides = array<i32>} : memref<2x16x256xf32, #tpu.memory_space<vmem>>, vector<1x1x16xf32>,
        %swap3A_1098 = vector.shape_cast %swap3A_1097 : vector<1x1x16xf32> to vector<16xf32>
        %swap3A_1099 = vector.shape_cast %add3A_1092 : vector<16xf32> to vector<1x1x16xf32>
        tpu.vector_store %arg7[%swap3A_1094, %swap3A_1095, %swap3A_1096], %swap3A_1099 {strides = array<i32>} : memref<2x16x256xf32, #tpu.memory_space<vmem>>, vector<1x1x16xf32>,
        %mul3A_1100 = arith.constant 10 : i32
        %mul3A_1101 = arith.muli %scan3A_189, %mul3A_1100 : i32
        %get3A_1102 = arith.constant 1 : i32
        %get3A_1103 = arith.index_cast %get3A_1102 : i32 to index
        %get3A_1104 = arith.index_cast %mul3A_1101 : i32 to index
        %get3A_1105 = arith.constant 128 : index
        %get3A_1106 = tpu.vector_load %arg6[%get3A_1103, %get3A_1104, %get3A_1105] {strides = array<i32>} : memref<2x160x256xf32, #tpu.memory_space<vmem>>, vector<1x1x16xf32>,
        %get3A_1107 = vector.shape_cast %get3A_1106 : vector<1x1x16xf32> to vector<16xf32>
        %mul3A_1108 = arith.constant 10 : i32
        %mul3A_1109 = arith.muli %scan3A_189, %mul3A_1108 : i32
        %add3A_1110 = arith.constant 1 : i32
        %add3A_1111 = arith.addi %mul3A_1109, %add3A_1110 : i32
        %get3A_1112 = arith.constant 1 : i32
        %get3A_1113 = arith.index_cast %get3A_1112 : i32 to index
        %get3A_1114 = arith.index_cast %add3A_1111 : i32 to index
        %get3A_1115 = arith.constant 128 : index
        %get3A_1116 = tpu.vector_load %arg6[%get3A_1113, %get3A_1114, %get3A_1115] {strides = array<i32>} : memref<2x160x256xf32, #tpu.memory_space<vmem>>, vector<1x1x16xf32>,
        %get3A_1117 = vector.shape_cast %get3A_1116 : vector<1x1x16xf32> to vector<16xf32>
        %add3A_1118 = arith.addf %get3A_1107, %get3A_1117 : vector<16xf32>
        %mul3A_1119 = arith.constant 10 : i32
        %mul3A_1120 = arith.muli %scan3A_189, %mul3A_1119 : i32
        %add3A_1121 = arith.constant 2 : i32
        %add3A_1122 = arith.addi %mul3A_1120, %add3A_1121 : i32
        %get3A_1123 = arith.constant 1 : i32
        %get3A_1124 = arith.index_cast %get3A_1123 : i32 to index
        %get3A_1125 = arith.index_cast %add3A_1122 : i32 to index
        %get3A_1126 = arith.constant 128 : index
        %get3A_1127 = tpu.vector_load %arg6[%get3A_1124, %get3A_1125, %get3A_1126] {strides = array<i32>} : memref<2x160x256xf32, #tpu.memory_space<vmem>>, vector<1x1x16xf32>,
        %get3A_1128 = vector.shape_cast %get3A_1127 : vector<1x1x16xf32> to vector<16xf32>
        %add3A_1129 = arith.addf %add3A_1118, %get3A_1128 : vector<16xf32>
        %mul3A_1130 = arith.constant 10 : i32
        %mul3A_1131 = arith.muli %scan3A_189, %mul3A_1130 : i32
        %add3A_1132 = arith.constant 3 : i32
        %add3A_1133 = arith.addi %mul3A_1131, %add3A_1132 : i32
        %get3A_1134 = arith.constant 1 : i32
        %get3A_1135 = arith.index_cast %get3A_1134 : i32 to index
        %get3A_1136 = arith.index_cast %add3A_1133 : i32 to index
        %get3A_1137 = arith.constant 128 : index
        %get3A_1138 = tpu.vector_load %arg6[%get3A_1135, %get3A_1136, %get3A_1137] {strides = array<i32>} : memref<2x160x256xf32, #tpu.memory_space<vmem>>, vector<1x1x16xf32>,
        %get3A_1139 = vector.shape_cast %get3A_1138 : vector<1x1x16xf32> to vector<16xf32>
        %add3A_1140 = arith.addf %add3A_1129, %get3A_1139 : vector<16xf32>
        %mul3A_1141 = arith.constant 10 : i32
        %mul3A_1142 = arith.muli %scan3A_189, %mul3A_1141 : i32
        %add3A_1143 = arith.constant 4 : i32
        %add3A_1144 = arith.addi %mul3A_1142, %add3A_1143 : i32
        %get3A_1145 = arith.constant 1 : i32
        %get3A_1146 = arith.index_cast %get3A_1145 : i32 to index
        %get3A_1147 = arith.index_cast %add3A_1144 : i32 to index
        %get3A_1148 = arith.constant 128 : index
        %get3A_1149 = tpu.vector_load %arg6[%get3A_1146, %get3A_1147, %get3A_1148] {strides = array<i32>} : memref<2x160x256xf32, #tpu.memory_space<vmem>>, vector<1x1x16xf32>,
        %get3A_1150 = vector.shape_cast %get3A_1149 : vector<1x1x16xf32> to vector<16xf32>
        %add3A_1151 = arith.addf %add3A_1140, %get3A_1150 : vector<16xf32>
        %mul3A_1152 = arith.constant 10 : i32
        %mul3A_1153 = arith.muli %scan3A_189, %mul3A_1152 : i32
        %add3A_1154 = arith.constant 5 : i32
        %add3A_1155 = arith.addi %mul3A_1153, %add3A_1154 : i32
        %get3A_1156 = arith.constant 1 : i32
        %get3A_1157 = arith.index_cast %get3A_1156 : i32 to index
        %get3A_1158 = arith.index_cast %add3A_1155 : i32 to index
        %get3A_1159 = arith.constant 128 : index
        %get3A_1160 = tpu.vector_load %arg6[%get3A_1157, %get3A_1158, %get3A_1159] {strides = array<i32>} : memref<2x160x256xf32, #tpu.memory_space<vmem>>, vector<1x1x16xf32>,
        %get3A_1161 = vector.shape_cast %get3A_1160 : vector<1x1x16xf32> to vector<16xf32>
        %add3A_1162 = arith.addf %add3A_1151, %get3A_1161 : vector<16xf32>
        %mul3A_1163 = arith.constant 10 : i32
        %mul3A_1164 = arith.muli %scan3A_189, %mul3A_1163 : i32
        %add3A_1165 = arith.constant 6 : i32
        %add3A_1166 = arith.addi %mul3A_1164, %add3A_1165 : i32
        %get3A_1167 = arith.constant 1 : i32
        %get3A_1168 = arith.index_cast %get3A_1167 : i32 to index
        %get3A_1169 = arith.index_cast %add3A_1166 : i32 to index
        %get3A_1170 = arith.constant 128 : index
        %get3A_1171 = tpu.vector_load %arg6[%get3A_1168, %get3A_1169, %get3A_1170] {strides = array<i32>} : memref<2x160x256xf32, #tpu.memory_space<vmem>>, vector<1x1x16xf32>,
        %get3A_1172 = vector.shape_cast %get3A_1171 : vector<1x1x16xf32> to vector<16xf32>
        %add3A_1173 = arith.addf %add3A_1162, %get3A_1172 : vector<16xf32>
        %mul3A_1174 = arith.constant 10 : i32
        %mul3A_1175 = arith.muli %scan3A_189, %mul3A_1174 : i32
        %add3A_1176 = arith.constant 7 : i32
        %add3A_1177 = arith.addi %mul3A_1175, %add3A_1176 : i32
        %get3A_1178 = arith.constant 1 : i32
        %get3A_1179 = arith.index_cast %get3A_1178 : i32 to index
        %get3A_1180 = arith.index_cast %add3A_1177 : i32 to index
        %get3A_1181 = arith.constant 128 : index
        %get3A_1182 = tpu.vector_load %arg6[%get3A_1179, %get3A_1180, %get3A_1181] {strides = array<i32>} : memref<2x160x256xf32, #tpu.memory_space<vmem>>, vector<1x1x16xf32>,
        %get3A_1183 = vector.shape_cast %get3A_1182 : vector<1x1x16xf32> to vector<16xf32>
        %add3A_1184 = arith.addf %add3A_1173, %get3A_1183 : vector<16xf32>
        %mul3A_1185 = arith.constant 10 : i32
        %mul3A_1186 = arith.muli %scan3A_189, %mul3A_1185 : i32
        %add3A_1187 = arith.constant 8 : i32
        %add3A_1188 = arith.addi %mul3A_1186, %add3A_1187 : i32
        %get3A_1189 = arith.constant 1 : i32
        %get3A_1190 = arith.index_cast %get3A_1189 : i32 to index
        %get3A_1191 = arith.index_cast %add3A_1188 : i32 to index
        %get3A_1192 = arith.constant 128 : index
        %get3A_1193 = tpu.vector_load %arg6[%get3A_1190, %get3A_1191, %get3A_1192] {strides = array<i32>} : memref<2x160x256xf32, #tpu.memory_space<vmem>>, vector<1x1x16xf32>,
        %get3A_1194 = vector.shape_cast %get3A_1193 : vector<1x1x16xf32> to vector<16xf32>
        %add3A_1195 = arith.addf %add3A_1184, %get3A_1194 : vector<16xf32>
        %mul3A_1196 = arith.constant 10 : i32
        %mul3A_1197 = arith.muli %scan3A_189, %mul3A_1196 : i32
        %add3A_1198 = arith.constant 9 : i32
        %add3A_1199 = arith.addi %mul3A_1197, %add3A_1198 : i32
        %get3A_1200 = arith.constant 1 : i32
        %get3A_1201 = arith.index_cast %get3A_1200 : i32 to index
        %get3A_1202 = arith.index_cast %add3A_1199 : i32 to index
        %get3A_1203 = arith.constant 128 : index
        %get3A_1204 = tpu.vector_load %arg6[%get3A_1201, %get3A_1202, %get3A_1203] {strides = array<i32>} : memref<2x160x256xf32, #tpu.memory_space<vmem>>, vector<1x1x16xf32>,
        %get3A_1205 = vector.shape_cast %get3A_1204 : vector<1x1x16xf32> to vector<16xf32>
        %add3A_1206 = arith.addf %add3A_1195, %get3A_1205 : vector<16xf32>
        %swap3A_1207 = arith.constant 1 : i32
        %swap3A_1208 = arith.index_cast %swap3A_1207 : i32 to index
        %swap3A_1209 = arith.index_cast %scan3A_189 : i32 to index
        %swap3A_1210 = arith.constant 128 : index
        %swap3A_1211 = tpu.vector_load %arg7[%swap3A_1208, %swap3A_1209, %swap3A_1210] {strides = array<i32>} : memref<2x16x256xf32, #tpu.memory_space<vmem>>, vector<1x1x16xf32>,
        %swap3A_1212 = vector.shape_cast %swap3A_1211 : vector<1x1x16xf32> to vector<16xf32>
        %swap3A_1213 = vector.shape_cast %add3A_1206 : vector<16xf32> to vector<1x1x16xf32>
        tpu.vector_store %arg7[%swap3A_1208, %swap3A_1209, %swap3A_1210], %swap3A_1213 {strides = array<i32>} : memref<2x16x256xf32, #tpu.memory_space<vmem>>, vector<1x1x16xf32>,
        %mul3A_1214 = arith.constant 10 : i32
        %mul3A_1215 = arith.muli %scan3A_189, %mul3A_1214 : i32
        %get3A_1216 = arith.constant 1 : i32
        %get3A_1217 = arith.index_cast %get3A_1216 : i32 to index
        %get3A_1218 = arith.index_cast %mul3A_1215 : i32 to index
        %get3A_1219 = arith.constant 144 : index
        %get3A_1220 = tpu.vector_load %arg6[%get3A_1217, %get3A_1218, %get3A_1219] {strides = array<i32>} : memref<2x160x256xf32, #tpu.memory_space<vmem>>, vector<1x1x16xf32>,
        %get3A_1221 = vector.shape_cast %get3A_1220 : vector<1x1x16xf32> to vector<16xf32>
        %mul3A_1222 = arith.constant 10 : i32
        %mul3A_1223 = arith.muli %scan3A_189, %mul3A_1222 : i32
        %add3A_1224 = arith.constant 1 : i32
        %add3A_1225 = arith.addi %mul3A_1223, %add3A_1224 : i32
        %get3A_1226 = arith.constant 1 : i32
        %get3A_1227 = arith.index_cast %get3A_1226 : i32 to index
        %get3A_1228 = arith.index_cast %add3A_1225 : i32 to index
        %get3A_1229 = arith.constant 144 : index
        %get3A_1230 = tpu.vector_load %arg6[%get3A_1227, %get3A_1228, %get3A_1229] {strides = array<i32>} : memref<2x160x256xf32, #tpu.memory_space<vmem>>, vector<1x1x16xf32>,
        %get3A_1231 = vector.shape_cast %get3A_1230 : vector<1x1x16xf32> to vector<16xf32>
        %add3A_1232 = arith.addf %get3A_1221, %get3A_1231 : vector<16xf32>
        %mul3A_1233 = arith.constant 10 : i32
        %mul3A_1234 = arith.muli %scan3A_189, %mul3A_1233 : i32
        %add3A_1235 = arith.constant 2 : i32
        %add3A_1236 = arith.addi %mul3A_1234, %add3A_1235 : i32
        %get3A_1237 = arith.constant 1 : i32
        %get3A_1238 = arith.index_cast %get3A_1237 : i32 to index
        %get3A_1239 = arith.index_cast %add3A_1236 : i32 to index
        %get3A_1240 = arith.constant 144 : index
        %get3A_1241 = tpu.vector_load %arg6[%get3A_1238, %get3A_1239, %get3A_1240] {strides = array<i32>} : memref<2x160x256xf32, #tpu.memory_space<vmem>>, vector<1x1x16xf32>,
        %get3A_1242 = vector.shape_cast %get3A_1241 : vector<1x1x16xf32> to vector<16xf32>
        %add3A_1243 = arith.addf %add3A_1232, %get3A_1242 : vector<16xf32>
        %mul3A_1244 = arith.constant 10 : i32
        %mul3A_1245 = arith.muli %scan3A_189, %mul3A_1244 : i32
        %add3A_1246 = arith.constant 3 : i32
        %add3A_1247 = arith.addi %mul3A_1245, %add3A_1246 : i32
        %get3A_1248 = arith.constant 1 : i32
        %get3A_1249 = arith.index_cast %get3A_1248 : i32 to index
        %get3A_1250 = arith.index_cast %add3A_1247 : i32 to index
        %get3A_1251 = arith.constant 144 : index
        %get3A_1252 = tpu.vector_load %arg6[%get3A_1249, %get3A_1250, %get3A_1251] {strides = array<i32>} : memref<2x160x256xf32, #tpu.memory_space<vmem>>, vector<1x1x16xf32>,
        %get3A_1253 = vector.shape_cast %get3A_1252 : vector<1x1x16xf32> to vector<16xf32>
        %add3A_1254 = arith.addf %add3A_1243, %get3A_1253 : vector<16xf32>
        %mul3A_1255 = arith.constant 10 : i32
        %mul3A_1256 = arith.muli %scan3A_189, %mul3A_1255 : i32
        %add3A_1257 = arith.constant 4 : i32
        %add3A_1258 = arith.addi %mul3A_1256, %add3A_1257 : i32
        %get3A_1259 = arith.constant 1 : i32
        %get3A_1260 = arith.index_cast %get3A_1259 : i32 to index
        %get3A_1261 = arith.index_cast %add3A_1258 : i32 to index
        %get3A_1262 = arith.constant 144 : index
        %get3A_1263 = tpu.vector_load %arg6[%get3A_1260, %get3A_1261, %get3A_1262] {strides = array<i32>} : memref<2x160x256xf32, #tpu.memory_space<vmem>>, vector<1x1x16xf32>,
        %get3A_1264 = vector.shape_cast %get3A_1263 : vector<1x1x16xf32> to vector<16xf32>
        %add3A_1265 = arith.addf %add3A_1254, %get3A_1264 : vector<16xf32>
        %mul3A_1266 = arith.constant 10 : i32
        %mul3A_1267 = arith.muli %scan3A_189, %mul3A_1266 : i32
        %add3A_1268 = arith.constant 5 : i32
        %add3A_1269 = arith.addi %mul3A_1267, %add3A_1268 : i32
        %get3A_1270 = arith.constant 1 : i32
        %get3A_1271 = arith.index_cast %get3A_1270 : i32 to index
        %get3A_1272 = arith.index_cast %add3A_1269 : i32 to index
        %get3A_1273 = arith.constant 144 : index
        %get3A_1274 = tpu.vector_load %arg6[%get3A_1271, %get3A_1272, %get3A_1273] {strides = array<i32>} : memref<2x160x256xf32, #tpu.memory_space<vmem>>, vector<1x1x16xf32>,
        %get3A_1275 = vector.shape_cast %get3A_1274 : vector<1x1x16xf32> to vector<16xf32>
        %add3A_1276 = arith.addf %add3A_1265, %get3A_1275 : vector<16xf32>
        %mul3A_1277 = arith.constant 10 : i32
        %mul3A_1278 = arith.muli %scan3A_189, %mul3A_1277 : i32
        %add3A_1279 = arith.constant 6 : i32
        %add3A_1280 = arith.addi %mul3A_1278, %add3A_1279 : i32
        %get3A_1281 = arith.constant 1 : i32
        %get3A_1282 = arith.index_cast %get3A_1281 : i32 to index
        %get3A_1283 = arith.index_cast %add3A_1280 : i32 to index
        %get3A_1284 = arith.constant 144 : index
        %get3A_1285 = tpu.vector_load %arg6[%get3A_1282, %get3A_1283, %get3A_1284] {strides = array<i32>} : memref<2x160x256xf32, #tpu.memory_space<vmem>>, vector<1x1x16xf32>,
        %get3A_1286 = vector.shape_cast %get3A_1285 : vector<1x1x16xf32> to vector<16xf32>
        %add3A_1287 = arith.addf %add3A_1276, %get3A_1286 : vector<16xf32>
        %mul3A_1288 = arith.constant 10 : i32
        %mul3A_1289 = arith.muli %scan3A_189, %mul3A_1288 : i32
        %add3A_1290 = arith.constant 7 : i32
        %add3A_1291 = arith.addi %mul3A_1289, %add3A_1290 : i32
        %get3A_1292 = arith.constant 1 : i32
        %get3A_1293 = arith.index_cast %get3A_1292 : i32 to index
        %get3A_1294 = arith.index_cast %add3A_1291 : i32 to index
        %get3A_1295 = arith.constant 144 : index
        %get3A_1296 = tpu.vector_load %arg6[%get3A_1293, %get3A_1294, %get3A_1295] {strides = array<i32>} : memref<2x160x256xf32, #tpu.memory_space<vmem>>, vector<1x1x16xf32>,
        %get3A_1297 = vector.shape_cast %get3A_1296 : vector<1x1x16xf32> to vector<16xf32>
        %add3A_1298 = arith.addf %add3A_1287, %get3A_1297 : vector<16xf32>
        %mul3A_1299 = arith.constant 10 : i32
        %mul3A_1300 = arith.muli %scan3A_189, %mul3A_1299 : i32
        %add3A_1301 = arith.constant 8 : i32
        %add3A_1302 = arith.addi %mul3A_1300, %add3A_1301 : i32
        %get3A_1303 = arith.constant 1 : i32
        %get3A_1304 = arith.index_cast %get3A_1303 : i32 to index
        %get3A_1305 = arith.index_cast %add3A_1302 : i32 to index
        %get3A_1306 = arith.constant 144 : index
        %get3A_1307 = tpu.vector_load %arg6[%get3A_1304, %get3A_1305, %get3A_1306] {strides = array<i32>} : memref<2x160x256xf32, #tpu.memory_space<vmem>>, vector<1x1x16xf32>,
        %get3A_1308 = vector.shape_cast %get3A_1307 : vector<1x1x16xf32> to vector<16xf32>
        %add3A_1309 = arith.addf %add3A_1298, %get3A_1308 : vector<16xf32>
        %mul3A_1310 = arith.constant 10 : i32
        %mul3A_1311 = arith.muli %scan3A_189, %mul3A_1310 : i32
        %add3A_1312 = arith.constant 9 : i32
        %add3A_1313 = arith.addi %mul3A_1311, %add3A_1312 : i32
        %get3A_1314 = arith.constant 1 : i32
        %get3A_1315 = arith.index_cast %get3A_1314 : i32 to index
        %get3A_1316 = arith.index_cast %add3A_1313 : i32 to index
        %get3A_1317 = arith.constant 144 : index
        %get3A_1318 = tpu.vector_load %arg6[%get3A_1315, %get3A_1316, %get3A_1317] {strides = array<i32>} : memref<2x160x256xf32, #tpu.memory_space<vmem>>, vector<1x1x16xf32>,
        %get3A_1319 = vector.shape_cast %get3A_1318 : vector<1x1x16xf32> to vector<16xf32>
        %add3A_1320 = arith.addf %add3A_1309, %get3A_1319 : vector<16xf32>
        %swap3A_1321 = arith.constant 1 : i32
        %swap3A_1322 = arith.index_cast %swap3A_1321 : i32 to index
        %swap3A_1323 = arith.index_cast %scan3A_189 : i32 to index
        %swap3A_1324 = arith.constant 144 : index
        %swap3A_1325 = tpu.vector_load %arg7[%swap3A_1322, %swap3A_1323, %swap3A_1324] {strides = array<i32>} : memref<2x16x256xf32, #tpu.memory_space<vmem>>, vector<1x1x16xf32>,
        %swap3A_1326 = vector.shape_cast %swap3A_1325 : vector<1x1x16xf32> to vector<16xf32>
        %swap3A_1327 = vector.shape_cast %add3A_1320 : vector<16xf32> to vector<1x1x16xf32>
        tpu.vector_store %arg7[%swap3A_1322, %swap3A_1323, %swap3A_1324], %swap3A_1327 {strides = array<i32>} : memref<2x16x256xf32, #tpu.memory_space<vmem>>, vector<1x1x16xf32>,
        %mul3A_1328 = arith.constant 10 : i32
        %mul3A_1329 = arith.muli %scan3A_189, %mul3A_1328 : i32
        %get3A_1330 = arith.constant 1 : i32
        %get3A_1331 = arith.index_cast %get3A_1330 : i32 to index
        %get3A_1332 = arith.index_cast %mul3A_1329 : i32 to index
        %get3A_1333 = arith.constant 160 : index
        %get3A_1334 = tpu.vector_load %arg6[%get3A_1331, %get3A_1332, %get3A_1333] {strides = array<i32>} : memref<2x160x256xf32, #tpu.memory_space<vmem>>, vector<1x1x16xf32>,
        %get3A_1335 = vector.shape_cast %get3A_1334 : vector<1x1x16xf32> to vector<16xf32>
        %mul3A_1336 = arith.constant 10 : i32
        %mul3A_1337 = arith.muli %scan3A_189, %mul3A_1336 : i32
        %add3A_1338 = arith.constant 1 : i32
        %add3A_1339 = arith.addi %mul3A_1337, %add3A_1338 : i32
        %get3A_1340 = arith.constant 1 : i32
        %get3A_1341 = arith.index_cast %get3A_1340 : i32 to index
        %get3A_1342 = arith.index_cast %add3A_1339 : i32 to index
        %get3A_1343 = arith.constant 160 : index
        %get3A_1344 = tpu.vector_load %arg6[%get3A_1341, %get3A_1342, %get3A_1343] {strides = array<i32>} : memref<2x160x256xf32, #tpu.memory_space<vmem>>, vector<1x1x16xf32>,
        %get3A_1345 = vector.shape_cast %get3A_1344 : vector<1x1x16xf32> to vector<16xf32>
        %add3A_1346 = arith.addf %get3A_1335, %get3A_1345 : vector<16xf32>
        %mul3A_1347 = arith.constant 10 : i32
        %mul3A_1348 = arith.muli %scan3A_189, %mul3A_1347 : i32
        %add3A_1349 = arith.constant 2 : i32
        %add3A_1350 = arith.addi %mul3A_1348, %add3A_1349 : i32
        %get3A_1351 = arith.constant 1 : i32
        %get3A_1352 = arith.index_cast %get3A_1351 : i32 to index
        %get3A_1353 = arith.index_cast %add3A_1350 : i32 to index
        %get3A_1354 = arith.constant 160 : index
        %get3A_1355 = tpu.vector_load %arg6[%get3A_1352, %get3A_1353, %get3A_1354] {strides = array<i32>} : memref<2x160x256xf32, #tpu.memory_space<vmem>>, vector<1x1x16xf32>,
        %get3A_1356 = vector.shape_cast %get3A_1355 : vector<1x1x16xf32> to vector<16xf32>
        %add3A_1357 = arith.addf %add3A_1346, %get3A_1356 : vector<16xf32>
        %mul3A_1358 = arith.constant 10 : i32
        %mul3A_1359 = arith.muli %scan3A_189, %mul3A_1358 : i32
        %add3A_1360 = arith.constant 3 : i32
        %add3A_1361 = arith.addi %mul3A_1359, %add3A_1360 : i32
        %get3A_1362 = arith.constant 1 : i32
        %get3A_1363 = arith.index_cast %get3A_1362 : i32 to index
        %get3A_1364 = arith.index_cast %add3A_1361 : i32 to index
        %get3A_1365 = arith.constant 160 : index
        %get3A_1366 = tpu.vector_load %arg6[%get3A_1363, %get3A_1364, %get3A_1365] {strides = array<i32>} : memref<2x160x256xf32, #tpu.memory_space<vmem>>, vector<1x1x16xf32>,
        %get3A_1367 = vector.shape_cast %get3A_1366 : vector<1x1x16xf32> to vector<16xf32>
        %add3A_1368 = arith.addf %add3A_1357, %get3A_1367 : vector<16xf32>
        %mul3A_1369 = arith.constant 10 : i32
        %mul3A_1370 = arith.muli %scan3A_189, %mul3A_1369 : i32
        %add3A_1371 = arith.constant 4 : i32
        %add3A_1372 = arith.addi %mul3A_1370, %add3A_1371 : i32
        %get3A_1373 = arith.constant 1 : i32
        %get3A_1374 = arith.index_cast %get3A_1373 : i32 to index
        %get3A_1375 = arith.index_cast %add3A_1372 : i32 to index
        %get3A_1376 = arith.constant 160 : index
        %get3A_1377 = tpu.vector_load %arg6[%get3A_1374, %get3A_1375, %get3A_1376] {strides = array<i32>} : memref<2x160x256xf32, #tpu.memory_space<vmem>>, vector<1x1x16xf32>,
        %get3A_1378 = vector.shape_cast %get3A_1377 : vector<1x1x16xf32> to vector<16xf32>
        %add3A_1379 = arith.addf %add3A_1368, %get3A_1378 : vector<16xf32>
        %mul3A_1380 = arith.constant 10 : i32
        %mul3A_1381 = arith.muli %scan3A_189, %mul3A_1380 : i32
        %add3A_1382 = arith.constant 5 : i32
        %add3A_1383 = arith.addi %mul3A_1381, %add3A_1382 : i32
        %get3A_1384 = arith.constant 1 : i32
        %get3A_1385 = arith.index_cast %get3A_1384 : i32 to index
        %get3A_1386 = arith.index_cast %add3A_1383 : i32 to index
        %get3A_1387 = arith.constant 160 : index
        %get3A_1388 = tpu.vector_load %arg6[%get3A_1385, %get3A_1386, %get3A_1387] {strides = array<i32>} : memref<2x160x256xf32, #tpu.memory_space<vmem>>, vector<1x1x16xf32>,
        %get3A_1389 = vector.shape_cast %get3A_1388 : vector<1x1x16xf32> to vector<16xf32>
        %add3A_1390 = arith.addf %add3A_1379, %get3A_1389 : vector<16xf32>
        %mul3A_1391 = arith.constant 10 : i32
        %mul3A_1392 = arith.muli %scan3A_189, %mul3A_1391 : i32
        %add3A_1393 = arith.constant 6 : i32
        %add3A_1394 = arith.addi %mul3A_1392, %add3A_1393 : i32
        %get3A_1395 = arith.constant 1 : i32
        %get3A_1396 = arith.index_cast %get3A_1395 : i32 to index
        %get3A_1397 = arith.index_cast %add3A_1394 : i32 to index
        %get3A_1398 = arith.constant 160 : index
        %get3A_1399 = tpu.vector_load %arg6[%get3A_1396, %get3A_1397, %get3A_1398] {strides = array<i32>} : memref<2x160x256xf32, #tpu.memory_space<vmem>>, vector<1x1x16xf32>,
        %get3A_1400 = vector.shape_cast %get3A_1399 : vector<1x1x16xf32> to vector<16xf32>
        %add3A_1401 = arith.addf %add3A_1390, %get3A_1400 : vector<16xf32>
        %mul3A_1402 = arith.constant 10 : i32
        %mul3A_1403 = arith.muli %scan3A_189, %mul3A_1402 : i32
        %add3A_1404 = arith.constant 7 : i32
        %add3A_1405 = arith.addi %mul3A_1403, %add3A_1404 : i32
        %get3A_1406 = arith.constant 1 : i32
        %get3A_1407 = arith.index_cast %get3A_1406 : i32 to index
        %get3A_1408 = arith.index_cast %add3A_1405 : i32 to index
        %get3A_1409 = arith.constant 160 : index
        %get3A_1410 = tpu.vector_load %arg6[%get3A_1407, %get3A_1408, %get3A_1409] {strides = array<i32>} : memref<2x160x256xf32, #tpu.memory_space<vmem>>, vector<1x1x16xf32>,
        %get3A_1411 = vector.shape_cast %get3A_1410 : vector<1x1x16xf32> to vector<16xf32>
        %add3A_1412 = arith.addf %add3A_1401, %get3A_1411 : vector<16xf32>
        %mul3A_1413 = arith.constant 10 : i32
        %mul3A_1414 = arith.muli %scan3A_189, %mul3A_1413 : i32
        %add3A_1415 = arith.constant 8 : i32
        %add3A_1416 = arith.addi %mul3A_1414, %add3A_1415 : i32
        %get3A_1417 = arith.constant 1 : i32
        %get3A_1418 = arith.index_cast %get3A_1417 : i32 to index
        %get3A_1419 = arith.index_cast %add3A_1416 : i32 to index
        %get3A_1420 = arith.constant 160 : index
        %get3A_1421 = tpu.vector_load %arg6[%get3A_1418, %get3A_1419, %get3A_1420] {strides = array<i32>} : memref<2x160x256xf32, #tpu.memory_space<vmem>>, vector<1x1x16xf32>,
        %get3A_1422 = vector.shape_cast %get3A_1421 : vector<1x1x16xf32> to vector<16xf32>
        %add3A_1423 = arith.addf %add3A_1412, %get3A_1422 : vector<16xf32>
        %mul3A_1424 = arith.constant 10 : i32
        %mul3A_1425 = arith.muli %scan3A_189, %mul3A_1424 : i32
        %add3A_1426 = arith.constant 9 : i32
        %add3A_1427 = arith.addi %mul3A_1425, %add3A_1426 : i32
        %get3A_1428 = arith.constant 1 : i32
        %get3A_1429 = arith.index_cast %get3A_1428 : i32 to index
        %get3A_1430 = arith.index_cast %add3A_1427 : i32 to index
        %get3A_1431 = arith.constant 160 : index
        %get3A_1432 = tpu.vector_load %arg6[%get3A_1429, %get3A_1430, %get3A_1431] {strides = array<i32>} : memref<2x160x256xf32, #tpu.memory_space<vmem>>, vector<1x1x16xf32>,
        %get3A_1433 = vector.shape_cast %get3A_1432 : vector<1x1x16xf32> to vector<16xf32>
        %add3A_1434 = arith.addf %add3A_1423, %get3A_1433 : vector<16xf32>
        %swap3A_1435 = arith.constant 1 : i32
        %swap3A_1436 = arith.index_cast %swap3A_1435 : i32 to index
        %swap3A_1437 = arith.index_cast %scan3A_189 : i32 to index
        %swap3A_1438 = arith.constant 160 : index
        %swap3A_1439 = tpu.vector_load %arg7[%swap3A_1436, %swap3A_1437, %swap3A_1438] {strides = array<i32>} : memref<2x16x256xf32, #tpu.memory_space<vmem>>, vector<1x1x16xf32>,
        %swap3A_1440 = vector.shape_cast %swap3A_1439 : vector<1x1x16xf32> to vector<16xf32>
        %swap3A_1441 = vector.shape_cast %add3A_1434 : vector<16xf32> to vector<1x1x16xf32>
        tpu.vector_store %arg7[%swap3A_1436, %swap3A_1437, %swap3A_1438], %swap3A_1441 {strides = array<i32>} : memref<2x16x256xf32, #tpu.memory_space<vmem>>, vector<1x1x16xf32>,
        %mul3A_1442 = arith.constant 10 : i32
        %mul3A_1443 = arith.muli %scan3A_189, %mul3A_1442 : i32
        %get3A_1444 = arith.constant 1 : i32
        %get3A_1445 = arith.index_cast %get3A_1444 : i32 to index
        %get3A_1446 = arith.index_cast %mul3A_1443 : i32 to index
        %get3A_1447 = arith.constant 176 : index
        %get3A_1448 = tpu.vector_load %arg6[%get3A_1445, %get3A_1446, %get3A_1447] {strides = array<i32>} : memref<2x160x256xf32, #tpu.memory_space<vmem>>, vector<1x1x16xf32>,
        %get3A_1449 = vector.shape_cast %get3A_1448 : vector<1x1x16xf32> to vector<16xf32>
        %mul3A_1450 = arith.constant 10 : i32
        %mul3A_1451 = arith.muli %scan3A_189, %mul3A_1450 : i32
        %add3A_1452 = arith.constant 1 : i32
        %add3A_1453 = arith.addi %mul3A_1451, %add3A_1452 : i32
        %get3A_1454 = arith.constant 1 : i32
        %get3A_1455 = arith.index_cast %get3A_1454 : i32 to index
        %get3A_1456 = arith.index_cast %add3A_1453 : i32 to index
        %get3A_1457 = arith.constant 176 : index
        %get3A_1458 = tpu.vector_load %arg6[%get3A_1455, %get3A_1456, %get3A_1457] {strides = array<i32>} : memref<2x160x256xf32, #tpu.memory_space<vmem>>, vector<1x1x16xf32>,
        %get3A_1459 = vector.shape_cast %get3A_1458 : vector<1x1x16xf32> to vector<16xf32>
        %add3A_1460 = arith.addf %get3A_1449, %get3A_1459 : vector<16xf32>
        %mul3A_1461 = arith.constant 10 : i32
        %mul3A_1462 = arith.muli %scan3A_189, %mul3A_1461 : i32
        %add3A_1463 = arith.constant 2 : i32
        %add3A_1464 = arith.addi %mul3A_1462, %add3A_1463 : i32
        %get3A_1465 = arith.constant 1 : i32
        %get3A_1466 = arith.index_cast %get3A_1465 : i32 to index
        %get3A_1467 = arith.index_cast %add3A_1464 : i32 to index
        %get3A_1468 = arith.constant 176 : index
        %get3A_1469 = tpu.vector_load %arg6[%get3A_1466, %get3A_1467, %get3A_1468] {strides = array<i32>} : memref<2x160x256xf32, #tpu.memory_space<vmem>>, vector<1x1x16xf32>,
        %get3A_1470 = vector.shape_cast %get3A_1469 : vector<1x1x16xf32> to vector<16xf32>
        %add3A_1471 = arith.addf %add3A_1460, %get3A_1470 : vector<16xf32>
        %mul3A_1472 = arith.constant 10 : i32
        %mul3A_1473 = arith.muli %scan3A_189, %mul3A_1472 : i32
        %add3A_1474 = arith.constant 3 : i32
        %add3A_1475 = arith.addi %mul3A_1473, %add3A_1474 : i32
        %get3A_1476 = arith.constant 1 : i32
        %get3A_1477 = arith.index_cast %get3A_1476 : i32 to index
        %get3A_1478 = arith.index_cast %add3A_1475 : i32 to index
        %get3A_1479 = arith.constant 176 : index
        %get3A_1480 = tpu.vector_load %arg6[%get3A_1477, %get3A_1478, %get3A_1479] {strides = array<i32>} : memref<2x160x256xf32, #tpu.memory_space<vmem>>, vector<1x1x16xf32>,
        %get3A_1481 = vector.shape_cast %get3A_1480 : vector<1x1x16xf32> to vector<16xf32>
        %add3A_1482 = arith.addf %add3A_1471, %get3A_1481 : vector<16xf32>
        %mul3A_1483 = arith.constant 10 : i32
        %mul3A_1484 = arith.muli %scan3A_189, %mul3A_1483 : i32
        %add3A_1485 = arith.constant 4 : i32
        %add3A_1486 = arith.addi %mul3A_1484, %add3A_1485 : i32
        %get3A_1487 = arith.constant 1 : i32
        %get3A_1488 = arith.index_cast %get3A_1487 : i32 to index
        %get3A_1489 = arith.index_cast %add3A_1486 : i32 to index
        %get3A_1490 = arith.constant 176 : index
        %get3A_1491 = tpu.vector_load %arg6[%get3A_1488, %get3A_1489, %get3A_1490] {strides = array<i32>} : memref<2x160x256xf32, #tpu.memory_space<vmem>>, vector<1x1x16xf32>,
        %get3A_1492 = vector.shape_cast %get3A_1491 : vector<1x1x16xf32> to vector<16xf32>
        %add3A_1493 = arith.addf %add3A_1482, %get3A_1492 : vector<16xf32>
        %mul3A_1494 = arith.constant 10 : i32
        %mul3A_1495 = arith.muli %scan3A_189, %mul3A_1494 : i32
        %add3A_1496 = arith.constant 5 : i32
        %add3A_1497 = arith.addi %mul3A_1495, %add3A_1496 : i32
        %get3A_1498 = arith.constant 1 : i32
        %get3A_1499 = arith.index_cast %get3A_1498 : i32 to index
        %get3A_1500 = arith.index_cast %add3A_1497 : i32 to index
        %get3A_1501 = arith.constant 176 : index
        %get3A_1502 = tpu.vector_load %arg6[%get3A_1499, %get3A_1500, %get3A_1501] {strides = array<i32>} : memref<2x160x256xf32, #tpu.memory_space<vmem>>, vector<1x1x16xf32>,
        %get3A_1503 = vector.shape_cast %get3A_1502 : vector<1x1x16xf32> to vector<16xf32>
        %add3A_1504 = arith.addf %add3A_1493, %get3A_1503 : vector<16xf32>
        %mul3A_1505 = arith.constant 10 : i32
        %mul3A_1506 = arith.muli %scan3A_189, %mul3A_1505 : i32
        %add3A_1507 = arith.constant 6 : i32
        %add3A_1508 = arith.addi %mul3A_1506, %add3A_1507 : i32
        %get3A_1509 = arith.constant 1 : i32
        %get3A_1510 = arith.index_cast %get3A_1509 : i32 to index
        %get3A_1511 = arith.index_cast %add3A_1508 : i32 to index
        %get3A_1512 = arith.constant 176 : index
        %get3A_1513 = tpu.vector_load %arg6[%get3A_1510, %get3A_1511, %get3A_1512] {strides = array<i32>} : memref<2x160x256xf32, #tpu.memory_space<vmem>>, vector<1x1x16xf32>,
        %get3A_1514 = vector.shape_cast %get3A_1513 : vector<1x1x16xf32> to vector<16xf32>
        %add3A_1515 = arith.addf %add3A_1504, %get3A_1514 : vector<16xf32>
        %mul3A_1516 = arith.constant 10 : i32
        %mul3A_1517 = arith.muli %scan3A_189, %mul3A_1516 : i32
        %add3A_1518 = arith.constant 7 : i32
        %add3A_1519 = arith.addi %mul3A_1517, %add3A_1518 : i32
        %get3A_1520 = arith.constant 1 : i32
        %get3A_1521 = arith.index_cast %get3A_1520 : i32 to index
        %get3A_1522 = arith.index_cast %add3A_1519 : i32 to index
        %get3A_1523 = arith.constant 176 : index
        %get3A_1524 = tpu.vector_load %arg6[%get3A_1521, %get3A_1522, %get3A_1523] {strides = array<i32>} : memref<2x160x256xf32, #tpu.memory_space<vmem>>, vector<1x1x16xf32>,
        %get3A_1525 = vector.shape_cast %get3A_1524 : vector<1x1x16xf32> to vector<16xf32>
        %add3A_1526 = arith.addf %add3A_1515, %get3A_1525 : vector<16xf32>
        %mul3A_1527 = arith.constant 10 : i32
        %mul3A_1528 = arith.muli %scan3A_189, %mul3A_1527 : i32
        %add3A_1529 = arith.constant 8 : i32
        %add3A_1530 = arith.addi %mul3A_1528, %add3A_1529 : i32
        %get3A_1531 = arith.constant 1 : i32
        %get3A_1532 = arith.index_cast %get3A_1531 : i32 to index
        %get3A_1533 = arith.index_cast %add3A_1530 : i32 to index
        %get3A_1534 = arith.constant 176 : index
        %get3A_1535 = tpu.vector_load %arg6[%get3A_1532, %get3A_1533, %get3A_1534] {strides = array<i32>} : memref<2x160x256xf32, #tpu.memory_space<vmem>>, vector<1x1x16xf32>,
        %get3A_1536 = vector.shape_cast %get3A_1535 : vector<1x1x16xf32> to vector<16xf32>
        %add3A_1537 = arith.addf %add3A_1526, %get3A_1536 : vector<16xf32>
        %mul3A_1538 = arith.constant 10 : i32
        %mul3A_1539 = arith.muli %scan3A_189, %mul3A_1538 : i32
        %add3A_1540 = arith.constant 9 : i32
        %add3A_1541 = arith.addi %mul3A_1539, %add3A_1540 : i32
        %get3A_1542 = arith.constant 1 : i32
        %get3A_1543 = arith.index_cast %get3A_1542 : i32 to index
        %get3A_1544 = arith.index_cast %add3A_1541 : i32 to index
        %get3A_1545 = arith.constant 176 : index
        %get3A_1546 = tpu.vector_load %arg6[%get3A_1543, %get3A_1544, %get3A_1545] {strides = array<i32>} : memref<2x160x256xf32, #tpu.memory_space<vmem>>, vector<1x1x16xf32>,
        %get3A_1547 = vector.shape_cast %get3A_1546 : vector<1x1x16xf32> to vector<16xf32>
        %add3A_1548 = arith.addf %add3A_1537, %get3A_1547 : vector<16xf32>
        %swap3A_1549 = arith.constant 1 : i32
        %swap3A_1550 = arith.index_cast %swap3A_1549 : i32 to index
        %swap3A_1551 = arith.index_cast %scan3A_189 : i32 to index
        %swap3A_1552 = arith.constant 176 : index
        %swap3A_1553 = tpu.vector_load %arg7[%swap3A_1550, %swap3A_1551, %swap3A_1552] {strides = array<i32>} : memref<2x16x256xf32, #tpu.memory_space<vmem>>, vector<1x1x16xf32>,
        %swap3A_1554 = vector.shape_cast %swap3A_1553 : vector<1x1x16xf32> to vector<16xf32>
        %swap3A_1555 = vector.shape_cast %add3A_1548 : vector<16xf32> to vector<1x1x16xf32>
        tpu.vector_store %arg7[%swap3A_1550, %swap3A_1551, %swap3A_1552], %swap3A_1555 {strides = array<i32>} : memref<2x16x256xf32, #tpu.memory_space<vmem>>, vector<1x1x16xf32>,
        %mul3A_1556 = arith.constant 10 : i32
        %mul3A_1557 = arith.muli %scan3A_189, %mul3A_1556 : i32
        %get3A_1558 = arith.constant 1 : i32
        %get3A_1559 = arith.index_cast %get3A_1558 : i32 to index
        %get3A_1560 = arith.index_cast %mul3A_1557 : i32 to index
        %get3A_1561 = arith.constant 192 : index
        %get3A_1562 = tpu.vector_load %arg6[%get3A_1559, %get3A_1560, %get3A_1561] {strides = array<i32>} : memref<2x160x256xf32, #tpu.memory_space<vmem>>, vector<1x1x16xf32>,
        %get3A_1563 = vector.shape_cast %get3A_1562 : vector<1x1x16xf32> to vector<16xf32>
        %mul3A_1564 = arith.constant 10 : i32
        %mul3A_1565 = arith.muli %scan3A_189, %mul3A_1564 : i32
        %add3A_1566 = arith.constant 1 : i32
        %add3A_1567 = arith.addi %mul3A_1565, %add3A_1566 : i32
        %get3A_1568 = arith.constant 1 : i32
        %get3A_1569 = arith.index_cast %get3A_1568 : i32 to index
        %get3A_1570 = arith.index_cast %add3A_1567 : i32 to index
        %get3A_1571 = arith.constant 192 : index
        %get3A_1572 = tpu.vector_load %arg6[%get3A_1569, %get3A_1570, %get3A_1571] {strides = array<i32>} : memref<2x160x256xf32, #tpu.memory_space<vmem>>, vector<1x1x16xf32>,
        %get3A_1573 = vector.shape_cast %get3A_1572 : vector<1x1x16xf32> to vector<16xf32>
        %add3A_1574 = arith.addf %get3A_1563, %get3A_1573 : vector<16xf32>
        %mul3A_1575 = arith.constant 10 : i32
        %mul3A_1576 = arith.muli %scan3A_189, %mul3A_1575 : i32
        %add3A_1577 = arith.constant 2 : i32
        %add3A_1578 = arith.addi %mul3A_1576, %add3A_1577 : i32
        %get3A_1579 = arith.constant 1 : i32
        %get3A_1580 = arith.index_cast %get3A_1579 : i32 to index
        %get3A_1581 = arith.index_cast %add3A_1578 : i32 to index
        %get3A_1582 = arith.constant 192 : index
        %get3A_1583 = tpu.vector_load %arg6[%get3A_1580, %get3A_1581, %get3A_1582] {strides = array<i32>} : memref<2x160x256xf32, #tpu.memory_space<vmem>>, vector<1x1x16xf32>,
        %get3A_1584 = vector.shape_cast %get3A_1583 : vector<1x1x16xf32> to vector<16xf32>
        %add3A_1585 = arith.addf %add3A_1574, %get3A_1584 : vector<16xf32>
        %mul3A_1586 = arith.constant 10 : i32
        %mul3A_1587 = arith.muli %scan3A_189, %mul3A_1586 : i32
        %add3A_1588 = arith.constant 3 : i32
        %add3A_1589 = arith.addi %mul3A_1587, %add3A_1588 : i32
        %get3A_1590 = arith.constant 1 : i32
        %get3A_1591 = arith.index_cast %get3A_1590 : i32 to index
        %get3A_1592 = arith.index_cast %add3A_1589 : i32 to index
        %get3A_1593 = arith.constant 192 : index
        %get3A_1594 = tpu.vector_load %arg6[%get3A_1591, %get3A_1592, %get3A_1593] {strides = array<i32>} : memref<2x160x256xf32, #tpu.memory_space<vmem>>, vector<1x1x16xf32>,
        %get3A_1595 = vector.shape_cast %get3A_1594 : vector<1x1x16xf32> to vector<16xf32>
        %add3A_1596 = arith.addf %add3A_1585, %get3A_1595 : vector<16xf32>
        %mul3A_1597 = arith.constant 10 : i32
        %mul3A_1598 = arith.muli %scan3A_189, %mul3A_1597 : i32
        %add3A_1599 = arith.constant 4 : i32
        %add3A_1600 = arith.addi %mul3A_1598, %add3A_1599 : i32
        %get3A_1601 = arith.constant 1 : i32
        %get3A_1602 = arith.index_cast %get3A_1601 : i32 to index
        %get3A_1603 = arith.index_cast %add3A_1600 : i32 to index
        %get3A_1604 = arith.constant 192 : index
        %get3A_1605 = tpu.vector_load %arg6[%get3A_1602, %get3A_1603, %get3A_1604] {strides = array<i32>} : memref<2x160x256xf32, #tpu.memory_space<vmem>>, vector<1x1x16xf32>,
        %get3A_1606 = vector.shape_cast %get3A_1605 : vector<1x1x16xf32> to vector<16xf32>
        %add3A_1607 = arith.addf %add3A_1596, %get3A_1606 : vector<16xf32>
        %mul3A_1608 = arith.constant 10 : i32
        %mul3A_1609 = arith.muli %scan3A_189, %mul3A_1608 : i32
        %add3A_1610 = arith.constant 5 : i32
        %add3A_1611 = arith.addi %mul3A_1609, %add3A_1610 : i32
        %get3A_1612 = arith.constant 1 : i32
        %get3A_1613 = arith.index_cast %get3A_1612 : i32 to index
        %get3A_1614 = arith.index_cast %add3A_1611 : i32 to index
        %get3A_1615 = arith.constant 192 : index
        %get3A_1616 = tpu.vector_load %arg6[%get3A_1613, %get3A_1614, %get3A_1615] {strides = array<i32>} : memref<2x160x256xf32, #tpu.memory_space<vmem>>, vector<1x1x16xf32>,
        %get3A_1617 = vector.shape_cast %get3A_1616 : vector<1x1x16xf32> to vector<16xf32>
        %add3A_1618 = arith.addf %add3A_1607, %get3A_1617 : vector<16xf32>
        %mul3A_1619 = arith.constant 10 : i32
        %mul3A_1620 = arith.muli %scan3A_189, %mul3A_1619 : i32
        %add3A_1621 = arith.constant 6 : i32
        %add3A_1622 = arith.addi %mul3A_1620, %add3A_1621 : i32
        %get3A_1623 = arith.constant 1 : i32
        %get3A_1624 = arith.index_cast %get3A_1623 : i32 to index
        %get3A_1625 = arith.index_cast %add3A_1622 : i32 to index
        %get3A_1626 = arith.constant 192 : index
        %get3A_1627 = tpu.vector_load %arg6[%get3A_1624, %get3A_1625, %get3A_1626] {strides = array<i32>} : memref<2x160x256xf32, #tpu.memory_space<vmem>>, vector<1x1x16xf32>,
        %get3A_1628 = vector.shape_cast %get3A_1627 : vector<1x1x16xf32> to vector<16xf32>
        %add3A_1629 = arith.addf %add3A_1618, %get3A_1628 : vector<16xf32>
        %mul3A_1630 = arith.constant 10 : i32
        %mul3A_1631 = arith.muli %scan3A_189, %mul3A_1630 : i32
        %add3A_1632 = arith.constant 7 : i32
        %add3A_1633 = arith.addi %mul3A_1631, %add3A_1632 : i32
        %get3A_1634 = arith.constant 1 : i32
        %get3A_1635 = arith.index_cast %get3A_1634 : i32 to index
        %get3A_1636 = arith.index_cast %add3A_1633 : i32 to index
        %get3A_1637 = arith.constant 192 : index
        %get3A_1638 = tpu.vector_load %arg6[%get3A_1635, %get3A_1636, %get3A_1637] {strides = array<i32>} : memref<2x160x256xf32, #tpu.memory_space<vmem>>, vector<1x1x16xf32>,
        %get3A_1639 = vector.shape_cast %get3A_1638 : vector<1x1x16xf32> to vector<16xf32>
        %add3A_1640 = arith.addf %add3A_1629, %get3A_1639 : vector<16xf32>
        %mul3A_1641 = arith.constant 10 : i32
        %mul3A_1642 = arith.muli %scan3A_189, %mul3A_1641 : i32
        %add3A_1643 = arith.constant 8 : i32
        %add3A_1644 = arith.addi %mul3A_1642, %add3A_1643 : i32
        %get3A_1645 = arith.constant 1 : i32
        %get3A_1646 = arith.index_cast %get3A_1645 : i32 to index
        %get3A_1647 = arith.index_cast %add3A_1644 : i32 to index
        %get3A_1648 = arith.constant 192 : index
        %get3A_1649 = tpu.vector_load %arg6[%get3A_1646, %get3A_1647, %get3A_1648] {strides = array<i32>} : memref<2x160x256xf32, #tpu.memory_space<vmem>>, vector<1x1x16xf32>,
        %get3A_1650 = vector.shape_cast %get3A_1649 : vector<1x1x16xf32> to vector<16xf32>
        %add3A_1651 = arith.addf %add3A_1640, %get3A_1650 : vector<16xf32>
        %mul3A_1652 = arith.constant 10 : i32
        %mul3A_1653 = arith.muli %scan3A_189, %mul3A_1652 : i32
        %add3A_1654 = arith.constant 9 : i32
        %add3A_1655 = arith.addi %mul3A_1653, %add3A_1654 : i32
        %get3A_1656 = arith.constant 1 : i32
        %get3A_1657 = arith.index_cast %get3A_1656 : i32 to index
        %get3A_1658 = arith.index_cast %add3A_1655 : i32 to index
        %get3A_1659 = arith.constant 192 : index
        %get3A_1660 = tpu.vector_load %arg6[%get3A_1657, %get3A_1658, %get3A_1659] {strides = array<i32>} : memref<2x160x256xf32, #tpu.memory_space<vmem>>, vector<1x1x16xf32>,
        %get3A_1661 = vector.shape_cast %get3A_1660 : vector<1x1x16xf32> to vector<16xf32>
        %add3A_1662 = arith.addf %add3A_1651, %get3A_1661 : vector<16xf32>
        %swap3A_1663 = arith.constant 1 : i32
        %swap3A_1664 = arith.index_cast %swap3A_1663 : i32 to index
        %swap3A_1665 = arith.index_cast %scan3A_189 : i32 to index
        %swap3A_1666 = arith.constant 192 : index
        %swap3A_1667 = tpu.vector_load %arg7[%swap3A_1664, %swap3A_1665, %swap3A_1666] {strides = array<i32>} : memref<2x16x256xf32, #tpu.memory_space<vmem>>, vector<1x1x16xf32>,
        %swap3A_1668 = vector.shape_cast %swap3A_1667 : vector<1x1x16xf32> to vector<16xf32>
        %swap3A_1669 = vector.shape_cast %add3A_1662 : vector<16xf32> to vector<1x1x16xf32>
        tpu.vector_store %arg7[%swap3A_1664, %swap3A_1665, %swap3A_1666], %swap3A_1669 {strides = array<i32>} : memref<2x16x256xf32, #tpu.memory_space<vmem>>, vector<1x1x16xf32>,
        %mul3A_1670 = arith.constant 10 : i32
        %mul3A_1671 = arith.muli %scan3A_189, %mul3A_1670 : i32
        %get3A_1672 = arith.constant 1 : i32
        %get3A_1673 = arith.index_cast %get3A_1672 : i32 to index
        %get3A_1674 = arith.index_cast %mul3A_1671 : i32 to index
        %get3A_1675 = arith.constant 208 : index
        %get3A_1676 = tpu.vector_load %arg6[%get3A_1673, %get3A_1674, %get3A_1675] {strides = array<i32>} : memref<2x160x256xf32, #tpu.memory_space<vmem>>, vector<1x1x16xf32>,
        %get3A_1677 = vector.shape_cast %get3A_1676 : vector<1x1x16xf32> to vector<16xf32>
        %mul3A_1678 = arith.constant 10 : i32
        %mul3A_1679 = arith.muli %scan3A_189, %mul3A_1678 : i32
        %add3A_1680 = arith.constant 1 : i32
        %add3A_1681 = arith.addi %mul3A_1679, %add3A_1680 : i32
        %get3A_1682 = arith.constant 1 : i32
        %get3A_1683 = arith.index_cast %get3A_1682 : i32 to index
        %get3A_1684 = arith.index_cast %add3A_1681 : i32 to index
        %get3A_1685 = arith.constant 208 : index
        %get3A_1686 = tpu.vector_load %arg6[%get3A_1683, %get3A_1684, %get3A_1685] {strides = array<i32>} : memref<2x160x256xf32, #tpu.memory_space<vmem>>, vector<1x1x16xf32>,
        %get3A_1687 = vector.shape_cast %get3A_1686 : vector<1x1x16xf32> to vector<16xf32>
        %add3A_1688 = arith.addf %get3A_1677, %get3A_1687 : vector<16xf32>
        %mul3A_1689 = arith.constant 10 : i32
        %mul3A_1690 = arith.muli %scan3A_189, %mul3A_1689 : i32
        %add3A_1691 = arith.constant 2 : i32
        %add3A_1692 = arith.addi %mul3A_1690, %add3A_1691 : i32
        %get3A_1693 = arith.constant 1 : i32
        %get3A_1694 = arith.index_cast %get3A_1693 : i32 to index
        %get3A_1695 = arith.index_cast %add3A_1692 : i32 to index
        %get3A_1696 = arith.constant 208 : index
        %get3A_1697 = tpu.vector_load %arg6[%get3A_1694, %get3A_1695, %get3A_1696] {strides = array<i32>} : memref<2x160x256xf32, #tpu.memory_space<vmem>>, vector<1x1x16xf32>,
        %get3A_1698 = vector.shape_cast %get3A_1697 : vector<1x1x16xf32> to vector<16xf32>
        %add3A_1699 = arith.addf %add3A_1688, %get3A_1698 : vector<16xf32>
        %mul3A_1700 = arith.constant 10 : i32
        %mul3A_1701 = arith.muli %scan3A_189, %mul3A_1700 : i32
        %add3A_1702 = arith.constant 3 : i32
        %add3A_1703 = arith.addi %mul3A_1701, %add3A_1702 : i32
        %get3A_1704 = arith.constant 1 : i32
        %get3A_1705 = arith.index_cast %get3A_1704 : i32 to index
        %get3A_1706 = arith.index_cast %add3A_1703 : i32 to index
        %get3A_1707 = arith.constant 208 : index
        %get3A_1708 = tpu.vector_load %arg6[%get3A_1705, %get3A_1706, %get3A_1707] {strides = array<i32>} : memref<2x160x256xf32, #tpu.memory_space<vmem>>, vector<1x1x16xf32>,
        %get3A_1709 = vector.shape_cast %get3A_1708 : vector<1x1x16xf32> to vector<16xf32>
        %add3A_1710 = arith.addf %add3A_1699, %get3A_1709 : vector<16xf32>
        %mul3A_1711 = arith.constant 10 : i32
        %mul3A_1712 = arith.muli %scan3A_189, %mul3A_1711 : i32
        %add3A_1713 = arith.constant 4 : i32
        %add3A_1714 = arith.addi %mul3A_1712, %add3A_1713 : i32
        %get3A_1715 = arith.constant 1 : i32
        %get3A_1716 = arith.index_cast %get3A_1715 : i32 to index
        %get3A_1717 = arith.index_cast %add3A_1714 : i32 to index
        %get3A_1718 = arith.constant 208 : index
        %get3A_1719 = tpu.vector_load %arg6[%get3A_1716, %get3A_1717, %get3A_1718] {strides = array<i32>} : memref<2x160x256xf32, #tpu.memory_space<vmem>>, vector<1x1x16xf32>,
        %get3A_1720 = vector.shape_cast %get3A_1719 : vector<1x1x16xf32> to vector<16xf32>
        %add3A_1721 = arith.addf %add3A_1710, %get3A_1720 : vector<16xf32>
        %mul3A_1722 = arith.constant 10 : i32
        %mul3A_1723 = arith.muli %scan3A_189, %mul3A_1722 : i32
        %add3A_1724 = arith.constant 5 : i32
        %add3A_1725 = arith.addi %mul3A_1723, %add3A_1724 : i32
        %get3A_1726 = arith.constant 1 : i32
        %get3A_1727 = arith.index_cast %get3A_1726 : i32 to index
        %get3A_1728 = arith.index_cast %add3A_1725 : i32 to index
        %get3A_1729 = arith.constant 208 : index
        %get3A_1730 = tpu.vector_load %arg6[%get3A_1727, %get3A_1728, %get3A_1729] {strides = array<i32>} : memref<2x160x256xf32, #tpu.memory_space<vmem>>, vector<1x1x16xf32>,
        %get3A_1731 = vector.shape_cast %get3A_1730 : vector<1x1x16xf32> to vector<16xf32>
        %add3A_1732 = arith.addf %add3A_1721, %get3A_1731 : vector<16xf32>
        %mul3A_1733 = arith.constant 10 : i32
        %mul3A_1734 = arith.muli %scan3A_189, %mul3A_1733 : i32
        %add3A_1735 = arith.constant 6 : i32
        %add3A_1736 = arith.addi %mul3A_1734, %add3A_1735 : i32
        %get3A_1737 = arith.constant 1 : i32
        %get3A_1738 = arith.index_cast %get3A_1737 : i32 to index
        %get3A_1739 = arith.index_cast %add3A_1736 : i32 to index
        %get3A_1740 = arith.constant 208 : index
        %get3A_1741 = tpu.vector_load %arg6[%get3A_1738, %get3A_1739, %get3A_1740] {strides = array<i32>} : memref<2x160x256xf32, #tpu.memory_space<vmem>>, vector<1x1x16xf32>,
        %get3A_1742 = vector.shape_cast %get3A_1741 : vector<1x1x16xf32> to vector<16xf32>
        %add3A_1743 = arith.addf %add3A_1732, %get3A_1742 : vector<16xf32>
        %mul3A_1744 = arith.constant 10 : i32
        %mul3A_1745 = arith.muli %scan3A_189, %mul3A_1744 : i32
        %add3A_1746 = arith.constant 7 : i32
        %add3A_1747 = arith.addi %mul3A_1745, %add3A_1746 : i32
        %get3A_1748 = arith.constant 1 : i32
        %get3A_1749 = arith.index_cast %get3A_1748 : i32 to index
        %get3A_1750 = arith.index_cast %add3A_1747 : i32 to index
        %get3A_1751 = arith.constant 208 : index
        %get3A_1752 = tpu.vector_load %arg6[%get3A_1749, %get3A_1750, %get3A_1751] {strides = array<i32>} : memref<2x160x256xf32, #tpu.memory_space<vmem>>, vector<1x1x16xf32>,
        %get3A_1753 = vector.shape_cast %get3A_1752 : vector<1x1x16xf32> to vector<16xf32>
        %add3A_1754 = arith.addf %add3A_1743, %get3A_1753 : vector<16xf32>
        %mul3A_1755 = arith.constant 10 : i32
        %mul3A_1756 = arith.muli %scan3A_189, %mul3A_1755 : i32
        %add3A_1757 = arith.constant 8 : i32
        %add3A_1758 = arith.addi %mul3A_1756, %add3A_1757 : i32
        %get3A_1759 = arith.constant 1 : i32
        %get3A_1760 = arith.index_cast %get3A_1759 : i32 to index
        %get3A_1761 = arith.index_cast %add3A_1758 : i32 to index
        %get3A_1762 = arith.constant 208 : index
        %get3A_1763 = tpu.vector_load %arg6[%get3A_1760, %get3A_1761, %get3A_1762] {strides = array<i32>} : memref<2x160x256xf32, #tpu.memory_space<vmem>>, vector<1x1x16xf32>,
        %get3A_1764 = vector.shape_cast %get3A_1763 : vector<1x1x16xf32> to vector<16xf32>
        %add3A_1765 = arith.addf %add3A_1754, %get3A_1764 : vector<16xf32>
        %mul3A_1766 = arith.constant 10 : i32
        %mul3A_1767 = arith.muli %scan3A_189, %mul3A_1766 : i32
        %add3A_1768 = arith.constant 9 : i32
        %add3A_1769 = arith.addi %mul3A_1767, %add3A_1768 : i32
        %get3A_1770 = arith.constant 1 : i32
        %get3A_1771 = arith.index_cast %get3A_1770 : i32 to index
        %get3A_1772 = arith.index_cast %add3A_1769 : i32 to index
        %get3A_1773 = arith.constant 208 : index
        %get3A_1774 = tpu.vector_load %arg6[%get3A_1771, %get3A_1772, %get3A_1773] {strides = array<i32>} : memref<2x160x256xf32, #tpu.memory_space<vmem>>, vector<1x1x16xf32>,
        %get3A_1775 = vector.shape_cast %get3A_1774 : vector<1x1x16xf32> to vector<16xf32>
        %add3A_1776 = arith.addf %add3A_1765, %get3A_1775 : vector<16xf32>
        %swap3A_1777 = arith.constant 1 : i32
        %swap3A_1778 = arith.index_cast %swap3A_1777 : i32 to index
        %swap3A_1779 = arith.index_cast %scan3A_189 : i32 to index
        %swap3A_1780 = arith.constant 208 : index
        %swap3A_1781 = tpu.vector_load %arg7[%swap3A_1778, %swap3A_1779, %swap3A_1780] {strides = array<i32>} : memref<2x16x256xf32, #tpu.memory_space<vmem>>, vector<1x1x16xf32>,
        %swap3A_1782 = vector.shape_cast %swap3A_1781 : vector<1x1x16xf32> to vector<16xf32>
        %swap3A_1783 = vector.shape_cast %add3A_1776 : vector<16xf32> to vector<1x1x16xf32>
        tpu.vector_store %arg7[%swap3A_1778, %swap3A_1779, %swap3A_1780], %swap3A_1783 {strides = array<i32>} : memref<2x16x256xf32, #tpu.memory_space<vmem>>, vector<1x1x16xf32>,
        %mul3A_1784 = arith.constant 10 : i32
        %mul3A_1785 = arith.muli %scan3A_189, %mul3A_1784 : i32
        %get3A_1786 = arith.constant 1 : i32
        %get3A_1787 = arith.index_cast %get3A_1786 : i32 to index
        %get3A_1788 = arith.index_cast %mul3A_1785 : i32 to index
        %get3A_1789 = arith.constant 224 : index
        %get3A_1790 = tpu.vector_load %arg6[%get3A_1787, %get3A_1788, %get3A_1789] {strides = array<i32>} : memref<2x160x256xf32, #tpu.memory_space<vmem>>, vector<1x1x16xf32>,
        %get3A_1791 = vector.shape_cast %get3A_1790 : vector<1x1x16xf32> to vector<16xf32>
        %mul3A_1792 = arith.constant 10 : i32
        %mul3A_1793 = arith.muli %scan3A_189, %mul3A_1792 : i32
        %add3A_1794 = arith.constant 1 : i32
        %add3A_1795 = arith.addi %mul3A_1793, %add3A_1794 : i32
        %get3A_1796 = arith.constant 1 : i32
        %get3A_1797 = arith.index_cast %get3A_1796 : i32 to index
        %get3A_1798 = arith.index_cast %add3A_1795 : i32 to index
        %get3A_1799 = arith.constant 224 : index
        %get3A_1800 = tpu.vector_load %arg6[%get3A_1797, %get3A_1798, %get3A_1799] {strides = array<i32>} : memref<2x160x256xf32, #tpu.memory_space<vmem>>, vector<1x1x16xf32>,
        %get3A_1801 = vector.shape_cast %get3A_1800 : vector<1x1x16xf32> to vector<16xf32>
        %add3A_1802 = arith.addf %get3A_1791, %get3A_1801 : vector<16xf32>
        %mul3A_1803 = arith.constant 10 : i32
        %mul3A_1804 = arith.muli %scan3A_189, %mul3A_1803 : i32
        %add3A_1805 = arith.constant 2 : i32
        %add3A_1806 = arith.addi %mul3A_1804, %add3A_1805 : i32
        %get3A_1807 = arith.constant 1 : i32
        %get3A_1808 = arith.index_cast %get3A_1807 : i32 to index
        %get3A_1809 = arith.index_cast %add3A_1806 : i32 to index
        %get3A_1810 = arith.constant 224 : index
        %get3A_1811 = tpu.vector_load %arg6[%get3A_1808, %get3A_1809, %get3A_1810] {strides = array<i32>} : memref<2x160x256xf32, #tpu.memory_space<vmem>>, vector<1x1x16xf32>,
        %get3A_1812 = vector.shape_cast %get3A_1811 : vector<1x1x16xf32> to vector<16xf32>
        %add3A_1813 = arith.addf %add3A_1802, %get3A_1812 : vector<16xf32>
        %mul3A_1814 = arith.constant 10 : i32
        %mul3A_1815 = arith.muli %scan3A_189, %mul3A_1814 : i32
        %add3A_1816 = arith.constant 3 : i32
        %add3A_1817 = arith.addi %mul3A_1815, %add3A_1816 : i32
        %get3A_1818 = arith.constant 1 : i32
        %get3A_1819 = arith.index_cast %get3A_1818 : i32 to index
        %get3A_1820 = arith.index_cast %add3A_1817 : i32 to index
        %get3A_1821 = arith.constant 224 : index
        %get3A_1822 = tpu.vector_load %arg6[%get3A_1819, %get3A_1820, %get3A_1821] {strides = array<i32>} : memref<2x160x256xf32, #tpu.memory_space<vmem>>, vector<1x1x16xf32>,
        %get3A_1823 = vector.shape_cast %get3A_1822 : vector<1x1x16xf32> to vector<16xf32>
        %add3A_1824 = arith.addf %add3A_1813, %get3A_1823 : vector<16xf32>
        %mul3A_1825 = arith.constant 10 : i32
        %mul3A_1826 = arith.muli %scan3A_189, %mul3A_1825 : i32
        %add3A_1827 = arith.constant 4 : i32
        %add3A_1828 = arith.addi %mul3A_1826, %add3A_1827 : i32
        %get3A_1829 = arith.constant 1 : i32
        %get3A_1830 = arith.index_cast %get3A_1829 : i32 to index
        %get3A_1831 = arith.index_cast %add3A_1828 : i32 to index
        %get3A_1832 = arith.constant 224 : index
        %get3A_1833 = tpu.vector_load %arg6[%get3A_1830, %get3A_1831, %get3A_1832] {strides = array<i32>} : memref<2x160x256xf32, #tpu.memory_space<vmem>>, vector<1x1x16xf32>,
        %get3A_1834 = vector.shape_cast %get3A_1833 : vector<1x1x16xf32> to vector<16xf32>
        %add3A_1835 = arith.addf %add3A_1824, %get3A_1834 : vector<16xf32>
        %mul3A_1836 = arith.constant 10 : i32
        %mul3A_1837 = arith.muli %scan3A_189, %mul3A_1836 : i32
        %add3A_1838 = arith.constant 5 : i32
        %add3A_1839 = arith.addi %mul3A_1837, %add3A_1838 : i32
        %get3A_1840 = arith.constant 1 : i32
        %get3A_1841 = arith.index_cast %get3A_1840 : i32 to index
        %get3A_1842 = arith.index_cast %add3A_1839 : i32 to index
        %get3A_1843 = arith.constant 224 : index
        %get3A_1844 = tpu.vector_load %arg6[%get3A_1841, %get3A_1842, %get3A_1843] {strides = array<i32>} : memref<2x160x256xf32, #tpu.memory_space<vmem>>, vector<1x1x16xf32>,
        %get3A_1845 = vector.shape_cast %get3A_1844 : vector<1x1x16xf32> to vector<16xf32>
        %add3A_1846 = arith.addf %add3A_1835, %get3A_1845 : vector<16xf32>
        %mul3A_1847 = arith.constant 10 : i32
        %mul3A_1848 = arith.muli %scan3A_189, %mul3A_1847 : i32
        %add3A_1849 = arith.constant 6 : i32
        %add3A_1850 = arith.addi %mul3A_1848, %add3A_1849 : i32
        %get3A_1851 = arith.constant 1 : i32
        %get3A_1852 = arith.index_cast %get3A_1851 : i32 to index
        %get3A_1853 = arith.index_cast %add3A_1850 : i32 to index
        %get3A_1854 = arith.constant 224 : index
        %get3A_1855 = tpu.vector_load %arg6[%get3A_1852, %get3A_1853, %get3A_1854] {strides = array<i32>} : memref<2x160x256xf32, #tpu.memory_space<vmem>>, vector<1x1x16xf32>,
        %get3A_1856 = vector.shape_cast %get3A_1855 : vector<1x1x16xf32> to vector<16xf32>
        %add3A_1857 = arith.addf %add3A_1846, %get3A_1856 : vector<16xf32>
        %mul3A_1858 = arith.constant 10 : i32
        %mul3A_1859 = arith.muli %scan3A_189, %mul3A_1858 : i32
        %add3A_1860 = arith.constant 7 : i32
        %add3A_1861 = arith.addi %mul3A_1859, %add3A_1860 : i32
        %get3A_1862 = arith.constant 1 : i32
        %get3A_1863 = arith.index_cast %get3A_1862 : i32 to index
        %get3A_1864 = arith.index_cast %add3A_1861 : i32 to index
        %get3A_1865 = arith.constant 224 : index
        %get3A_1866 = tpu.vector_load %arg6[%get3A_1863, %get3A_1864, %get3A_1865] {strides = array<i32>} : memref<2x160x256xf32, #tpu.memory_space<vmem>>, vector<1x1x16xf32>,
        %get3A_1867 = vector.shape_cast %get3A_1866 : vector<1x1x16xf32> to vector<16xf32>
        %add3A_1868 = arith.addf %add3A_1857, %get3A_1867 : vector<16xf32>
        %mul3A_1869 = arith.constant 10 : i32
        %mul3A_1870 = arith.muli %scan3A_189, %mul3A_1869 : i32
        %add3A_1871 = arith.constant 8 : i32
        %add3A_1872 = arith.addi %mul3A_1870, %add3A_1871 : i32
        %get3A_1873 = arith.constant 1 : i32
        %get3A_1874 = arith.index_cast %get3A_1873 : i32 to index
        %get3A_1875 = arith.index_cast %add3A_1872 : i32 to index
        %get3A_1876 = arith.constant 224 : index
        %get3A_1877 = tpu.vector_load %arg6[%get3A_1874, %get3A_1875, %get3A_1876] {strides = array<i32>} : memref<2x160x256xf32, #tpu.memory_space<vmem>>, vector<1x1x16xf32>,
        %get3A_1878 = vector.shape_cast %get3A_1877 : vector<1x1x16xf32> to vector<16xf32>
        %add3A_1879 = arith.addf %add3A_1868, %get3A_1878 : vector<16xf32>
        %mul3A_1880 = arith.constant 10 : i32
        %mul3A_1881 = arith.muli %scan3A_189, %mul3A_1880 : i32
        %add3A_1882 = arith.constant 9 : i32
        %add3A_1883 = arith.addi %mul3A_1881, %add3A_1882 : i32
        %get3A_1884 = arith.constant 1 : i32
        %get3A_1885 = arith.index_cast %get3A_1884 : i32 to index
        %get3A_1886 = arith.index_cast %add3A_1883 : i32 to index
        %get3A_1887 = arith.constant 224 : index
        %get3A_1888 = tpu.vector_load %arg6[%get3A_1885, %get3A_1886, %get3A_1887] {strides = array<i32>} : memref<2x160x256xf32, #tpu.memory_space<vmem>>, vector<1x1x16xf32>,
        %get3A_1889 = vector.shape_cast %get3A_1888 : vector<1x1x16xf32> to vector<16xf32>
        %add3A_1890 = arith.addf %add3A_1879, %get3A_1889 : vector<16xf32>
        %swap3A_1891 = arith.constant 1 : i32
        %swap3A_1892 = arith.index_cast %swap3A_1891 : i32 to index
        %swap3A_1893 = arith.index_cast %scan3A_189 : i32 to index
        %swap3A_1894 = arith.constant 224 : index
        %swap3A_1895 = tpu.vector_load %arg7[%swap3A_1892, %swap3A_1893, %swap3A_1894] {strides = array<i32>} : memref<2x16x256xf32, #tpu.memory_space<vmem>>, vector<1x1x16xf32>,
        %swap3A_1896 = vector.shape_cast %swap3A_1895 : vector<1x1x16xf32> to vector<16xf32>
        %swap3A_1897 = vector.shape_cast %add3A_1890 : vector<16xf32> to vector<1x1x16xf32>
        tpu.vector_store %arg7[%swap3A_1892, %swap3A_1893, %swap3A_1894], %swap3A_1897 {strides = array<i32>} : memref<2x16x256xf32, #tpu.memory_space<vmem>>, vector<1x1x16xf32>,
        %mul3A_1898 = arith.constant 10 : i32
        %mul3A_1899 = arith.muli %scan3A_189, %mul3A_1898 : i32
        %get3A_1900 = arith.constant 1 : i32
        %get3A_1901 = arith.index_cast %get3A_1900 : i32 to index
        %get3A_1902 = arith.index_cast %mul3A_1899 : i32 to index
        %get3A_1903 = arith.constant 240 : index
        %get3A_1904 = tpu.vector_load %arg6[%get3A_1901, %get3A_1902, %get3A_1903] {strides = array<i32>} : memref<2x160x256xf32, #tpu.memory_space<vmem>>, vector<1x1x16xf32>,
        %get3A_1905 = vector.shape_cast %get3A_1904 : vector<1x1x16xf32> to vector<16xf32>
        %mul3A_1906 = arith.constant 10 : i32
        %mul3A_1907 = arith.muli %scan3A_189, %mul3A_1906 : i32
        %add3A_1908 = arith.constant 1 : i32
        %add3A_1909 = arith.addi %mul3A_1907, %add3A_1908 : i32
        %get3A_1910 = arith.constant 1 : i32
        %get3A_1911 = arith.index_cast %get3A_1910 : i32 to index
        %get3A_1912 = arith.index_cast %add3A_1909 : i32 to index
        %get3A_1913 = arith.constant 240 : index
        %get3A_1914 = tpu.vector_load %arg6[%get3A_1911, %get3A_1912, %get3A_1913] {strides = array<i32>} : memref<2x160x256xf32, #tpu.memory_space<vmem>>, vector<1x1x16xf32>,
        %get3A_1915 = vector.shape_cast %get3A_1914 : vector<1x1x16xf32> to vector<16xf32>
        %add3A_1916 = arith.addf %get3A_1905, %get3A_1915 : vector<16xf32>
        %mul3A_1917 = arith.constant 10 : i32
        %mul3A_1918 = arith.muli %scan3A_189, %mul3A_1917 : i32
        %add3A_1919 = arith.constant 2 : i32
        %add3A_1920 = arith.addi %mul3A_1918, %add3A_1919 : i32
        %get3A_1921 = arith.constant 1 : i32
        %get3A_1922 = arith.index_cast %get3A_1921 : i32 to index
        %get3A_1923 = arith.index_cast %add3A_1920 : i32 to index
        %get3A_1924 = arith.constant 240 : index
        %get3A_1925 = tpu.vector_load %arg6[%get3A_1922, %get3A_1923, %get3A_1924] {strides = array<i32>} : memref<2x160x256xf32, #tpu.memory_space<vmem>>, vector<1x1x16xf32>,
        %get3A_1926 = vector.shape_cast %get3A_1925 : vector<1x1x16xf32> to vector<16xf32>
        %add3A_1927 = arith.addf %add3A_1916, %get3A_1926 : vector<16xf32>
        %mul3A_1928 = arith.constant 10 : i32
        %mul3A_1929 = arith.muli %scan3A_189, %mul3A_1928 : i32
        %add3A_1930 = arith.constant 3 : i32
        %add3A_1931 = arith.addi %mul3A_1929, %add3A_1930 : i32
        %get3A_1932 = arith.constant 1 : i32
        %get3A_1933 = arith.index_cast %get3A_1932 : i32 to index
        %get3A_1934 = arith.index_cast %add3A_1931 : i32 to index
        %get3A_1935 = arith.constant 240 : index
        %get3A_1936 = tpu.vector_load %arg6[%get3A_1933, %get3A_1934, %get3A_1935] {strides = array<i32>} : memref<2x160x256xf32, #tpu.memory_space<vmem>>, vector<1x1x16xf32>,
        %get3A_1937 = vector.shape_cast %get3A_1936 : vector<1x1x16xf32> to vector<16xf32>
        %add3A_1938 = arith.addf %add3A_1927, %get3A_1937 : vector<16xf32>
        %mul3A_1939 = arith.constant 10 : i32
        %mul3A_1940 = arith.muli %scan3A_189, %mul3A_1939 : i32
        %add3A_1941 = arith.constant 4 : i32
        %add3A_1942 = arith.addi %mul3A_1940, %add3A_1941 : i32
        %get3A_1943 = arith.constant 1 : i32
        %get3A_1944 = arith.index_cast %get3A_1943 : i32 to index
        %get3A_1945 = arith.index_cast %add3A_1942 : i32 to index
        %get3A_1946 = arith.constant 240 : index
        %get3A_1947 = tpu.vector_load %arg6[%get3A_1944, %get3A_1945, %get3A_1946] {strides = array<i32>} : memref<2x160x256xf32, #tpu.memory_space<vmem>>, vector<1x1x16xf32>,
        %get3A_1948 = vector.shape_cast %get3A_1947 : vector<1x1x16xf32> to vector<16xf32>
        %add3A_1949 = arith.addf %add3A_1938, %get3A_1948 : vector<16xf32>
        %mul3A_1950 = arith.constant 10 : i32
        %mul3A_1951 = arith.muli %scan3A_189, %mul3A_1950 : i32
        %add3A_1952 = arith.constant 5 : i32
        %add3A_1953 = arith.addi %mul3A_1951, %add3A_1952 : i32
        %get3A_1954 = arith.constant 1 : i32
        %get3A_1955 = arith.index_cast %get3A_1954 : i32 to index
        %get3A_1956 = arith.index_cast %add3A_1953 : i32 to index
        %get3A_1957 = arith.constant 240 : index
        %get3A_1958 = tpu.vector_load %arg6[%get3A_1955, %get3A_1956, %get3A_1957] {strides = array<i32>} : memref<2x160x256xf32, #tpu.memory_space<vmem>>, vector<1x1x16xf32>,
        %get3A_1959 = vector.shape_cast %get3A_1958 : vector<1x1x16xf32> to vector<16xf32>
        %add3A_1960 = arith.addf %add3A_1949, %get3A_1959 : vector<16xf32>
        %mul3A_1961 = arith.constant 10 : i32
        %mul3A_1962 = arith.muli %scan3A_189, %mul3A_1961 : i32
        %add3A_1963 = arith.constant 6 : i32
        %add3A_1964 = arith.addi %mul3A_1962, %add3A_1963 : i32
        %get3A_1965 = arith.constant 1 : i32
        %get3A_1966 = arith.index_cast %get3A_1965 : i32 to index
        %get3A_1967 = arith.index_cast %add3A_1964 : i32 to index
        %get3A_1968 = arith.constant 240 : index
        %get3A_1969 = tpu.vector_load %arg6[%get3A_1966, %get3A_1967, %get3A_1968] {strides = array<i32>} : memref<2x160x256xf32, #tpu.memory_space<vmem>>, vector<1x1x16xf32>,
        %get3A_1970 = vector.shape_cast %get3A_1969 : vector<1x1x16xf32> to vector<16xf32>
        %add3A_1971 = arith.addf %add3A_1960, %get3A_1970 : vector<16xf32>
        %mul3A_1972 = arith.constant 10 : i32
        %mul3A_1973 = arith.muli %scan3A_189, %mul3A_1972 : i32
        %add3A_1974 = arith.constant 7 : i32
        %add3A_1975 = arith.addi %mul3A_1973, %add3A_1974 : i32
        %get3A_1976 = arith.constant 1 : i32
        %get3A_1977 = arith.index_cast %get3A_1976 : i32 to index
        %get3A_1978 = arith.index_cast %add3A_1975 : i32 to index
        %get3A_1979 = arith.constant 240 : index
        %get3A_1980 = tpu.vector_load %arg6[%get3A_1977, %get3A_1978, %get3A_1979] {strides = array<i32>} : memref<2x160x256xf32, #tpu.memory_space<vmem>>, vector<1x1x16xf32>,
        %get3A_1981 = vector.shape_cast %get3A_1980 : vector<1x1x16xf32> to vector<16xf32>
        %add3A_1982 = arith.addf %add3A_1971, %get3A_1981 : vector<16xf32>
        %mul3A_1983 = arith.constant 10 : i32
        %mul3A_1984 = arith.muli %scan3A_189, %mul3A_1983 : i32
        %add3A_1985 = arith.constant 8 : i32
        %add3A_1986 = arith.addi %mul3A_1984, %add3A_1985 : i32
        %get3A_1987 = arith.constant 1 : i32
        %get3A_1988 = arith.index_cast %get3A_1987 : i32 to index
        %get3A_1989 = arith.index_cast %add3A_1986 : i32 to index
        %get3A_1990 = arith.constant 240 : index
        %get3A_1991 = tpu.vector_load %arg6[%get3A_1988, %get3A_1989, %get3A_1990] {strides = array<i32>} : memref<2x160x256xf32, #tpu.memory_space<vmem>>, vector<1x1x16xf32>,
        %get3A_1992 = vector.shape_cast %get3A_1991 : vector<1x1x16xf32> to vector<16xf32>
        %add3A_1993 = arith.addf %add3A_1982, %get3A_1992 : vector<16xf32>
        %mul3A_1994 = arith.constant 10 : i32
        %mul3A_1995 = arith.muli %scan3A_189, %mul3A_1994 : i32
        %add3A_1996 = arith.constant 9 : i32
        %add3A_1997 = arith.addi %mul3A_1995, %add3A_1996 : i32
        %get3A_1998 = arith.constant 1 : i32
        %get3A_1999 = arith.index_cast %get3A_1998 : i32 to index
        %get3A_2000 = arith.index_cast %add3A_1997 : i32 to index
        %get3A_2001 = arith.constant 240 : index
        %get3A_2002 = tpu.vector_load %arg6[%get3A_1999, %get3A_2000, %get3A_2001] {strides = array<i32>} : memref<2x160x256xf32, #tpu.memory_space<vmem>>, vector<1x1x16xf32>,
        %get3A_2003 = vector.shape_cast %get3A_2002 : vector<1x1x16xf32> to vector<16xf32>
        %add3A_2004 = arith.addf %add3A_1993, %get3A_2003 : vector<16xf32>
        %swap3A_2005 = arith.constant 1 : i32
        %swap3A_2006 = arith.index_cast %swap3A_2005 : i32 to index
        %swap3A_2007 = arith.index_cast %scan3A_189 : i32 to index
        %swap3A_2008 = arith.constant 240 : index
        %swap3A_2009 = tpu.vector_load %arg7[%swap3A_2006, %swap3A_2007, %swap3A_2008] {strides = array<i32>} : memref<2x16x256xf32, #tpu.memory_space<vmem>>, vector<1x1x16xf32>,
        %swap3A_2010 = vector.shape_cast %swap3A_2009 : vector<1x1x16xf32> to vector<16xf32>
        %swap3A_2011 = vector.shape_cast %add3A_2004 : vector<16xf32> to vector<1x1x16xf32>
        tpu.vector_store %arg7[%swap3A_2006, %swap3A_2007, %swap3A_2008], %swap3A_2011 {strides = array<i32>} : memref<2x16x256xf32, #tpu.memory_space<vmem>>, vector<1x1x16xf32>,
      }
      %scan3A_172 = arith.constant 16 : i32
      %mul3A_173 = arith.constant 16 : i32
      %mul3A_174 = arith.muli %add3A_124, %mul3A_173 : i32
      %add3A_175 = arith.addi %mul3A_2, %mul3A_174 : i32
      %dma_start3A_176 = arith.constant 1 : i32
      %dma_start3A_177 = arith.constant 0 : i32
      %dma_start3A_178 = arith.constant 0 : i32
      %dma_start3A_179 = tpu.memref_slice %arg7[%dma_start3A_176, %dma_start3A_177, %dma_start3A_178] : memref<2x16x256xf32, #tpu.memory_space<vmem>> -> memref<1x16x256xf32, #tpu.memory_space<vmem>>
      %dma_start3A_180 = tpu.memref_squeeze %dma_start3A_179 : memref<1x16x256xf32, #tpu.memory_space<vmem>> -> memref<16x256xf32, #tpu.memory_space<vmem>>
      %dma_start3A_181 = arith.constant 0 : i32
      %dma_start3A_182 = tpu.memref_slice %arg4[%add3A_175, %dma_start3A_181] : memref<20480x256xf32, #tpu.memory_space<hbm>> -> memref<16x256xf32, #tpu.memory_space<hbm>>
      %dma_start3A_183 = arith.constant 0 : i32
      %dma_start3A_184 = tpu.memref_slice %arg4[%add3A_175, %dma_start3A_183] : memref<20480x256xf32, #tpu.memory_space<hbm>> -> memref<16x256xf32, #tpu.memory_space<hbm>>
      %dma_start3A_185 = arith.constant 0 : i32
      %dma_start3A_186 = arith.constant 0 : i32
      %dma_start3A_187 = tpu.memref_slice %arg7[%dma_start3A_176, %dma_start3A_185, %dma_start3A_186] : memref<2x16x256xf32, #tpu.memory_space<vmem>> -> memref<1x16x256xf32, #tpu.memory_space<vmem>>
      %dma_start3A_188 = tpu.memref_squeeze %dma_start3A_187 : memref<1x16x256xf32, #tpu.memory_space<vmem>> -> memref<16x256xf32, #tpu.memory_space<vmem>>
      tpu.enqueue_dma source(%dma_start3A_188 : memref<16x256xf32, #tpu.memory_space<vmem>>) target(%dma_start3A_184 : memref<16x256xf32, #tpu.memory_space<hbm>>) target_semaphore(%arg11 : memref<!tpu.dma_semaphore, #tpu.memory_space<semaphore_mem>>)
    }
    %scan3A_28 = arith.constant 20 : i32
    %add3A_29 = arith.constant 608 : i32
    %add3A_30 = arith.addi %mul3A_2, %add3A_29 : i32
    %dma_wait3A = arith.constant 0 : i32
    %dma_wait3A_31 = arith.constant 0 : i32
    %dma_wait3A_32 = arith.constant 0 : i32
    %dma_wait3A_33 = tpu.memref_slice %arg7[%dma_wait3A, %dma_wait3A_31, %dma_wait3A_32] : memref<2x16x256xf32, #tpu.memory_space<vmem>> -> memref<1x16x256xf32, #tpu.memory_space<vmem>>
    %dma_wait3A_34 = tpu.memref_squeeze %dma_wait3A_33 : memref<1x16x256xf32, #tpu.memory_space<vmem>> -> memref<16x256xf32, #tpu.memory_space<vmem>>
    %dma_wait3A_35 = arith.constant 0 : i32
    %dma_wait3A_36 = tpu.memref_slice %arg4[%add3A_30, %dma_wait3A_35] : memref<20480x256xf32, #tpu.memory_space<hbm>> -> memref<16x256xf32, #tpu.memory_space<hbm>>
    %dma_wait3A_37 = arith.constant 0 : i32
    %dma_wait3A_38 = tpu.memref_slice %arg4[%add3A_30, %dma_wait3A_37] : memref<20480x256xf32, #tpu.memory_space<hbm>> -> memref<16x256xf32, #tpu.memory_space<hbm>>
    %dma_wait3A_39 = arith.constant 0 : i32
    %dma_wait3A_40 = arith.constant 0 : i32
    %dma_wait3A_41 = tpu.memref_slice %arg7[%dma_wait3A, %dma_wait3A_39, %dma_wait3A_40] : memref<2x16x256xf32, #tpu.memory_space<vmem>> -> memref<1x16x256xf32, #tpu.memory_space<vmem>>
    %dma_wait3A_42 = tpu.memref_squeeze %dma_wait3A_41 : memref<1x16x256xf32, #tpu.memory_space<vmem>> -> memref<16x256xf32, #tpu.memory_space<vmem>>
    tpu.wait_dma2 semaphore(%arg10 : memref<!tpu.dma_semaphore, #tpu.memory_space<semaphore_mem>>) src(%dma_wait3A_42 : memref<16x256xf32, #tpu.memory_space<vmem>>) dst(%dma_wait3A_38 : memref<16x256xf32, #tpu.memory_space<hbm>>)
    %add3A_43 = arith.constant 624 : i32
    %add3A_44 = arith.addi %mul3A_2, %add3A_43 : i32
    %dma_wait3A_45 = arith.constant 1 : i32
    %dma_wait3A_46 = arith.constant 0 : i32
    %dma_wait3A_47 = arith.constant 0 : i32
    %dma_wait3A_48 = tpu.memref_slice %arg7[%dma_wait3A_45, %dma_wait3A_46, %dma_wait3A_47] : memref<2x16x256xf32, #tpu.memory_space<vmem>> -> memref<1x16x256xf32, #tpu.memory_space<vmem>>
    %dma_wait3A_49 = tpu.memref_squeeze %dma_wait3A_48 : memref<1x16x256xf32, #tpu.memory_space<vmem>> -> memref<16x256xf32, #tpu.memory_space<vmem>>
    %dma_wait3A_50 = arith.constant 0 : i32
    %dma_wait3A_51 = tpu.memref_slice %arg4[%add3A_44, %dma_wait3A_50] : memref<20480x256xf32, #tpu.memory_space<hbm>> -> memref<16x256xf32, #tpu.memory_space<hbm>>
    %dma_wait3A_52 = arith.constant 0 : i32
    %dma_wait3A_53 = tpu.memref_slice %arg4[%add3A_44, %dma_wait3A_52] : memref<20480x256xf32, #tpu.memory_space<hbm>> -> memref<16x256xf32, #tpu.memory_space<hbm>>
    %dma_wait3A_54 = arith.constant 0 : i32
    %dma_wait3A_55 = arith.constant 0 : i32
    %dma_wait3A_56 = tpu.memref_slice %arg7[%dma_wait3A_45, %dma_wait3A_54, %dma_wait3A_55] : memref<2x16x256xf32, #tpu.memory_space<vmem>> -> memref<1x16x256xf32, #tpu.memory_space<vmem>>
    %dma_wait3A_57 = tpu.memref_squeeze %dma_wait3A_56 : memref<1x16x256xf32, #tpu.memory_space<vmem>> -> memref<16x256xf32, #tpu.memory_space<vmem>>
    tpu.wait_dma2 semaphore(%arg11 : memref<!tpu.dma_semaphore, #tpu.memory_space<semaphore_mem>>) src(%dma_wait3A_57 : memref<16x256xf32, #tpu.memory_space<vmem>>) dst(%dma_wait3A_53 : memref<16x256xf32, #tpu.memory_space<hbm>>)
    return
  }
}

module attributes {stable_mosaic.version = 14 : i64} {
  func.func @body(%arg0: i32, %arg1: memref<1x5120x256xf32, #tpu.memory_space<vmem>>, %arg2: memref<1x256x256xf32, #tpu.memory_space<vmem>>, %arg3: memref<1x256x256xf32, #tpu.memory_space<vmem>>, %arg4: memref<512x256xf32, #tpu.memory_space<vmem>>) attributes {dimension_semantics = [#tpu.dimension_semantics<arbitrary>], iteration_bounds = array<i64: 4>, scalar_prefetch = 0 : i64, scratch_operands = 0 : i64, tpu.core_type = #tpu.core_type<tc>, window_params = [{transform_indices = @transform_0, window_bounds = array<i64: 1, 5120, 256>}, {transform_indices = @transform_1, window_bounds = array<i64: 1, 256, 256>}, {transform_indices = @transform_2, window_bounds = array<i64: 1, 256, 256>}, {pipeline_mode = #tpu.pipeline_mode<synchronous>, transform_indices = @transform_3, window_bounds = array<i64: 512, 256>}]} {
    %get3A = arith.constant 0 : index
    %get3A_0 = arith.constant 0 : index
    %get3A_1 = arith.constant 0 : index
    %get3A_2 = vector.load %arg1[%get3A, %get3A_0, %get3A_1] : memref<1x5120x256xf32, #tpu.memory_space<vmem>>, vector<1x5120x256xf32>
    %get3A_3 = vector.shape_cast %get3A_2 : vector<1x5120x256xf32> to vector<5120x256xf32>
    %get3A_4 = arith.constant 0 : index
    %get3A_5 = arith.constant 0 : index
    %get3A_6 = arith.constant 0 : index
    %get3A_7 = vector.load %arg2[%get3A_4, %get3A_5, %get3A_6] : memref<1x256x256xf32, #tpu.memory_space<vmem>>, vector<1x256x256xf32>
    %get3A_8 = vector.shape_cast %get3A_7 : vector<1x256x256xf32> to vector<256x256xf32>
    %dot_general3A = arith.constant dense<0.000000e+00> : vector<5120x256xf32>
    %dot_general3A_9 = tpu.matmul %get3A_3, %get3A_8, %dot_general3A {dimension_numbers = #tpu.dot_dimension_numbers<[1], [0], [0], [1], [0, 0, 1, 1], [], []>, transpose_lhs_hint = false} : vector<5120x256xf32>, vector<256x256xf32>, vector<5120x256xf32> -> vector<5120x256xf32>
    %max3A = arith.constant 0.000000e+00 : f32
    %max3A_10 = vector.broadcast %max3A : f32 to vector<5120x256xf32>
    %max3A_11 = arith.maximumf %dot_general3A_9, %max3A_10 : vector<5120x256xf32>
    %reshape3A = vector.shape_cast %max3A_11 : vector<5120x256xf32> to vector<512x10x256xf32>
    %reduce_sum3A = arith.constant dense<0.000000e+00> : vector<512x256xf32>
    %reduce_sum3A_12 = vector.multi_reduction <add>, %reshape3A, %reduce_sum3A [1] : vector<512x10x256xf32> to vector<512x256xf32>
    %get3A_13 = arith.constant 0 : index
    %get3A_14 = arith.constant 0 : index
    %get3A_15 = arith.constant 0 : index
    %get3A_16 = vector.load %arg3[%get3A_13, %get3A_14, %get3A_15] : memref<1x256x256xf32, #tpu.memory_space<vmem>>, vector<1x256x256xf32>
    %get3A_17 = vector.shape_cast %get3A_16 : vector<1x256x256xf32> to vector<256x256xf32>
    %dot_general3A_18 = arith.constant dense<0.000000e+00> : vector<512x256xf32>
    %dot_general3A_19 = tpu.matmul %reduce_sum3A_12, %get3A_17, %dot_general3A_18 {dimension_numbers = #tpu.dot_dimension_numbers<[1], [0], [0], [1], [0, 0, 1, 1], [], []>, transpose_lhs_hint = false} : vector<512x256xf32>, vector<256x256xf32>, vector<512x256xf32> -> vector<512x256xf32>
    %max3A_20 = arith.constant 0.000000e+00 : f32
    %max3A_21 = vector.broadcast %max3A_20 : f32 to vector<512x256xf32>
    %max3A_22 = arith.maximumf %dot_general3A_19, %max3A_21 : vector<512x256xf32>
    %eq3A = arith.constant 0 : i32
    %eq3A_23 = arith.cmpi eq, %arg0, %eq3A : i32
    %convert_element_type3A = arith.extui %eq3A_23 : i1 to i32
    %cond3A = arith.constant 0 : i32
    %cond3A_24 = arith.cmpi ne, %convert_element_type3A, %cond3A : i32
    scf.if %cond3A_24 {
      %swap3A = arith.constant 0 : index
      %swap3A_29 = arith.constant 0 : index
      %swap3A_30 = vector.load %arg4[%swap3A, %swap3A_29] : memref<512x256xf32, #tpu.memory_space<vmem>>, vector<512x256xf32>
      tpu.vector_store %arg4[%swap3A, %swap3A_29], %max3A_22 {strides = array<i32>} : memref<512x256xf32, #tpu.memory_space<vmem>>, vector<512x256xf32>,
    } else {
    }
    %ne3A = arith.constant 0 : i32
    %ne3A_25 = arith.cmpi ne, %arg0, %ne3A : i32
    %convert_element_type3A_26 = arith.extui %ne3A_25 : i1 to i32
    %cond3A_27 = arith.constant 0 : i32
    %cond3A_28 = arith.cmpi ne, %convert_element_type3A_26, %cond3A_27 : i32
    scf.if %cond3A_28 {
      %get3A_29 = arith.constant 0 : index
      %get3A_30 = arith.constant 0 : index
      %get3A_31 = vector.load %arg4[%get3A_29, %get3A_30] : memref<512x256xf32, #tpu.memory_space<vmem>>, vector<512x256xf32>
      %add3A = arith.addf %get3A_31, %max3A_22 : vector<512x256xf32>
      %swap3A = arith.constant 0 : index
      %swap3A_32 = arith.constant 0 : index
      %swap3A_33 = vector.load %arg4[%swap3A, %swap3A_32] : memref<512x256xf32, #tpu.memory_space<vmem>>, vector<512x256xf32>
      tpu.vector_store %arg4[%swap3A, %swap3A_32], %add3A {strides = array<i32>} : memref<512x256xf32, #tpu.memory_space<vmem>>, vector<512x256xf32>,
    } else {
    }
    return
  }
  func.func @transform_0(%arg0: i32) -> (i32, i32, i32) {
    %c0_i32 = arith.constant 0 : i32
    %c0_i32_0 = arith.constant 0 : i32
    %c0_i32_1 = arith.constant 0 : i32
    return %arg0, %c0_i32, %c0_i32_0 : i32, i32, i32
  }
  func.func @transform_1(%arg0: i32) -> (i32, i32, i32) {
    %c0_i32 = arith.constant 0 : i32
    %c0_i32_0 = arith.constant 0 : i32
    %c0_i32_1 = arith.constant 0 : i32
    return %arg0, %c0_i32, %c0_i32_0 : i32, i32, i32
  }
  func.func @transform_2(%arg0: i32) -> (i32, i32, i32) {
    %c0_i32 = arith.constant 0 : i32
    %c0_i32_0 = arith.constant 0 : i32
    %c0_i32_1 = arith.constant 0 : i32
    return %arg0, %c0_i32, %c0_i32_0 : i32, i32, i32
  }
  func.func @transform_3(%arg0: i32) -> (i32, i32) {
    %c0_i32 = arith.constant 0 : i32
    %c0_i32_0 = arith.constant 0 : i32
    %c0_i32_1 = arith.constant 0 : i32
    return %c0_i32, %c0_i32_0 : i32, i32
  }
}

</mosaic_0001>

<sc_bundles>
// kernel: gather_offload_async_start.1
scs
__scs_entry_jumppad:
0x0: {  	(pc) =	sbr.rel $0x88, $3  }
0x1: {  	(tag) =	ssettag $0x0;
	lr =	simm.s32 $0x1  }
0x2: {  	[smem:$0x3F9C] =	sst lr;
	_ =	strace $0xD0000000  }
0x3: {  	_ = 	snop  }
0x4: {  	_ = 	snop  }
0x5: {  	_ = 	snop  }
0x6: {  	_ = 	snop  }
0x7: {  	_ = 	snop  }
__scs_overlays_trampoline_lowered:
0x8: {  	[smem:$0x3FAB] =	sst s0  }
0x9: {  	[smem:$0x3FAC] =	sst s1  }
0xa: {  	[smem:$0x3FAD] =	sst s2  }
0xb: {  	[smem:$0x3FAE] =	sst s3  }
0xc: {  	[smem:$0x3FAF] =	sst s4  }
0xd: {  	[smem:$0x3FB0] =	sst s5  }
0xe: {  	[smem:$0x3FB1] =	sst s6  }
0xf: {  	[smem:$0x3FB2] =	sst s7  }
0x10: {  	[smem:$0x3FB3] =	sst s8  }
0x11: {  	[smem:$0x3FB4] =	sst s9;
	s0 =	simm.s32 @!p0 $0x0  }
0x12: {  	s1 =	sld [smem:$0x3F9A];
	s0 =	simm.s32 @p0 $0x1  }
0x13: {  	[smem:$0x3FB5] =	sst s0;
	s0 =	simm.s32 @!p1 $0x0  }
0x14: {  	s2 =	sld [smem:$0x3F99];
	s0 =	simm.s32 @p1 $0x1  }
0x15: {  	[smem:$0x3FB6] =	sst s0;
	s0 =	simm.s32 @!p2 $0x0  }
0x16: {  	s3 =	sld [smem:$0x3FDB];
	s0 =	simm.s32 @p2 $0x1  }
0x17: {  	s4 =	simm.s32 $0x1BF5;
	[smem:$0x3FB8] =	sst s0  }
0x18: {  	s0 =	sld [smem:$0x3F9B];
	_ =	swait.ge [sflag:s4], $0x0  }
0x19: {  	s7 =	sld [smem:$0x3F9C]  }
0x1a: {  	s8 =	sadd.s32 $0xFFFFE003, lr  }
0x1b: {  	s9 =	sadd.s32 $0xFFFFFEF7, lr;
	s5 =	simm.s32 $0xFFFFFFFF;
	p2 =	slt.u32 s8, $0xFFFFF086  }
0x1c: {  	p1 =	slt.u32 s9, $0xF7A;
	s5 =	simm.s32 @!p2 $0x0  }
0x1d: {  	s5 =	simm.s32 @p1 $0x1;
	p0 =	seq.s32 s7, s2  }
0x1e: {  	s7 =	smul.u32 @!p0 $0xF7A, s2;
	p2 =	seq.s32 @!p0 s5, $0x0  }
0x1f: {  	s9 =	smul.u32 $0xF7A, s1;
	s8 =	simm.s32 @!p0 $0x1BF5;
	p2 =	por !p2, p0  }
0x20: {  	[sflag:s8] =	ssyncset.s32 @!p0 $0xFFFFF086;
	s6 =	sadd.s32 @!p0 s3, s7;
	s7 =	simm.s32 @!p0 $0x108  }
0x21: {  	s3 =	sadd.s32 s3, s9;
	s6 =	sadd.s32 @!p0 $0x88, s6;
	s7 =	simm.s32 @p2 $0x1082  }
0x22: {  	[simem:s7], [sflag:s8] =	dma.local @!p0 [hbm:s6], $0xF7A  }
0x23: {  	s9 =	sor.u32 $0xD0000000, s2;
	s6 =	simm.s32 $0x108;
	_ =	swait.ge @!p0 [sflag:s8], $0x0  }
0x24: {  	s3 =	sadd.s32 $0x88, s3;
	s6 =	simm.s32 @!p1 $0x1082;
	[sflag:s4] =	ssyncset.s32 $0xFFFFF086  }
0x25: {  	[simem:s6], [sflag:s4] =	dma.local [hbm:s3], $0xF7A  }
0x26: {  	[smem:$0x3F9C] =	sst s1;
	(tag) =	ssettag s2;
	_ =	strace s9  }
0x27: {  	s1 =	sld [smem:$0x3FAC]  }
0x28: {  	s2 =	sld [smem:$0x3FAD]  }
0x29: {  	s4 =	sld [smem:$0x3FAF]  }
0x2a: {  	p0 =	seq.s32 s5, $0x0;
	s5 =	sld [smem:$0x3FB0]  }
0x2b: {  	s6 =	sld [smem:$0x3FB1]  }
0x2c: {  	s7 =	sld [smem:$0x3FB2]  }
0x2d: {  	s3 =	simm.s32 $0x108;
	s8 =	sld [smem:$0x3FB3]  }
0x2e: {  	s3 =	simm.s32 @!p0 $0x1082;
	s9 =	sld [smem:$0x3FB4]  }
0x2f: {  	lr =	sadd.s32 s0, s3;
	s0 =	sld [smem:$0x3FAB]  }
0x30: {  	s3 =	sld [smem:$0x3FAE]  }
0x31: {  	[smem:$0x3FB7] =	sst s10  }
0x32: {  	s10 =	sld [smem:$0x3FB5];
	_ =	sdelay $0x3  }
0x33: {  	p0 =	seq.s32 s10, $0x1;
	s10 =	sld [smem:$0x3FB7];
	_ =	sdelay $0x3  }
0x34: {  	[smem:$0x3FB7] =	sst s10  }
0x35: {  	s10 =	sld [smem:$0x3FB6];
	_ =	sdelay $0x3  }
0x36: {  	p1 =	seq.s32 s10, $0x1;
	s10 =	sld [smem:$0x3FB7];
	_ =	sdelay $0x3  }
0x37: {  	[smem:$0x3FB7] =	sst s10  }
0x38: {  	s10 =	sld [smem:$0x3FB8]  }
0x39: {  	_ = 	snop;
	(pc) =	sbr.ind lr, $3  }
0x3a: {  	_ = 	snop  }
0x3b: {  	_ = 	snop  }
0x3c: {  	p2 =	seq.s32 s10, $0x1;
	s10 =	sld [smem:$0x3FB7]  }
0x3d: {  	_ =	shalt  }
0x3e: {  	_ =	shalt  }
0x3f: {  	_ =	shalt  }
0x40: {  	_ =	shalt  }
0x41: {  	_ =	shalt  }
0x42: {  	_ =	shalt  }
0x43: {  	_ =	shalt  }
0x44: {  	_ =	shalt  }
0x45: {  	_ =	shalt  }
0x46: {  	_ =	shalt  }
0x47: {  	_ =	shalt  }
0x48: {  	_ =	shalt  }
0x49: {  	_ =	shalt  }
0x4a: {  	_ =	shalt  }
0x4b: {  	_ =	shalt  }
0x4c: {  	_ =	shalt  }
0x4d: {  	_ =	shalt  }
0x4e: {  	_ =	shalt  }
0x4f: {  	_ =	shalt  }
0x50: {  	_ =	shalt  }
0x51: {  	_ =	shalt  }
0x52: {  	_ =	shalt  }
0x53: {  	_ =	shalt  }
0x54: {  	_ =	shalt  }
0x55: {  	_ =	shalt  }
0x56: {  	_ =	shalt  }
0x57: {  	_ =	shalt  }
0x58: {  	_ =	shalt  }
0x59: {  	_ =	shalt  }
0x5a: {  	_ =	shalt  }
0x5b: {  	_ =	shalt  }
0x5c: {  	_ =	shalt  }
0x5d: {  	_ =	shalt  }
0x5e: {  	_ =	shalt  }
0x5f: {  	_ =	shalt  }
0x60: {  	_ =	shalt  }
0x61: {  	_ =	shalt  }
0x62: {  	_ =	shalt  }
0x63: {  	_ =	shalt  }
0x64: {  	_ =	shalt  }
0x65: {  	_ =	shalt  }
0x66: {  	_ =	shalt  }
0x67: {  	_ =	shalt  }
0x68: {  	_ =	shalt  }
0x69: {  	_ =	shalt  }
0x6a: {  	_ =	shalt  }
0x6b: {  	_ =	shalt  }
0x6c: {  	_ =	shalt  }
0x6d: {  	_ =	shalt  }
0x6e: {  	_ =	shalt  }
0x6f: {  	_ =	shalt  }
0x70: {  	_ =	shalt  }
0x71: {  	_ =	shalt  }
0x72: {  	_ =	shalt  }
0x73: {  	_ =	shalt  }
0x74: {  	_ =	shalt  }
0x75: {  	_ =	shalt  }
0x76: {  	_ =	shalt  }
0x77: {  	_ =	shalt  }
0x78: {  	_ =	shalt  }
0x79: {  	_ =	shalt  }
0x7a: {  	_ =	shalt  }
0x7b: {  	_ =	shalt  }
0x7c: {  	_ =	shalt  }
0x7d: {  	_ =	shalt  }
0x7e: {  	_ =	shalt  }
0x7f: {  	_ =	shalt  }
0x80: {  	_ =	shalt  }
0x81: {  	_ =	shalt  }
0x82: {  	_ =	shalt  }
0x83: {  	_ =	shalt  }
0x84: {  	_ =	shalt  }
0x85: {  	_ =	shalt  }
0x86: {  	_ =	shalt  }
0x87: {  	_ =	shalt  }
.Lfunc_end0:
.L_simem_size_0:
called_computation.1_lowered:
.L_overlay_start_0:
0x88: {  	s2 =	sld [smem:$0x3FD9]  }
0x89: {  	s3 =	sld [smem:$0x3FFE];
	_ =	sdelay $0x1  }
0x8a: {  	s1 =	srdreg.scid  }
0x8b: {  	s0 =	sand.u32 $0x1, s1  }
0x8c: {  	s17 =	sshll.u32 s0, $0xA;
	s2 =	sadd.s32 s3, s2  }
0x8d: {  	s2 =	sadd.s32 s2, s17  }
0x8e: {  	[smem:$0x3FC3] =	sst s2  }
0x8f: {  	_ = 	snop  }
0x90: {  	s2 =	sld [smem:$0x3FD0];
	(tm) =	ssettm $0x1  }
0x91: {  	s18 =	sld [smem:$0x3FFB];
	_ =	sdelay $0x3  }
0x92: {  	_ =	strace s18  }
0x93: {  	s3 =	sld [smem:$0x3FFC];
	_ =	sdelay $0x3  }
0x94: {  	_ =	strace s3  }
0x95: {  	s3 =	sld [smem:$0x3FFD];
	_ =	sdelay $0x3  }
0x96: {  	_ =	strace s3  }
0x97: {  	_ =	strace $0x8FFFFFFF  }
0x98: {  	s19 =	sld [smem:$0x3FDB];
	_ =	sdelay $0x1  }
0x99: {  	s4 =	simm.s32 $_scs_section_size  }
0x9a: {  	s5 =	simm.s32 $_size__tile_overlayer_lowered;
	s6 =	simm.s32 $_tile_overlayer_lowered  }
0x9b: {  	s22 =	simm.s32 $0x1BFF;
	s21 =	sshll.u32 s6, $0x1;
	s3 =	sadd.s32 s4, s19  }
0x9c: {  	s7 =	simm.s32 $0x0;
	s20 =	sshll.u32 s5, $0x1;
	s5 =	sadd.s32 s21, s3  }
0x9d: {  	[timem:s7], [sflag:s22] =	dma.local [hbm:s5], s20  }
0x9e: {  	_ =	swait.ge [sflag:s22], s20  }
0x9f: {  	s4 =	ssub.s32 $0x0, s20;
	[sflag:s22] =	ssyncset.done $0x0  }
0xa0: {  	[sflag:s22] =	ssyncadd.s32 s4;
	_ =	sdelay $0x1  }
0xa1: {  	s23 =	simm.s32 $0x1B8B  }
0xa2: {  	_ =	swait.ge [sflag:s23], $0x1  }
0xa3: {  	[sflag:s23] =	ssyncset.done $0x0  }
0xa4: {  	s25 =	simm.s32 $0x1B8E;
	s24 =	sld [smem:$0x3FFE];
	[sflag:s23] =	ssyncadd.s32 $0xFFFFFFFF  }
0xa5: {  	s26 =	simm.s32 $execute0_lowered;
	[smem:$0x3FD2] =	sst s25  }
0xa6: {  	s5 =	sshll.u32 s26, $0x1;
	_ =	strace $0x80000049;
	[dreg:$0x1] =	wrdreg $0xFFFFFFFF  }
0xa7: {  	s28 =	simm.s32 $_size_execute0_lowered;
	s3 =	sadd.s32 s3, s5;
	[dreg:$0x0] =	wrdreg $0x0  }
0xa8: {  	s5 =	sshll.u32 s28, $0x1;
	[dreg:$0x2] =	wrdreg s3  }
0xa9: {  	[dreg:$0x3] =	wrdreg s5  }
0xaa: {  	[dreg:$0x4] =	wrdreg $0xC0  }
0xab: {  	_ =	task [dreg:s7], $0x5FFFF  }
0xac: {  	[dreg:$0x1] =	wrdreg $0xFFFFFFFF  }
0xad: {  	[dreg:$0x0] =	wrdreg $0x60  }
0xae: {  	[dreg:$0x2] =	wrdreg s24  }
0xaf: {  	[dreg:$0x3] =	wrdreg s2  }
0xb0: {  	[dreg:$0x4] =	wrdreg $0x9  }
0xb1: {  	_ =	task.clear_ibuf [dreg:s7], $0x5FFFF;
	_ =	strace $0x90000049  }
0xb2: {  	s29 =	simm.s32 $0x9;
	_ =	strace $0x8000004B  }
0xb3: {  	_ =	swait.ge [sflag:s29], $0x1  }
0xb4: {  	[sflag:s29] =	ssyncadd.s32 $0xFFFFFFFF  }
0xb5: {  	_ =	strace $0x9000004B  }
0xb6: {  	_ =	sfence  }
0xb7: {  	s30 =	sld [smem:$0x0];
	_ =	sdelay $0x2  }
0xb8: {  	s31 =	sshll.u32 s1, $0xD;
	s1 =	sshrl.u32 s1, $0x2  }
0xb9: {  	s3 =	sand.u32 $0x4000, s31;
	s1 =	sadd.s32 s1, s30  }
0xba: {  	s0 =	sor.u32 s3, s0;
	s1 =	sshll.u32 s1, $0x11  }
0xbb: {  	s0 =	sor.u32 s1, s0  }
0xbc: {  	s0 =	sadd.s32 $0x8F2B, s0  }
0xbd: {  	[sflag:s0] =	ssyncadd.remote.s32 $0x1  }
0xbe: {  	_ =	sfence.sel $0xFFFF  }
0xbf: {  	[dreg:$0x0] =	wrdreg $0xFFFFFFFF;
	(pc) =	sbr.abs _section_cstart, $3  }
0xc0: {  	[dreg:$0x1] =	wrdreg $0xFFFFFFFF  }
0xc1: {  	_ =	task.clear_ibuf [dreg:s7], $0x2FFFF;
	_ =	strace $0x9FFFFFFF  }
0xc2: {  	(tm) =	ssettm $0x7FFFFFFF  }
0xc3: {  	_ =	shalt  }
tec
execute0_lowered:
.L_overlay_start_1:
0x0: {  	(tag) =	ssettag $0x1  }
0x1: {  	s0 =	srdreg.scid  }
0x2: {  	s1 =	sshll.u32 s0, $0x4  }
0x3: {  	s0 =	stileid.u32;
	s1 =	sand.u32 $0x10, s1  }
0x4: {  	s2 =	sor.u32 s0, s1  }
0x5: {  	s3 =	smin.u32 s2, $0x10  }
0x6: {  	s1 =	sshll.u32 s1, $0x4;
	s2 =	sshll.u32 s2, $0x9;
	s3 =	sshll.u32 s3, $0x8  }
0x7: {  	s9 =	rddreg [dreg:$0x0];
	s1 =	sxor.u32 $0x300, s1;
	s2 =	sadd.s32 s2, s3  }
0x8: {  	s6 =	simm.s32 $0x1;
	s7 =	simm.s32 $0x2;
	s1 =	sadd.s32 s1, s2  }
0x9: {  	s10 =	simm.s32 $0x3;
	s13 =	simm.s32 $0x0;
	s4 =	smin.u32 s1, $0x5000  }
0xa: {  	s12 =	simm.s32 $0x0;
	s5 =	sadd.s32 $0x1400, s9;
	s8 =	ssub.s32 s4, s2  }
.Ltmp0:
0xb: {  	s3 =	rddreg [dreg:$0x1];
	p0 =	sgt.s32 s8, $0x0;
	(pc) =	sbr.rel .LBB2_1-.Ltmp0, $4  }
0xc: {  	s1 =	rddreg [dreg:$0x2];
	_ =	strace $0x8000004A;
	s8 =	simm.s32 @!p0 $0x0  }
0xd: {  	s9 =	sadd.s32 $0x30E800, s9;
	[sflag:s6] =	ssyncpa.u1 $0x0;
	s8 =	sadd.s32 $0xFF, s8  }
0xe: {  	s11 =	smov.u32 s2;
	[sflag:s7] =	ssyncpa.u1 $0x0;
	s8 =	sshrl.u32 s8, $0x8  }
0xf: {  	vm0 =	vmmov $0xff;
	vm1 =	vcmask $0x3F20;
	[sflag:s10] =	ssyncpa.u1 $0x0;
	p0 =	por $0x0, $0x0;
	s10 =	sadd.s32 $0x1, s8  }
.LBB2_6:
0x10: {  	[hbm:s17] =	stream.linear.scatter [tilespmem:s14], [sflag:$0x3], $0x400, $0x38;
	[tilespmem:$0x10200] =	vst v63  }
.LBB2_7:
0x11: {  	s13 =	sadd.s32 $0x100, s11  }
0x12: {  	s15 =	smov.u32 s2;
	p2 =	slt.s32 s13, s4  }
0x13: {  	s15 =	smov.u32 @p2 s13;
	p2 =	sne.s32 s12, s10  }
.Ltmp1:
0x14: {  	p1 =	slt.u32 s12, $0x2;
	(pc) =	sbr.rel @!p2 .LBB2_8-.Ltmp1, $4  }
0x15: {  	s14 =	simm.s32 @!p1 $0x3  }
0x16: {  	s16 =	sadd.s32 $0x1, s12;
	_ =	swait.ge @!p1 [sflag:s14], $0x8000  }
0x17: {  	p0 =	por !p0, !p0;
	s13 =	smov.u32 s11;
	[sflag:s14] =	ssyncset.done @!p1 $0x0  }
0x18: {  	s12 =	smov.u32 s16;
	s11 =	smov.u32 s15;
	[sflag:s14] =	ssyncadd.s32 @!p1 $0xFFFF8000  }
.LBB2_1:
0x19: {  	p1 =	sge.u32 s12, s8  }
0x1a: {  	s14 =	sxor.u32 @!p1 $0xFFFFFFFF, s12  }
0x1b: {  	s31 =	sadd.s32 $0xFFFFFFFF, s12;
	s15 =	sshrl.u32 @!p1 s11, $0x3;
	s14 =	sshll.u32 @!p1 s14, $0x8  }
0x1c: {  	s16 =	sand.u32 @!p1 $0x7, s11;
	s15 =	sadd.s32 @!p1 s3, s15;
	s14 =	sand.u32 @!p1 $0x100, s14  }
0x1d: {  	[tilespmem:s14], [sflag:$0x2] =	stream.linear.gather @!p1 [hbm4b:s15+s16], $0x100, $0x38;
	[tilespmem:$0x10200] =	vst v63  }
0x1e: {  	p1 =	sge.u32 s31, s8  }
.Ltmp2:
0x1f: {  	_ = 	snop;
	(pc) =	sbr.rel @p1 .LBB2_7-.Ltmp2, $1  }
0x20: {  	_ =	sdelay $0x3  }
0x21: {  	s14 =	simm.s32 $0x1  }
0x22: {  	_ =	swait.ge [sflag:s7], $0x100;
	s14 =	simm.s32 @!p0 $0x0  }
0x23: {  	[sflag:s7] =	ssyncset.done $0x0;
	s16 =	sshll.u32 s14, $0x8  }
0x24: {  	[sflag:s7] =	ssyncadd.s32 $0xFFFFFF00;
	s15 =	sadd.s32 $0x0, s16  }
0x25: {  	v0 =	vld.msk [tilespmem:s15+$0x0 ss:$0x1], $0xffff;
	_ =	sdelay $0x4  }
0x26: {  	vm2 =	vgt.s32 v0, $0x0  }
0x27: {  	v0 =	vnsel vm2, $0x0, v0  }
0x28: {  	v0 =	vmin.u32 v0, $0x30D3F  }
0x29: {  	v0 =	vshll.u32 v0, $0x4;
	_ =	sdelay $0x2  }
0x2a: {  	s14 =	sshll.u32 s14, $0xF  }
0x2b: {  	s14 =	sor.u32 $0x200, s14  }
0x2c: {  	[tilespmem:s14], [sflag:$0x1] =	stream.indirect_vreg.gather [hbm:s5], $0x80, v0, vm0, $0x38;
	[tilespmem:$0x10200] =	vst v63  }
0x2d: {  	s17 =	sadd.s32 $0x10, s16;
	s15 =	sadd.s32 $0x400, s14  }
0x2e: {  	[tilespmem:s15], [sflag:$0x1] =	stream.indirect_vreg.gather [hbm:s5], $0x80, v0, vm1, $0x38;
	[tilespmem:$0x10200] =	vst v63  }
0x2f: {  	s18 =	simm.s32 $0x80;
	v0 =	vld.msk [tilespmem:s17+$0x0 ss:$0x1], $0xffff;
	s17 =	smov.u32 s14  }
.LBB2_3:
0x30: {  	p1 =	sne.s32 s18, $0x3C0;
	_ =	sdelay $0x4  }
0x31: {  	vm2 =	vgt.s32 v0, $0x0  }
0x32: {  	v0 =	vnsel vm2, $0x0, v0  }
0x33: {  	v0 =	vmin.u32 v0, $0x30D3F  }
0x34: {  	v0 =	vshll.u32 v0, $0x4;
	_ =	sdelay $0x3  }
.Ltmp3:
0x35: {  	s19 =	sshra.s32 s18, $0x2;
	s17 =	sadd.s32 $0x800, s17;
	(pc) =	sbr.rel @p1 .LBB2_3-.Ltmp3, $4  }
0x36: {  	[tilespmem:s17], [sflag:$0x1] =	stream.indirect_vreg.gather [hbm:s5], $0x80, v0, vm0, $0x38;
	[tilespmem:$0x10200] =	vst v63  }
0x37: {  	s19 =	sadd.s32 s19, s16;
	s20 =	sadd.s32 $0x400, s17  }
0x38: {  	[tilespmem:s20], [sflag:$0x1] =	stream.indirect_vreg.gather [hbm:s5], $0x80, v0, vm1, $0x38;
	[tilespmem:$0x10200] =	vst v63  }
0x39: {  	s18 =	sadd.s32 $0x40, s18;
	v0 =	vld.msk [tilespmem:s19+$0x0 ss:$0x1], $0xffff  }
0x3a: {  	_ =	sdelay $0x3  }
0x3b: {  	vm2 =	vgt.s32 v0, $0x0  }
0x3c: {  	v0 =	vnsel vm2, $0x0, v0  }
0x3d: {  	v0 =	vmin.u32 v0, $0x30D3F  }
0x3e: {  	v0 =	vshll.u32 v0, $0x4;
	_ =	sdelay $0x3  }
0x3f: {  	s16 =	sadd.s32 $0x800, s17  }
0x40: {  	[tilespmem:s16], [sflag:$0x1] =	stream.indirect_vreg.gather [hbm:s5], $0x80, v0, vm0, $0x38;
	[tilespmem:$0x10200] =	vst v63  }
0x41: {  	s16 =	sadd.s32 $0x400, s16  }
0x42: {  	[tilespmem:s16], [sflag:$0x1] =	stream.indirect_vreg.gather [hbm:s5], $0x80, v0, vm1, $0x38;
	[tilespmem:$0x10200] =	vst v63  }
0x43: {  	s13 =	sshll.u32 s13, $0x4;
	_ =	swait.ge [sflag:s6], $0x8000  }
0x44: {  	s13 =	sadd.s32 s13, s9;
	[sflag:s6] =	ssyncset.done $0x0  }
0x45: {  	s17 =	sadd.s32 $0x0, s13;
	s16 =	simm.s32 $0x80;
	[sflag:s6] =	ssyncadd.s32 $0xFFFF8000  }
.LBB2_5:
0x46: {  	[hbm:s17] =	stream.linear.scatter [tilespmem:s14], [sflag:$0x3], $0x400, $0x38;
	[tilespmem:$0x10200] =	vst v63  }
0x47: {  	s17 =	smov.u32 s16;
	s14 =	smov.u32 s15;
	p1 =	sne.s32 s16, $0xF80  }
.Ltmp4:
0x48: {  	s16 =	sadd.s32 $0x80, s16;
	(pc) =	sbr.rel @p1 .LBB2_5-.Ltmp4, $2  }
0x49: {  	_ =	sdelay $0x2  }
0x4a: {  	s15 =	sadd.s32 $0x400, s15;
	s17 =	sadd.s32 s17, s13  }
.Ltmp5:
0x4b: {  	_ = 	snop;
	(pc) =	sbr.rel .LBB2_6-.Ltmp5, $1  }
0x4c: {  	_ =	sdelay $0x3  }
.LBB2_8:
0x4d: {  	_ =	sfence.sel $0x180000  }
0x4e: {  	s2 =	simm.s32 $0x2;
	[bflag:$0x0] =	sbarrier.arrive $0xFFFF  }
0x4f: {  	s30 =	simm.s32 $0x3;
	[sflag:s2] =	ssyncpa.u1 $0x1  }
0x50: {  	s31 =	simm.s32 $0x1;
	[sflag:s30] =	ssyncpa.u1 $0x1  }
0x51: {  	[sflag:s31] =	ssyncpa.u1 $0x1  }
0x52: {  	p0 =	sne.s32 s0, $0x0;
	_ =	strace $0x9000004A  }
0x53: {  	s0 =	sadd.s32 @!p0 $0x100000, s1;
	[bflag:$0x2] =	sbarrier.arrive $0xFFFF  }
0x54: {  	[sflag:s0] =	ssyncadd.tile.s32 @!p0 $0x1;
	_ =	shalt  }
.Lfunc_end2:
_tile_overlayer_lowered:
.L_overlay_start_2:
0x55: {  	(tag) =	ssettag $0x2  }
0x56: {  	s0 =	rddreg [dreg:$0x0];
	s2 =	stileid.u32  }
0x57: {  	s1 =	rddreg [dreg:$0x1];
	p0 =	sne.s32 s2, $0x0  }
0x58: {  	s3 =	rddreg [dreg:$0x2];
	[bflag:$0x3] =	sbarrier.arrive $0xFFFF;
	s2 =	simm.s32 @!p0 $0x1C01  }
0x59: {  	[timem:s3], [sflag:s2] =	dma.local @!p0 [hbm:s0], s1  }
0x5a: {  	s0 =	simm.s32 @!p0 $0x1  }
0x5b: {  	_ =	swait.ge @!p0 [sflag:s0], s1  }
0x5c: {  	s1 =	ssub.s32 @!p0 $0x0, s1;
	[sflag:s0] =	ssyncset.done @!p0 $0x0  }
0x5d: {  	[sflag:s0] =	ssyncadd.s32 @!p0 s1  }
0x5e: {  	[bflag:$0x3] =	sbarrier.arrive $0xFFFF  }
0x5f: {  	_ =	shalt  }

// kernel: gather_offload_async_start
scs
__scs_entry_jumppad:
0x0: {  	(pc) =	sbr.rel $0x88, $3  }
0x1: {  	(tag) =	ssettag $0x0;
	lr =	simm.s32 $0x1  }
0x2: {  	[smem:$0x3F9C] =	sst lr;
	_ =	strace $0xD0000000  }
0x3: {  	_ = 	snop  }
0x4: {  	_ = 	snop  }
0x5: {  	_ = 	snop  }
0x6: {  	_ = 	snop  }
0x7: {  	_ = 	snop  }
__scs_overlays_trampoline_lowered:
0x8: {  	[smem:$0x3FAB] =	sst s0  }
0x9: {  	[smem:$0x3FAC] =	sst s1  }
0xa: {  	[smem:$0x3FAD] =	sst s2  }
0xb: {  	[smem:$0x3FAE] =	sst s3  }
0xc: {  	[smem:$0x3FAF] =	sst s4  }
0xd: {  	[smem:$0x3FB0] =	sst s5  }
0xe: {  	[smem:$0x3FB1] =	sst s6  }
0xf: {  	[smem:$0x3FB2] =	sst s7  }
0x10: {  	[smem:$0x3FB3] =	sst s8  }
0x11: {  	[smem:$0x3FB4] =	sst s9;
	s0 =	simm.s32 @!p0 $0x0  }
0x12: {  	s1 =	sld [smem:$0x3F9A];
	s0 =	simm.s32 @p0 $0x1  }
0x13: {  	[smem:$0x3FB5] =	sst s0;
	s0 =	simm.s32 @!p1 $0x0  }
0x14: {  	s2 =	sld [smem:$0x3F99];
	s0 =	simm.s32 @p1 $0x1  }
0x15: {  	[smem:$0x3FB6] =	sst s0;
	s0 =	simm.s32 @!p2 $0x0  }
0x16: {  	s3 =	sld [smem:$0x3FDB];
	s0 =	simm.s32 @p2 $0x1  }
0x17: {  	s4 =	simm.s32 $0x1BF5;
	[smem:$0x3FB8] =	sst s0  }
0x18: {  	s0 =	sld [smem:$0x3F9B];
	_ =	swait.ge [sflag:s4], $0x0  }
0x19: {  	s7 =	sld [smem:$0x3F9C]  }
0x1a: {  	s8 =	sadd.s32 $0xFFFFE003, lr  }
0x1b: {  	s9 =	sadd.s32 $0xFFFFFEF7, lr;
	s5 =	simm.s32 $0xFFFFFFFF;
	p2 =	slt.u32 s8, $0xFFFFF086  }
0x1c: {  	p1 =	slt.u32 s9, $0xF7A;
	s5 =	simm.s32 @!p2 $0x0  }
0x1d: {  	s5 =	simm.s32 @p1 $0x1;
	p0 =	seq.s32 s7, s2  }
0x1e: {  	s7 =	smul.u32 @!p0 $0xF7A, s2;
	p2 =	seq.s32 @!p0 s5, $0x0  }
0x1f: {  	s9 =	smul.u32 $0xF7A, s1;
	s8 =	simm.s32 @!p0 $0x1BF5;
	p2 =	por !p2, p0  }
0x20: {  	[sflag:s8] =	ssyncset.s32 @!p0 $0xFFFFF086;
	s6 =	sadd.s32 @!p0 s3, s7;
	s7 =	simm.s32 @!p0 $0x108  }
0x21: {  	s3 =	sadd.s32 s3, s9;
	s6 =	sadd.s32 @!p0 $0x88, s6;
	s7 =	simm.s32 @p2 $0x1082  }
0x22: {  	[simem:s7], [sflag:s8] =	dma.local @!p0 [hbm:s6], $0xF7A  }
0x23: {  	s9 =	sor.u32 $0xD0000000, s2;
	s6 =	simm.s32 $0x108;
	_ =	swait.ge @!p0 [sflag:s8], $0x0  }
0x24: {  	s3 =	sadd.s32 $0x88, s3;
	s6 =	simm.s32 @!p1 $0x1082;
	[sflag:s4] =	ssyncset.s32 $0xFFFFF086  }
0x25: {  	[simem:s6], [sflag:s4] =	dma.local [hbm:s3], $0xF7A  }
0x26: {  	[smem:$0x3F9C] =	sst s1;
	(tag) =	ssettag s2;
	_ =	strace s9  }
0x27: {  	s1 =	sld [smem:$0x3FAC]  }
0x28: {  	s2 =	sld [smem:$0x3FAD]  }
0x29: {  	s4 =	sld [smem:$0x3FAF]  }
0x2a: {  	p0 =	seq.s32 s5, $0x0;
	s5 =	sld [smem:$0x3FB0]  }
0x2b: {  	s6 =	sld [smem:$0x3FB1]  }
0x2c: {  	s7 =	sld [smem:$0x3FB2]  }
0x2d: {  	s3 =	simm.s32 $0x108;
	s8 =	sld [smem:$0x3FB3]  }
0x2e: {  	s3 =	simm.s32 @!p0 $0x1082;
	s9 =	sld [smem:$0x3FB4]  }
0x2f: {  	lr =	sadd.s32 s0, s3;
	s0 =	sld [smem:$0x3FAB]  }
0x30: {  	s3 =	sld [smem:$0x3FAE]  }
0x31: {  	[smem:$0x3FB7] =	sst s10  }
0x32: {  	s10 =	sld [smem:$0x3FB5];
	_ =	sdelay $0x3  }
0x33: {  	p0 =	seq.s32 s10, $0x1;
	s10 =	sld [smem:$0x3FB7];
	_ =	sdelay $0x3  }
0x34: {  	[smem:$0x3FB7] =	sst s10  }
0x35: {  	s10 =	sld [smem:$0x3FB6];
	_ =	sdelay $0x3  }
0x36: {  	p1 =	seq.s32 s10, $0x1;
	s10 =	sld [smem:$0x3FB7];
	_ =	sdelay $0x3  }
0x37: {  	[smem:$0x3FB7] =	sst s10  }
0x38: {  	s10 =	sld [smem:$0x3FB8]  }
0x39: {  	_ = 	snop;
	(pc) =	sbr.ind lr, $3  }
0x3a: {  	_ = 	snop  }
0x3b: {  	_ = 	snop  }
0x3c: {  	p2 =	seq.s32 s10, $0x1;
	s10 =	sld [smem:$0x3FB7]  }
0x3d: {  	_ =	shalt  }
0x3e: {  	_ =	shalt  }
0x3f: {  	_ =	shalt  }
0x40: {  	_ =	shalt  }
0x41: {  	_ =	shalt  }
0x42: {  	_ =	shalt  }
0x43: {  	_ =	shalt  }
0x44: {  	_ =	shalt  }
0x45: {  	_ =	shalt  }
0x46: {  	_ =	shalt  }
0x47: {  	_ =	shalt  }
0x48: {  	_ =	shalt  }
0x49: {  	_ =	shalt  }
0x4a: {  	_ =	shalt  }
0x4b: {  	_ =	shalt  }
0x4c: {  	_ =	shalt  }
0x4d: {  	_ =	shalt  }
0x4e: {  	_ =	shalt  }
0x4f: {  	_ =	shalt  }
0x50: {  	_ =	shalt  }
0x51: {  	_ =	shalt  }
0x52: {  	_ =	shalt  }
0x53: {  	_ =	shalt  }
0x54: {  	_ =	shalt  }
0x55: {  	_ =	shalt  }
0x56: {  	_ =	shalt  }
0x57: {  	_ =	shalt  }
0x58: {  	_ =	shalt  }
0x59: {  	_ =	shalt  }
0x5a: {  	_ =	shalt  }
0x5b: {  	_ =	shalt  }
0x5c: {  	_ =	shalt  }
0x5d: {  	_ =	shalt  }
0x5e: {  	_ =	shalt  }
0x5f: {  	_ =	shalt  }
0x60: {  	_ =	shalt  }
0x61: {  	_ =	shalt  }
0x62: {  	_ =	shalt  }
0x63: {  	_ =	shalt  }
0x64: {  	_ =	shalt  }
0x65: {  	_ =	shalt  }
0x66: {  	_ =	shalt  }
0x67: {  	_ =	shalt  }
0x68: {  	_ =	shalt  }
0x69: {  	_ =	shalt  }
0x6a: {  	_ =	shalt  }
0x6b: {  	_ =	shalt  }
0x6c: {  	_ =	shalt  }
0x6d: {  	_ =	shalt  }
0x6e: {  	_ =	shalt  }
0x6f: {  	_ =	shalt  }
0x70: {  	_ =	shalt  }
0x71: {  	_ =	shalt  }
0x72: {  	_ =	shalt  }
0x73: {  	_ =	shalt  }
0x74: {  	_ =	shalt  }
0x75: {  	_ =	shalt  }
0x76: {  	_ =	shalt  }
0x77: {  	_ =	shalt  }
0x78: {  	_ =	shalt  }
0x79: {  	_ =	shalt  }
0x7a: {  	_ =	shalt  }
0x7b: {  	_ =	shalt  }
0x7c: {  	_ =	shalt  }
0x7d: {  	_ =	shalt  }
0x7e: {  	_ =	shalt  }
0x7f: {  	_ =	shalt  }
0x80: {  	_ =	shalt  }
0x81: {  	_ =	shalt  }
0x82: {  	_ =	shalt  }
0x83: {  	_ =	shalt  }
0x84: {  	_ =	shalt  }
0x85: {  	_ =	shalt  }
0x86: {  	_ =	shalt  }
0x87: {  	_ =	shalt  }
.Lfunc_end0:
.L_simem_size_0:
called_computation_lowered:
.L_overlay_start_0:
0x88: {  	s2 =	sld [smem:$0x3FD9]  }
0x89: {  	s3 =	sld [smem:$0x3FFE];
	_ =	sdelay $0x1  }
0x8a: {  	s1 =	srdreg.scid  }
0x8b: {  	s0 =	sand.u32 $0x1, s1  }
0x8c: {  	s17 =	sshll.u32 s0, $0xA;
	s2 =	sadd.s32 s3, s2  }
0x8d: {  	s2 =	sadd.s32 s2, s17  }
0x8e: {  	[smem:$0x3FC3] =	sst s2  }
0x8f: {  	_ = 	snop  }
0x90: {  	s2 =	sld [smem:$0x3FD0];
	(tm) =	ssettm $0x1  }
0x91: {  	s18 =	sld [smem:$0x3FFB];
	_ =	sdelay $0x3  }
0x92: {  	_ =	strace s18  }
0x93: {  	s3 =	sld [smem:$0x3FFC];
	_ =	sdelay $0x3  }
0x94: {  	_ =	strace s3  }
0x95: {  	s3 =	sld [smem:$0x3FFD];
	_ =	sdelay $0x3  }
0x96: {  	_ =	strace s3  }
0x97: {  	_ =	strace $0x8FFFFFFF  }
0x98: {  	s19 =	sld [smem:$0x3FDB];
	_ =	sdelay $0x1  }
0x99: {  	s4 =	simm.s32 $_scs_section_size  }
0x9a: {  	s5 =	simm.s32 $_size__tile_overlayer_lowered;
	s6 =	simm.s32 $_tile_overlayer_lowered  }
0x9b: {  	s22 =	simm.s32 $0x1BFF;
	s21 =	sshll.u32 s6, $0x1;
	s3 =	sadd.s32 s4, s19  }
0x9c: {  	s7 =	simm.s32 $0x0;
	s20 =	sshll.u32 s5, $0x1;
	s5 =	sadd.s32 s21, s3  }
0x9d: {  	[timem:s7], [sflag:s22] =	dma.local [hbm:s5], s20  }
0x9e: {  	_ =	swait.ge [sflag:s22], s20  }
0x9f: {  	s4 =	ssub.s32 $0x0, s20;
	[sflag:s22] =	ssyncset.done $0x0  }
0xa0: {  	[sflag:s22] =	ssyncadd.s32 s4;
	_ =	sdelay $0x1  }
0xa1: {  	s23 =	simm.s32 $0x1B8B  }
0xa2: {  	_ =	swait.ge [sflag:s23], $0x1  }
0xa3: {  	[sflag:s23] =	ssyncset.done $0x0  }
0xa4: {  	s25 =	simm.s32 $0x1B8E;
	s24 =	sld [smem:$0x3FFE];
	[sflag:s23] =	ssyncadd.s32 $0xFFFFFFFF  }
0xa5: {  	s26 =	simm.s32 $execute0_lowered;
	[smem:$0x3FD2] =	sst s25  }
0xa6: {  	s5 =	sshll.u32 s26, $0x1;
	_ =	strace $0x80000046;
	[dreg:$0x1] =	wrdreg $0xFFFFFFFF  }
0xa7: {  	s28 =	simm.s32 $_size_execute0_lowered;
	s3 =	sadd.s32 s3, s5;
	[dreg:$0x0] =	wrdreg $0x0  }
0xa8: {  	s5 =	sshll.u32 s28, $0x1;
	[dreg:$0x2] =	wrdreg s3  }
0xa9: {  	[dreg:$0x3] =	wrdreg s5  }
0xaa: {  	[dreg:$0x4] =	wrdreg $0xC0  }
0xab: {  	_ =	task [dreg:s7], $0x5FFFF  }
0xac: {  	[dreg:$0x1] =	wrdreg $0xFFFFFFFF  }
0xad: {  	[dreg:$0x0] =	wrdreg $0x60  }
0xae: {  	[dreg:$0x2] =	wrdreg s24  }
0xaf: {  	[dreg:$0x3] =	wrdreg s2  }
0xb0: {  	[dreg:$0x4] =	wrdreg $0x9  }
0xb1: {  	_ =	task.clear_ibuf [dreg:s7], $0x5FFFF;
	_ =	strace $0x90000046  }
0xb2: {  	s29 =	simm.s32 $0x9;
	_ =	strace $0x80000048  }
0xb3: {  	_ =	swait.ge [sflag:s29], $0x1  }
0xb4: {  	[sflag:s29] =	ssyncadd.s32 $0xFFFFFFFF  }
0xb5: {  	_ =	strace $0x90000048  }
0xb6: {  	_ =	sfence  }
0xb7: {  	s30 =	sld [smem:$0x0];
	_ =	sdelay $0x2  }
0xb8: {  	s31 =	sshll.u32 s1, $0xD;
	s1 =	sshrl.u32 s1, $0x2  }
0xb9: {  	s3 =	sand.u32 $0x4000, s31;
	s1 =	sadd.s32 s1, s30  }
0xba: {  	s0 =	sor.u32 s3, s0;
	s1 =	sshll.u32 s1, $0x11  }
0xbb: {  	s0 =	sor.u32 s1, s0  }
0xbc: {  	s0 =	sadd.s32 $0x8F2B, s0  }
0xbd: {  	[sflag:s0] =	ssyncadd.remote.s32 $0x1  }
0xbe: {  	_ =	sfence.sel $0xFFFF  }
0xbf: {  	[dreg:$0x0] =	wrdreg $0xFFFFFFFF;
	(pc) =	sbr.abs _section_cstart, $3  }
0xc0: {  	[dreg:$0x1] =	wrdreg $0xFFFFFFFF  }
0xc1: {  	_ =	task.clear_ibuf [dreg:s7], $0x2FFFF;
	_ =	strace $0x9FFFFFFF  }
0xc2: {  	(tm) =	ssettm $0x7FFFFFFF  }
0xc3: {  	_ =	shalt  }
tec
execute0_lowered:
.L_overlay_start_1:
0x0: {  	(tag) =	ssettag $0x1  }
0x1: {  	s7 =	rddreg [dreg:$0x0]  }
0x2: {  	s2 =	rddreg [dreg:$0x1]  }
0x3: {  	s0 =	rddreg [dreg:$0x2]  }
0x4: {  	s1 =	srdreg.scid;
	_ =	strace $0x80000047;
	s4 =	simm.s32 $0x1  }
0x5: {  	s9 =	simm.s32 $0x3;
	s12 =	simm.s32 $0x0;
	s5 =	sshll.u32 s1, $0x4  }
.Ltmp0:
0x6: {  	s1 =	stileid.u32;
	s5 =	sand.u32 $0x10, s5;
	(pc) =	sbr.rel .LBB2_1-.Ltmp0, $4  }
0x7: {  	s10 =	simm.s32 $0x0;
	s3 =	sadd.s32 $0x1400, s7;
	s6 =	sor.u32 s1, s5  }
0x8: {  	[sflag:s4] =	ssyncpa.u1 $0x0;
	s5 =	simm.s32 $0x2;
	s6 =	sshll.u32 s6, $0x6  }
0x9: {  	s7 =	sadd.s32 $0x30E800, s7;
	[sflag:s5] =	ssyncpa.u1 $0x0;
	s8 =	sadd.s32 $0x40, s6  }
0xa: {  	vm0 =	vmmov $0xff;
	vm1 =	vcmask $0x3F20;
	[sflag:s9] =	ssyncpa.u1 $0x0;
	s9 =	simm.s32 $0x40;
	s11 =	smov.u32 s6  }
.LBB2_9:
0xb: {  	p0 =	seq.s32 s10, $0x2  }
.Ltmp1:
0xc: {  	_ = 	snop;
	(pc) =	sbr.rel @p0 .LBB2_11-.Ltmp1, $1  }
0xd: {  	_ =	sdelay $0x3  }
.LBB2_10:
0xe: {  	s12 =	sadd.s32 $0x40, s11  }
0xf: {  	s13 =	smov.u32 s6;
	p0 =	slt.s32 s12, s8  }
0x10: {  	s13 =	smov.u32 @p0 s12  }
0x11: {  	s10 =	sadd.s32 $0x1, s10;
	s12 =	smov.u32 s11;
	s11 =	smov.u32 s13  }
.LBB2_1:
0x12: {  	p0 =	sne.s32 s10, $0x0  }
.Ltmp2:
0x13: {  	_ = 	snop;
	(pc) =	sbr.rel @!p0 .LBB2_2-.Ltmp2, $1  }
0x14: {  	_ =	sdelay $0x3  }
0x15: {  	s13 =	sand.u32 $0x1, s10  }
0x16: {  	p0 =	seq.s32 s13, $0x0  }
.Ltmp3:
0x17: {  	_ = 	snop;
	(pc) =	sbr.rel @p0 .LBB2_9-.Ltmp3, $1  }
0x18: {  	_ =	sdelay $0x3  }
0x19: {  	_ =	swait.ge [sflag:s5], $0x40  }
0x1a: {  	[sflag:s5] =	ssyncset.done $0x0  }
0x1b: {  	s13 =	simm.s32 $0x0;
	[sflag:s5] =	ssyncadd.s32 $0xFFFFFFC0  }
0x1c: {  	v0 =	vld.msk [tilespmem:s13+$0x40 ss:$0x1], $0xffff;
	_ =	sdelay $0x4  }
0x1d: {  	vm2 =	vgt.s32 v0, $0x0  }
0x1e: {  	v0 =	vnsel vm2, $0x0, v0  }
0x1f: {  	v0 =	vmin.u32 v0, $0x30D3F  }
0x20: {  	v0 =	vshll.u32 v0, $0x4;
	_ =	sdelay $0x3  }
0x21: {  	s13 =	simm.s32 $0x2080  }
0x22: {  	[tilespmem:s13], [sflag:$0x1] =	stream.indirect_vreg.gather [hbm:s3], $0x80, v0, vm0, $0x38;
	[tilespmem:$0x4080] =	vst v63  }
0x23: {  	s14 =	simm.s32 $0x2480;
	s31 =	simm.s32 $0x10  }
0x24: {  	[tilespmem:s14], [sflag:$0x1] =	stream.indirect_vreg.gather [hbm:s3], $0x80, v0, vm1, $0x38;
	[tilespmem:$0x4080] =	vst v63  }
0x25: {  	s14 =	simm.s32 $0x80;
	v0 =	vld.msk [tilespmem:s31+$0x40 ss:$0x1], $0xffff  }
.LBB2_5:
0x26: {  	p0 =	sne.s32 s14, $0xC0;
	_ =	sdelay $0x4  }
0x27: {  	vm2 =	vgt.s32 v0, $0x0  }
0x28: {  	v0 =	vnsel vm2, $0x0, v0  }
0x29: {  	v0 =	vmin.u32 v0, $0x30D3F  }
0x2a: {  	v0 =	vshll.u32 v0, $0x4;
	_ =	sdelay $0x3  }
.Ltmp4:
0x2b: {  	s13 =	sadd.s32 $0x800, s13;
	(pc) =	sbr.rel @p0 .LBB2_5-.Ltmp4, $4  }
0x2c: {  	[tilespmem:s13], [sflag:$0x1] =	stream.indirect_vreg.gather [hbm:s3], $0x80, v0, vm0, $0x38;
	[tilespmem:$0x4080] =	vst v63  }
0x2d: {  	s15 =	sshra.s32 s14, $0x2;
	s16 =	sadd.s32 $0x400, s13  }
0x2e: {  	[tilespmem:s16], [sflag:$0x1] =	stream.indirect_vreg.gather [hbm:s3], $0x80, v0, vm1, $0x38;
	[tilespmem:$0x4080] =	vst v63  }
0x2f: {  	s14 =	sadd.s32 $0x40, s14;
	v0 =	vld.msk [tilespmem:s15+$0x40 ss:$0x1], $0xffff  }
0x30: {  	_ =	sdelay $0x3  }
0x31: {  	vm2 =	vgt.s32 v0, $0x0  }
0x32: {  	v0 =	vnsel vm2, $0x0, v0  }
0x33: {  	v0 =	vmin.u32 v0, $0x30D3F  }
0x34: {  	v0 =	vshll.u32 v0, $0x4;
	_ =	sdelay $0x3  }
0x35: {  	s13 =	sadd.s32 $0x800, s13  }
0x36: {  	[tilespmem:s13], [sflag:$0x1] =	stream.indirect_vreg.gather [hbm:s3], $0x80, v0, vm0, $0x38;
	[tilespmem:$0x4080] =	vst v63  }
0x37: {  	s13 =	sadd.s32 $0x400, s13  }
0x38: {  	[tilespmem:s13], [sflag:$0x1] =	stream.indirect_vreg.gather [hbm:s3], $0x80, v0, vm1, $0x38;
	[tilespmem:$0x4080] =	vst v63  }
0x39: {  	s12 =	sshll.u32 s12, $0x4;
	s14 =	simm.s32 $0x80;
	_ =	swait.ge [sflag:s4], $0x2000  }
0x3a: {  	s15 =	simm.s32 $0x2480;
	s12 =	sadd.s32 s12, s7;
	[sflag:s4] =	ssyncset.done $0x0  }
0x3b: {  	s16 =	sadd.s32 $0x0, s12;
	s13 =	simm.s32 $0x2080;
	[sflag:s4] =	ssyncadd.s32 $0xFFFFE000  }
.LBB2_7:
0x3c: {  	[hbm:s16] =	stream.linear.scatter [tilespmem:s13], [sflag:$0x3], $0x400, $0x38;
	[tilespmem:$0x4080] =	vst v63  }
0x3d: {  	s16 =	smov.u32 s14;
	s13 =	smov.u32 s15;
	p0 =	sne.s32 s14, $0x380  }
.Ltmp5:
0x3e: {  	s14 =	sadd.s32 $0x80, s14;
	(pc) =	sbr.rel @p0 .LBB2_7-.Ltmp5, $2  }
0x3f: {  	_ =	sdelay $0x2  }
0x40: {  	s15 =	sadd.s32 $0x400, s15;
	s16 =	sadd.s32 s16, s12  }
.Ltmp6:
0x41: {  	(pc) =	sbr.rel .LBB2_9-.Ltmp6, $2  }
0x42: {  	_ =	sdelay $0x2  }
0x43: {  	[hbm:s16] =	stream.linear.scatter [tilespmem:s13], [sflag:$0x3], $0x400, $0x38;
	[tilespmem:$0x4080] =	vst v63  }
.LBB2_2:
.Ltmp7:
0x44: {  	(pc) =	sbr.rel .LBB2_10-.Ltmp7, $4  }
0x45: {  	_ = 	snop  }
0x46: {  	s12 =	sshrl.u32 s11, $0x3  }
0x47: {  	s13 =	sand.u32 $0x7, s11;
	s12 =	sadd.s32 s2, s12  }
0x48: {  	[tilespmem:s9], [sflag:$0x2] =	stream.linear.gather [hbm4b:s12+s13], $0x40, $0x38;
	[tilespmem:$0x4080] =	vst v63  }
.LBB2_11:
0x49: {  	s2 =	simm.s32 $0x3  }
0x4a: {  	_ =	swait.ge [sflag:s2], $0x2000  }
0x4b: {  	[sflag:s2] =	ssyncset.done $0x0  }
0x4c: {  	[sflag:s2] =	ssyncadd.s32 $0xFFFFE000  }
0x4d: {  	_ =	sfence.sel $0x180000  }
0x4e: {  	s3 =	simm.s32 $0x2;
	[bflag:$0x0] =	sbarrier.arrive $0xFFFF  }
0x4f: {  	[sflag:s3] =	ssyncpa.u1 $0x1  }
0x50: {  	s31 =	simm.s32 $0x1;
	[sflag:s2] =	ssyncpa.u1 $0x1  }
0x51: {  	[sflag:s31] =	ssyncpa.u1 $0x1  }
0x52: {  	p0 =	sne.s32 s1, $0x0;
	_ =	strace $0x90000047  }
0x53: {  	s0 =	sadd.s32 @!p0 $0x100000, s0;
	[bflag:$0x2] =	sbarrier.arrive $0xFFFF  }
0x54: {  	[sflag:s0] =	ssyncadd.tile.s32 @!p0 $0x1;
	_ =	shalt  }
.Lfunc_end2:
_tile_overlayer_lowered:
.L_overlay_start_2:
0x55: {  	(tag) =	ssettag $0x2  }
0x56: {  	s0 =	rddreg [dreg:$0x0];
	s2 =	stileid.u32  }
0x57: {  	s1 =	rddreg [dreg:$0x1];
	p0 =	sne.s32 s2, $0x0  }
0x58: {  	s3 =	rddreg [dreg:$0x2];
	[bflag:$0x3] =	sbarrier.arrive $0xFFFF;
	s2 =	simm.s32 @!p0 $0x1C01  }
0x59: {  	[timem:s3], [sflag:s2] =	dma.local @!p0 [hbm:s0], s1  }
0x5a: {  	s0 =	simm.s32 @!p0 $0x1  }
0x5b: {  	_ =	swait.ge @!p0 [sflag:s0], s1  }
0x5c: {  	s1 =	ssub.s32 @!p0 $0x0, s1;
	[sflag:s0] =	ssyncset.done @!p0 $0x0  }
0x5d: {  	[sflag:s0] =	ssyncadd.s32 @!p0 s1  }
0x5e: {  	[bflag:$0x3] =	sbarrier.arrive $0xFFFF  }
0x5f: {  	_ =	shalt  }

// kernel: kernel.4.cloned.1.call-start
scs
__scs_entry_jumppad:
0x0: {  	(pc) =	sbr.rel $0x88, $3  }
0x1: {  	(tag) =	ssettag $0x0;
	lr =	simm.s32 $0x1  }
0x2: {  	[smem:$0x3F9C] =	sst lr;
	_ =	strace $0xD0000000  }
0x3: {  	_ = 	snop  }
0x4: {  	_ = 	snop  }
0x5: {  	_ = 	snop  }
0x6: {  	_ = 	snop  }
0x7: {  	_ = 	snop  }
__scs_overlays_trampoline_lowered:
0x8: {  	[smem:$0x3FAB] =	sst s0  }
0x9: {  	[smem:$0x3FAC] =	sst s1  }
0xa: {  	[smem:$0x3FAD] =	sst s2  }
0xb: {  	[smem:$0x3FAE] =	sst s3  }
0xc: {  	[smem:$0x3FAF] =	sst s4  }
0xd: {  	[smem:$0x3FB0] =	sst s5  }
0xe: {  	[smem:$0x3FB1] =	sst s6  }
0xf: {  	[smem:$0x3FB2] =	sst s7  }
0x10: {  	[smem:$0x3FB3] =	sst s8  }
0x11: {  	[smem:$0x3FB4] =	sst s9;
	s0 =	simm.s32 @!p0 $0x0  }
0x12: {  	s1 =	sld [smem:$0x3F9A];
	s0 =	simm.s32 @p0 $0x1  }
0x13: {  	[smem:$0x3FB5] =	sst s0;
	s0 =	simm.s32 @!p1 $0x0  }
0x14: {  	s2 =	sld [smem:$0x3F99];
	s0 =	simm.s32 @p1 $0x1  }
0x15: {  	[smem:$0x3FB6] =	sst s0;
	s0 =	simm.s32 @!p2 $0x0  }
0x16: {  	s3 =	sld [smem:$0x3FDB];
	s0 =	simm.s32 @p2 $0x1  }
0x17: {  	s4 =	simm.s32 $0x1BF5;
	[smem:$0x3FB8] =	sst s0  }
0x18: {  	s0 =	sld [smem:$0x3F9B];
	_ =	swait.ge [sflag:s4], $0x0  }
0x19: {  	s7 =	sld [smem:$0x3F9C]  }
0x1a: {  	s8 =	sadd.s32 $0xFFFFE003, lr  }
0x1b: {  	s9 =	sadd.s32 $0xFFFFFEF7, lr;
	s5 =	simm.s32 $0xFFFFFFFF;
	p2 =	slt.u32 s8, $0xFFFFF086  }
0x1c: {  	p1 =	slt.u32 s9, $0xF7A;
	s5 =	simm.s32 @!p2 $0x0  }
0x1d: {  	s5 =	simm.s32 @p1 $0x1;
	p0 =	seq.s32 s7, s2  }
0x1e: {  	s7 =	smul.u32 @!p0 $0xF7A, s2;
	p2 =	seq.s32 @!p0 s5, $0x0  }
0x1f: {  	s9 =	smul.u32 $0xF7A, s1;
	s8 =	simm.s32 @!p0 $0x1BF5;
	p2 =	por !p2, p0  }
0x20: {  	[sflag:s8] =	ssyncset.s32 @!p0 $0xFFFFF086;
	s6 =	sadd.s32 @!p0 s3, s7;
	s7 =	simm.s32 @!p0 $0x108  }
0x21: {  	s3 =	sadd.s32 s3, s9;
	s6 =	sadd.s32 @!p0 $0x88, s6;
	s7 =	simm.s32 @p2 $0x1082  }
0x22: {  	[simem:s7], [sflag:s8] =	dma.local @!p0 [hbm:s6], $0xF7A  }
0x23: {  	s9 =	sor.u32 $0xD0000000, s2;
	s6 =	simm.s32 $0x108;
	_ =	swait.ge @!p0 [sflag:s8], $0x0  }
0x24: {  	s3 =	sadd.s32 $0x88, s3;
	s6 =	simm.s32 @!p1 $0x1082;
	[sflag:s4] =	ssyncset.s32 $0xFFFFF086  }
0x25: {  	[simem:s6], [sflag:s4] =	dma.local [hbm:s3], $0xF7A  }
0x26: {  	[smem:$0x3F9C] =	sst s1;
	(tag) =	ssettag s2;
	_ =	strace s9  }
0x27: {  	s1 =	sld [smem:$0x3FAC]  }
0x28: {  	s2 =	sld [smem:$0x3FAD]  }
0x29: {  	s4 =	sld [smem:$0x3FAF]  }
0x2a: {  	p0 =	seq.s32 s5, $0x0;
	s5 =	sld [smem:$0x3FB0]  }
0x2b: {  	s6 =	sld [smem:$0x3FB1]  }
0x2c: {  	s7 =	sld [smem:$0x3FB2]  }
0x2d: {  	s3 =	simm.s32 $0x108;
	s8 =	sld [smem:$0x3FB3]  }
0x2e: {  	s3 =	simm.s32 @!p0 $0x1082;
	s9 =	sld [smem:$0x3FB4]  }
0x2f: {  	lr =	sadd.s32 s0, s3;
	s0 =	sld [smem:$0x3FAB]  }
0x30: {  	s3 =	sld [smem:$0x3FAE]  }
0x31: {  	[smem:$0x3FB7] =	sst s10  }
0x32: {  	s10 =	sld [smem:$0x3FB5];
	_ =	sdelay $0x3  }
0x33: {  	p0 =	seq.s32 s10, $0x1;
	s10 =	sld [smem:$0x3FB7];
	_ =	sdelay $0x3  }
0x34: {  	[smem:$0x3FB7] =	sst s10  }
0x35: {  	s10 =	sld [smem:$0x3FB6];
	_ =	sdelay $0x3  }
0x36: {  	p1 =	seq.s32 s10, $0x1;
	s10 =	sld [smem:$0x3FB7];
	_ =	sdelay $0x3  }
0x37: {  	[smem:$0x3FB7] =	sst s10  }
0x38: {  	s10 =	sld [smem:$0x3FB8]  }
0x39: {  	_ = 	snop;
	(pc) =	sbr.ind lr, $3  }
0x3a: {  	_ = 	snop  }
0x3b: {  	_ = 	snop  }
0x3c: {  	p2 =	seq.s32 s10, $0x1;
	s10 =	sld [smem:$0x3FB7]  }
0x3d: {  	_ =	shalt  }
0x3e: {  	_ =	shalt  }
0x3f: {  	_ =	shalt  }
0x40: {  	_ =	shalt  }
0x41: {  	_ =	shalt  }
0x42: {  	_ =	shalt  }
0x43: {  	_ =	shalt  }
0x44: {  	_ =	shalt  }
0x45: {  	_ =	shalt  }
0x46: {  	_ =	shalt  }
0x47: {  	_ =	shalt  }
0x48: {  	_ =	shalt  }
0x49: {  	_ =	shalt  }
0x4a: {  	_ =	shalt  }
0x4b: {  	_ =	shalt  }
0x4c: {  	_ =	shalt  }
0x4d: {  	_ =	shalt  }
0x4e: {  	_ =	shalt  }
0x4f: {  	_ =	shalt  }
0x50: {  	_ =	shalt  }
0x51: {  	_ =	shalt  }
0x52: {  	_ =	shalt  }
0x53: {  	_ =	shalt  }
0x54: {  	_ =	shalt  }
0x55: {  	_ =	shalt  }
0x56: {  	_ =	shalt  }
0x57: {  	_ =	shalt  }
0x58: {  	_ =	shalt  }
0x59: {  	_ =	shalt  }
0x5a: {  	_ =	shalt  }
0x5b: {  	_ =	shalt  }
0x5c: {  	_ =	shalt  }
0x5d: {  	_ =	shalt  }
0x5e: {  	_ =	shalt  }
0x5f: {  	_ =	shalt  }
0x60: {  	_ =	shalt  }
0x61: {  	_ =	shalt  }
0x62: {  	_ =	shalt  }
0x63: {  	_ =	shalt  }
0x64: {  	_ =	shalt  }
0x65: {  	_ =	shalt  }
0x66: {  	_ =	shalt  }
0x67: {  	_ =	shalt  }
0x68: {  	_ =	shalt  }
0x69: {  	_ =	shalt  }
0x6a: {  	_ =	shalt  }
0x6b: {  	_ =	shalt  }
0x6c: {  	_ =	shalt  }
0x6d: {  	_ =	shalt  }
0x6e: {  	_ =	shalt  }
0x6f: {  	_ =	shalt  }
0x70: {  	_ =	shalt  }
0x71: {  	_ =	shalt  }
0x72: {  	_ =	shalt  }
0x73: {  	_ =	shalt  }
0x74: {  	_ =	shalt  }
0x75: {  	_ =	shalt  }
0x76: {  	_ =	shalt  }
0x77: {  	_ =	shalt  }
0x78: {  	_ =	shalt  }
0x79: {  	_ =	shalt  }
0x7a: {  	_ =	shalt  }
0x7b: {  	_ =	shalt  }
0x7c: {  	_ =	shalt  }
0x7d: {  	_ =	shalt  }
0x7e: {  	_ =	shalt  }
0x7f: {  	_ =	shalt  }
0x80: {  	_ =	shalt  }
0x81: {  	_ =	shalt  }
0x82: {  	_ =	shalt  }
0x83: {  	_ =	shalt  }
0x84: {  	_ =	shalt  }
0x85: {  	_ =	shalt  }
0x86: {  	_ =	shalt  }
0x87: {  	_ =	shalt  }
.Lfunc_end0:
.L_simem_size_0:
called_computation.2_lowered:
.L_overlay_start_0:
0x88: {  	s2 =	sld [smem:$0x3FD9]  }
0x89: {  	s3 =	sld [smem:$0x3FFE];
	_ =	sdelay $0x1  }
0x8a: {  	s1 =	srdreg.scid  }
0x8b: {  	s0 =	sand.u32 $0x1, s1  }
0x8c: {  	s17 =	sshll.u32 s0, $0xA;
	s2 =	sadd.s32 s3, s2  }
0x8d: {  	s2 =	sadd.s32 s2, s17  }
0x8e: {  	[smem:$0x3FC3] =	sst s2  }
0x8f: {  	_ = 	snop  }
0x90: {  	s2 =	sld [smem:$0x3FC9];
	(tm) =	ssettm $0x1  }
0x91: {  	s18 =	sld [smem:$0x3FFB];
	_ =	sdelay $0x3  }
0x92: {  	_ =	strace s18  }
0x93: {  	s3 =	sld [smem:$0x3FFC];
	_ =	sdelay $0x3  }
0x94: {  	_ =	strace s3  }
0x95: {  	s3 =	sld [smem:$0x3FFD];
	_ =	sdelay $0x3  }
0x96: {  	_ =	strace s3  }
0x97: {  	_ =	strace $0x8FFFFFFF  }
0x98: {  	s19 =	sld [smem:$0x3FDB];
	_ =	sdelay $0x1  }
0x99: {  	s4 =	simm.s32 $_scs_section_size  }
0x9a: {  	s5 =	simm.s32 $_size__tile_overlayer_lowered;
	s6 =	simm.s32 $_tile_overlayer_lowered  }
0x9b: {  	s22 =	simm.s32 $0x1BFF;
	s21 =	sshll.u32 s6, $0x1;
	s3 =	sadd.s32 s4, s19  }
0x9c: {  	s7 =	simm.s32 $0x0;
	s20 =	sshll.u32 s5, $0x1;
	s5 =	sadd.s32 s21, s3  }
0x9d: {  	[timem:s7], [sflag:s22] =	dma.local [hbm:s5], s20  }
0x9e: {  	_ =	swait.ge [sflag:s22], s20  }
0x9f: {  	s4 =	ssub.s32 $0x0, s20;
	[sflag:s22] =	ssyncset.done $0x0  }
0xa0: {  	[sflag:s22] =	ssyncadd.s32 s4;
	_ =	sdelay $0x1  }
0xa1: {  	s23 =	simm.s32 $0x1B8B  }
0xa2: {  	_ =	swait.ge [sflag:s23], $0x1  }
0xa3: {  	[sflag:s23] =	ssyncset.done $0x0  }
0xa4: {  	s25 =	simm.s32 $0x1B8E;
	s24 =	sld [smem:$0x3FFE];
	[sflag:s23] =	ssyncadd.s32 $0xFFFFFFFF  }
0xa5: {  	s26 =	simm.s32 $execute0_lowered;
	[smem:$0x3FD2] =	sst s25  }
0xa6: {  	s5 =	sshll.u32 s26, $0x1;
	_ =	strace $0x8000004C;
	[dreg:$0x1] =	wrdreg $0xFFFFFFFF  }
0xa7: {  	s28 =	simm.s32 $_size_execute0_lowered;
	s3 =	sadd.s32 s3, s5;
	[dreg:$0x0] =	wrdreg $0x0  }
0xa8: {  	s5 =	sshll.u32 s28, $0x1;
	[dreg:$0x2] =	wrdreg s3  }
0xa9: {  	[dreg:$0x3] =	wrdreg s5  }
0xaa: {  	[dreg:$0x4] =	wrdreg $0xC0  }
0xab: {  	_ =	task [dreg:s7], $0x5FFFF  }
0xac: {  	[dreg:$0x1] =	wrdreg $0xFFFFFFFF  }
0xad: {  	[dreg:$0x0] =	wrdreg $0x60  }
0xae: {  	[dreg:$0x2] =	wrdreg s2  }
0xaf: {  	[dreg:$0x3] =	wrdreg s24  }
0xb0: {  	[dreg:$0x4] =	wrdreg $0x9  }
0xb1: {  	_ =	task.clear_ibuf [dreg:s7], $0x5FFFF;
	_ =	strace $0x9000004C  }
0xb2: {  	s29 =	simm.s32 $0x9;
	_ =	strace $0x8000004E  }
0xb3: {  	_ =	swait.ge [sflag:s29], $0x1  }
0xb4: {  	[sflag:s29] =	ssyncadd.s32 $0xFFFFFFFF  }
0xb5: {  	_ =	strace $0x9000004E  }
0xb6: {  	_ =	sfence  }
0xb7: {  	s30 =	sld [smem:$0x0];
	_ =	sdelay $0x2  }
0xb8: {  	s31 =	sshll.u32 s1, $0xD;
	s1 =	sshrl.u32 s1, $0x2  }
0xb9: {  	s3 =	sand.u32 $0x4000, s31;
	s1 =	sadd.s32 s1, s30  }
0xba: {  	s0 =	sor.u32 s3, s0;
	s1 =	sshll.u32 s1, $0x11  }
0xbb: {  	s0 =	sor.u32 s1, s0  }
0xbc: {  	s0 =	sadd.s32 $0x8F2B, s0  }
0xbd: {  	[sflag:s0] =	ssyncadd.remote.s32 $0x1  }
0xbe: {  	_ =	sfence.sel $0xFFFF  }
0xbf: {  	[dreg:$0x0] =	wrdreg $0xFFFFFFFF;
	(pc) =	sbr.abs _section_cstart, $3  }
0xc0: {  	[dreg:$0x1] =	wrdreg $0xFFFFFFFF  }
0xc1: {  	_ =	task.clear_ibuf [dreg:s7], $0x2FFFF;
	_ =	strace $0x9FFFFFFF  }
0xc2: {  	(tm) =	ssettm $0x7FFFFFFF  }
0xc3: {  	_ =	shalt  }
tec
execute0_lowered:
.L_overlay_start_1:
0x0: {  	(tag) =	ssettag $0x1  }
0x1: {  	s2 =	rddreg [dreg:$0x0];
	s0 =	srdreg.scid  }
0x2: {  	s3 =	stileid.u32;
	s1 =	rddreg [dreg:$0x1]  }
0x3: {  	s30 =	simm.s32 $0x1;
	s25 =	simm.s32 $0x15100;
	s26 =	simm.s32 $0x15900  }
0x4: {  	s28 =	simm.s32 $0x2;
	s0 =	sand.u32 $0x1, s0;
	s4 =	sshll.u32 s3, $0x1  }
0x5: {  	s3 =	simm.s32 $0x0;
	s5 =	sor.u32 s0, s4;
	s0 =	ssub.s32 $0x2, s0  }
0x6: {  	[smem:$0x7FF] =	sst s3;
	s4 =	smul.u32 $0x320, s5;
	s6 =	sshrl.u32 s0, $0x1  }
0x7: {  	s29 =	simm.s32 $0x16900;
	_ =	strace $0x8000004D;
	s0 =	ssub.s32 s0, s6  }
0x8: {  	v2 =	vlaneseq.u32;
	s6 =	smul.u32 $0x28000, s5;
	s7 =	sadd.s32 s4, s1;
	s0 =	smax.u32 s0, $0x1  }
0x9: {  	vm0 =	vmmov $0xffff;
	v1 =	vshrl.u32 v2, $0x3;
	s4 =	sadd.s32 $0x7800, s1;
	s31 =	sadd.s32 $0x1400, s7;
	[dreg:$0x4] =	wrdreg s0  }
0xa: {  	v0 =	vand.u32 $0x7, v2;
	v2 =	vor.u32 $0x8, v2;
	v1 =	vmul.u32 $0x8, v1;
	s1 =	simm.s32 $0x0;
	s7 =	simm.s32 $0x4;
	[dreg:$0x3] =	wrdreg s31  }
.LBB2_1:
0xb: {  	[dreg:$0x5] =	wrdreg s1  }
0xc: {  	s0 =	rddreg [dreg:$0x3];
	s31 =	simm.s32 $0x5  }
0xd: {  	[tilespmem:s3], [sflag:$0x5] =	stream.linear.gather [hbm4b:s0+s3], $0x1900, $0x38;
	[tilespmem:$0x17900] =	vst v63  }
0xe: {  	_ =	swait.ge [sflag:s31], $0x1900  }
0xf: {  	[sflag:s31] =	ssyncset.done $0x0  }
0x10: {  	[sflag:s31] =	ssyncadd.s32 $0xFFFFE700  }
0x11: {  	v3 =	vld [tilespmem:$0x0];
	_ =	sdelay $0x4  }
0x12: {  	v4 =	vshll.u32 v3, $0x1  }
0x13: {  	v3 =	vand.u32 $0x7, v3;
	v4 =	vand.u32 $0xFFFFFFF0, v4  }
0x14: {  	v3 =	vor.u32 v3, v4  }
0x15: {  	v4 =	vperm.xlane v3, v0;
	_ =	sdelay $0x1  }
0x16: {  	v3 =	vperm.xlane v3, v2;
	v4 =	vadd.s32 v1, v4;
	_ =	sdelay $0x1  }
0x17: {  	v3 =	vadd.s32 v1, v3;
	_ =	sdelay $0x1  }
0x18: {  	s1 =	simm.s32 $0x1900  }
0x19: {  	[tilespmem:s1], [sflag:$0x1] =	stream.indirect_vreg.gather [hbm4b:s2+s3], $0x80, v4, vm0, $0xb8;
	[tilespmem:$0x17900] =	vst v63  }
0x1a: {  	s5 =	simm.s32 $0x2100  }
0x1b: {  	[tilespmem:s5], [sflag:$0x1] =	stream.indirect_vreg.gather [hbm4b:s2+s3], $0x80, v3, vm0, $0xb8;
	[tilespmem:$0x17900] =	vst v63  }
0x1c: {  	v3 =	vld [tilespmem:$0x10];
	_ =	sdelay $0x4  }
0x1d: {  	v55 =	vshll.u32 v3, $0x1  }
0x1e: {  	v3 =	vand.u32 $0x7, v3;
	v4 =	vand.u32 $0xFFFFFFF0, v55  }
0x1f: {  	v3 =	vor.u32 v3, v4  }
0x20: {  	v4 =	vperm.xlane v3, v0;
	_ =	sdelay $0x1  }
0x21: {  	v3 =	vperm.xlane v3, v2;
	v4 =	vadd.s32 v1, v4;
	_ =	sdelay $0x1  }
0x22: {  	v3 =	vadd.s32 v1, v3;
	_ =	sdelay $0x1  }
0x23: {  	s8 =	simm.s32 $0x2900  }
0x24: {  	[tilespmem:s8], [sflag:$0x1] =	stream.indirect_vreg.gather [hbm4b:s2+s3], $0x80, v4, vm0, $0xb8;
	[tilespmem:$0x17900] =	vst v63  }
0x25: {  	s9 =	simm.s32 $0x3100  }
0x26: {  	[tilespmem:s9], [sflag:$0x1] =	stream.indirect_vreg.gather [hbm4b:s2+s3], $0x80, v3, vm0, $0xb8;
	[tilespmem:$0x17900] =	vst v63  }
0x27: {  	v3 =	vld [tilespmem:$0x20];
	_ =	sdelay $0x4  }
0x28: {  	v56 =	vshll.u32 v3, $0x1  }
0x29: {  	v3 =	vand.u32 $0x7, v3;
	v4 =	vand.u32 $0xFFFFFFF0, v56  }
0x2a: {  	v3 =	vor.u32 v3, v4  }
0x2b: {  	v4 =	vperm.xlane v3, v0;
	_ =	sdelay $0x1  }
0x2c: {  	v3 =	vperm.xlane v3, v2;
	v4 =	vadd.s32 v1, v4;
	_ =	sdelay $0x1  }
0x2d: {  	v3 =	vadd.s32 v1, v3;
	_ =	sdelay $0x1  }
0x2e: {  	s10 =	simm.s32 $0x3900  }
0x2f: {  	[tilespmem:s10], [sflag:$0x1] =	stream.indirect_vreg.gather [hbm4b:s2+s3], $0x80, v4, vm0, $0xb8;
	[tilespmem:$0x17900] =	vst v63  }
0x30: {  	s11 =	simm.s32 $0x4100  }
0x31: {  	[tilespmem:s11], [sflag:$0x1] =	stream.indirect_vreg.gather [hbm4b:s2+s3], $0x80, v3, vm0, $0xb8;
	[tilespmem:$0x17900] =	vst v63  }
0x32: {  	v3 =	vld [tilespmem:$0x30];
	_ =	sdelay $0x4  }
0x33: {  	v57 =	vshll.u32 v3, $0x1  }
0x34: {  	v3 =	vand.u32 $0x7, v3;
	v4 =	vand.u32 $0xFFFFFFF0, v57  }
0x35: {  	v3 =	vor.u32 v3, v4  }
0x36: {  	v4 =	vperm.xlane v3, v0;
	_ =	sdelay $0x1  }
0x37: {  	v3 =	vperm.xlane v3, v2;
	v4 =	vadd.s32 v1, v4;
	_ =	sdelay $0x1  }
0x38: {  	v3 =	vadd.s32 v1, v3;
	_ =	sdelay $0x1  }
0x39: {  	s12 =	simm.s32 $0x4900  }
0x3a: {  	[tilespmem:s12], [sflag:$0x1] =	stream.indirect_vreg.gather [hbm4b:s2+s3], $0x80, v4, vm0, $0xb8;
	[tilespmem:$0x17900] =	vst v63  }
0x3b: {  	s13 =	simm.s32 $0x5100  }
0x3c: {  	[tilespmem:s13], [sflag:$0x1] =	stream.indirect_vreg.gather [hbm4b:s2+s3], $0x80, v3, vm0, $0xb8;
	[tilespmem:$0x17900] =	vst v63  }
0x3d: {  	v3 =	vld [tilespmem:$0x40];
	_ =	sdelay $0x4  }
0x3e: {  	v58 =	vshll.u32 v3, $0x1  }
0x3f: {  	v3 =	vand.u32 $0x7, v3;
	v4 =	vand.u32 $0xFFFFFFF0, v58  }
0x40: {  	v3 =	vor.u32 v3, v4  }
0x41: {  	v4 =	vperm.xlane v3, v0;
	_ =	sdelay $0x1  }
0x42: {  	v3 =	vperm.xlane v3, v2;
	v4 =	vadd.s32 v1, v4;
	_ =	sdelay $0x1  }
0x43: {  	v3 =	vadd.s32 v1, v3;
	_ =	sdelay $0x1  }
0x44: {  	s14 =	simm.s32 $0x5900  }
0x45: {  	[tilespmem:s14], [sflag:$0x1] =	stream.indirect_vreg.gather [hbm4b:s2+s3], $0x80, v4, vm0, $0xb8;
	[tilespmem:$0x17900] =	vst v63  }
0x46: {  	s15 =	simm.s32 $0x6100  }
0x47: {  	[tilespmem:s15], [sflag:$0x1] =	stream.indirect_vreg.gather [hbm4b:s2+s3], $0x80, v3, vm0, $0xb8;
	[tilespmem:$0x17900] =	vst v63  }
0x48: {  	v3 =	vld [tilespmem:$0x50];
	_ =	sdelay $0x4  }
0x49: {  	v59 =	vshll.u32 v3, $0x1  }
0x4a: {  	v3 =	vand.u32 $0x7, v3;
	v4 =	vand.u32 $0xFFFFFFF0, v59  }
0x4b: {  	v3 =	vor.u32 v3, v4  }
0x4c: {  	v4 =	vperm.xlane v3, v0;
	_ =	sdelay $0x1  }
0x4d: {  	v3 =	vperm.xlane v3, v2;
	v4 =	vadd.s32 v1, v4;
	_ =	sdelay $0x1  }
0x4e: {  	v3 =	vadd.s32 v1, v3;
	_ =	sdelay $0x1  }
0x4f: {  	s16 =	simm.s32 $0x6900  }
0x50: {  	[tilespmem:s16], [sflag:$0x1] =	stream.indirect_vreg.gather [hbm4b:s2+s3], $0x80, v4, vm0, $0xb8;
	[tilespmem:$0x17900] =	vst v63  }
0x51: {  	s17 =	simm.s32 $0x7100  }
0x52: {  	[tilespmem:s17], [sflag:$0x1] =	stream.indirect_vreg.gather [hbm4b:s2+s3], $0x80, v3, vm0, $0xb8;
	[tilespmem:$0x17900] =	vst v63  }
0x53: {  	v3 =	vld [tilespmem:$0x60];
	_ =	sdelay $0x4  }
0x54: {  	v60 =	vshll.u32 v3, $0x1  }
0x55: {  	v3 =	vand.u32 $0x7, v3;
	v4 =	vand.u32 $0xFFFFFFF0, v60  }
0x56: {  	v3 =	vor.u32 v3, v4  }
0x57: {  	v4 =	vperm.xlane v3, v0;
	_ =	sdelay $0x1  }
0x58: {  	v3 =	vperm.xlane v3, v2;
	v4 =	vadd.s32 v1, v4;
	_ =	sdelay $0x1  }
0x59: {  	v3 =	vadd.s32 v1, v3;
	_ =	sdelay $0x1  }
0x5a: {  	s18 =	simm.s32 $0x7900  }
0x5b: {  	[tilespmem:s18], [sflag:$0x1] =	stream.indirect_vreg.gather [hbm4b:s2+s3], $0x80, v4, vm0, $0xb8;
	[tilespmem:$0x17900] =	vst v63  }
0x5c: {  	s19 =	simm.s32 $0x8100  }
0x5d: {  	[tilespmem:s19], [sflag:$0x1] =	stream.indirect_vreg.gather [hbm4b:s2+s3], $0x80, v3, vm0, $0xb8;
	[tilespmem:$0x17900] =	vst v63  }
0x5e: {  	v3 =	vld [tilespmem:$0x70];
	_ =	sdelay $0x4  }
0x5f: {  	v61 =	vshll.u32 v3, $0x1  }
0x60: {  	v3 =	vand.u32 $0x7, v3;
	v4 =	vand.u32 $0xFFFFFFF0, v61  }
0x61: {  	v3 =	vor.u32 v3, v4  }
0x62: {  	v4 =	vperm.xlane v3, v0;
	_ =	sdelay $0x1  }
0x63: {  	v3 =	vperm.xlane v3, v2;
	v4 =	vadd.s32 v1, v4;
	_ =	sdelay $0x1  }
0x64: {  	v3 =	vadd.s32 v1, v3;
	_ =	sdelay $0x1  }
0x65: {  	s20 =	simm.s32 $0x8900  }
0x66: {  	[tilespmem:s20], [sflag:$0x1] =	stream.indirect_vreg.gather [hbm4b:s2+s3], $0x80, v4, vm0, $0xb8;
	[tilespmem:$0x17900] =	vst v63  }
0x67: {  	s21 =	simm.s32 $0x9100  }
0x68: {  	[tilespmem:s21], [sflag:$0x1] =	stream.indirect_vreg.gather [hbm4b:s2+s3], $0x80, v3, vm0, $0xb8;
	[tilespmem:$0x17900] =	vst v63  }
0x69: {  	v3 =	vld [tilespmem:$0x80];
	_ =	sdelay $0x4  }
0x6a: {  	v62 =	vshll.u32 v3, $0x1  }
0x6b: {  	v3 =	vand.u32 $0x7, v3;
	v4 =	vand.u32 $0xFFFFFFF0, v62  }
0x6c: {  	v3 =	vor.u32 v3, v4  }
0x6d: {  	v4 =	vperm.xlane v3, v0;
	_ =	sdelay $0x1  }
0x6e: {  	v3 =	vperm.xlane v3, v2;
	v4 =	vadd.s32 v1, v4;
	_ =	sdelay $0x1  }
0x6f: {  	v3 =	vadd.s32 v1, v3;
	_ =	sdelay $0x1  }
0x70: {  	s22 =	simm.s32 $0x9900  }
0x71: {  	[tilespmem:s22], [sflag:$0x1] =	stream.indirect_vreg.gather [hbm4b:s2+s3], $0x80, v4, vm0, $0xb8;
	[tilespmem:$0x17900] =	vst v63  }
0x72: {  	s23 =	simm.s32 $0xA100  }
0x73: {  	[tilespmem:s23], [sflag:$0x1] =	stream.indirect_vreg.gather [hbm4b:s2+s3], $0x80, v3, vm0, $0xb8;
	[tilespmem:$0x17900] =	vst v63  }
0x74: {  	v3 =	vld [tilespmem:$0x90];
	_ =	sdelay $0x4  }
0x75: {  	v63 =	vshll.u32 v3, $0x1  }
0x76: {  	v3 =	vand.u32 $0x7, v3;
	v4 =	vand.u32 $0xFFFFFFF0, v63  }
0x77: {  	v3 =	vor.u32 v3, v4  }
0x78: {  	v4 =	vperm.xlane v3, v0;
	_ =	sdelay $0x1  }
0x79: {  	v3 =	vperm.xlane v3, v2;
	v4 =	vadd.s32 v1, v4;
	_ =	sdelay $0x1  }
0x7a: {  	v3 =	vadd.s32 v1, v3;
	_ =	sdelay $0x1  }
0x7b: {  	s24 =	simm.s32 $0xA900  }
0x7c: {  	[tilespmem:s24], [sflag:$0x1] =	stream.indirect_vreg.gather [hbm4b:s2+s3], $0x80, v4, vm0, $0xb8;
	[tilespmem:$0x17900] =	vst v63  }
0x7d: {  	s31 =	simm.s32 $0xB100;
	s5 =	simm.s32 $0x0  }
0x7e: {  	[tilespmem:s31], [sflag:$0x1] =	stream.indirect_vreg.gather [hbm4b:s2+s3], $0x80, v3, vm0, $0xb8;
	[tilespmem:$0x17900] =	vst v63  }
.LBB2_2:
0x7f: {  	_ =	swait.ge [sflag:s30], $0x5000  }
0x80: {  	[sflag:s30] =	ssyncset.done $0x0  }
0x81: {  	s8 =	sshllo.u32 s5, $0x1;
	[sflag:s30] =	ssyncadd.s32 $0xFFFFB000  }
0x82: {  	s0 =	smul.u32 $0x280, s8;
	_ =	swait.ge [sflag:s30], $0x5000  }
0x83: {  	[sflag:s30] =	ssyncset.done $0x0  }
0x84: {  	s0 =	sshra.s32 s0, $0x2;
	[sflag:s30] =	ssyncadd.s32 $0xFFFFB000  }
0x85: {  	v3 =	vld [tilespmem:s0+$0x0];
	_ =	sdelay $0x4  }
0x86: {  	v4 =	vshll.u32 v3, $0x1  }
0x87: {  	v3 =	vand.u32 $0x7, v3;
	v4 =	vand.u32 $0xFFFFFFF0, v4  }
0x88: {  	v3 =	vor.u32 v3, v4  }
0x89: {  	v4 =	vperm.xlane v3, v0;
	_ =	sdelay $0x1  }
0x8a: {  	v3 =	vperm.xlane v3, v2;
	v4 =	vadd.s32 v1, v4;
	_ =	sdelay $0x1  }
0x8b: {  	v3 =	vadd.s32 v1, v3;
	_ =	sdelay $0x1  }
0x8c: {  	s1 =	simm.s32 $0xB900  }
0x8d: {  	[tilespmem:s1], [sflag:$0x2] =	stream.indirect_vreg.gather [hbm4b:s2+s3], $0x80, v4, vm0, $0xb8;
	[tilespmem:$0x17900] =	vst v63  }
0x8e: {  	s9 =	simm.s32 $0xC100  }
0x8f: {  	[tilespmem:s9], [sflag:$0x2] =	stream.indirect_vreg.gather [hbm4b:s2+s3], $0x80, v3, vm0, $0xb8;
	[tilespmem:$0x17900] =	vst v63  }
0x90: {  	v3 =	vld [tilespmem:s0+$0x10];
	_ =	sdelay $0x4  }
0x91: {  	v4 =	vshll.u32 v3, $0x1  }
0x92: {  	v3 =	vand.u32 $0x7, v3;
	v4 =	vand.u32 $0xFFFFFFF0, v4  }
0x93: {  	v3 =	vor.u32 v3, v4  }
0x94: {  	v4 =	vperm.xlane v3, v0;
	_ =	sdelay $0x1  }
0x95: {  	v3 =	vperm.xlane v3, v2;
	v4 =	vadd.s32 v1, v4;
	_ =	sdelay $0x1  }
0x96: {  	v3 =	vadd.s32 v1, v3;
	_ =	sdelay $0x1  }
0x97: {  	s10 =	simm.s32 $0xC900  }
0x98: {  	[tilespmem:s10], [sflag:$0x2] =	stream.indirect_vreg.gather [hbm4b:s2+s3], $0x80, v4, vm0, $0xb8;
	[tilespmem:$0x17900] =	vst v63  }
0x99: {  	s11 =	simm.s32 $0xD100  }
0x9a: {  	[tilespmem:s11], [sflag:$0x2] =	stream.indirect_vreg.gather [hbm4b:s2+s3], $0x80, v3, vm0, $0xb8;
	[tilespmem:$0x17900] =	vst v63  }
0x9b: {  	v3 =	vld [tilespmem:s0+$0x20];
	_ =	sdelay $0x4  }
0x9c: {  	v4 =	vshll.u32 v3, $0x1  }
0x9d: {  	v3 =	vand.u32 $0x7, v3;
	v4 =	vand.u32 $0xFFFFFFF0, v4  }
0x9e: {  	v3 =	vor.u32 v3, v4  }
0x9f: {  	v4 =	vperm.xlane v3, v0;
	_ =	sdelay $0x1  }
0xa0: {  	v3 =	vperm.xlane v3, v2;
	v4 =	vadd.s32 v1, v4;
	_ =	sdelay $0x1  }
0xa1: {  	v3 =	vadd.s32 v1, v3;
	_ =	sdelay $0x1  }
0xa2: {  	s12 =	simm.s32 $0xD900  }
0xa3: {  	[tilespmem:s12], [sflag:$0x2] =	stream.indirect_vreg.gather [hbm4b:s2+s3], $0x80, v4, vm0, $0xb8;
	[tilespmem:$0x17900] =	vst v63  }
0xa4: {  	s13 =	simm.s32 $0xE100  }
0xa5: {  	[tilespmem:s13], [sflag:$0x2] =	stream.indirect_vreg.gather [hbm4b:s2+s3], $0x80, v3, vm0, $0xb8;
	[tilespmem:$0x17900] =	vst v63  }
0xa6: {  	v3 =	vld [tilespmem:s0+$0x30];
	_ =	sdelay $0x4  }
0xa7: {  	v4 =	vshll.u32 v3, $0x1  }
0xa8: {  	v3 =	vand.u32 $0x7, v3;
	v4 =	vand.u32 $0xFFFFFFF0, v4  }
0xa9: {  	v3 =	vor.u32 v3, v4  }
0xaa: {  	v4 =	vperm.xlane v3, v0;
	_ =	sdelay $0x1  }
0xab: {  	v3 =	vperm.xlane v3, v2;
	v4 =	vadd.s32 v1, v4;
	_ =	sdelay $0x1  }
0xac: {  	v3 =	vadd.s32 v1, v3;
	_ =	sdelay $0x1  }
0xad: {  	s14 =	simm.s32 $0xE900  }
0xae: {  	[tilespmem:s14], [sflag:$0x2] =	stream.indirect_vreg.gather [hbm4b:s2+s3], $0x80, v4, vm0, $0xb8;
	[tilespmem:$0x17900] =	vst v63  }
0xaf: {  	s15 =	simm.s32 $0xF100  }
0xb0: {  	[tilespmem:s15], [sflag:$0x2] =	stream.indirect_vreg.gather [hbm4b:s2+s3], $0x80, v3, vm0, $0xb8;
	[tilespmem:$0x17900] =	vst v63  }
0xb1: {  	v3 =	vld [tilespmem:s0+$0x40];
	_ =	sdelay $0x4  }
0xb2: {  	v4 =	vshll.u32 v3, $0x1  }
0xb3: {  	v3 =	vand.u32 $0x7, v3;
	v4 =	vand.u32 $0xFFFFFFF0, v4  }
0xb4: {  	v3 =	vor.u32 v3, v4  }
0xb5: {  	v4 =	vperm.xlane v3, v0;
	_ =	sdelay $0x1  }
0xb6: {  	v3 =	vperm.xlane v3, v2;
	v4 =	vadd.s32 v1, v4;
	_ =	sdelay $0x1  }
0xb7: {  	v3 =	vadd.s32 v1, v3;
	_ =	sdelay $0x1  }
0xb8: {  	s16 =	simm.s32 $0xF900  }
0xb9: {  	[tilespmem:s16], [sflag:$0x2] =	stream.indirect_vreg.gather [hbm4b:s2+s3], $0x80, v4, vm0, $0xb8;
	[tilespmem:$0x17900] =	vst v63  }
0xba: {  	s17 =	simm.s32 $0x10100  }
0xbb: {  	[tilespmem:s17], [sflag:$0x2] =	stream.indirect_vreg.gather [hbm4b:s2+s3], $0x80, v3, vm0, $0xb8;
	[tilespmem:$0x17900] =	vst v63  }
0xbc: {  	v3 =	vld [tilespmem:s0+$0x50];
	_ =	sdelay $0x4  }
0xbd: {  	v4 =	vshll.u32 v3, $0x1  }
0xbe: {  	v3 =	vand.u32 $0x7, v3;
	v4 =	vand.u32 $0xFFFFFFF0, v4  }
0xbf: {  	v3 =	vor.u32 v3, v4  }
0xc0: {  	v4 =	vperm.xlane v3, v0;
	_ =	sdelay $0x1  }
0xc1: {  	v3 =	vperm.xlane v3, v2;
	v4 =	vadd.s32 v1, v4;
	_ =	sdelay $0x1  }
0xc2: {  	v3 =	vadd.s32 v1, v3;
	_ =	sdelay $0x1  }
0xc3: {  	s18 =	simm.s32 $0x10900  }
0xc4: {  	[tilespmem:s18], [sflag:$0x2] =	stream.indirect_vreg.gather [hbm4b:s2+s3], $0x80, v4, vm0, $0xb8;
	[tilespmem:$0x17900] =	vst v63  }
0xc5: {  	s19 =	simm.s32 $0x11100  }
0xc6: {  	[tilespmem:s19], [sflag:$0x2] =	stream.indirect_vreg.gather [hbm4b:s2+s3], $0x80, v3, vm0, $0xb8;
	[tilespmem:$0x17900] =	vst v63  }
0xc7: {  	v3 =	vld [tilespmem:s0+$0x60];
	_ =	sdelay $0x4  }
0xc8: {  	v4 =	vshll.u32 v3, $0x1  }
0xc9: {  	v3 =	vand.u32 $0x7, v3;
	v4 =	vand.u32 $0xFFFFFFF0, v4  }
0xca: {  	v3 =	vor.u32 v3, v4  }
0xcb: {  	v4 =	vperm.xlane v3, v0;
	_ =	sdelay $0x1  }
0xcc: {  	v3 =	vperm.xlane v3, v2;
	v4 =	vadd.s32 v1, v4;
	_ =	sdelay $0x1  }
0xcd: {  	v3 =	vadd.s32 v1, v3;
	_ =	sdelay $0x1  }
0xce: {  	s20 =	simm.s32 $0x11900  }
0xcf: {  	[tilespmem:s20], [sflag:$0x2] =	stream.indirect_vreg.gather [hbm4b:s2+s3], $0x80, v4, vm0, $0xb8;
	[tilespmem:$0x17900] =	vst v63  }
0xd0: {  	s21 =	simm.s32 $0x12100  }
0xd1: {  	[tilespmem:s21], [sflag:$0x2] =	stream.indirect_vreg.gather [hbm4b:s2+s3], $0x80, v3, vm0, $0xb8;
	[tilespmem:$0x17900] =	vst v63  }
0xd2: {  	v3 =	vld [tilespmem:s0+$0x70];
	_ =	sdelay $0x4  }
0xd3: {  	v4 =	vshll.u32 v3, $0x1  }
0xd4: {  	v3 =	vand.u32 $0x7, v3;
	v4 =	vand.u32 $0xFFFFFFF0, v4  }
0xd5: {  	v3 =	vor.u32 v3, v4  }
0xd6: {  	v4 =	vperm.xlane v3, v0;
	_ =	sdelay $0x1  }
0xd7: {  	v3 =	vperm.xlane v3, v2;
	v4 =	vadd.s32 v1, v4;
	_ =	sdelay $0x1  }
0xd8: {  	v3 =	vadd.s32 v1, v3;
	_ =	sdelay $0x1  }
0xd9: {  	s22 =	simm.s32 $0x12900  }
0xda: {  	[tilespmem:s22], [sflag:$0x2] =	stream.indirect_vreg.gather [hbm4b:s2+s3], $0x80, v4, vm0, $0xb8;
	[tilespmem:$0x17900] =	vst v63  }
0xdb: {  	s23 =	simm.s32 $0x13100  }
0xdc: {  	[tilespmem:s23], [sflag:$0x2] =	stream.indirect_vreg.gather [hbm4b:s2+s3], $0x80, v3, vm0, $0xb8;
	[tilespmem:$0x17900] =	vst v63  }
0xdd: {  	v3 =	vld [tilespmem:s0+$0x80];
	_ =	sdelay $0x4  }
0xde: {  	v4 =	vshll.u32 v3, $0x1  }
0xdf: {  	v3 =	vand.u32 $0x7, v3;
	v4 =	vand.u32 $0xFFFFFFF0, v4  }
0xe0: {  	v3 =	vor.u32 v3, v4  }
0xe1: {  	v4 =	vperm.xlane v3, v0;
	_ =	sdelay $0x1  }
0xe2: {  	v3 =	vperm.xlane v3, v2;
	v4 =	vadd.s32 v1, v4;
	_ =	sdelay $0x1  }
0xe3: {  	v3 =	vadd.s32 v1, v3;
	_ =	sdelay $0x1  }
0xe4: {  	s24 =	simm.s32 $0x13900  }
0xe5: {  	[tilespmem:s24], [sflag:$0x2] =	stream.indirect_vreg.gather [hbm4b:s2+s3], $0x80, v4, vm0, $0xb8;
	[tilespmem:$0x17900] =	vst v63  }
0xe6: {  	s9 =	simm.s32 $0x14100  }
0xe7: {  	[tilespmem:s9], [sflag:$0x2] =	stream.indirect_vreg.gather [hbm4b:s2+s3], $0x80, v3, vm0, $0xb8;
	[tilespmem:$0x17900] =	vst v63  }
0xe8: {  	v3 =	vld [tilespmem:s0+$0x90];
	_ =	sdelay $0x4  }
0xe9: {  	v4 =	vshll.u32 v3, $0x1  }
0xea: {  	v3 =	vand.u32 $0x7, v3;
	v4 =	vand.u32 $0xFFFFFFF0, v4  }
0xeb: {  	v3 =	vor.u32 v3, v4  }
0xec: {  	v4 =	vperm.xlane v3, v0;
	_ =	sdelay $0x1  }
0xed: {  	v3 =	vperm.xlane v3, v2;
	v4 =	vadd.s32 v1, v4;
	_ =	sdelay $0x1  }
0xee: {  	v3 =	vadd.s32 v1, v3;
	_ =	sdelay $0x1  }
0xef: {  	p0 =	seq.s32 s5, $0x0;
	s10 =	simm.s32 $0x14900  }
0xf0: {  	[tilespmem:s10], [sflag:$0x2] =	stream.indirect_vreg.gather [hbm4b:s2+s3], $0x80, v4, vm0, $0xb8;
	[tilespmem:$0x17900] =	vst v63  }
0xf1: {  	s0 =	simm.s32 @!p0 $0x3  }
0xf2: {  	[tilespmem:s25], [sflag:$0x2] =	stream.indirect_vreg.gather [hbm4b:s2+s3], $0x80, v3, vm0, $0xb8;
	[tilespmem:$0x17900] =	vst v63  }
0xf3: {  	s31 =	simm.s32 $0x0;
	_ =	swait.ge @!p0 [sflag:s0], $0x1000  }
0xf4: {  	s11 =	sand.u32 $0xF800, s31;
	s9 =	sand.u32 $0x300, s31;
	[sflag:s0] =	ssyncset.done @!p0 $0x0  }
0xf5: {  	s1 =	sor.u32 s9, s11;
	[sflag:s0] =	ssyncadd.s32 @!p0 $0xFFFFF000  }
0xf6: {  	s12 =	simm.s32 $0x200;
	s13 =	simm.s32 $0x100;
	v3 =	vld [tilespmem:s1+$0x1900]  }
0xf7: {  	s9 =	sand.u32 $0x300, s13;
	s0 =	sand.u32 $0x1F800, s12;
	v4 =	vld [tilespmem:s1+$0x1980]  }
0xf8: {  	s14 =	simm.s32 $0x300;
	s15 =	simm.s32 $0x180;
	s12 =	sor.u32 s9, s0  }
0xf9: {  	s0 =	sand.u32 $0x1F800, s14;
	s9 =	sand.u32 $0x380, s15;
	v5 =	vld [tilespmem:s12+$0x1900]  }
0xfa: {  	s16 =	simm.s32 $0x400;
	s17 =	simm.s32 $0x200;
	s13 =	sor.u32 s9, s0  }
0xfb: {  	s0 =	sand.u32 $0x1F800, s16;
	s9 =	sand.u32 $0x300, s17;
	v6 =	vld [tilespmem:s13+$0x1900]  }
0xfc: {  	s18 =	simm.s32 $0x500;
	s19 =	simm.s32 $0x280;
	s14 =	sor.u32 s9, s0;
	v3 =	vadd.f32 v4, v3  }
0xfd: {  	s0 =	sand.u32 $0x1F800, s18;
	s9 =	sand.u32 $0x380, s19;
	v4 =	vld [tilespmem:s14+$0x1900]  }
0xfe: {  	s20 =	simm.s32 $0x600;
	s21 =	simm.s32 $0x300;
	s15 =	sor.u32 s9, s0;
	v3 =	vadd.f32 v5, v3  }
0xff: {  	s0 =	sand.u32 $0x1F800, s20;
	s9 =	sand.u32 $0x300, s21;
	v5 =	vld [tilespmem:s15+$0x1900]  }
0x100: {  	s22 =	simm.s32 $0x700;
	s23 =	simm.s32 $0x380;
	s16 =	sor.u32 s9, s0;
	v3 =	vadd.f32 v6, v3  }
0x101: {  	s0 =	sand.u32 $0x1F800, s22;
	s9 =	sand.u32 $0x380, s23;
	v6 =	vld [tilespmem:s16+$0x1900]  }
0x102: {  	s9 =	sor.u32 s9, s0;
	v3 =	vadd.f32 v4, v3  }
0x103: {  	v4 =	vld [tilespmem:s9+$0x1900]  }
0x104: {  	s10 =	simm.s32 $0x900;
	s0 =	simm.s32 $0x480;
	v3 =	vadd.f32 v5, v3  }
0x105: {  	s10 =	sand.u32 $0x1F800, s10;
	s11 =	sand.u32 $0x380, s0;
	v5 =	vld [tilespmem:s1+$0x2100]  }
0x106: {  	s10 =	sor.u32 s11, s10;
	v3 =	vadd.f32 v6, v3  }
0x107: {  	v6 =	vld [tilespmem:s10+$0x1900]  }
0x108: {  	v3 =	vadd.f32 v4, v3;
	_ =	sdelay $0x1  }
0x109: {  	v3 =	vadd.f32 v5, v3;
	_ =	sdelay $0x1  }
0x10a: {  	s24 =	sand.u32 $0x800, s31;
	s17 =	sand.u32 $0x380, s31;
	v3 =	vadd.f32 v6, v3  }
0x10b: {  	s11 =	sor.u32 s17, s24  }
0x10c: {  	[tilespmem:s11+$0x15900] =	vst v3  }
0x10d: {  	v3 =	vld [tilespmem:s1+$0x1910]  }
0x10e: {  	v4 =	vld [tilespmem:s1+$0x1990];
	_ =	sdelay $0x1  }
0x10f: {  	v5 =	vld [tilespmem:s12+$0x1910];
	_ =	sdelay $0x1  }
0x110: {  	v6 =	vld [tilespmem:s13+$0x1910]  }
0x111: {  	v3 =	vadd.f32 v4, v3  }
0x112: {  	v4 =	vld [tilespmem:s14+$0x1910]  }
0x113: {  	v3 =	vadd.f32 v5, v3  }
0x114: {  	v5 =	vld [tilespmem:s15+$0x1910]  }
0x115: {  	v3 =	vadd.f32 v6, v3  }
0x116: {  	v6 =	vld [tilespmem:s16+$0x1910]  }
0x117: {  	v3 =	vadd.f32 v4, v3  }
0x118: {  	v4 =	vld [tilespmem:s9+$0x1910]  }
0x119: {  	v3 =	vadd.f32 v5, v3  }
0x11a: {  	v5 =	vld [tilespmem:s1+$0x2110]  }
0x11b: {  	v3 =	vadd.f32 v6, v3  }
0x11c: {  	v6 =	vld [tilespmem:s10+$0x1910]  }
0x11d: {  	v3 =	vadd.f32 v4, v3;
	_ =	sdelay $0x1  }
0x11e: {  	v3 =	vadd.f32 v5, v3;
	_ =	sdelay $0x1  }
0x11f: {  	v3 =	vadd.f32 v6, v3  }
0x120: {  	s11 =	sadd.s32 $0x15900, s11  }
0x121: {  	[tilespmem:s11+$0x10] =	vst v3  }
0x122: {  	v3 =	vld [tilespmem:s1+$0x1920]  }
0x123: {  	v4 =	vld [tilespmem:s1+$0x19A0];
	_ =	sdelay $0x1  }
0x124: {  	v5 =	vld [tilespmem:s12+$0x1920];
	_ =	sdelay $0x1  }
0x125: {  	v6 =	vld [tilespmem:s13+$0x1920]  }
0x126: {  	v3 =	vadd.f32 v4, v3  }
0x127: {  	v4 =	vld [tilespmem:s14+$0x1920]  }
0x128: {  	v3 =	vadd.f32 v5, v3  }
0x129: {  	v5 =	vld [tilespmem:s15+$0x1920]  }
0x12a: {  	v3 =	vadd.f32 v6, v3  }
0x12b: {  	v6 =	vld [tilespmem:s16+$0x1920]  }
0x12c: {  	v3 =	vadd.f32 v4, v3  }
0x12d: {  	v4 =	vld [tilespmem:s9+$0x1920]  }
0x12e: {  	v3 =	vadd.f32 v5, v3  }
0x12f: {  	v5 =	vld [tilespmem:s1+$0x2120]  }
0x130: {  	v3 =	vadd.f32 v6, v3  }
0x131: {  	v6 =	vld [tilespmem:s10+$0x1920]  }
0x132: {  	v3 =	vadd.f32 v4, v3;
	_ =	sdelay $0x1  }
0x133: {  	v3 =	vadd.f32 v5, v3;
	_ =	sdelay $0x1  }
0x134: {  	v3 =	vadd.f32 v6, v3;
	_ =	sdelay $0x1  }
0x135: {  	[tilespmem:s11+$0x20] =	vst v3  }
0x136: {  	v3 =	vld [tilespmem:s1+$0x1930]  }
0x137: {  	v4 =	vld [tilespmem:s1+$0x19B0];
	_ =	sdelay $0x1  }
0x138: {  	v5 =	vld [tilespmem:s12+$0x1930];
	_ =	sdelay $0x1  }
0x139: {  	v6 =	vld [tilespmem:s13+$0x1930]  }
0x13a: {  	v3 =	vadd.f32 v4, v3  }
0x13b: {  	v4 =	vld [tilespmem:s14+$0x1930]  }
0x13c: {  	v3 =	vadd.f32 v5, v3  }
0x13d: {  	v5 =	vld [tilespmem:s15+$0x1930]  }
0x13e: {  	v3 =	vadd.f32 v6, v3  }
0x13f: {  	v6 =	vld [tilespmem:s16+$0x1930]  }
0x140: {  	v3 =	vadd.f32 v4, v3  }
0x141: {  	v4 =	vld [tilespmem:s9+$0x1930]  }
0x142: {  	v3 =	vadd.f32 v5, v3  }
0x143: {  	v5 =	vld [tilespmem:s1+$0x2130]  }
0x144: {  	v3 =	vadd.f32 v6, v3  }
0x145: {  	v6 =	vld [tilespmem:s10+$0x1930]  }
0x146: {  	v3 =	vadd.f32 v4, v3;
	_ =	sdelay $0x1  }
0x147: {  	v3 =	vadd.f32 v5, v3;
	_ =	sdelay $0x1  }
0x148: {  	v3 =	vadd.f32 v6, v3;
	_ =	sdelay $0x1  }
0x149: {  	[tilespmem:s11+$0x30] =	vst v3  }
0x14a: {  	v3 =	vld [tilespmem:s1+$0x1940]  }
0x14b: {  	v4 =	vld [tilespmem:s1+$0x19C0];
	_ =	sdelay $0x1  }
0x14c: {  	v5 =	vld [tilespmem:s12+$0x1940];
	_ =	sdelay $0x1  }
0x14d: {  	v6 =	vld [tilespmem:s13+$0x1940]  }
0x14e: {  	v3 =	vadd.f32 v4, v3  }
0x14f: {  	v4 =	vld [tilespmem:s14+$0x1940]  }
0x150: {  	v3 =	vadd.f32 v5, v3  }
0x151: {  	v5 =	vld [tilespmem:s15+$0x1940]  }
0x152: {  	v3 =	vadd.f32 v6, v3  }
0x153: {  	v6 =	vld [tilespmem:s16+$0x1940]  }
0x154: {  	v3 =	vadd.f32 v4, v3  }
0x155: {  	v4 =	vld [tilespmem:s9+$0x1940]  }
0x156: {  	v3 =	vadd.f32 v5, v3  }
0x157: {  	v5 =	vld [tilespmem:s1+$0x2140]  }
0x158: {  	v3 =	vadd.f32 v6, v3  }
0x159: {  	v6 =	vld [tilespmem:s10+$0x1940]  }
0x15a: {  	v3 =	vadd.f32 v4, v3;
	_ =	sdelay $0x1  }
0x15b: {  	v3 =	vadd.f32 v5, v3;
	_ =	sdelay $0x1  }
0x15c: {  	v3 =	vadd.f32 v6, v3;
	_ =	sdelay $0x1  }
0x15d: {  	[tilespmem:s11+$0x40] =	vst v3  }
0x15e: {  	v3 =	vld [tilespmem:s1+$0x1950]  }
0x15f: {  	v4 =	vld [tilespmem:s1+$0x19D0];
	_ =	sdelay $0x1  }
0x160: {  	v5 =	vld [tilespmem:s12+$0x1950];
	_ =	sdelay $0x1  }
0x161: {  	v6 =	vld [tilespmem:s13+$0x1950]  }
0x162: {  	v3 =	vadd.f32 v4, v3  }
0x163: {  	v4 =	vld [tilespmem:s14+$0x1950]  }
0x164: {  	v3 =	vadd.f32 v5, v3  }
0x165: {  	v5 =	vld [tilespmem:s15+$0x1950]  }
0x166: {  	v3 =	vadd.f32 v6, v3  }
0x167: {  	v6 =	vld [tilespmem:s16+$0x1950]  }
0x168: {  	v3 =	vadd.f32 v4, v3  }
0x169: {  	v4 =	vld [tilespmem:s9+$0x1950]  }
0x16a: {  	v3 =	vadd.f32 v5, v3  }
0x16b: {  	v5 =	vld [tilespmem:s1+$0x2150]  }
0x16c: {  	v3 =	vadd.f32 v6, v3  }
0x16d: {  	v6 =	vld [tilespmem:s10+$0x1950]  }
0x16e: {  	v3 =	vadd.f32 v4, v3;
	_ =	sdelay $0x1  }
0x16f: {  	v3 =	vadd.f32 v5, v3;
	_ =	sdelay $0x1  }
0x170: {  	v3 =	vadd.f32 v6, v3;
	_ =	sdelay $0x1  }
0x171: {  	[tilespmem:s11+$0x50] =	vst v3  }
0x172: {  	v3 =	vld [tilespmem:s1+$0x1960]  }
0x173: {  	v4 =	vld [tilespmem:s1+$0x19E0];
	_ =	sdelay $0x1  }
0x174: {  	v5 =	vld [tilespmem:s12+$0x1960];
	_ =	sdelay $0x1  }
0x175: {  	v6 =	vld [tilespmem:s13+$0x1960]  }
0x176: {  	v3 =	vadd.f32 v4, v3  }
0x177: {  	v4 =	vld [tilespmem:s14+$0x1960]  }
0x178: {  	v3 =	vadd.f32 v5, v3  }
0x179: {  	v5 =	vld [tilespmem:s15+$0x1960]  }
0x17a: {  	v3 =	vadd.f32 v6, v3  }
0x17b: {  	v6 =	vld [tilespmem:s16+$0x1960]  }
0x17c: {  	v3 =	vadd.f32 v4, v3  }
0x17d: {  	v4 =	vld [tilespmem:s9+$0x1960]  }
0x17e: {  	v3 =	vadd.f32 v5, v3  }
0x17f: {  	v5 =	vld [tilespmem:s1+$0x2160]  }
0x180: {  	v3 =	vadd.f32 v6, v3  }
0x181: {  	v6 =	vld [tilespmem:s10+$0x1960]  }
0x182: {  	v3 =	vadd.f32 v4, v3;
	_ =	sdelay $0x1  }
0x183: {  	v3 =	vadd.f32 v5, v3;
	_ =	sdelay $0x1  }
0x184: {  	v3 =	vadd.f32 v6, v3;
	_ =	sdelay $0x1  }
0x185: {  	[tilespmem:s11+$0x60] =	vst v3  }
0x186: {  	v3 =	vld [tilespmem:s1+$0x1970]  }
0x187: {  	v4 =	vld [tilespmem:s1+$0x19F0];
	_ =	sdelay $0x1  }
0x188: {  	v5 =	vld [tilespmem:s12+$0x1970];
	_ =	sdelay $0x1  }
0x189: {  	v6 =	vld [tilespmem:s13+$0x1970]  }
0x18a: {  	v3 =	vadd.f32 v4, v3  }
0x18b: {  	v4 =	vld [tilespmem:s14+$0x1970]  }
0x18c: {  	v3 =	vadd.f32 v5, v3  }
0x18d: {  	v5 =	vld [tilespmem:s15+$0x1970]  }
0x18e: {  	v3 =	vadd.f32 v6, v3  }
0x18f: {  	v6 =	vld [tilespmem:s16+$0x1970]  }
0x190: {  	v3 =	vadd.f32 v4, v3  }
0x191: {  	v4 =	vld [tilespmem:s9+$0x1970]  }
0x192: {  	v3 =	vadd.f32 v5, v3  }
0x193: {  	v5 =	vld [tilespmem:s1+$0x2170]  }
0x194: {  	v3 =	vadd.f32 v6, v3  }
0x195: {  	v6 =	vld [tilespmem:s10+$0x1970]  }
0x196: {  	v3 =	vadd.f32 v4, v3;
	_ =	sdelay $0x1  }
0x197: {  	v3 =	vadd.f32 v5, v3;
	_ =	sdelay $0x1  }
0x198: {  	v3 =	vadd.f32 v6, v3;
	_ =	sdelay $0x1  }
0x199: {  	[tilespmem:s11+$0x70] =	vst v3  }
0x19a: {  	v3 =	vld [tilespmem:s1+$0x1D00]  }
0x19b: {  	v4 =	vld [tilespmem:s1+$0x1D80];
	_ =	sdelay $0x1  }
0x19c: {  	v5 =	vld [tilespmem:s12+$0x1D00];
	_ =	sdelay $0x1  }
0x19d: {  	v6 =	vld [tilespmem:s13+$0x1D00]  }
0x19e: {  	v3 =	vadd.f32 v4, v3  }
0x19f: {  	v4 =	vld [tilespmem:s14+$0x1D00]  }
0x1a0: {  	v3 =	vadd.f32 v5, v3  }
0x1a1: {  	v5 =	vld [tilespmem:s15+$0x1D00]  }
0x1a2: {  	v3 =	vadd.f32 v6, v3  }
0x1a3: {  	v6 =	vld [tilespmem:s16+$0x1D00]  }
0x1a4: {  	v3 =	vadd.f32 v4, v3  }
0x1a5: {  	v4 =	vld [tilespmem:s9+$0x1D00]  }
0x1a6: {  	v3 =	vadd.f32 v5, v3  }
0x1a7: {  	v5 =	vld [tilespmem:s1+$0x2500]  }
0x1a8: {  	v3 =	vadd.f32 v6, v3  }
0x1a9: {  	v6 =	vld [tilespmem:s10+$0x1D00]  }
0x1aa: {  	v3 =	vadd.f32 v4, v3;
	_ =	sdelay $0x1  }
0x1ab: {  	v3 =	vadd.f32 v5, v3;
	_ =	sdelay $0x1  }
0x1ac: {  	v3 =	vadd.f32 v6, v3;
	_ =	sdelay $0x1  }
0x1ad: {  	[tilespmem:s11+$0x400] =	vst v3  }
0x1ae: {  	v3 =	vld [tilespmem:s1+$0x1D10]  }
0x1af: {  	v4 =	vld [tilespmem:s1+$0x1D90];
	_ =	sdelay $0x1  }
0x1b0: {  	v5 =	vld [tilespmem:s12+$0x1D10];
	_ =	sdelay $0x1  }
0x1b1: {  	v6 =	vld [tilespmem:s13+$0x1D10]  }
0x1b2: {  	v3 =	vadd.f32 v4, v3  }
0x1b3: {  	v4 =	vld [tilespmem:s14+$0x1D10]  }
0x1b4: {  	v3 =	vadd.f32 v5, v3  }
0x1b5: {  	v5 =	vld [tilespmem:s15+$0x1D10]  }
0x1b6: {  	v3 =	vadd.f32 v6, v3  }
0x1b7: {  	v6 =	vld [tilespmem:s16+$0x1D10]  }
0x1b8: {  	v3 =	vadd.f32 v4, v3  }
0x1b9: {  	v4 =	vld [tilespmem:s9+$0x1D10]  }
0x1ba: {  	v3 =	vadd.f32 v5, v3  }
0x1bb: {  	v5 =	vld [tilespmem:s1+$0x2510]  }
0x1bc: {  	v3 =	vadd.f32 v6, v3  }
0x1bd: {  	v6 =	vld [tilespmem:s10+$0x1D10]  }
0x1be: {  	v3 =	vadd.f32 v4, v3;
	_ =	sdelay $0x1  }
0x1bf: {  	v3 =	vadd.f32 v5, v3;
	_ =	sdelay $0x1  }
0x1c0: {  	v3 =	vadd.f32 v6, v3;
	_ =	sdelay $0x1  }
0x1c1: {  	[tilespmem:s11+$0x410] =	vst v3  }
0x1c2: {  	v3 =	vld [tilespmem:s1+$0x1D20]  }
0x1c3: {  	v4 =	vld [tilespmem:s1+$0x1DA0];
	_ =	sdelay $0x1  }
0x1c4: {  	v5 =	vld [tilespmem:s12+$0x1D20];
	_ =	sdelay $0x1  }
0x1c5: {  	v6 =	vld [tilespmem:s13+$0x1D20]  }
0x1c6: {  	v3 =	vadd.f32 v4, v3  }
0x1c7: {  	v4 =	vld [tilespmem:s14+$0x1D20]  }
0x1c8: {  	v3 =	vadd.f32 v5, v3  }
0x1c9: {  	v5 =	vld [tilespmem:s15+$0x1D20]  }
0x1ca: {  	v3 =	vadd.f32 v6, v3  }
0x1cb: {  	v6 =	vld [tilespmem:s16+$0x1D20]  }
0x1cc: {  	v3 =	vadd.f32 v4, v3  }
0x1cd: {  	v4 =	vld [tilespmem:s9+$0x1D20]  }
0x1ce: {  	v3 =	vadd.f32 v5, v3  }
0x1cf: {  	v5 =	vld [tilespmem:s1+$0x2520]  }
0x1d0: {  	v3 =	vadd.f32 v6, v3  }
0x1d1: {  	v6 =	vld [tilespmem:s10+$0x1D20]  }
0x1d2: {  	v3 =	vadd.f32 v4, v3;
	_ =	sdelay $0x1  }
0x1d3: {  	v3 =	vadd.f32 v5, v3;
	_ =	sdelay $0x1  }
0x1d4: {  	v3 =	vadd.f32 v6, v3;
	_ =	sdelay $0x1  }
0x1d5: {  	[tilespmem:s11+$0x420] =	vst v3  }
0x1d6: {  	v3 =	vld [tilespmem:s1+$0x1D30]  }
0x1d7: {  	v4 =	vld [tilespmem:s1+$0x1DB0];
	_ =	sdelay $0x1  }
0x1d8: {  	v5 =	vld [tilespmem:s12+$0x1D30];
	_ =	sdelay $0x1  }
0x1d9: {  	v6 =	vld [tilespmem:s13+$0x1D30]  }
0x1da: {  	v3 =	vadd.f32 v4, v3  }
0x1db: {  	v4 =	vld [tilespmem:s14+$0x1D30]  }
0x1dc: {  	v3 =	vadd.f32 v5, v3  }
0x1dd: {  	v5 =	vld [tilespmem:s15+$0x1D30]  }
0x1de: {  	v3 =	vadd.f32 v6, v3  }
0x1df: {  	v6 =	vld [tilespmem:s16+$0x1D30]  }
0x1e0: {  	v3 =	vadd.f32 v4, v3  }
0x1e1: {  	v4 =	vld [tilespmem:s9+$0x1D30]  }
0x1e2: {  	v3 =	vadd.f32 v5, v3  }
0x1e3: {  	v5 =	vld [tilespmem:s1+$0x2530]  }
0x1e4: {  	v3 =	vadd.f32 v6, v3  }
0x1e5: {  	v6 =	vld [tilespmem:s10+$0x1D30]  }
0x1e6: {  	v3 =	vadd.f32 v4, v3;
	_ =	sdelay $0x1  }
0x1e7: {  	v3 =	vadd.f32 v5, v3;
	_ =	sdelay $0x1  }
0x1e8: {  	v3 =	vadd.f32 v6, v3;
	_ =	sdelay $0x1  }
0x1e9: {  	[tilespmem:s11+$0x430] =	vst v3  }
0x1ea: {  	v3 =	vld [tilespmem:s1+$0x1D40]  }
0x1eb: {  	v4 =	vld [tilespmem:s1+$0x1DC0];
	_ =	sdelay $0x1  }
0x1ec: {  	v5 =	vld [tilespmem:s12+$0x1D40];
	_ =	sdelay $0x1  }
0x1ed: {  	v6 =	vld [tilespmem:s13+$0x1D40]  }
0x1ee: {  	v3 =	vadd.f32 v4, v3  }
0x1ef: {  	v4 =	vld [tilespmem:s14+$0x1D40]  }
0x1f0: {  	v3 =	vadd.f32 v5, v3  }
0x1f1: {  	v5 =	vld [tilespmem:s15+$0x1D40]  }
0x1f2: {  	v3 =	vadd.f32 v6, v3  }
0x1f3: {  	v6 =	vld [tilespmem:s16+$0x1D40]  }
0x1f4: {  	v3 =	vadd.f32 v4, v3  }
0x1f5: {  	v4 =	vld [tilespmem:s9+$0x1D40]  }
0x1f6: {  	v3 =	vadd.f32 v5, v3  }
0x1f7: {  	v5 =	vld [tilespmem:s1+$0x2540]  }
0x1f8: {  	v3 =	vadd.f32 v6, v3  }
0x1f9: {  	v6 =	vld [tilespmem:s10+$0x1D40]  }
0x1fa: {  	v3 =	vadd.f32 v4, v3;
	_ =	sdelay $0x1  }
0x1fb: {  	v3 =	vadd.f32 v5, v3;
	_ =	sdelay $0x1  }
0x1fc: {  	v3 =	vadd.f32 v6, v3;
	_ =	sdelay $0x1  }
0x1fd: {  	[tilespmem:s11+$0x440] =	vst v3  }
0x1fe: {  	v3 =	vld [tilespmem:s1+$0x1D50]  }
0x1ff: {  	v4 =	vld [tilespmem:s1+$0x1DD0];
	_ =	sdelay $0x1  }
0x200: {  	v5 =	vld [tilespmem:s12+$0x1D50];
	_ =	sdelay $0x1  }
0x201: {  	v6 =	vld [tilespmem:s13+$0x1D50]  }
0x202: {  	v3 =	vadd.f32 v4, v3  }
0x203: {  	v4 =	vld [tilespmem:s14+$0x1D50]  }
0x204: {  	v3 =	vadd.f32 v5, v3  }
0x205: {  	v5 =	vld [tilespmem:s15+$0x1D50]  }
0x206: {  	v3 =	vadd.f32 v6, v3  }
0x207: {  	v6 =	vld [tilespmem:s16+$0x1D50]  }
0x208: {  	v3 =	vadd.f32 v4, v3  }
0x209: {  	v4 =	vld [tilespmem:s9+$0x1D50]  }
0x20a: {  	v3 =	vadd.f32 v5, v3  }
0x20b: {  	v5 =	vld [tilespmem:s1+$0x2550]  }
0x20c: {  	v3 =	vadd.f32 v6, v3  }
0x20d: {  	v6 =	vld [tilespmem:s10+$0x1D50]  }
0x20e: {  	v3 =	vadd.f32 v4, v3;
	_ =	sdelay $0x1  }
0x20f: {  	v3 =	vadd.f32 v5, v3;
	_ =	sdelay $0x1  }
0x210: {  	v3 =	vadd.f32 v6, v3;
	_ =	sdelay $0x1  }
0x211: {  	[tilespmem:s11+$0x450] =	vst v3  }
0x212: {  	v3 =	vld [tilespmem:s1+$0x1D60]  }
0x213: {  	v4 =	vld [tilespmem:s1+$0x1DE0];
	_ =	sdelay $0x1  }
0x214: {  	v5 =	vld [tilespmem:s12+$0x1D60];
	_ =	sdelay $0x1  }
0x215: {  	v6 =	vld [tilespmem:s13+$0x1D60]  }
0x216: {  	v3 =	vadd.f32 v4, v3  }
0x217: {  	v4 =	vld [tilespmem:s14+$0x1D60]  }
0x218: {  	v3 =	vadd.f32 v5, v3  }
0x219: {  	v5 =	vld [tilespmem:s15+$0x1D60]  }
0x21a: {  	v3 =	vadd.f32 v6, v3  }
0x21b: {  	v6 =	vld [tilespmem:s16+$0x1D60]  }
0x21c: {  	v3 =	vadd.f32 v4, v3  }
0x21d: {  	v4 =	vld [tilespmem:s9+$0x1D60]  }
0x21e: {  	v3 =	vadd.f32 v5, v3  }
0x21f: {  	v5 =	vld [tilespmem:s1+$0x2560]  }
0x220: {  	v3 =	vadd.f32 v6, v3  }
0x221: {  	v6 =	vld [tilespmem:s10+$0x1D60]  }
0x222: {  	v3 =	vadd.f32 v4, v3;
	_ =	sdelay $0x1  }
0x223: {  	v3 =	vadd.f32 v5, v3;
	_ =	sdelay $0x1  }
0x224: {  	v3 =	vadd.f32 v6, v3;
	_ =	sdelay $0x1  }
0x225: {  	[tilespmem:s11+$0x460] =	vst v3  }
0x226: {  	v4 =	vld [tilespmem:s1+$0x1D70]  }
0x227: {  	v8 =	vld [tilespmem:s1+$0x1DF0]  }
0x228: {  	v7 =	vld [tilespmem:s12+$0x1D70]  }
0x229: {  	v6 =	vld [tilespmem:s13+$0x1D70]  }
0x22a: {  	v5 =	vld [tilespmem:s14+$0x1D70]  }
0x22b: {  	v3 =	vld [tilespmem:s15+$0x1D70]  }
0x22c: {  	s12 =	simm.s32 $0xA00;
	s13 =	simm.s32 $0x0;
	v8 =	vadd.f32 v8, v4;
	v4 =	vld [tilespmem:s16+$0x1D70]  }
.LBB2_3:
0x22d: {  	v9 =	vld [tilespmem:s9+$0x1D70];
	s31 =	sadd.s32 $0x80, s31;
	s13 =	sadd.s32 $0x100, s13;
	s0 =	sadd.s32 $0x500, s0  }
0x22e: {  	p0 =	sne.s32 s12, $0x9600;
	s19 =	smov.u32 s12;
	s12 =	sadd.s32 $0xA00, s12;
	v7 =	vadd.f32 v7, v8;
	v8 =	vld [tilespmem:s1+$0x2570]  }
0x22f: {  	v10 =	vld [tilespmem:s10+$0x1D70]  }
0x230: {  	v6 =	vadd.f32 v6, v7;
	_ =	sdelay $0x1  }
0x231: {  	v5 =	vadd.f32 v5, v6;
	_ =	sdelay $0x1  }
0x232: {  	v3 =	vadd.f32 v3, v5;
	_ =	sdelay $0x1  }
0x233: {  	v3 =	vadd.f32 v4, v3;
	_ =	sdelay $0x1  }
0x234: {  	v3 =	vadd.f32 v9, v3;
	_ =	sdelay $0x1  }
0x235: {  	v3 =	vadd.f32 v8, v3;
	_ =	sdelay $0x1  }
0x236: {  	s1 =	sand.u32 $0xF800, s19;
	s9 =	sand.u32 $0x300, s13;
	v3 =	vadd.f32 v10, v3  }
0x237: {  	s1 =	sor.u32 s9, s1  }
0x238: {  	s9 =	sadd.s32 $0x200, s19;
	s10 =	sadd.s32 $0xFFFFFC80, s0;
	[tilespmem:s11+$0x470] =	vst v3  }
0x239: {  	s9 =	sand.u32 $0x1F800, s9;
	s10 =	sand.u32 $0x300, s10;
	v3 =	vld [tilespmem:s1+$0x1900]  }
0x23a: {  	s14 =	sor.u32 s10, s9;
	s9 =	sadd.s32 $0x300, s19;
	s10 =	sadd.s32 $0xFFFFFD00, s0;
	v4 =	vld [tilespmem:s1+$0x1980]  }
0x23b: {  	s9 =	sand.u32 $0x1F800, s9;
	s10 =	sand.u32 $0x380, s10;
	v5 =	vld [tilespmem:s14+$0x1900]  }
0x23c: {  	s15 =	sor.u32 s10, s9;
	s9 =	sadd.s32 $0x400, s19;
	s10 =	sadd.s32 $0xFFFFFD80, s0  }
0x23d: {  	s9 =	sand.u32 $0x1F800, s9;
	s10 =	sand.u32 $0x300, s10;
	v6 =	vld [tilespmem:s15+$0x1900]  }
0x23e: {  	s16 =	sor.u32 s10, s9;
	s9 =	sadd.s32 $0x500, s19;
	s10 =	sadd.s32 $0xFFFFFE00, s0  }
0x23f: {  	s9 =	sand.u32 $0x1F800, s9;
	s10 =	sand.u32 $0x380, s10;
	v3 =	vadd.f32 v4, v3;
	v4 =	vld [tilespmem:s16+$0x1900]  }
0x240: {  	s17 =	sor.u32 s10, s9;
	s9 =	sadd.s32 $0x600, s19;
	s10 =	sadd.s32 $0xFFFFFE80, s0  }
0x241: {  	s9 =	sand.u32 $0x1F800, s9;
	s10 =	sand.u32 $0x300, s10;
	v3 =	vadd.f32 v5, v3;
	v5 =	vld [tilespmem:s17+$0x1900]  }
0x242: {  	s18 =	sor.u32 s10, s9;
	s9 =	sadd.s32 $0x700, s19;
	s10 =	sadd.s32 $0xFFFFFF00, s0  }
0x243: {  	s9 =	sand.u32 $0x1F800, s9;
	s10 =	sand.u32 $0x380, s10;
	v3 =	vadd.f32 v6, v3;
	v6 =	vld [tilespmem:s18+$0x1900]  }
0x244: {  	s9 =	sor.u32 s10, s9  }
0x245: {  	v3 =	vadd.f32 v4, v3;
	v4 =	vld [tilespmem:s9+$0x1900];
	_ =	sdelay $0x1  }
0x246: {  	s10 =	sadd.s32 $0x900, s19;
	v3 =	vadd.f32 v5, v3  }
0x247: {  	s10 =	sand.u32 $0x1F800, s10;
	s11 =	sand.u32 $0x380, s0;
	v5 =	vld [tilespmem:s1+$0x2100]  }
0x248: {  	s10 =	sor.u32 s11, s10;
	v3 =	vadd.f32 v6, v3  }
0x249: {  	v6 =	vld [tilespmem:s10+$0x1900]  }
0x24a: {  	v3 =	vadd.f32 v4, v3;
	_ =	sdelay $0x1  }
0x24b: {  	v3 =	vadd.f32 v5, v3;
	_ =	sdelay $0x1  }
0x24c: {  	s19 =	sand.u32 $0x380, s31;
	s11 =	sand.u32 $0x800, s13;
	v3 =	vadd.f32 v6, v3  }
0x24d: {  	s11 =	sor.u32 s19, s11  }
0x24e: {  	[tilespmem:s11+$0x15900] =	vst v3  }
0x24f: {  	v3 =	vld [tilespmem:s1+$0x1910]  }
0x250: {  	v4 =	vld [tilespmem:s1+$0x1990];
	_ =	sdelay $0x1  }
0x251: {  	v5 =	vld [tilespmem:s14+$0x1910];
	_ =	sdelay $0x1  }
0x252: {  	v6 =	vld [tilespmem:s15+$0x1910]  }
0x253: {  	v3 =	vadd.f32 v4, v3  }
0x254: {  	v4 =	vld [tilespmem:s16+$0x1910]  }
0x255: {  	v3 =	vadd.f32 v5, v3  }
0x256: {  	v5 =	vld [tilespmem:s17+$0x1910]  }
0x257: {  	v3 =	vadd.f32 v6, v3  }
0x258: {  	v6 =	vld [tilespmem:s18+$0x1910]  }
0x259: {  	v3 =	vadd.f32 v4, v3  }
0x25a: {  	v4 =	vld [tilespmem:s9+$0x1910]  }
0x25b: {  	v3 =	vadd.f32 v5, v3  }
0x25c: {  	v5 =	vld [tilespmem:s1+$0x2110]  }
0x25d: {  	v3 =	vadd.f32 v6, v3  }
0x25e: {  	v6 =	vld [tilespmem:s10+$0x1910]  }
0x25f: {  	v3 =	vadd.f32 v4, v3;
	_ =	sdelay $0x1  }
0x260: {  	v3 =	vadd.f32 v5, v3;
	_ =	sdelay $0x1  }
0x261: {  	v3 =	vadd.f32 v6, v3  }
0x262: {  	s11 =	sadd.s32 $0x15900, s11  }
0x263: {  	[tilespmem:s11+$0x10] =	vst v3  }
0x264: {  	v3 =	vld [tilespmem:s1+$0x1920]  }
0x265: {  	v4 =	vld [tilespmem:s1+$0x19A0];
	_ =	sdelay $0x1  }
0x266: {  	v5 =	vld [tilespmem:s14+$0x1920];
	_ =	sdelay $0x1  }
0x267: {  	v6 =	vld [tilespmem:s15+$0x1920]  }
0x268: {  	v3 =	vadd.f32 v4, v3  }
0x269: {  	v4 =	vld [tilespmem:s16+$0x1920]  }
0x26a: {  	v3 =	vadd.f32 v5, v3  }
0x26b: {  	v5 =	vld [tilespmem:s17+$0x1920]  }
0x26c: {  	v3 =	vadd.f32 v6, v3  }
0x26d: {  	v6 =	vld [tilespmem:s18+$0x1920]  }
0x26e: {  	v3 =	vadd.f32 v4, v3  }
0x26f: {  	v4 =	vld [tilespmem:s9+$0x1920]  }
0x270: {  	v3 =	vadd.f32 v5, v3  }
0x271: {  	v5 =	vld [tilespmem:s1+$0x2120]  }
0x272: {  	v3 =	vadd.f32 v6, v3  }
0x273: {  	v6 =	vld [tilespmem:s10+$0x1920]  }
0x274: {  	v3 =	vadd.f32 v4, v3;
	_ =	sdelay $0x1  }
0x275: {  	v3 =	vadd.f32 v5, v3;
	_ =	sdelay $0x1  }
0x276: {  	v3 =	vadd.f32 v6, v3;
	_ =	sdelay $0x1  }
0x277: {  	[tilespmem:s11+$0x20] =	vst v3  }
0x278: {  	v3 =	vld [tilespmem:s1+$0x1930]  }
0x279: {  	v4 =	vld [tilespmem:s1+$0x19B0];
	_ =	sdelay $0x1  }
0x27a: {  	v5 =	vld [tilespmem:s14+$0x1930];
	_ =	sdelay $0x1  }
0x27b: {  	v6 =	vld [tilespmem:s15+$0x1930]  }
0x27c: {  	v3 =	vadd.f32 v4, v3  }
0x27d: {  	v4 =	vld [tilespmem:s16+$0x1930]  }
0x27e: {  	v3 =	vadd.f32 v5, v3  }
0x27f: {  	v5 =	vld [tilespmem:s17+$0x1930]  }
0x280: {  	v3 =	vadd.f32 v6, v3  }
0x281: {  	v6 =	vld [tilespmem:s18+$0x1930]  }
0x282: {  	v3 =	vadd.f32 v4, v3  }
0x283: {  	v4 =	vld [tilespmem:s9+$0x1930]  }
0x284: {  	v3 =	vadd.f32 v5, v3  }
0x285: {  	v5 =	vld [tilespmem:s1+$0x2130]  }
0x286: {  	v3 =	vadd.f32 v6, v3  }
0x287: {  	v6 =	vld [tilespmem:s10+$0x1930]  }
0x288: {  	v3 =	vadd.f32 v4, v3;
	_ =	sdelay $0x1  }
0x289: {  	v3 =	vadd.f32 v5, v3;
	_ =	sdelay $0x1  }
0x28a: {  	v3 =	vadd.f32 v6, v3;
	_ =	sdelay $0x1  }
0x28b: {  	[tilespmem:s11+$0x30] =	vst v3  }
0x28c: {  	v3 =	vld [tilespmem:s1+$0x1940]  }
0x28d: {  	v4 =	vld [tilespmem:s1+$0x19C0]  }
0x28e: {  	v5 =	vld [tilespmem:s14+$0x1940]  }
0x28f: {  	v6 =	vld [tilespmem:s15+$0x1940]  }
0x290: {  	v7 =	vld [tilespmem:s16+$0x1940]  }
0x291: {  	v8 =	vld [tilespmem:s17+$0x1940]  }
0x292: {  	v3 =	vadd.f32 v4, v3;
	_ =	sdelay $0x1  }
0x293: {  	v3 =	vadd.f32 v5, v3;
	_ =	sdelay $0x1  }
0x294: {  	v3 =	vadd.f32 v6, v3  }
0x295: {  	v4 =	vld [tilespmem:s18+$0x1940]  }
0x296: {  	v3 =	vadd.f32 v7, v3  }
0x297: {  	v5 =	vld [tilespmem:s9+$0x1940]  }
0x298: {  	v3 =	vadd.f32 v8, v3  }
0x299: {  	v6 =	vld [tilespmem:s1+$0x2140]  }
0x29a: {  	v3 =	vadd.f32 v4, v3  }
0x29b: {  	v4 =	vld [tilespmem:s10+$0x1940]  }
0x29c: {  	v3 =	vadd.f32 v5, v3;
	_ =	sdelay $0x1  }
0x29d: {  	v3 =	vadd.f32 v6, v3;
	_ =	sdelay $0x1  }
0x29e: {  	v3 =	vadd.f32 v4, v3;
	_ =	sdelay $0x1  }
0x29f: {  	[tilespmem:s11+$0x40] =	vst v3  }
0x2a0: {  	v3 =	vld [tilespmem:s1+$0x1950]  }
0x2a1: {  	v4 =	vld [tilespmem:s1+$0x19D0]  }
0x2a2: {  	v5 =	vld [tilespmem:s14+$0x1950]  }
0x2a3: {  	v6 =	vld [tilespmem:s16+$0x1950]  }
0x2a4: {  	v7 =	vld [tilespmem:s15+$0x1950]  }
0x2a5: {  	v8 =	vld [tilespmem:s17+$0x1950]  }
0x2a6: {  	v3 =	vadd.f32 v4, v3;
	_ =	sdelay $0x1  }
0x2a7: {  	v3 =	vadd.f32 v5, v3;
	_ =	sdelay $0x1  }
0x2a8: {  	v3 =	vadd.f32 v7, v3  }
0x2a9: {  	v4 =	vld [tilespmem:s18+$0x1950]  }
0x2aa: {  	v3 =	vadd.f32 v6, v3  }
0x2ab: {  	v5 =	vld [tilespmem:s9+$0x1950]  }
0x2ac: {  	v3 =	vadd.f32 v8, v3  }
0x2ad: {  	v6 =	vld [tilespmem:s1+$0x2150]  }
0x2ae: {  	v3 =	vadd.f32 v4, v3  }
0x2af: {  	v4 =	vld [tilespmem:s10+$0x1950]  }
0x2b0: {  	v3 =	vadd.f32 v5, v3;
	_ =	sdelay $0x1  }
0x2b1: {  	v3 =	vadd.f32 v6, v3;
	_ =	sdelay $0x1  }
0x2b2: {  	v3 =	vadd.f32 v4, v3;
	_ =	sdelay $0x1  }
0x2b3: {  	[tilespmem:s11+$0x50] =	vst v3  }
0x2b4: {  	v3 =	vld [tilespmem:s1+$0x1960]  }
0x2b5: {  	v4 =	vld [tilespmem:s1+$0x19E0]  }
0x2b6: {  	v5 =	vld [tilespmem:s14+$0x1960]  }
0x2b7: {  	v6 =	vld [tilespmem:s15+$0x1960]  }
0x2b8: {  	v7 =	vld [tilespmem:s16+$0x1960]  }
0x2b9: {  	v8 =	vld [tilespmem:s17+$0x1960]  }
0x2ba: {  	v3 =	vadd.f32 v4, v3;
	_ =	sdelay $0x1  }
0x2bb: {  	v3 =	vadd.f32 v5, v3;
	_ =	sdelay $0x1  }
0x2bc: {  	v3 =	vadd.f32 v6, v3  }
0x2bd: {  	v4 =	vld [tilespmem:s18+$0x1960]  }
0x2be: {  	v3 =	vadd.f32 v7, v3  }
0x2bf: {  	v5 =	vld [tilespmem:s9+$0x1960]  }
0x2c0: {  	v3 =	vadd.f32 v8, v3  }
0x2c1: {  	v6 =	vld [tilespmem:s1+$0x2160]  }
0x2c2: {  	v3 =	vadd.f32 v4, v3  }
0x2c3: {  	v4 =	vld [tilespmem:s10+$0x1960]  }
0x2c4: {  	v3 =	vadd.f32 v5, v3;
	_ =	sdelay $0x1  }
0x2c5: {  	v3 =	vadd.f32 v6, v3;
	_ =	sdelay $0x1  }
0x2c6: {  	v3 =	vadd.f32 v4, v3;
	_ =	sdelay $0x1  }
0x2c7: {  	[tilespmem:s11+$0x60] =	vst v3  }
0x2c8: {  	v3 =	vld [tilespmem:s1+$0x1970]  }
0x2c9: {  	v4 =	vld [tilespmem:s1+$0x19F0]  }
0x2ca: {  	v5 =	vld [tilespmem:s14+$0x1970];
	_ =	sdelay $0x2  }
0x2cb: {  	v6 =	vld [tilespmem:s15+$0x1970]  }
0x2cc: {  	v3 =	vadd.f32 v4, v3  }
0x2cd: {  	v4 =	vld [tilespmem:s16+$0x1970]  }
0x2ce: {  	v3 =	vadd.f32 v5, v3  }
0x2cf: {  	v5 =	vld [tilespmem:s17+$0x1970]  }
0x2d0: {  	v3 =	vadd.f32 v6, v3  }
0x2d1: {  	v6 =	vld [tilespmem:s18+$0x1970]  }
0x2d2: {  	v3 =	vadd.f32 v4, v3  }
0x2d3: {  	v4 =	vld [tilespmem:s9+$0x1970]  }
0x2d4: {  	v3 =	vadd.f32 v5, v3  }
0x2d5: {  	v5 =	vld [tilespmem:s1+$0x2170]  }
0x2d6: {  	v3 =	vadd.f32 v6, v3  }
0x2d7: {  	v6 =	vld [tilespmem:s10+$0x1970]  }
0x2d8: {  	v3 =	vadd.f32 v4, v3;
	_ =	sdelay $0x1  }
0x2d9: {  	v3 =	vadd.f32 v5, v3;
	_ =	sdelay $0x1  }
0x2da: {  	v3 =	vadd.f32 v6, v3;
	_ =	sdelay $0x1  }
0x2db: {  	[tilespmem:s11+$0x70] =	vst v3  }
0x2dc: {  	v3 =	vld [tilespmem:s1+$0x1D00]  }
0x2dd: {  	v4 =	vld [tilespmem:s1+$0x1D80]  }
0x2de: {  	v5 =	vld [tilespmem:s15+$0x1D00]  }
0x2df: {  	v6 =	vld [tilespmem:s14+$0x1D00];
	_ =	sdelay $0x2  }
0x2e0: {  	v3 =	vadd.f32 v4, v3  }
0x2e1: {  	v4 =	vld [tilespmem:s16+$0x1D00]  }
0x2e2: {  	v3 =	vadd.f32 v6, v3  }
0x2e3: {  	v6 =	vld [tilespmem:s17+$0x1D00]  }
0x2e4: {  	v3 =	vadd.f32 v5, v3  }
0x2e5: {  	v5 =	vld [tilespmem:s18+$0x1D00]  }
0x2e6: {  	v3 =	vadd.f32 v4, v3  }
0x2e7: {  	v4 =	vld [tilespmem:s9+$0x1D00]  }
0x2e8: {  	v3 =	vadd.f32 v6, v3  }
0x2e9: {  	v6 =	vld [tilespmem:s1+$0x2500]  }
0x2ea: {  	v3 =	vadd.f32 v5, v3  }
0x2eb: {  	v5 =	vld [tilespmem:s10+$0x1D00]  }
0x2ec: {  	v3 =	vadd.f32 v4, v3;
	_ =	sdelay $0x1  }
0x2ed: {  	v3 =	vadd.f32 v6, v3;
	_ =	sdelay $0x1  }
0x2ee: {  	v3 =	vadd.f32 v5, v3;
	_ =	sdelay $0x1  }
0x2ef: {  	[tilespmem:s11+$0x400] =	vst v3  }
0x2f0: {  	v3 =	vld [tilespmem:s1+$0x1D10]  }
0x2f1: {  	v4 =	vld [tilespmem:s1+$0x1D90]  }
0x2f2: {  	v5 =	vld [tilespmem:s14+$0x1D10]  }
0x2f3: {  	v6 =	vld [tilespmem:s16+$0x1D10]  }
0x2f4: {  	v7 =	vld [tilespmem:s15+$0x1D10]  }
0x2f5: {  	v8 =	vld [tilespmem:s17+$0x1D10]  }
0x2f6: {  	v3 =	vadd.f32 v4, v3;
	v4 =	vld [tilespmem:s18+$0x1D10]  }
0x2f7: {  	v9 =	vld [tilespmem:s9+$0x1D10]  }
0x2f8: {  	v3 =	vadd.f32 v5, v3;
	v5 =	vld [tilespmem:s1+$0x2510]  }
0x2f9: {  	v10 =	vld [tilespmem:s10+$0x1D10]  }
0x2fa: {  	v3 =	vadd.f32 v7, v3;
	_ =	sdelay $0x1  }
0x2fb: {  	v3 =	vadd.f32 v6, v3;
	_ =	sdelay $0x1  }
0x2fc: {  	v3 =	vadd.f32 v8, v3;
	_ =	sdelay $0x1  }
0x2fd: {  	v3 =	vadd.f32 v4, v3;
	_ =	sdelay $0x1  }
0x2fe: {  	v3 =	vadd.f32 v9, v3;
	_ =	sdelay $0x1  }
0x2ff: {  	v3 =	vadd.f32 v5, v3;
	_ =	sdelay $0x1  }
0x300: {  	v3 =	vadd.f32 v10, v3;
	_ =	sdelay $0x1  }
0x301: {  	[tilespmem:s11+$0x410] =	vst v3  }
0x302: {  	v3 =	vld [tilespmem:s1+$0x1D20]  }
0x303: {  	v4 =	vld [tilespmem:s1+$0x1DA0]  }
0x304: {  	v5 =	vld [tilespmem:s14+$0x1D20]  }
0x305: {  	v6 =	vld [tilespmem:s15+$0x1D20]  }
0x306: {  	v7 =	vld [tilespmem:s16+$0x1D20]  }
0x307: {  	v8 =	vld [tilespmem:s17+$0x1D20]  }
0x308: {  	v3 =	vadd.f32 v4, v3;
	v4 =	vld [tilespmem:s18+$0x1D20]  }
0x309: {  	v9 =	vld [tilespmem:s9+$0x1D20]  }
0x30a: {  	v3 =	vadd.f32 v5, v3;
	v5 =	vld [tilespmem:s1+$0x2520]  }
0x30b: {  	v10 =	vld [tilespmem:s10+$0x1D20]  }
0x30c: {  	v3 =	vadd.f32 v6, v3;
	_ =	sdelay $0x1  }
0x30d: {  	v3 =	vadd.f32 v7, v3;
	_ =	sdelay $0x1  }
0x30e: {  	v3 =	vadd.f32 v8, v3;
	_ =	sdelay $0x1  }
0x30f: {  	v3 =	vadd.f32 v4, v3;
	_ =	sdelay $0x1  }
0x310: {  	v3 =	vadd.f32 v9, v3;
	_ =	sdelay $0x1  }
0x311: {  	v3 =	vadd.f32 v5, v3;
	_ =	sdelay $0x1  }
0x312: {  	v3 =	vadd.f32 v10, v3;
	_ =	sdelay $0x1  }
0x313: {  	[tilespmem:s11+$0x420] =	vst v3  }
0x314: {  	v3 =	vld [tilespmem:s1+$0x1D30]  }
0x315: {  	v4 =	vld [tilespmem:s1+$0x1DB0]  }
0x316: {  	v5 =	vld [tilespmem:s14+$0x1D30]  }
0x317: {  	v6 =	vld [tilespmem:s15+$0x1D30]  }
0x318: {  	v7 =	vld [tilespmem:s16+$0x1D30]  }
0x319: {  	v8 =	vld [tilespmem:s17+$0x1D30]  }
0x31a: {  	v3 =	vadd.f32 v4, v3;
	v4 =	vld [tilespmem:s18+$0x1D30]  }
0x31b: {  	v9 =	vld [tilespmem:s9+$0x1D30]  }
0x31c: {  	v3 =	vadd.f32 v5, v3;
	v5 =	vld [tilespmem:s1+$0x2530]  }
0x31d: {  	v10 =	vld [tilespmem:s10+$0x1D30]  }
0x31e: {  	v3 =	vadd.f32 v6, v3;
	_ =	sdelay $0x1  }
0x31f: {  	v3 =	vadd.f32 v7, v3;
	_ =	sdelay $0x1  }
0x320: {  	v3 =	vadd.f32 v8, v3;
	_ =	sdelay $0x1  }
0x321: {  	v3 =	vadd.f32 v4, v3;
	_ =	sdelay $0x1  }
0x322: {  	v3 =	vadd.f32 v9, v3;
	_ =	sdelay $0x1  }
0x323: {  	v3 =	vadd.f32 v5, v3;
	_ =	sdelay $0x1  }
0x324: {  	v3 =	vadd.f32 v10, v3;
	_ =	sdelay $0x1  }
0x325: {  	[tilespmem:s11+$0x430] =	vst v3  }
0x326: {  	v3 =	vld [tilespmem:s1+$0x1D40]  }
0x327: {  	v4 =	vld [tilespmem:s1+$0x1DC0]  }
0x328: {  	v5 =	vld [tilespmem:s14+$0x1D40]  }
0x329: {  	v6 =	vld [tilespmem:s15+$0x1D40]  }
0x32a: {  	v7 =	vld [tilespmem:s16+$0x1D40]  }
0x32b: {  	v8 =	vld [tilespmem:s17+$0x1D40]  }
0x32c: {  	v3 =	vadd.f32 v4, v3;
	v4 =	vld [tilespmem:s18+$0x1D40]  }
0x32d: {  	v9 =	vld [tilespmem:s9+$0x1D40]  }
0x32e: {  	v3 =	vadd.f32 v5, v3;
	v5 =	vld [tilespmem:s1+$0x2540]  }
0x32f: {  	v10 =	vld [tilespmem:s10+$0x1D40]  }
0x330: {  	v3 =	vadd.f32 v6, v3;
	_ =	sdelay $0x1  }
0x331: {  	v3 =	vadd.f32 v7, v3;
	_ =	sdelay $0x1  }
0x332: {  	v3 =	vadd.f32 v8, v3;
	_ =	sdelay $0x1  }
0x333: {  	v3 =	vadd.f32 v4, v3;
	_ =	sdelay $0x1  }
0x334: {  	v3 =	vadd.f32 v9, v3;
	_ =	sdelay $0x1  }
0x335: {  	v3 =	vadd.f32 v5, v3;
	_ =	sdelay $0x1  }
0x336: {  	v3 =	vadd.f32 v10, v3;
	_ =	sdelay $0x1  }
0x337: {  	[tilespmem:s11+$0x440] =	vst v3  }
0x338: {  	v3 =	vld [tilespmem:s1+$0x1D50]  }
0x339: {  	v4 =	vld [tilespmem:s1+$0x1DD0]  }
0x33a: {  	v5 =	vld [tilespmem:s14+$0x1D50]  }
0x33b: {  	v6 =	vld [tilespmem:s15+$0x1D50]  }
0x33c: {  	v7 =	vld [tilespmem:s16+$0x1D50]  }
0x33d: {  	v8 =	vld [tilespmem:s17+$0x1D50]  }
0x33e: {  	v3 =	vadd.f32 v4, v3;
	v4 =	vld [tilespmem:s18+$0x1D50]  }
0x33f: {  	v9 =	vld [tilespmem:s9+$0x1D50]  }
0x340: {  	v3 =	vadd.f32 v5, v3;
	v5 =	vld [tilespmem:s1+$0x2550]  }
0x341: {  	v10 =	vld [tilespmem:s10+$0x1D50]  }
0x342: {  	v3 =	vadd.f32 v6, v3;
	_ =	sdelay $0x1  }
0x343: {  	v3 =	vadd.f32 v7, v3;
	_ =	sdelay $0x1  }
0x344: {  	v3 =	vadd.f32 v8, v3;
	_ =	sdelay $0x1  }
0x345: {  	v3 =	vadd.f32 v4, v3;
	_ =	sdelay $0x1  }
0x346: {  	v3 =	vadd.f32 v9, v3;
	_ =	sdelay $0x1  }
0x347: {  	v3 =	vadd.f32 v5, v3;
	_ =	sdelay $0x1  }
0x348: {  	v3 =	vadd.f32 v10, v3;
	_ =	sdelay $0x1  }
0x349: {  	[tilespmem:s11+$0x450] =	vst v3  }
0x34a: {  	v3 =	vld [tilespmem:s1+$0x1D60]  }
0x34b: {  	v4 =	vld [tilespmem:s1+$0x1DE0]  }
0x34c: {  	v5 =	vld [tilespmem:s14+$0x1D60]  }
0x34d: {  	v6 =	vld [tilespmem:s15+$0x1D60]  }
0x34e: {  	v7 =	vld [tilespmem:s16+$0x1D60]  }
0x34f: {  	v8 =	vld [tilespmem:s17+$0x1D60]  }
0x350: {  	v3 =	vadd.f32 v4, v3;
	v4 =	vld [tilespmem:s18+$0x1D60]  }
0x351: {  	v9 =	vld [tilespmem:s1+$0x2560]  }
0x352: {  	v3 =	vadd.f32 v5, v3;
	v5 =	vld [tilespmem:s9+$0x1D60]  }
0x353: {  	v10 =	vld [tilespmem:s10+$0x1D60]  }
0x354: {  	v3 =	vadd.f32 v6, v3;
	_ =	sdelay $0x1  }
0x355: {  	v3 =	vadd.f32 v7, v3;
	_ =	sdelay $0x1  }
0x356: {  	v3 =	vadd.f32 v8, v3;
	_ =	sdelay $0x1  }
0x357: {  	v3 =	vadd.f32 v4, v3;
	_ =	sdelay $0x1  }
0x358: {  	v3 =	vadd.f32 v5, v3;
	_ =	sdelay $0x1  }
0x359: {  	v3 =	vadd.f32 v9, v3;
	_ =	sdelay $0x1  }
0x35a: {  	v3 =	vadd.f32 v10, v3;
	_ =	sdelay $0x1  }
0x35b: {  	[tilespmem:s11+$0x460] =	vst v3  }
0x35c: {  	v4 =	vld [tilespmem:s1+$0x1D70]  }
0x35d: {  	v8 =	vld [tilespmem:s1+$0x1DF0]  }
.Ltmp0:
0x35e: {  	v7 =	vld [tilespmem:s14+$0x1D70];
	(pc) =	sbr.rel @p0 .LBB2_3-.Ltmp0, $4  }
0x35f: {  	v6 =	vld [tilespmem:s15+$0x1D70]  }
0x360: {  	v5 =	vld [tilespmem:s16+$0x1D70]  }
0x361: {  	v3 =	vld [tilespmem:s17+$0x1D70]  }
0x362: {  	v8 =	vadd.f32 v8, v4;
	v4 =	vld [tilespmem:s18+$0x1D70]  }
0x363: {  	_ = 	snop  }
0x364: {  	v7 =	vadd.f32 v7, v8;
	_ =	sdelay $0x1  }
0x365: {  	v6 =	vadd.f32 v6, v7;
	_ =	sdelay $0x1  }
0x366: {  	v5 =	vadd.f32 v5, v6  }
0x367: {  	v6 =	vld [tilespmem:s9+$0x1D70]  }
0x368: {  	v3 =	vadd.f32 v3, v5  }
0x369: {  	v5 =	vld [tilespmem:s1+$0x2570]  }
0x36a: {  	v3 =	vadd.f32 v4, v3  }
0x36b: {  	v4 =	vld [tilespmem:s10+$0x1D70]  }
0x36c: {  	v3 =	vadd.f32 v6, v3;
	_ =	sdelay $0x1  }
0x36d: {  	v3 =	vadd.f32 v5, v3  }
0x36e: {  	s0 =	sshll.u32 s5, $0xD  }
0x36f: {  	s0 =	sadd.s32 s6, s0;
	v3 =	vadd.f32 v4, v3  }
0x370: {  	s0 =	sshrl.u32 s0, $0x3  }
0x371: {  	s0 =	sadd.s32 s4, s0;
	[tilespmem:s11+$0x470] =	vst v3  }
0x372: {  	[hbm4b:s0+s3] =	stream.linear.scatter [tilespmem:s26], [sflag:$0x3], $0x1000, $0x38;
	[tilespmem:$0x17900] =	vst v63  }
0x373: {  	_ =	swait.ge [sflag:s28], $0x5000  }
0x374: {  	[sflag:s28] =	ssyncset.done $0x0  }
0x375: {  	p0 =	seq.s32 s5, $0x13;
	[sflag:s28] =	ssyncadd.s32 $0xFFFFB000  }
0x376: {  	s0 =	smul.u32 @!p0 $0x500, s5;
	_ =	swait.ge [sflag:s28], $0x5000  }
0x377: {  	[sflag:s28] =	ssyncset.done $0x0  }
0x378: {  	s0 =	sshra.s32 @!p0 s0, $0x2;
	[sflag:s28] =	ssyncadd.s32 $0xFFFFB000  }
0x379: {  	v3 =	vld @!p0 [tilespmem:s0+$0x140];
	_ =	sdelay $0x4  }
0x37a: {  	v4 =	vshll.u32 @!p0 v3, $0x1  }
0x37b: {  	v5 =	vlaneseq.u32 @!p0;
	v3 =	vand.u32 @!p0 $0x7, v3;
	v4 =	vand.u32 @!p0 $0xFFFFFFF0, v4  }
0x37c: {  	v6 =	vshrl.u32 @!p0 v5, $0x3;
	v3 =	vor.u32 @!p0 v3, v4;
	v4 =	vand.u32 @!p0 $0x7, v5  }
0x37d: {  	v6 =	vmul.u32 @!p0 $0x8, v6;
	v7 =	vperm.xlane @!p0 v3, v4  }
0x37e: {  	v5 =	vor.u32 @!p0 $0x8, v5  }
0x37f: {  	v3 =	vperm.xlane @!p0 v3, v5;
	v7 =	vadd.s32 @!p0 v6, v7;
	_ =	sdelay $0x1  }
0x380: {  	v3 =	vadd.s32 @!p0 v6, v3;
	_ =	sdelay $0x1  }
0x381: {  	vm1 =	vmmov @!p0 $0xffff;
	s9 =	simm.s32 @!p0 $0x1900;
	s1 =	simm.s32 @!p0 $0x0  }
0x382: {  	[tilespmem:s9], [sflag:$0x1] =	stream.indirect_vreg.gather @!p0 [hbm4b:s2+s1], $0x80, v7, vm1, $0xb8;
	[tilespmem:$0x17900] =	vst v63  }
0x383: {  	s9 =	simm.s32 @!p0 $0x2100  }
0x384: {  	[tilespmem:s9], [sflag:$0x1] =	stream.indirect_vreg.gather @!p0 [hbm4b:s2+s1], $0x80, v3, vm1, $0xb8;
	[tilespmem:$0x17900] =	vst v63  }
0x385: {  	v3 =	vld @!p0 [tilespmem:s0+$0x150];
	_ =	sdelay $0x4  }
0x386: {  	v7 =	vshll.u32 @!p0 v3, $0x1  }
0x387: {  	v3 =	vand.u32 @!p0 $0x7, v3;
	v7 =	vand.u32 @!p0 $0xFFFFFFF0, v7  }
0x388: {  	v3 =	vor.u32 @!p0 v3, v7  }
0x389: {  	v7 =	vperm.xlane @!p0 v3, v4;
	_ =	sdelay $0x1  }
0x38a: {  	v3 =	vperm.xlane @!p0 v3, v5;
	v7 =	vadd.s32 @!p0 v6, v7;
	_ =	sdelay $0x1  }
0x38b: {  	v3 =	vadd.s32 @!p0 v6, v3;
	_ =	sdelay $0x1  }
0x38c: {  	s9 =	simm.s32 @!p0 $0x2900  }
0x38d: {  	[tilespmem:s9], [sflag:$0x1] =	stream.indirect_vreg.gather @!p0 [hbm4b:s2+s1], $0x80, v7, vm1, $0xb8;
	[tilespmem:$0x17900] =	vst v63  }
0x38e: {  	s9 =	simm.s32 @!p0 $0x3100  }
0x38f: {  	[tilespmem:s9], [sflag:$0x1] =	stream.indirect_vreg.gather @!p0 [hbm4b:s2+s1], $0x80, v3, vm1, $0xb8;
	[tilespmem:$0x17900] =	vst v63  }
0x390: {  	v3 =	vld @!p0 [tilespmem:s0+$0x160];
	_ =	sdelay $0x4  }
0x391: {  	v7 =	vshll.u32 @!p0 v3, $0x1  }
0x392: {  	v3 =	vand.u32 @!p0 $0x7, v3;
	v7 =	vand.u32 @!p0 $0xFFFFFFF0, v7  }
0x393: {  	v3 =	vor.u32 @!p0 v3, v7  }
0x394: {  	v7 =	vperm.xlane @!p0 v3, v4;
	_ =	sdelay $0x1  }
0x395: {  	v3 =	vperm.xlane @!p0 v3, v5;
	v7 =	vadd.s32 @!p0 v6, v7;
	_ =	sdelay $0x1  }
0x396: {  	v3 =	vadd.s32 @!p0 v6, v3;
	_ =	sdelay $0x1  }
0x397: {  	s9 =	simm.s32 @!p0 $0x3900  }
0x398: {  	[tilespmem:s9], [sflag:$0x1] =	stream.indirect_vreg.gather @!p0 [hbm4b:s2+s1], $0x80, v7, vm1, $0xb8;
	[tilespmem:$0x17900] =	vst v63  }
0x399: {  	s9 =	simm.s32 @!p0 $0x4100  }
0x39a: {  	[tilespmem:s9], [sflag:$0x1] =	stream.indirect_vreg.gather @!p0 [hbm4b:s2+s1], $0x80, v3, vm1, $0xb8;
	[tilespmem:$0x17900] =	vst v63  }
0x39b: {  	v3 =	vld @!p0 [tilespmem:s0+$0x170];
	_ =	sdelay $0x4  }
0x39c: {  	v7 =	vshll.u32 @!p0 v3, $0x1  }
0x39d: {  	v3 =	vand.u32 @!p0 $0x7, v3;
	v7 =	vand.u32 @!p0 $0xFFFFFFF0, v7  }
0x39e: {  	v3 =	vor.u32 @!p0 v3, v7  }
0x39f: {  	v7 =	vperm.xlane @!p0 v3, v4;
	_ =	sdelay $0x1  }
0x3a0: {  	v3 =	vperm.xlane @!p0 v3, v5;
	v7 =	vadd.s32 @!p0 v6, v7;
	_ =	sdelay $0x1  }
0x3a1: {  	v3 =	vadd.s32 @!p0 v6, v3;
	_ =	sdelay $0x1  }
0x3a2: {  	s9 =	simm.s32 @!p0 $0x4900  }
0x3a3: {  	[tilespmem:s9], [sflag:$0x1] =	stream.indirect_vreg.gather @!p0 [hbm4b:s2+s1], $0x80, v7, vm1, $0xb8;
	[tilespmem:$0x17900] =	vst v63  }
0x3a4: {  	s9 =	simm.s32 @!p0 $0x5100  }
0x3a5: {  	[tilespmem:s9], [sflag:$0x1] =	stream.indirect_vreg.gather @!p0 [hbm4b:s2+s1], $0x80, v3, vm1, $0xb8;
	[tilespmem:$0x17900] =	vst v63  }
0x3a6: {  	v3 =	vld @!p0 [tilespmem:s0+$0x180];
	_ =	sdelay $0x4  }
0x3a7: {  	v7 =	vshll.u32 @!p0 v3, $0x1  }
0x3a8: {  	v3 =	vand.u32 @!p0 $0x7, v3;
	v7 =	vand.u32 @!p0 $0xFFFFFFF0, v7  }
0x3a9: {  	v3 =	vor.u32 @!p0 v3, v7  }
0x3aa: {  	v7 =	vperm.xlane @!p0 v3, v4;
	_ =	sdelay $0x1  }
0x3ab: {  	v3 =	vperm.xlane @!p0 v3, v5;
	v7 =	vadd.s32 @!p0 v6, v7;
	_ =	sdelay $0x1  }
0x3ac: {  	v3 =	vadd.s32 @!p0 v6, v3;
	_ =	sdelay $0x1  }
0x3ad: {  	s9 =	simm.s32 @!p0 $0x5900  }
0x3ae: {  	[tilespmem:s9], [sflag:$0x1] =	stream.indirect_vreg.gather @!p0 [hbm4b:s2+s1], $0x80, v7, vm1, $0xb8;
	[tilespmem:$0x17900] =	vst v63  }
0x3af: {  	s9 =	simm.s32 @!p0 $0x6100  }
0x3b0: {  	[tilespmem:s9], [sflag:$0x1] =	stream.indirect_vreg.gather @!p0 [hbm4b:s2+s1], $0x80, v3, vm1, $0xb8;
	[tilespmem:$0x17900] =	vst v63  }
0x3b1: {  	v3 =	vld @!p0 [tilespmem:s0+$0x190];
	_ =	sdelay $0x4  }
0x3b2: {  	v7 =	vshll.u32 @!p0 v3, $0x1  }
0x3b3: {  	v3 =	vand.u32 @!p0 $0x7, v3;
	v7 =	vand.u32 @!p0 $0xFFFFFFF0, v7  }
0x3b4: {  	v3 =	vor.u32 @!p0 v3, v7  }
0x3b5: {  	v7 =	vperm.xlane @!p0 v3, v4;
	_ =	sdelay $0x1  }
0x3b6: {  	v3 =	vperm.xlane @!p0 v3, v5;
	v7 =	vadd.s32 @!p0 v6, v7;
	_ =	sdelay $0x1  }
0x3b7: {  	v3 =	vadd.s32 @!p0 v6, v3;
	_ =	sdelay $0x1  }
0x3b8: {  	s9 =	simm.s32 @!p0 $0x6900  }
0x3b9: {  	[tilespmem:s9], [sflag:$0x1] =	stream.indirect_vreg.gather @!p0 [hbm4b:s2+s1], $0x80, v7, vm1, $0xb8;
	[tilespmem:$0x17900] =	vst v63  }
0x3ba: {  	s9 =	simm.s32 @!p0 $0x7100  }
0x3bb: {  	[tilespmem:s9], [sflag:$0x1] =	stream.indirect_vreg.gather @!p0 [hbm4b:s2+s1], $0x80, v3, vm1, $0xb8;
	[tilespmem:$0x17900] =	vst v63  }
0x3bc: {  	v3 =	vld @!p0 [tilespmem:s0+$0x1A0];
	_ =	sdelay $0x4  }
0x3bd: {  	v7 =	vshll.u32 @!p0 v3, $0x1  }
0x3be: {  	v3 =	vand.u32 @!p0 $0x7, v3;
	v7 =	vand.u32 @!p0 $0xFFFFFFF0, v7  }
0x3bf: {  	v3 =	vor.u32 @!p0 v3, v7  }
0x3c0: {  	v7 =	vperm.xlane @!p0 v3, v4;
	_ =	sdelay $0x1  }
0x3c1: {  	v3 =	vperm.xlane @!p0 v3, v5;
	v7 =	vadd.s32 @!p0 v6, v7;
	_ =	sdelay $0x1  }
0x3c2: {  	v3 =	vadd.s32 @!p0 v6, v3;
	_ =	sdelay $0x1  }
0x3c3: {  	s9 =	simm.s32 @!p0 $0x7900  }
0x3c4: {  	[tilespmem:s9], [sflag:$0x1] =	stream.indirect_vreg.gather @!p0 [hbm4b:s2+s1], $0x80, v7, vm1, $0xb8;
	[tilespmem:$0x17900] =	vst v63  }
0x3c5: {  	s9 =	simm.s32 @!p0 $0x8100  }
0x3c6: {  	[tilespmem:s9], [sflag:$0x1] =	stream.indirect_vreg.gather @!p0 [hbm4b:s2+s1], $0x80, v3, vm1, $0xb8;
	[tilespmem:$0x17900] =	vst v63  }
0x3c7: {  	v3 =	vld @!p0 [tilespmem:s0+$0x1B0];
	_ =	sdelay $0x4  }
0x3c8: {  	v7 =	vshll.u32 @!p0 v3, $0x1  }
0x3c9: {  	v3 =	vand.u32 @!p0 $0x7, v3;
	v7 =	vand.u32 @!p0 $0xFFFFFFF0, v7  }
0x3ca: {  	v3 =	vor.u32 @!p0 v3, v7  }
0x3cb: {  	v7 =	vperm.xlane @!p0 v3, v4;
	_ =	sdelay $0x1  }
0x3cc: {  	v3 =	vperm.xlane @!p0 v3, v5;
	v7 =	vadd.s32 @!p0 v6, v7;
	_ =	sdelay $0x1  }
0x3cd: {  	v3 =	vadd.s32 @!p0 v6, v3;
	_ =	sdelay $0x1  }
0x3ce: {  	s9 =	simm.s32 @!p0 $0x8900  }
0x3cf: {  	[tilespmem:s9], [sflag:$0x1] =	stream.indirect_vreg.gather @!p0 [hbm4b:s2+s1], $0x80, v7, vm1, $0xb8;
	[tilespmem:$0x17900] =	vst v63  }
0x3d0: {  	s9 =	simm.s32 @!p0 $0x9100  }
0x3d1: {  	[tilespmem:s9], [sflag:$0x1] =	stream.indirect_vreg.gather @!p0 [hbm4b:s2+s1], $0x80, v3, vm1, $0xb8;
	[tilespmem:$0x17900] =	vst v63  }
0x3d2: {  	v3 =	vld @!p0 [tilespmem:s0+$0x1C0];
	_ =	sdelay $0x4  }
0x3d3: {  	v7 =	vshll.u32 @!p0 v3, $0x1  }
0x3d4: {  	v3 =	vand.u32 @!p0 $0x7, v3;
	v7 =	vand.u32 @!p0 $0xFFFFFFF0, v7  }
0x3d5: {  	v3 =	vor.u32 @!p0 v3, v7  }
0x3d6: {  	v7 =	vperm.xlane @!p0 v3, v4;
	_ =	sdelay $0x1  }
0x3d7: {  	v3 =	vperm.xlane @!p0 v3, v5;
	v7 =	vadd.s32 @!p0 v6, v7;
	_ =	sdelay $0x1  }
0x3d8: {  	v3 =	vadd.s32 @!p0 v6, v3;
	_ =	sdelay $0x1  }
0x3d9: {  	s9 =	simm.s32 @!p0 $0x9900  }
0x3da: {  	[tilespmem:s9], [sflag:$0x1] =	stream.indirect_vreg.gather @!p0 [hbm4b:s2+s1], $0x80, v7, vm1, $0xb8;
	[tilespmem:$0x17900] =	vst v63  }
0x3db: {  	s9 =	simm.s32 @!p0 $0xA100  }
0x3dc: {  	[tilespmem:s9], [sflag:$0x1] =	stream.indirect_vreg.gather @!p0 [hbm4b:s2+s1], $0x80, v3, vm1, $0xb8;
	[tilespmem:$0x17900] =	vst v63  }
0x3dd: {  	v3 =	vld @!p0 [tilespmem:s0+$0x1D0];
	_ =	sdelay $0x4  }
0x3de: {  	v7 =	vshll.u32 @!p0 v3, $0x1  }
0x3df: {  	v3 =	vand.u32 @!p0 $0x7, v3;
	v7 =	vand.u32 @!p0 $0xFFFFFFF0, v7  }
0x3e0: {  	v3 =	vor.u32 @!p0 v3, v7  }
0x3e1: {  	v4 =	vperm.xlane @!p0 v3, v4;
	_ =	sdelay $0x1  }
0x3e2: {  	v3 =	vperm.xlane @!p0 v3, v5;
	v4 =	vadd.s32 @!p0 v6, v4;
	_ =	sdelay $0x1  }
0x3e3: {  	v3 =	vadd.s32 @!p0 v6, v3;
	_ =	sdelay $0x1  }
0x3e4: {  	s0 =	simm.s32 @!p0 $0xA900  }
0x3e5: {  	[tilespmem:s0], [sflag:$0x1] =	stream.indirect_vreg.gather @!p0 [hbm4b:s2+s1], $0x80, v4, vm1, $0xb8;
	[tilespmem:$0x17900] =	vst v63  }
0x3e6: {  	p1 =	seq.s32 @!p0 s5, $0x0;
	s0 =	simm.s32 @!p0 $0xB100  }
0x3e7: {  	[tilespmem:s0], [sflag:$0x1] =	stream.indirect_vreg.gather @!p0 [hbm4b:s2+s1], $0x80, v3, vm1, $0xb8;
	[tilespmem:$0x17900] =	vst v63  }
0x3e8: {  	s31 =	simm.s32 $0x0;
	p0 =	por p0, !p1  }
0x3e9: {  	s18 =	sand.u32 $0xF800, s31;
	_ =	swait.ge @p0 [sflag:s7], $0x1000  }
0x3ea: {  	s16 =	sand.u32 $0x300, s31;
	s11 =	sadd.s32 $0xB900, s18;
	[sflag:s7] =	ssyncset.done @p0 $0x0  }
0x3eb: {  	s17 =	sor.u32 $0x80, s16;
	s19 =	sadd.s32 s16, s11;
	[sflag:s7] =	ssyncadd.s32 @p0 $0xFFFFF000  }
0x3ec: {  	s12 =	simm.s32 $0x200;
	s13 =	simm.s32 $0x100;
	s20 =	sadd.s32 s17, s11;
	v3 =	vld [tilespmem:s19+$0x0]  }
0x3ed: {  	s0 =	sand.u32 $0x1F800, s12;
	s1 =	sand.u32 $0x300, s13;
	v4 =	vld [tilespmem:s20+$0x0]  }
0x3ee: {  	s14 =	simm.s32 $0x300;
	s15 =	simm.s32 $0x180;
	s11 =	sor.u32 s1, s0  }
0x3ef: {  	s0 =	sand.u32 $0x1F800, s14;
	s1 =	sand.u32 $0x380, s15;
	v5 =	vld [tilespmem:s11+$0xB900]  }
0x3f0: {  	s21 =	simm.s32 $0x400;
	s22 =	simm.s32 $0x200;
	s12 =	sor.u32 s1, s0  }
0x3f1: {  	s0 =	sand.u32 $0x1F800, s21;
	s1 =	sand.u32 $0x300, s22;
	v6 =	vld [tilespmem:s12+$0xB900]  }
0x3f2: {  	s23 =	simm.s32 $0x500;
	s24 =	simm.s32 $0x280;
	s13 =	sor.u32 s1, s0;
	v3 =	vadd.f32 v4, v3  }
0x3f3: {  	s0 =	sand.u32 $0x1F800, s23;
	s1 =	sand.u32 $0x380, s24;
	v4 =	vld [tilespmem:s13+$0xB900]  }
0x3f4: {  	s10 =	simm.s32 $0x300;
	s9 =	simm.s32 $0x600;
	s14 =	sor.u32 s1, s0;
	v3 =	vadd.f32 v5, v3  }
0x3f5: {  	s0 =	sand.u32 $0x1F800, s9;
	s1 =	sand.u32 $0x300, s10;
	v5 =	vld [tilespmem:s14+$0xB900]  }
0x3f6: {  	s15 =	simm.s32 $0x700;
	s21 =	simm.s32 $0x380;
	s0 =	sor.u32 s1, s0;
	v3 =	vadd.f32 v6, v3  }
0x3f7: {  	s9 =	sand.u32 $0x380, s21;
	s1 =	sand.u32 $0x1F800, s15;
	v6 =	vld [tilespmem:s0+$0xB900]  }
0x3f8: {  	s15 =	sor.u32 s9, s1;
	v3 =	vadd.f32 v4, v3  }
0x3f9: {  	v4 =	vld [tilespmem:s15+$0xB900]  }
0x3fa: {  	s22 =	simm.s32 $0x900;
	s1 =	simm.s32 $0x480;
	s9 =	sor.u32 s16, s18;
	v3 =	vadd.f32 v5, v3  }
0x3fb: {  	s10 =	sand.u32 $0x1F800, s22;
	s21 =	sand.u32 $0x380, s1;
	v5 =	vld [tilespmem:s9+$0xC100]  }
0x3fc: {  	s10 =	sor.u32 s21, s10;
	v3 =	vadd.f32 v6, v3  }
0x3fd: {  	v6 =	vld [tilespmem:s10+$0xB900]  }
0x3fe: {  	v3 =	vadd.f32 v4, v3;
	_ =	sdelay $0x1  }
0x3ff: {  	v3 =	vadd.f32 v5, v3  }
0x400: {  	s23 =	sand.u32 $0x800, s31;
	s22 =	sand.u32 $0x380, s31  }
0x401: {  	s22 =	sor.u32 s22, s23;
	v3 =	vadd.f32 v6, v3  }
0x402: {  	s22 =	sadd.s32 $0x15900, s22  }
0x403: {  	[tilespmem:s22+$0x1000] =	vst v3  }
0x404: {  	v3 =	vld [tilespmem:s19+$0x10]  }
0x405: {  	v4 =	vld [tilespmem:s20+$0x10];
	_ =	sdelay $0x1  }
0x406: {  	v5 =	vld [tilespmem:s11+$0xB910];
	_ =	sdelay $0x1  }
0x407: {  	v6 =	vld [tilespmem:s12+$0xB910]  }
0x408: {  	v3 =	vadd.f32 v4, v3  }
0x409: {  	v4 =	vld [tilespmem:s13+$0xB910]  }
0x40a: {  	v3 =	vadd.f32 v5, v3  }
0x40b: {  	v5 =	vld [tilespmem:s14+$0xB910]  }
0x40c: {  	v3 =	vadd.f32 v6, v3  }
0x40d: {  	v6 =	vld [tilespmem:s0+$0xB910]  }
0x40e: {  	v3 =	vadd.f32 v4, v3  }
0x40f: {  	v4 =	vld [tilespmem:s15+$0xB910]  }
0x410: {  	v3 =	vadd.f32 v5, v3  }
0x411: {  	v5 =	vld [tilespmem:s9+$0xC110]  }
0x412: {  	v3 =	vadd.f32 v6, v3  }
0x413: {  	v6 =	vld [tilespmem:s10+$0xB910]  }
0x414: {  	v3 =	vadd.f32 v4, v3;
	_ =	sdelay $0x1  }
0x415: {  	v3 =	vadd.f32 v5, v3;
	_ =	sdelay $0x1  }
0x416: {  	v3 =	vadd.f32 v6, v3;
	_ =	sdelay $0x1  }
0x417: {  	[tilespmem:s22+$0x1010] =	vst v3  }
0x418: {  	v3 =	vld [tilespmem:s19+$0x20]  }
0x419: {  	v4 =	vld [tilespmem:s20+$0x20];
	_ =	sdelay $0x1  }
0x41a: {  	v5 =	vld [tilespmem:s11+$0xB920];
	_ =	sdelay $0x1  }
0x41b: {  	v6 =	vld [tilespmem:s12+$0xB920]  }
0x41c: {  	v3 =	vadd.f32 v4, v3  }
0x41d: {  	v4 =	vld [tilespmem:s13+$0xB920]  }
0x41e: {  	v3 =	vadd.f32 v5, v3  }
0x41f: {  	v5 =	vld [tilespmem:s14+$0xB920]  }
0x420: {  	v3 =	vadd.f32 v6, v3  }
0x421: {  	v6 =	vld [tilespmem:s0+$0xB920]  }
0x422: {  	v3 =	vadd.f32 v4, v3  }
0x423: {  	v4 =	vld [tilespmem:s15+$0xB920]  }
0x424: {  	v3 =	vadd.f32 v5, v3  }
0x425: {  	v5 =	vld [tilespmem:s9+$0xC120]  }
0x426: {  	v3 =	vadd.f32 v6, v3  }
0x427: {  	v6 =	vld [tilespmem:s10+$0xB920]  }
0x428: {  	v3 =	vadd.f32 v4, v3;
	_ =	sdelay $0x1  }
0x429: {  	v3 =	vadd.f32 v5, v3;
	_ =	sdelay $0x1  }
0x42a: {  	v3 =	vadd.f32 v6, v3;
	_ =	sdelay $0x1  }
0x42b: {  	[tilespmem:s22+$0x1020] =	vst v3  }
0x42c: {  	v3 =	vld [tilespmem:s19+$0x30]  }
0x42d: {  	v4 =	vld [tilespmem:s20+$0x30];
	_ =	sdelay $0x1  }
0x42e: {  	v5 =	vld [tilespmem:s11+$0xB930];
	_ =	sdelay $0x1  }
0x42f: {  	v6 =	vld [tilespmem:s12+$0xB930]  }
0x430: {  	v3 =	vadd.f32 v4, v3  }
0x431: {  	v4 =	vld [tilespmem:s13+$0xB930]  }
0x432: {  	v3 =	vadd.f32 v5, v3  }
0x433: {  	v5 =	vld [tilespmem:s14+$0xB930]  }
0x434: {  	v3 =	vadd.f32 v6, v3  }
0x435: {  	v6 =	vld [tilespmem:s0+$0xB930]  }
0x436: {  	v3 =	vadd.f32 v4, v3  }
0x437: {  	v4 =	vld [tilespmem:s15+$0xB930]  }
0x438: {  	v3 =	vadd.f32 v5, v3  }
0x439: {  	v5 =	vld [tilespmem:s9+$0xC130]  }
0x43a: {  	v3 =	vadd.f32 v6, v3  }
0x43b: {  	v6 =	vld [tilespmem:s10+$0xB930]  }
0x43c: {  	v3 =	vadd.f32 v4, v3;
	_ =	sdelay $0x1  }
0x43d: {  	v3 =	vadd.f32 v5, v3;
	_ =	sdelay $0x1  }
0x43e: {  	v3 =	vadd.f32 v6, v3;
	_ =	sdelay $0x1  }
0x43f: {  	[tilespmem:s22+$0x1030] =	vst v3  }
0x440: {  	v3 =	vld [tilespmem:s19+$0x40]  }
0x441: {  	v4 =	vld [tilespmem:s20+$0x40];
	_ =	sdelay $0x1  }
0x442: {  	v5 =	vld [tilespmem:s11+$0xB940];
	_ =	sdelay $0x1  }
0x443: {  	v6 =	vld [tilespmem:s12+$0xB940]  }
0x444: {  	v3 =	vadd.f32 v4, v3  }
0x445: {  	v4 =	vld [tilespmem:s13+$0xB940]  }
0x446: {  	v3 =	vadd.f32 v5, v3  }
0x447: {  	v5 =	vld [tilespmem:s14+$0xB940]  }
0x448: {  	v3 =	vadd.f32 v6, v3  }
0x449: {  	v6 =	vld [tilespmem:s0+$0xB940]  }
0x44a: {  	v3 =	vadd.f32 v4, v3  }
0x44b: {  	v4 =	vld [tilespmem:s15+$0xB940]  }
0x44c: {  	v3 =	vadd.f32 v5, v3  }
0x44d: {  	v5 =	vld [tilespmem:s9+$0xC140]  }
0x44e: {  	v3 =	vadd.f32 v6, v3  }
0x44f: {  	v6 =	vld [tilespmem:s10+$0xB940]  }
0x450: {  	v3 =	vadd.f32 v4, v3;
	_ =	sdelay $0x1  }
0x451: {  	v3 =	vadd.f32 v5, v3;
	_ =	sdelay $0x1  }
0x452: {  	v3 =	vadd.f32 v6, v3;
	_ =	sdelay $0x1  }
0x453: {  	[tilespmem:s22+$0x1040] =	vst v3  }
0x454: {  	v3 =	vld [tilespmem:s19+$0x50]  }
0x455: {  	v4 =	vld [tilespmem:s20+$0x50];
	_ =	sdelay $0x1  }
0x456: {  	v5 =	vld [tilespmem:s11+$0xB950];
	_ =	sdelay $0x1  }
0x457: {  	v6 =	vld [tilespmem:s12+$0xB950]  }
0x458: {  	v3 =	vadd.f32 v4, v3  }
0x459: {  	v4 =	vld [tilespmem:s13+$0xB950]  }
0x45a: {  	v3 =	vadd.f32 v5, v3  }
0x45b: {  	v5 =	vld [tilespmem:s14+$0xB950]  }
0x45c: {  	v3 =	vadd.f32 v6, v3  }
0x45d: {  	v6 =	vld [tilespmem:s0+$0xB950]  }
0x45e: {  	v3 =	vadd.f32 v4, v3  }
0x45f: {  	v4 =	vld [tilespmem:s15+$0xB950]  }
0x460: {  	v3 =	vadd.f32 v5, v3  }
0x461: {  	v5 =	vld [tilespmem:s9+$0xC150]  }
0x462: {  	v3 =	vadd.f32 v6, v3  }
0x463: {  	v6 =	vld [tilespmem:s10+$0xB950]  }
0x464: {  	v3 =	vadd.f32 v4, v3;
	_ =	sdelay $0x1  }
0x465: {  	v3 =	vadd.f32 v5, v3;
	_ =	sdelay $0x1  }
0x466: {  	v3 =	vadd.f32 v6, v3;
	_ =	sdelay $0x1  }
0x467: {  	[tilespmem:s22+$0x1050] =	vst v3  }
0x468: {  	v3 =	vld [tilespmem:s19+$0x60]  }
0x469: {  	v4 =	vld [tilespmem:s20+$0x60];
	_ =	sdelay $0x1  }
0x46a: {  	v5 =	vld [tilespmem:s11+$0xB960];
	_ =	sdelay $0x1  }
0x46b: {  	v6 =	vld [tilespmem:s12+$0xB960]  }
0x46c: {  	v3 =	vadd.f32 v4, v3  }
0x46d: {  	v4 =	vld [tilespmem:s13+$0xB960]  }
0x46e: {  	v3 =	vadd.f32 v5, v3  }
0x46f: {  	v5 =	vld [tilespmem:s14+$0xB960]  }
0x470: {  	v3 =	vadd.f32 v6, v3  }
0x471: {  	v6 =	vld [tilespmem:s0+$0xB960]  }
0x472: {  	v3 =	vadd.f32 v4, v3  }
0x473: {  	v4 =	vld [tilespmem:s15+$0xB960]  }
0x474: {  	v3 =	vadd.f32 v5, v3  }
0x475: {  	v5 =	vld [tilespmem:s9+$0xC160]  }
0x476: {  	v3 =	vadd.f32 v6, v3  }
0x477: {  	v6 =	vld [tilespmem:s10+$0xB960]  }
0x478: {  	v3 =	vadd.f32 v4, v3;
	_ =	sdelay $0x1  }
0x479: {  	v3 =	vadd.f32 v5, v3;
	_ =	sdelay $0x1  }
0x47a: {  	v3 =	vadd.f32 v6, v3;
	_ =	sdelay $0x1  }
0x47b: {  	[tilespmem:s22+$0x1060] =	vst v3  }
0x47c: {  	v3 =	vld [tilespmem:s19+$0x70]  }
0x47d: {  	v4 =	vld [tilespmem:s20+$0x70];
	_ =	sdelay $0x1  }
0x47e: {  	v5 =	vld [tilespmem:s11+$0xB970];
	_ =	sdelay $0x1  }
0x47f: {  	v6 =	vld [tilespmem:s12+$0xB970]  }
0x480: {  	v3 =	vadd.f32 v4, v3  }
0x481: {  	v4 =	vld [tilespmem:s13+$0xB970]  }
0x482: {  	v3 =	vadd.f32 v5, v3  }
0x483: {  	v5 =	vld [tilespmem:s14+$0xB970]  }
0x484: {  	v3 =	vadd.f32 v6, v3  }
0x485: {  	v6 =	vld [tilespmem:s0+$0xB970]  }
0x486: {  	v3 =	vadd.f32 v4, v3  }
0x487: {  	v4 =	vld [tilespmem:s15+$0xB970]  }
0x488: {  	v3 =	vadd.f32 v5, v3  }
0x489: {  	v5 =	vld [tilespmem:s9+$0xC170]  }
0x48a: {  	v3 =	vadd.f32 v6, v3  }
0x48b: {  	v6 =	vld [tilespmem:s10+$0xB970]  }
0x48c: {  	v3 =	vadd.f32 v4, v3;
	_ =	sdelay $0x1  }
0x48d: {  	v3 =	vadd.f32 v5, v3;
	_ =	sdelay $0x1  }
0x48e: {  	v3 =	vadd.f32 v6, v3  }
0x48f: {  	s18 =	sadd.s32 $0xBD00, s18  }
0x490: {  	s16 =	sadd.s32 s16, s18;
	[tilespmem:s22+$0x1070] =	vst v3  }
0x491: {  	s17 =	sadd.s32 s17, s18;
	v3 =	vld [tilespmem:s16+$0x0]  }
0x492: {  	v4 =	vld [tilespmem:s17+$0x0];
	_ =	sdelay $0x1  }
0x493: {  	v5 =	vld [tilespmem:s11+$0xBD00];
	_ =	sdelay $0x1  }
0x494: {  	v6 =	vld [tilespmem:s12+$0xBD00]  }
0x495: {  	v3 =	vadd.f32 v4, v3  }
0x496: {  	v4 =	vld [tilespmem:s13+$0xBD00]  }
0x497: {  	v3 =	vadd.f32 v5, v3  }
0x498: {  	v5 =	vld [tilespmem:s14+$0xBD00]  }
0x499: {  	v3 =	vadd.f32 v6, v3  }
0x49a: {  	v6 =	vld [tilespmem:s0+$0xBD00]  }
0x49b: {  	v3 =	vadd.f32 v4, v3  }
0x49c: {  	v4 =	vld [tilespmem:s15+$0xBD00]  }
0x49d: {  	v3 =	vadd.f32 v5, v3  }
0x49e: {  	v5 =	vld [tilespmem:s9+$0xC500]  }
0x49f: {  	v3 =	vadd.f32 v6, v3  }
0x4a0: {  	v6 =	vld [tilespmem:s10+$0xBD00]  }
0x4a1: {  	v3 =	vadd.f32 v4, v3;
	_ =	sdelay $0x1  }
0x4a2: {  	v3 =	vadd.f32 v5, v3;
	_ =	sdelay $0x1  }
0x4a3: {  	s24 =	sor.u32 s23, s31;
	v3 =	vadd.f32 v6, v3  }
0x4a4: {  	s18 =	sor.u32 $0x1400, s24  }
0x4a5: {  	[tilespmem:s18+$0x15900] =	vst v3  }
0x4a6: {  	v3 =	vld [tilespmem:s16+$0x10]  }
0x4a7: {  	v4 =	vld [tilespmem:s17+$0x10];
	_ =	sdelay $0x1  }
0x4a8: {  	v5 =	vld [tilespmem:s11+$0xBD10];
	_ =	sdelay $0x1  }
0x4a9: {  	v6 =	vld [tilespmem:s12+$0xBD10]  }
0x4aa: {  	v3 =	vadd.f32 v4, v3  }
0x4ab: {  	v4 =	vld [tilespmem:s13+$0xBD10]  }
0x4ac: {  	v3 =	vadd.f32 v5, v3  }
0x4ad: {  	v5 =	vld [tilespmem:s14+$0xBD10]  }
0x4ae: {  	v3 =	vadd.f32 v6, v3  }
0x4af: {  	v6 =	vld [tilespmem:s0+$0xBD10]  }
0x4b0: {  	v3 =	vadd.f32 v4, v3  }
0x4b1: {  	v4 =	vld [tilespmem:s15+$0xBD10]  }
0x4b2: {  	v3 =	vadd.f32 v5, v3  }
0x4b3: {  	v5 =	vld [tilespmem:s9+$0xC510]  }
0x4b4: {  	v3 =	vadd.f32 v6, v3  }
0x4b5: {  	v6 =	vld [tilespmem:s10+$0xBD10]  }
0x4b6: {  	v3 =	vadd.f32 v4, v3;
	_ =	sdelay $0x1  }
0x4b7: {  	v3 =	vadd.f32 v5, v3;
	_ =	sdelay $0x1  }
0x4b8: {  	v3 =	vadd.f32 v6, v3;
	_ =	sdelay $0x1  }
0x4b9: {  	[tilespmem:s18+$0x15910] =	vst v3  }
0x4ba: {  	v3 =	vld [tilespmem:s16+$0x20]  }
0x4bb: {  	v4 =	vld [tilespmem:s17+$0x20];
	_ =	sdelay $0x1  }
0x4bc: {  	v5 =	vld [tilespmem:s11+$0xBD20];
	_ =	sdelay $0x1  }
0x4bd: {  	v6 =	vld [tilespmem:s12+$0xBD20]  }
0x4be: {  	v3 =	vadd.f32 v4, v3  }
0x4bf: {  	v4 =	vld [tilespmem:s13+$0xBD20]  }
0x4c0: {  	v3 =	vadd.f32 v5, v3  }
0x4c1: {  	v5 =	vld [tilespmem:s14+$0xBD20]  }
0x4c2: {  	v3 =	vadd.f32 v6, v3  }
0x4c3: {  	v6 =	vld [tilespmem:s0+$0xBD20]  }
0x4c4: {  	v3 =	vadd.f32 v4, v3  }
0x4c5: {  	v4 =	vld [tilespmem:s15+$0xBD20]  }
0x4c6: {  	v3 =	vadd.f32 v5, v3  }
0x4c7: {  	v5 =	vld [tilespmem:s9+$0xC520]  }
0x4c8: {  	v3 =	vadd.f32 v6, v3  }
0x4c9: {  	v6 =	vld [tilespmem:s10+$0xBD20]  }
0x4ca: {  	v3 =	vadd.f32 v4, v3;
	_ =	sdelay $0x1  }
0x4cb: {  	v3 =	vadd.f32 v5, v3;
	_ =	sdelay $0x1  }
0x4cc: {  	v3 =	vadd.f32 v6, v3;
	_ =	sdelay $0x1  }
0x4cd: {  	[tilespmem:s18+$0x15920] =	vst v3  }
0x4ce: {  	v3 =	vld [tilespmem:s16+$0x30]  }
0x4cf: {  	v4 =	vld [tilespmem:s17+$0x30];
	_ =	sdelay $0x1  }
0x4d0: {  	v5 =	vld [tilespmem:s11+$0xBD30];
	_ =	sdelay $0x1  }
0x4d1: {  	v6 =	vld [tilespmem:s12+$0xBD30]  }
0x4d2: {  	v3 =	vadd.f32 v4, v3  }
0x4d3: {  	v4 =	vld [tilespmem:s13+$0xBD30]  }
0x4d4: {  	v3 =	vadd.f32 v5, v3  }
0x4d5: {  	v5 =	vld [tilespmem:s14+$0xBD30]  }
0x4d6: {  	v3 =	vadd.f32 v6, v3  }
0x4d7: {  	v6 =	vld [tilespmem:s0+$0xBD30]  }
0x4d8: {  	v3 =	vadd.f32 v4, v3  }
0x4d9: {  	v4 =	vld [tilespmem:s15+$0xBD30]  }
0x4da: {  	v3 =	vadd.f32 v5, v3  }
0x4db: {  	v5 =	vld [tilespmem:s9+$0xC530]  }
0x4dc: {  	v3 =	vadd.f32 v6, v3  }
0x4dd: {  	v6 =	vld [tilespmem:s10+$0xBD30]  }
0x4de: {  	v3 =	vadd.f32 v4, v3;
	_ =	sdelay $0x1  }
0x4df: {  	v3 =	vadd.f32 v5, v3;
	_ =	sdelay $0x1  }
0x4e0: {  	v3 =	vadd.f32 v6, v3;
	_ =	sdelay $0x1  }
0x4e1: {  	[tilespmem:s18+$0x15930] =	vst v3  }
0x4e2: {  	v3 =	vld [tilespmem:s16+$0x40]  }
0x4e3: {  	v4 =	vld [tilespmem:s17+$0x40];
	_ =	sdelay $0x1  }
0x4e4: {  	v5 =	vld [tilespmem:s11+$0xBD40];
	_ =	sdelay $0x1  }
0x4e5: {  	v6 =	vld [tilespmem:s12+$0xBD40]  }
0x4e6: {  	v3 =	vadd.f32 v4, v3  }
0x4e7: {  	v4 =	vld [tilespmem:s13+$0xBD40]  }
0x4e8: {  	v3 =	vadd.f32 v5, v3  }
0x4e9: {  	v5 =	vld [tilespmem:s14+$0xBD40]  }
0x4ea: {  	v3 =	vadd.f32 v6, v3  }
0x4eb: {  	v6 =	vld [tilespmem:s0+$0xBD40]  }
0x4ec: {  	v3 =	vadd.f32 v4, v3  }
0x4ed: {  	v4 =	vld [tilespmem:s15+$0xBD40]  }
0x4ee: {  	v3 =	vadd.f32 v5, v3  }
0x4ef: {  	v5 =	vld [tilespmem:s9+$0xC540]  }
0x4f0: {  	v3 =	vadd.f32 v6, v3  }
0x4f1: {  	v6 =	vld [tilespmem:s10+$0xBD40]  }
0x4f2: {  	v3 =	vadd.f32 v4, v3;
	_ =	sdelay $0x1  }
0x4f3: {  	v3 =	vadd.f32 v5, v3;
	_ =	sdelay $0x1  }
0x4f4: {  	v3 =	vadd.f32 v6, v3;
	_ =	sdelay $0x1  }
0x4f5: {  	[tilespmem:s18+$0x15940] =	vst v3  }
0x4f6: {  	v3 =	vld [tilespmem:s16+$0x50]  }
0x4f7: {  	v4 =	vld [tilespmem:s17+$0x50];
	_ =	sdelay $0x1  }
0x4f8: {  	v5 =	vld [tilespmem:s11+$0xBD50];
	_ =	sdelay $0x1  }
0x4f9: {  	v6 =	vld [tilespmem:s12+$0xBD50]  }
0x4fa: {  	v3 =	vadd.f32 v4, v3  }
0x4fb: {  	v4 =	vld [tilespmem:s13+$0xBD50]  }
0x4fc: {  	v3 =	vadd.f32 v5, v3  }
0x4fd: {  	v5 =	vld [tilespmem:s14+$0xBD50]  }
0x4fe: {  	v3 =	vadd.f32 v6, v3  }
0x4ff: {  	v6 =	vld [tilespmem:s0+$0xBD50]  }
0x500: {  	v3 =	vadd.f32 v4, v3  }
0x501: {  	v4 =	vld [tilespmem:s15+$0xBD50]  }
0x502: {  	v3 =	vadd.f32 v5, v3  }
0x503: {  	v5 =	vld [tilespmem:s9+$0xC550]  }
0x504: {  	v3 =	vadd.f32 v6, v3  }
0x505: {  	v6 =	vld [tilespmem:s10+$0xBD50]  }
0x506: {  	v3 =	vadd.f32 v4, v3;
	_ =	sdelay $0x1  }
0x507: {  	v3 =	vadd.f32 v5, v3;
	_ =	sdelay $0x1  }
0x508: {  	v3 =	vadd.f32 v6, v3;
	_ =	sdelay $0x1  }
0x509: {  	[tilespmem:s18+$0x15950] =	vst v3  }
0x50a: {  	v3 =	vld [tilespmem:s16+$0x60]  }
0x50b: {  	v4 =	vld [tilespmem:s17+$0x60];
	_ =	sdelay $0x1  }
0x50c: {  	v5 =	vld [tilespmem:s11+$0xBD60];
	_ =	sdelay $0x1  }
0x50d: {  	v6 =	vld [tilespmem:s12+$0xBD60]  }
0x50e: {  	v3 =	vadd.f32 v4, v3  }
0x50f: {  	v4 =	vld [tilespmem:s13+$0xBD60]  }
0x510: {  	v3 =	vadd.f32 v5, v3  }
0x511: {  	v5 =	vld [tilespmem:s14+$0xBD60]  }
0x512: {  	v3 =	vadd.f32 v6, v3  }
0x513: {  	v6 =	vld [tilespmem:s0+$0xBD60]  }
0x514: {  	v3 =	vadd.f32 v4, v3  }
0x515: {  	v4 =	vld [tilespmem:s15+$0xBD60]  }
0x516: {  	v3 =	vadd.f32 v5, v3  }
0x517: {  	v5 =	vld [tilespmem:s9+$0xC560]  }
0x518: {  	v3 =	vadd.f32 v6, v3  }
0x519: {  	v6 =	vld [tilespmem:s10+$0xBD60]  }
0x51a: {  	v3 =	vadd.f32 v4, v3;
	_ =	sdelay $0x1  }
0x51b: {  	v3 =	vadd.f32 v5, v3;
	_ =	sdelay $0x1  }
0x51c: {  	v3 =	vadd.f32 v6, v3;
	_ =	sdelay $0x1  }
0x51d: {  	[tilespmem:s18+$0x15960] =	vst v3  }
0x51e: {  	v3 =	vld [tilespmem:s16+$0x70]  }
0x51f: {  	v8 =	vld [tilespmem:s17+$0x70]  }
0x520: {  	v7 =	vld [tilespmem:s11+$0xBD70]  }
0x521: {  	v6 =	vld [tilespmem:s12+$0xBD70]  }
0x522: {  	v5 =	vld [tilespmem:s13+$0xBD70]  }
0x523: {  	v4 =	vld [tilespmem:s14+$0xBD70]  }
0x524: {  	s11 =	simm.s32 $0xA00;
	s12 =	simm.s32 $0x0;
	v8 =	vadd.f32 v8, v3;
	v3 =	vld [tilespmem:s15+$0xBD70]  }
.LBB2_5:
0x525: {  	v9 =	vld [tilespmem:s0+$0xBD70];
	s31 =	sadd.s32 $0x80, s31;
	s12 =	sadd.s32 $0x100, s12;
	s1 =	sadd.s32 $0x500, s1  }
0x526: {  	p0 =	sne.s32 s11, $0x9600;
	s24 =	smov.u32 s11;
	s11 =	sadd.s32 $0xA00, s11;
	v7 =	vadd.f32 v7, v8;
	v8 =	vld [tilespmem:s9+$0xC570]  }
0x527: {  	v10 =	vld [tilespmem:s10+$0xBD70]  }
0x528: {  	v6 =	vadd.f32 v6, v7;
	_ =	sdelay $0x1  }
0x529: {  	v5 =	vadd.f32 v5, v6;
	_ =	sdelay $0x1  }
0x52a: {  	v4 =	vadd.f32 v4, v5;
	_ =	sdelay $0x1  }
0x52b: {  	v4 =	vadd.f32 v9, v4;
	_ =	sdelay $0x1  }
0x52c: {  	v3 =	vadd.f32 v3, v4;
	_ =	sdelay $0x1  }
0x52d: {  	v3 =	vadd.f32 v8, v3  }
0x52e: {  	s9 =	sand.u32 $0xF800, s24;
	s19 =	sand.u32 $0x300, s12  }
0x52f: {  	s0 =	sadd.s32 $0xB900, s9;
	s20 =	sor.u32 $0x80, s19;
	s21 =	sadd.s32 $0xBD00, s9;
	v3 =	vadd.f32 v10, v3  }
0x530: {  	s23 =	sadd.s32 s19, s0;
	s22 =	sadd.s32 s20, s0  }
0x531: {  	s10 =	sadd.s32 $0xFFFFFC80, s1;
	s0 =	sadd.s32 $0x200, s24;
	[tilespmem:s18+$0x15970] =	vst v3  }
0x532: {  	s10 =	sand.u32 $0x300, s10;
	s0 =	sand.u32 $0x1F800, s0;
	v3 =	vld [tilespmem:s23+$0x0]  }
0x533: {  	s13 =	sor.u32 s10, s0;
	s0 =	sadd.s32 $0x300, s24;
	s10 =	sadd.s32 $0xFFFFFD00, s1;
	v4 =	vld [tilespmem:s22+$0x0]  }
0x534: {  	s0 =	sand.u32 $0x1F800, s0;
	s10 =	sand.u32 $0x380, s10;
	v5 =	vld [tilespmem:s13+$0xB900]  }
0x535: {  	s14 =	sor.u32 s10, s0;
	s0 =	sadd.s32 $0x400, s24;
	s10 =	sadd.s32 $0xFFFFFD80, s1  }
0x536: {  	s0 =	sand.u32 $0x1F800, s0;
	s10 =	sand.u32 $0x300, s10;
	v6 =	vld [tilespmem:s14+$0xB900]  }
0x537: {  	s15 =	sor.u32 s10, s0;
	s0 =	sadd.s32 $0x500, s24;
	s10 =	sadd.s32 $0xFFFFFE00, s1  }
0x538: {  	s0 =	sand.u32 $0x1F800, s0;
	s10 =	sand.u32 $0x380, s10;
	v3 =	vadd.f32 v4, v3;
	v4 =	vld [tilespmem:s15+$0xB900]  }
0x539: {  	s16 =	sor.u32 s10, s0;
	s0 =	sadd.s32 $0x600, s24;
	s10 =	sadd.s32 $0xFFFFFE80, s1  }
0x53a: {  	s0 =	sand.u32 $0x1F800, s0;
	s10 =	sand.u32 $0x300, s10;
	v3 =	vadd.f32 v5, v3;
	v5 =	vld [tilespmem:s16+$0xB900]  }
0x53b: {  	s17 =	sadd.s32 $0xFFFFFF00, s1;
	s0 =	sor.u32 s10, s0;
	s10 =	sadd.s32 $0x700, s24  }
0x53c: {  	s17 =	sand.u32 $0x380, s17;
	s10 =	sand.u32 $0x1F800, s10;
	v3 =	vadd.f32 v6, v3;
	v6 =	vld [tilespmem:s0+$0xB900]  }
0x53d: {  	s17 =	sor.u32 s17, s10  }
0x53e: {  	v3 =	vadd.f32 v4, v3;
	v4 =	vld [tilespmem:s17+$0xB900];
	_ =	sdelay $0x1  }
0x53f: {  	s9 =	sor.u32 s19, s9;
	s10 =	sadd.s32 $0x900, s24;
	v3 =	vadd.f32 v5, v3  }
0x540: {  	s10 =	sand.u32 $0x1F800, s10;
	s18 =	sand.u32 $0x380, s1;
	v5 =	vld [tilespmem:s9+$0xC100]  }
0x541: {  	s10 =	sor.u32 s18, s10;
	v3 =	vadd.f32 v6, v3  }
0x542: {  	v6 =	vld [tilespmem:s10+$0xB900]  }
0x543: {  	v3 =	vadd.f32 v4, v3;
	_ =	sdelay $0x1  }
0x544: {  	v3 =	vadd.f32 v5, v3  }
0x545: {  	s24 =	sand.u32 $0x380, s31;
	s18 =	sand.u32 $0x800, s12  }
0x546: {  	s24 =	sor.u32 s24, s18;
	s18 =	sor.u32 s18, s31;
	v3 =	vadd.f32 v6, v3  }
0x547: {  	s24 =	sadd.s32 $0x15900, s24  }
0x548: {  	[tilespmem:s24+$0x1000] =	vst v3  }
0x549: {  	v3 =	vld [tilespmem:s23+$0x10]  }
0x54a: {  	v4 =	vld [tilespmem:s22+$0x10];
	_ =	sdelay $0x1  }
0x54b: {  	v5 =	vld [tilespmem:s13+$0xB910];
	_ =	sdelay $0x1  }
0x54c: {  	v6 =	vld [tilespmem:s14+$0xB910]  }
0x54d: {  	v3 =	vadd.f32 v4, v3  }
0x54e: {  	v4 =	vld [tilespmem:s15+$0xB910]  }
0x54f: {  	v3 =	vadd.f32 v5, v3  }
0x550: {  	v5 =	vld [tilespmem:s16+$0xB910]  }
0x551: {  	v3 =	vadd.f32 v6, v3  }
0x552: {  	v6 =	vld [tilespmem:s0+$0xB910]  }
0x553: {  	v3 =	vadd.f32 v4, v3  }
0x554: {  	v4 =	vld [tilespmem:s17+$0xB910]  }
0x555: {  	v3 =	vadd.f32 v5, v3  }
0x556: {  	v5 =	vld [tilespmem:s9+$0xC110]  }
0x557: {  	v3 =	vadd.f32 v6, v3  }
0x558: {  	v6 =	vld [tilespmem:s10+$0xB910]  }
0x559: {  	v3 =	vadd.f32 v4, v3;
	_ =	sdelay $0x1  }
0x55a: {  	v3 =	vadd.f32 v5, v3;
	_ =	sdelay $0x1  }
0x55b: {  	v3 =	vadd.f32 v6, v3;
	_ =	sdelay $0x1  }
0x55c: {  	[tilespmem:s24+$0x1010] =	vst v3  }
0x55d: {  	v3 =	vld [tilespmem:s23+$0x20]  }
0x55e: {  	v4 =	vld [tilespmem:s22+$0x20];
	_ =	sdelay $0x1  }
0x55f: {  	v5 =	vld [tilespmem:s13+$0xB920];
	_ =	sdelay $0x1  }
0x560: {  	v6 =	vld [tilespmem:s14+$0xB920]  }
0x561: {  	v3 =	vadd.f32 v4, v3  }
0x562: {  	v4 =	vld [tilespmem:s15+$0xB920]  }
0x563: {  	v3 =	vadd.f32 v5, v3  }
0x564: {  	v5 =	vld [tilespmem:s16+$0xB920]  }
0x565: {  	v3 =	vadd.f32 v6, v3  }
0x566: {  	v6 =	vld [tilespmem:s0+$0xB920]  }
0x567: {  	v3 =	vadd.f32 v4, v3  }
0x568: {  	v4 =	vld [tilespmem:s17+$0xB920]  }
0x569: {  	v3 =	vadd.f32 v5, v3  }
0x56a: {  	v5 =	vld [tilespmem:s9+$0xC120]  }
0x56b: {  	v3 =	vadd.f32 v6, v3  }
0x56c: {  	v6 =	vld [tilespmem:s10+$0xB920]  }
0x56d: {  	v3 =	vadd.f32 v4, v3;
	_ =	sdelay $0x1  }
0x56e: {  	v3 =	vadd.f32 v5, v3;
	_ =	sdelay $0x1  }
0x56f: {  	v3 =	vadd.f32 v6, v3;
	_ =	sdelay $0x1  }
0x570: {  	[tilespmem:s24+$0x1020] =	vst v3  }
0x571: {  	v3 =	vld [tilespmem:s23+$0x30]  }
0x572: {  	v4 =	vld [tilespmem:s22+$0x30];
	_ =	sdelay $0x1  }
0x573: {  	v5 =	vld [tilespmem:s13+$0xB930];
	_ =	sdelay $0x1  }
0x574: {  	v6 =	vld [tilespmem:s14+$0xB930]  }
0x575: {  	v3 =	vadd.f32 v4, v3  }
0x576: {  	v4 =	vld [tilespmem:s15+$0xB930]  }
0x577: {  	v3 =	vadd.f32 v5, v3  }
0x578: {  	v5 =	vld [tilespmem:s16+$0xB930]  }
0x579: {  	v3 =	vadd.f32 v6, v3  }
0x57a: {  	v6 =	vld [tilespmem:s0+$0xB930]  }
0x57b: {  	v3 =	vadd.f32 v4, v3  }
0x57c: {  	v4 =	vld [tilespmem:s17+$0xB930]  }
0x57d: {  	v3 =	vadd.f32 v5, v3  }
0x57e: {  	v5 =	vld [tilespmem:s9+$0xC130]  }
0x57f: {  	v3 =	vadd.f32 v6, v3  }
0x580: {  	v6 =	vld [tilespmem:s10+$0xB930]  }
0x581: {  	v3 =	vadd.f32 v4, v3;
	_ =	sdelay $0x1  }
0x582: {  	v3 =	vadd.f32 v5, v3;
	_ =	sdelay $0x1  }
0x583: {  	v3 =	vadd.f32 v6, v3;
	_ =	sdelay $0x1  }
0x584: {  	[tilespmem:s24+$0x1030] =	vst v3  }
0x585: {  	v3 =	vld [tilespmem:s23+$0x40]  }
0x586: {  	v4 =	vld [tilespmem:s22+$0x40];
	_ =	sdelay $0x1  }
0x587: {  	v5 =	vld [tilespmem:s13+$0xB940];
	_ =	sdelay $0x1  }
0x588: {  	v6 =	vld [tilespmem:s14+$0xB940]  }
0x589: {  	v3 =	vadd.f32 v4, v3  }
0x58a: {  	v4 =	vld [tilespmem:s15+$0xB940]  }
0x58b: {  	v3 =	vadd.f32 v5, v3  }
0x58c: {  	v5 =	vld [tilespmem:s16+$0xB940]  }
0x58d: {  	v3 =	vadd.f32 v6, v3  }
0x58e: {  	v6 =	vld [tilespmem:s0+$0xB940]  }
0x58f: {  	v3 =	vadd.f32 v4, v3  }
0x590: {  	v4 =	vld [tilespmem:s17+$0xB940]  }
0x591: {  	v3 =	vadd.f32 v5, v3  }
0x592: {  	v5 =	vld [tilespmem:s9+$0xC140]  }
0x593: {  	v3 =	vadd.f32 v6, v3  }
0x594: {  	v6 =	vld [tilespmem:s10+$0xB940]  }
0x595: {  	v3 =	vadd.f32 v4, v3;
	_ =	sdelay $0x1  }
0x596: {  	v3 =	vadd.f32 v5, v3;
	_ =	sdelay $0x1  }
0x597: {  	v3 =	vadd.f32 v6, v3;
	_ =	sdelay $0x1  }
0x598: {  	[tilespmem:s24+$0x1040] =	vst v3  }
0x599: {  	v3 =	vld [tilespmem:s23+$0x50]  }
0x59a: {  	v4 =	vld [tilespmem:s22+$0x50]  }
0x59b: {  	v5 =	vld [tilespmem:s13+$0xB950]  }
0x59c: {  	v6 =	vld [tilespmem:s15+$0xB950]  }
0x59d: {  	v7 =	vld [tilespmem:s14+$0xB950];
	_ =	sdelay $0x1  }
0x59e: {  	v3 =	vadd.f32 v4, v3;
	_ =	sdelay $0x1  }
0x59f: {  	v3 =	vadd.f32 v5, v3  }
0x5a0: {  	v4 =	vld [tilespmem:s16+$0xB950]  }
0x5a1: {  	v3 =	vadd.f32 v7, v3  }
0x5a2: {  	v5 =	vld [tilespmem:s0+$0xB950]  }
0x5a3: {  	v3 =	vadd.f32 v6, v3  }
0x5a4: {  	v6 =	vld [tilespmem:s17+$0xB950]  }
0x5a5: {  	v3 =	vadd.f32 v4, v3  }
0x5a6: {  	v4 =	vld [tilespmem:s9+$0xC150]  }
0x5a7: {  	v3 =	vadd.f32 v5, v3  }
0x5a8: {  	v5 =	vld [tilespmem:s10+$0xB950]  }
0x5a9: {  	v3 =	vadd.f32 v6, v3;
	_ =	sdelay $0x1  }
0x5aa: {  	v3 =	vadd.f32 v4, v3;
	_ =	sdelay $0x1  }
0x5ab: {  	v3 =	vadd.f32 v5, v3;
	_ =	sdelay $0x1  }
0x5ac: {  	[tilespmem:s24+$0x1050] =	vst v3  }
0x5ad: {  	v3 =	vld [tilespmem:s23+$0x60]  }
0x5ae: {  	v4 =	vld [tilespmem:s22+$0x60]  }
0x5af: {  	v5 =	vld [tilespmem:s13+$0xB960]  }
0x5b0: {  	v6 =	vld [tilespmem:s14+$0xB960]  }
0x5b1: {  	v7 =	vld [tilespmem:s15+$0xB960];
	_ =	sdelay $0x1  }
0x5b2: {  	v3 =	vadd.f32 v4, v3;
	_ =	sdelay $0x1  }
0x5b3: {  	v3 =	vadd.f32 v5, v3  }
0x5b4: {  	v4 =	vld [tilespmem:s16+$0xB960]  }
0x5b5: {  	v3 =	vadd.f32 v6, v3  }
0x5b6: {  	v5 =	vld [tilespmem:s0+$0xB960]  }
0x5b7: {  	v3 =	vadd.f32 v7, v3  }
0x5b8: {  	v6 =	vld [tilespmem:s17+$0xB960]  }
0x5b9: {  	v3 =	vadd.f32 v4, v3  }
0x5ba: {  	v4 =	vld [tilespmem:s9+$0xC160]  }
0x5bb: {  	v3 =	vadd.f32 v5, v3  }
0x5bc: {  	v5 =	vld [tilespmem:s10+$0xB960]  }
0x5bd: {  	v3 =	vadd.f32 v6, v3;
	_ =	sdelay $0x1  }
0x5be: {  	v3 =	vadd.f32 v4, v3;
	_ =	sdelay $0x1  }
0x5bf: {  	v3 =	vadd.f32 v5, v3;
	_ =	sdelay $0x1  }
0x5c0: {  	[tilespmem:s24+$0x1060] =	vst v3  }
0x5c1: {  	v3 =	vld [tilespmem:s23+$0x70]  }
0x5c2: {  	v4 =	vld [tilespmem:s22+$0x70]  }
0x5c3: {  	v5 =	vld [tilespmem:s13+$0xB970]  }
0x5c4: {  	v6 =	vld [tilespmem:s14+$0xB970];
	_ =	sdelay $0x2  }
0x5c5: {  	v3 =	vadd.f32 v4, v3  }
0x5c6: {  	v4 =	vld [tilespmem:s15+$0xB970]  }
0x5c7: {  	v3 =	vadd.f32 v5, v3  }
0x5c8: {  	v5 =	vld [tilespmem:s16+$0xB970]  }
0x5c9: {  	v3 =	vadd.f32 v6, v3  }
0x5ca: {  	v6 =	vld [tilespmem:s0+$0xB970]  }
0x5cb: {  	v3 =	vadd.f32 v4, v3  }
0x5cc: {  	v4 =	vld [tilespmem:s17+$0xB970]  }
0x5cd: {  	v3 =	vadd.f32 v5, v3  }
0x5ce: {  	v5 =	vld [tilespmem:s9+$0xC170]  }
0x5cf: {  	v3 =	vadd.f32 v6, v3  }
0x5d0: {  	v6 =	vld [tilespmem:s10+$0xB970]  }
0x5d1: {  	v3 =	vadd.f32 v4, v3;
	_ =	sdelay $0x1  }
0x5d2: {  	v3 =	vadd.f32 v5, v3;
	_ =	sdelay $0x1  }
0x5d3: {  	v3 =	vadd.f32 v6, v3;
	_ =	sdelay $0x1  }
0x5d4: {  	s19 =	sadd.s32 s19, s21;
	[tilespmem:s24+$0x1070] =	vst v3  }
0x5d5: {  	s20 =	sadd.s32 s20, s21;
	v3 =	vld [tilespmem:s19+$0x0]  }
0x5d6: {  	v4 =	vld [tilespmem:s20+$0x0]  }
0x5d7: {  	v5 =	vld [tilespmem:s14+$0xBD00]  }
0x5d8: {  	v6 =	vld [tilespmem:s13+$0xBD00];
	_ =	sdelay $0x2  }
0x5d9: {  	v3 =	vadd.f32 v4, v3  }
0x5da: {  	v4 =	vld [tilespmem:s15+$0xBD00]  }
0x5db: {  	v3 =	vadd.f32 v6, v3  }
0x5dc: {  	v6 =	vld [tilespmem:s16+$0xBD00]  }
0x5dd: {  	v3 =	vadd.f32 v5, v3  }
0x5de: {  	v5 =	vld [tilespmem:s0+$0xBD00]  }
0x5df: {  	v3 =	vadd.f32 v4, v3  }
0x5e0: {  	v4 =	vld [tilespmem:s17+$0xBD00]  }
0x5e1: {  	v3 =	vadd.f32 v6, v3  }
0x5e2: {  	v6 =	vld [tilespmem:s9+$0xC500]  }
0x5e3: {  	v3 =	vadd.f32 v5, v3  }
0x5e4: {  	v5 =	vld [tilespmem:s10+$0xBD00]  }
0x5e5: {  	v3 =	vadd.f32 v4, v3;
	_ =	sdelay $0x1  }
0x5e6: {  	v3 =	vadd.f32 v6, v3;
	_ =	sdelay $0x1  }
0x5e7: {  	v3 =	vadd.f32 v5, v3  }
0x5e8: {  	s18 =	sor.u32 $0x1400, s18  }
0x5e9: {  	[tilespmem:s18+$0x15900] =	vst v3  }
0x5ea: {  	v3 =	vld [tilespmem:s19+$0x10]  }
0x5eb: {  	v4 =	vld [tilespmem:s20+$0x10]  }
0x5ec: {  	v5 =	vld [tilespmem:s13+$0xBD10]  }
0x5ed: {  	v6 =	vld [tilespmem:s14+$0xBD10]  }
0x5ee: {  	v7 =	vld [tilespmem:s15+$0xBD10]  }
0x5ef: {  	v8 =	vld [tilespmem:s16+$0xBD10]  }
0x5f0: {  	v3 =	vadd.f32 v4, v3;
	v4 =	vld [tilespmem:s0+$0xBD10]  }
0x5f1: {  	v9 =	vld [tilespmem:s17+$0xBD10]  }
0x5f2: {  	v3 =	vadd.f32 v5, v3;
	v5 =	vld [tilespmem:s9+$0xC510]  }
0x5f3: {  	v10 =	vld [tilespmem:s10+$0xBD10]  }
0x5f4: {  	v3 =	vadd.f32 v6, v3;
	_ =	sdelay $0x1  }
0x5f5: {  	v3 =	vadd.f32 v7, v3;
	_ =	sdelay $0x1  }
0x5f6: {  	v3 =	vadd.f32 v8, v3;
	_ =	sdelay $0x1  }
0x5f7: {  	v3 =	vadd.f32 v4, v3;
	_ =	sdelay $0x1  }
0x5f8: {  	v3 =	vadd.f32 v9, v3;
	_ =	sdelay $0x1  }
0x5f9: {  	v3 =	vadd.f32 v5, v3;
	_ =	sdelay $0x1  }
0x5fa: {  	v3 =	vadd.f32 v10, v3;
	_ =	sdelay $0x1  }
0x5fb: {  	[tilespmem:s18+$0x15910] =	vst v3  }
0x5fc: {  	v3 =	vld [tilespmem:s19+$0x20]  }
0x5fd: {  	v4 =	vld [tilespmem:s20+$0x20]  }
0x5fe: {  	v5 =	vld [tilespmem:s13+$0xBD20]  }
0x5ff: {  	v6 =	vld [tilespmem:s14+$0xBD20]  }
0x600: {  	v7 =	vld [tilespmem:s15+$0xBD20]  }
0x601: {  	v8 =	vld [tilespmem:s16+$0xBD20]  }
0x602: {  	v3 =	vadd.f32 v4, v3;
	v4 =	vld [tilespmem:s0+$0xBD20]  }
0x603: {  	v9 =	vld [tilespmem:s17+$0xBD20]  }
0x604: {  	v3 =	vadd.f32 v5, v3;
	v5 =	vld [tilespmem:s9+$0xC520]  }
0x605: {  	v10 =	vld [tilespmem:s10+$0xBD20]  }
0x606: {  	v3 =	vadd.f32 v6, v3;
	_ =	sdelay $0x1  }
0x607: {  	v3 =	vadd.f32 v7, v3;
	_ =	sdelay $0x1  }
0x608: {  	v3 =	vadd.f32 v8, v3;
	_ =	sdelay $0x1  }
0x609: {  	v3 =	vadd.f32 v4, v3;
	_ =	sdelay $0x1  }
0x60a: {  	v3 =	vadd.f32 v9, v3;
	_ =	sdelay $0x1  }
0x60b: {  	v3 =	vadd.f32 v5, v3;
	_ =	sdelay $0x1  }
0x60c: {  	v3 =	vadd.f32 v10, v3;
	_ =	sdelay $0x1  }
0x60d: {  	[tilespmem:s18+$0x15920] =	vst v3  }
0x60e: {  	v3 =	vld [tilespmem:s19+$0x30]  }
0x60f: {  	v4 =	vld [tilespmem:s20+$0x30]  }
0x610: {  	v5 =	vld [tilespmem:s13+$0xBD30]  }
0x611: {  	v6 =	vld [tilespmem:s14+$0xBD30]  }
0x612: {  	v7 =	vld [tilespmem:s15+$0xBD30]  }
0x613: {  	v8 =	vld [tilespmem:s16+$0xBD30]  }
0x614: {  	v3 =	vadd.f32 v4, v3;
	v4 =	vld [tilespmem:s0+$0xBD30]  }
0x615: {  	v9 =	vld [tilespmem:s17+$0xBD30]  }
0x616: {  	v3 =	vadd.f32 v5, v3;
	v5 =	vld [tilespmem:s9+$0xC530]  }
0x617: {  	v10 =	vld [tilespmem:s10+$0xBD30]  }
0x618: {  	v3 =	vadd.f32 v6, v3;
	_ =	sdelay $0x1  }
0x619: {  	v3 =	vadd.f32 v7, v3;
	_ =	sdelay $0x1  }
0x61a: {  	v3 =	vadd.f32 v8, v3;
	_ =	sdelay $0x1  }
0x61b: {  	v3 =	vadd.f32 v4, v3;
	_ =	sdelay $0x1  }
0x61c: {  	v3 =	vadd.f32 v9, v3;
	_ =	sdelay $0x1  }
0x61d: {  	v3 =	vadd.f32 v5, v3;
	_ =	sdelay $0x1  }
0x61e: {  	v3 =	vadd.f32 v10, v3;
	_ =	sdelay $0x1  }
0x61f: {  	[tilespmem:s18+$0x15930] =	vst v3  }
0x620: {  	v3 =	vld [tilespmem:s19+$0x40]  }
0x621: {  	v4 =	vld [tilespmem:s20+$0x40]  }
0x622: {  	v5 =	vld [tilespmem:s13+$0xBD40]  }
0x623: {  	v6 =	vld [tilespmem:s14+$0xBD40]  }
0x624: {  	v7 =	vld [tilespmem:s15+$0xBD40]  }
0x625: {  	v8 =	vld [tilespmem:s16+$0xBD40]  }
0x626: {  	v3 =	vadd.f32 v4, v3;
	v4 =	vld [tilespmem:s0+$0xBD40]  }
0x627: {  	v9 =	vld [tilespmem:s17+$0xBD40]  }
0x628: {  	v3 =	vadd.f32 v5, v3;
	v5 =	vld [tilespmem:s9+$0xC540]  }
0x629: {  	v10 =	vld [tilespmem:s10+$0xBD40]  }
0x62a: {  	v3 =	vadd.f32 v6, v3;
	_ =	sdelay $0x1  }
0x62b: {  	v3 =	vadd.f32 v7, v3;
	_ =	sdelay $0x1  }
0x62c: {  	v3 =	vadd.f32 v8, v3;
	_ =	sdelay $0x1  }
0x62d: {  	v3 =	vadd.f32 v4, v3;
	_ =	sdelay $0x1  }
0x62e: {  	v3 =	vadd.f32 v9, v3;
	_ =	sdelay $0x1  }
0x62f: {  	v3 =	vadd.f32 v5, v3;
	_ =	sdelay $0x1  }
0x630: {  	v3 =	vadd.f32 v10, v3;
	_ =	sdelay $0x1  }
0x631: {  	[tilespmem:s18+$0x15940] =	vst v3  }
0x632: {  	v3 =	vld [tilespmem:s19+$0x50]  }
0x633: {  	v4 =	vld [tilespmem:s20+$0x50]  }
0x634: {  	v5 =	vld [tilespmem:s13+$0xBD50]  }
0x635: {  	v6 =	vld [tilespmem:s14+$0xBD50]  }
0x636: {  	v7 =	vld [tilespmem:s15+$0xBD50]  }
0x637: {  	v8 =	vld [tilespmem:s16+$0xBD50]  }
0x638: {  	v3 =	vadd.f32 v4, v3;
	v4 =	vld [tilespmem:s0+$0xBD50]  }
0x639: {  	v9 =	vld [tilespmem:s9+$0xC550]  }
0x63a: {  	v3 =	vadd.f32 v5, v3;
	v5 =	vld [tilespmem:s17+$0xBD50]  }
0x63b: {  	v10 =	vld [tilespmem:s10+$0xBD50]  }
0x63c: {  	v3 =	vadd.f32 v6, v3;
	_ =	sdelay $0x1  }
0x63d: {  	v3 =	vadd.f32 v7, v3;
	_ =	sdelay $0x1  }
0x63e: {  	v3 =	vadd.f32 v8, v3;
	_ =	sdelay $0x1  }
0x63f: {  	v3 =	vadd.f32 v4, v3;
	_ =	sdelay $0x1  }
0x640: {  	v3 =	vadd.f32 v5, v3;
	_ =	sdelay $0x1  }
0x641: {  	v3 =	vadd.f32 v9, v3;
	_ =	sdelay $0x1  }
0x642: {  	v3 =	vadd.f32 v10, v3;
	_ =	sdelay $0x1  }
0x643: {  	[tilespmem:s18+$0x15950] =	vst v3  }
0x644: {  	v3 =	vld [tilespmem:s19+$0x60]  }
0x645: {  	v4 =	vld [tilespmem:s20+$0x60]  }
0x646: {  	v5 =	vld [tilespmem:s13+$0xBD60]  }
0x647: {  	v6 =	vld [tilespmem:s14+$0xBD60]  }
0x648: {  	v7 =	vld [tilespmem:s16+$0xBD60]  }
0x649: {  	v8 =	vld [tilespmem:s15+$0xBD60]  }
0x64a: {  	v3 =	vadd.f32 v4, v3;
	v4 =	vld [tilespmem:s0+$0xBD60]  }
0x64b: {  	v9 =	vld [tilespmem:s17+$0xBD60]  }
0x64c: {  	v3 =	vadd.f32 v5, v3;
	v5 =	vld [tilespmem:s9+$0xC560]  }
0x64d: {  	v10 =	vld [tilespmem:s10+$0xBD60]  }
0x64e: {  	v3 =	vadd.f32 v6, v3;
	_ =	sdelay $0x1  }
0x64f: {  	v3 =	vadd.f32 v8, v3;
	_ =	sdelay $0x1  }
0x650: {  	v3 =	vadd.f32 v7, v3;
	_ =	sdelay $0x1  }
0x651: {  	v3 =	vadd.f32 v4, v3;
	_ =	sdelay $0x1  }
0x652: {  	v3 =	vadd.f32 v9, v3;
	_ =	sdelay $0x1  }
0x653: {  	v3 =	vadd.f32 v5, v3;
	_ =	sdelay $0x1  }
0x654: {  	v3 =	vadd.f32 v10, v3;
	_ =	sdelay $0x1  }
0x655: {  	[tilespmem:s18+$0x15960] =	vst v3  }
0x656: {  	v3 =	vld [tilespmem:s19+$0x70]  }
0x657: {  	v8 =	vld [tilespmem:s20+$0x70]  }
.Ltmp1:
0x658: {  	v7 =	vld [tilespmem:s13+$0xBD70];
	(pc) =	sbr.rel @p0 .LBB2_5-.Ltmp1, $4  }
0x659: {  	v6 =	vld [tilespmem:s14+$0xBD70]  }
0x65a: {  	v5 =	vld [tilespmem:s15+$0xBD70]  }
0x65b: {  	v4 =	vld [tilespmem:s16+$0xBD70]  }
0x65c: {  	v8 =	vadd.f32 v8, v3;
	v3 =	vld [tilespmem:s17+$0xBD70]  }
0x65d: {  	_ = 	snop  }
0x65e: {  	v7 =	vadd.f32 v7, v8;
	_ =	sdelay $0x1  }
0x65f: {  	v6 =	vadd.f32 v6, v7  }
0x660: {  	v61 =	vld [tilespmem:s0+$0xBD70]  }
0x661: {  	v5 =	vadd.f32 v5, v6;
	_ =	sdelay $0x1  }
0x662: {  	v4 =	vadd.f32 v4, v5  }
0x663: {  	v62 =	vld [tilespmem:s9+$0xC570]  }
0x664: {  	v4 =	vadd.f32 v61, v4  }
0x665: {  	v63 =	vld [tilespmem:s10+$0xBD70]  }
0x666: {  	v3 =	vadd.f32 v3, v4  }
0x667: {  	s5 =	sadd.s32 $0x1, s5  }
0x668: {  	p0 =	sne.s32 s5, $0x14;
	v3 =	vadd.f32 v62, v3  }
.Ltmp2:
0x669: {  	s31 =	sshll.u32 s8, $0xC;
	(pc) =	sbr.rel @p0 .LBB2_2-.Ltmp2, $4  }
0x66a: {  	s0 =	sadd.s32 s6, s31;
	v3 =	vadd.f32 v63, v3  }
0x66b: {  	s0 =	sshrl.u32 s0, $0x3  }
0x66c: {  	s0 =	sadd.s32 s4, s0;
	[tilespmem:s18+$0x15970] =	vst v3  }
0x66d: {  	[hbm4b:s0+s3] =	stream.linear.scatter [tilespmem:s29], [sflag:$0x4], $0x1000, $0x38;
	[tilespmem:$0x17900] =	vst v63  }
0x66e: {  	s0 =	simm.s32 $0x3  }
0x66f: {  	_ =	swait.ge [sflag:s0], $0x1000  }
0x670: {  	[sflag:s0] =	ssyncset.done $0x0  }
0x671: {  	[sflag:s0] =	ssyncadd.s32 $0xFFFFF000  }
0x672: {  	_ =	swait.ge [sflag:s7], $0x1000  }
0x673: {  	s1 =	rddreg [dreg:$0x5]  }
0x674: {  	s31 =	rddreg [dreg:$0x4];
	s1 =	sadd.s32 $0x1, s1  }
0x675: {  	p0 =	sne.s32 s1, s31  }
.Ltmp3:
0x676: {  	_ = 	snop;
	(pc) =	sbr.rel @p0 .LBB2_1-.Ltmp3, $3  }
0x677: {  	_ =	sdelay $0x1  }
0x678: {  	[sflag:s7] =	ssyncset.done $0x0  }
0x679: {  	[sflag:s7] =	ssyncadd.s32 $0xFFFFF000  }
0x67a: {  	_ =	sfence.sel $0x180000  }
0x67b: {  	[bflag:$0x0] =	sbarrier.arrive $0xFFFF  }
0x67c: {  	_ =	strace $0x9000004D  }
0x67d: {  	s0 =	stileid.u32;
	[bflag:$0x2] =	sbarrier.arrive $0xFFFF  }
0x67e: {  	p0 =	sne.s32 s0, $0x0;
	s0 =	rddreg [dreg:$0x2]  }
0x67f: {  	s0 =	sadd.s32 @!p0 $0x100000, s0  }
0x680: {  	[sflag:s0] =	ssyncadd.tile.s32 @!p0 $0x1;
	_ =	shalt  }
.Lfunc_end2:
_tile_overlayer_lowered:
.L_overlay_start_2:
0x681: {  	(tag) =	ssettag $0x2  }
0x682: {  	s0 =	rddreg [dreg:$0x0];
	s2 =	stileid.u32  }
0x683: {  	s1 =	rddreg [dreg:$0x1];
	p0 =	sne.s32 s2, $0x0  }
0x684: {  	s3 =	rddreg [dreg:$0x2];
	[bflag:$0x3] =	sbarrier.arrive $0xFFFF;
	s2 =	simm.s32 @!p0 $0x1C05  }
0x685: {  	[timem:s3], [sflag:s2] =	dma.local @!p0 [hbm:s0], s1  }
0x686: {  	s0 =	simm.s32 @!p0 $0x5  }
0x687: {  	_ =	swait.ge @!p0 [sflag:s0], s1  }
0x688: {  	s1 =	ssub.s32 @!p0 $0x0, s1;
	[sflag:s0] =	ssyncset.done @!p0 $0x0  }
0x689: {  	[sflag:s0] =	ssyncadd.s32 @!p0 s1  }
0x68a: {  	[bflag:$0x3] =	sbarrier.arrive $0xFFFF  }
0x68b: {  	_ =	shalt  }

</sc_bundles>
